<compile_context>
chip_gen: v7x
topology: tpu7x:2x2x1
jax: 0.10.2.dev20260603
libtpu: 0.0.44.dev20260713+nightly
codegen_flags: <defaults>
</compile_context>

<pallas_src>
import functools

import jax
import jax.numpy as jnp
from jax import lax
from jax.experimental import pallas as pl
from jax.experimental.pallas import tpu as pltpu
from jax.experimental.pallas import tpu_sc as plsc

NUM_VARS = 64
K = 32
KK = K * K
NUM_CATS = 128
B = 256

_SC_NC = 2
_SC_NS = 16
_NW = _SC_NC * _SC_NS
_ROWS = B * NUM_VARS
_RPW = _ROWS // _NW


@functools.partial(
    pl.kernel,
    out_type=jax.ShapeDtypeStruct((_ROWS, 4 * K), jnp.float32),
    mesh=plsc.VectorSubcoreMesh(core_axis_name="c", subcore_axis_name="s"),
    scratch_types=[
        pltpu.VMEM((_RPW,), jnp.int32),
        pltpu.VMEM((_RPW, K), jnp.float32),
        pltpu.SemaphoreType.DMA,
    ],
    compiler_params=pltpu.CompilerParams(use_tc_tiling_on_sc=False),
)
def _sc_gather(table_hbm, idx_hbm, out_hbm, idx_v, rows_v, sem):
    wid = lax.axis_index("s") * _SC_NC + lax.axis_index("c")
    base = wid * _RPW
    pltpu.sync_copy(idx_hbm.at[pl.ds(base, _RPW)], idx_v)
    pltpu.async_copy(table_hbm.at[idx_v], rows_v, sem).wait()
    pltpu.sync_copy(rows_v, out_hbm.at[pl.ds(base, _RPW), pl.ds(0, K)])


def _prep_body(logits_ref, inputs_ref, table_ref, idx_ref):
    for v in range(NUM_VARS):
        lt = jnp.transpose(logits_ref[v])
        table_ref[v * NUM_CATS:(v + 1) * NUM_CATS, 0:K] = lt
    vb = lax.broadcasted_iota(jnp.int32, (NUM_VARS, B), 0) * NUM_CATS
    tv = (jnp.transpose(inputs_ref[:]) + vb) * 4
    idx_ref[:] = jnp.concatenate(
        [tv[:, None, 0:128], tv[:, None, 128:256]], axis=1).reshape(128, 128)


def _prep(input_logits, inputs):
    return pl.pallas_call(
        _prep_body,
        out_shape=(
            jax.ShapeDtypeStruct((NUM_VARS * NUM_CATS, 4 * K), jnp.float32),
            jax.ShapeDtypeStruct((128, 128), jnp.int32),
        ),
    )(input_logits, inputs)


def _tc_body(mars_ref, w0, w1, w2, w3, w4, w5, root_ref, out_ref,
             s0, s1, s2, s3, s4):
    w_refs = [w0, w1, w2, w3, w4, w5]
    out_bufs = [s0, s1, s2, s3, s4, None]
    in_buf = mars_ref
    scales = None
    final_n = final_s = None
    for lvl in range(6):
        rh = NUM_VARS >> (lvl + 1)
        w_ref = w_refs[lvl]
        new_scales = []
        for r in range(rh):
            if lvl == 0:
                v0, v1 = 2 * r, 2 * r + 1
                left = jnp.transpose(in_buf[v0 * B:(v0 + 1) * B, 0:K])
                right = jnp.transpose(in_buf[v1 * B:(v1 + 1) * B, 0:K])
                sl = jnp.max(left, axis=0, keepdims=True)
                sr = jnp.max(right, axis=0, keepdims=True)
                a = jnp.exp(left - sl).astype(jnp.bfloat16)
                c = jnp.exp(right - sr).astype(jnp.bfloat16)
            else:
                a = in_buf[2 * r]
                c = in_buf[2 * r + 1]
                sl = scales[2 * r]
                sr = scales[2 * r + 1]
            p = (a[:, None, :] * c[None, :, :]).reshape(KK, B)
            ew = jnp.exp(w_ref[r]).astype(jnp.bfloat16)
            o = lax.dot_general(ew, p, (((1,), (0,)), ((), ())),
                                preferred_element_type=jnp.float32)
            mo = jnp.max(o, axis=0, keepdims=True)
            s_out = sl + sr + jnp.log(mo)
            n_out = (o * (1.0 / mo)).astype(jnp.bfloat16)
            if lvl < 5:
                out_bufs[lvl][r] = n_out
                new_scales.append(s_out)
            else:
                final_n, final_s = n_out, s_out
        in_buf = out_bufs[lvl]
        scales = new_scales
    r_lin = jnp.exp(root_ref[:])
    acc = jnp.sum(final_n.astype(jnp.float32) * r_lin, axis=0, keepdims=True)
    out_ref[:] = jnp.log(acc + 1e-30) + final_s


def _tc_levels(mars0, ws, root_w):
    out = pl.pallas_call(
        _tc_body,
        out_shape=jax.ShapeDtypeStruct((1, B), jnp.float32),
        scratch_shapes=[
            pltpu.VMEM((NUM_VARS >> (l + 1), K, B), jnp.bfloat16)
            for l in range(5)
        ],
    )(mars0, *ws, root_w)
    return out.reshape(B, 1)


def kernel(inputs, input_logits, root_w, sum_w_0, sum_w_1, sum_w_2,
           sum_w_3, sum_w_4, sum_w_5):
    table, idx = _prep(input_logits, inputs.astype(jnp.int32))
    mars0 = _sc_gather(table.reshape(4 * NUM_VARS * NUM_CATS, K),
                       idx.reshape(_ROWS))
    ws = [sum_w_0, sum_w_1, sum_w_2, sum_w_3, sum_w_4, sum_w_5]
    return _tc_levels(mars0, ws, root_w.reshape(K, 1))

# --- scband reference (transcript-rebuilt; emitter-appended) ---
"""Pipeline reference for scband-tensor-circuit-8770323218960 (READ-ONLY COPY).

The authoritative reference and input builder live on the scoring server;
editing this copy changes nothing except your own understanding.
"""

import jax, jax.numpy as jnp
import numpy as np

NUM_VARS = 64
K = 32
NUM_CATS = 128
B = 256
N_LEVELS = 6


def _make_params():
    key = jax.random.key(42)
    ks = jax.random.split(key, 8)
    input_logits = jax.nn.log_softmax(0.5 * jax.random.normal(ks[0], (NUM_VARS, K, NUM_CATS)), axis=-1)
    sum_ws = []
    R = NUM_VARS
    i = 1
    while R > 1:
        R //= 2
        sum_ws.append(jax.nn.log_softmax(0.5 * jax.random.normal(ks[i], (R, K, K * K)), axis=-1))
        i += 1
    root_w = jax.nn.log_softmax(0.5 * jax.random.normal(ks[7], (1, K)), axis=-1)
    return input_logits, sum_ws, root_w


def setup_inputs(seed: int = 0) -> dict:
    key = jax.random.key(seed)
    inputs = jax.random.randint(key, (B, NUM_VARS), 0, NUM_CATS)
    input_logits, sum_ws, root_w = _make_params()
    d = {"inputs": inputs, "input_logits": input_logits, "root_w": root_w}
    for j, w in enumerate(sum_ws):
        d["sum_w_%d" % j] = w
    return d


def _forward(inputs, input_logits, sum_ws, root_w):
    Bn = inputs.shape[0]
    # Input layer: categorical log-likelihoods via gather (node_mars of input nodes)
    v_idx = jnp.arange(NUM_VARS)[None, :, None]
    k_idx = jnp.arange(K)[None, None, :]
    mars = input_logits[v_idx, k_idx, inputs[:, :, None]]  # [B, V, K], log-space
    R = NUM_VARS
    for w in sum_ws:
        # Product layer: pair adjacent regions (element_mars = sum of child log-mars)
        left = mars[:, 0::2, :]
        right = mars[:, 1::2, :]
        el = (left[:, :, :, None] + right[:, :, None, :]).reshape(Bn, R // 2, K * K)
        # Sum layer: logsumexp(log_w + el) with the max-subtraction log-matmul trick
        # (this mirrors pyjuice's sum-layer kernel: exp-normalize then matmul)
        m = jnp.max(el, axis=-1, keepdims=True)
        p = jnp.exp(el - m)
        mars = jnp.log(jnp.einsum('brc,rkc->brk', p, jnp.exp(w)) + 1e-30) + m
        R //= 2
    # Root sum node -> log-likelihoods, shape [B, num_roots]
    lls = jax.scipy.special.logsumexp(root_w[None, :, :] + mars[:, 0, None, :], axis=-1)
    return lls


def reference(inputs, input_logits, root_w, sum_w_0, sum_w_1, sum_w_2, sum_w_3, sum_w_4, sum_w_5):
    sum_ws = [sum_w_0, sum_w_1, sum_w_2, sum_w_3, sum_w_4, sum_w_5]
    return _forward(inputs, input_logits, sum_ws, root_w)

if __name__ == "__main__":
    import jax
    _d = setup_inputs()
    print(jax.jit(kernel)(*tuple(_d.values())))

</pallas_src>

<mosaic_0001>
#map = affine_map<(d0, d1) -> (0, 0)>
#map1 = affine_map<(d0, d1) -> (0)>
module attributes {stable_mosaic.version = 14 : i64} {
  func.func @_sc_gather(%arg0: i32, %arg1: i32, %arg2: memref<32768x32xf32, #tpu.memory_space<hbm>>, %arg3: memref<16384xi32, #tpu.memory_space<hbm>>, %arg4: memref<16384x128xf32, #tpu.memory_space<hbm>>, %arg5: memref<512xi32, #tpu.memory_space<vmem>>, %arg6: memref<512x32xf32, #tpu.memory_space<vmem>>, %arg7: memref<!tpu.dma_semaphore, #tpu.memory_space<semaphore_mem>>) attributes {dimension_semantics = [#tpu.dimension_semantics<core_parallel>, #tpu.dimension_semantics<subcore_parallel>], iteration_bounds = array<i64: 2, 16>, scalar_prefetch = 0 : i64, scratch_operands = 3 : i64, tpu.core_type = #tpu.core_type<sc_vector_subcore>, window_params = [{transform_indices = #map}, {transform_indices = #map1}, {transform_indices = #map}]} {
    %mul3A = arith.constant 2 : i32
    %mul3A_0 = arith.muli %arg1, %mul3A : i32
    %add3A = arith.addi %mul3A_0, %arg0 : i32
    %mul3A_1 = arith.constant 512 : i32
    %mul3A_2 = arith.muli %add3A, %mul3A_1 : i32
    "tpu.region"() ({
      %run_scoped3A = tpu.sem_alloc : memref<!tpu.dma_semaphore, #tpu.memory_space<semaphore_mem>>
      %dma_start3A_7 = tpu.memref_slice %arg3[%mul3A_2] : memref<16384xi32, #tpu.memory_space<hbm>> -> memref<512xi32, #tpu.memory_space<hbm>>
      %dma_start3A_8 = tpu.memref_slice %arg3[%mul3A_2] : memref<16384xi32, #tpu.memory_space<hbm>> -> memref<512xi32, #tpu.memory_space<hbm>>
      tpu.enqueue_dma source(%dma_start3A_8 : memref<512xi32, #tpu.memory_space<hbm>>) target(%arg5 : memref<512xi32, #tpu.memory_space<vmem>>) target_semaphore(%run_scoped3A : memref<!tpu.dma_semaphore, #tpu.memory_space<semaphore_mem>>)
      %dma_wait3A_9 = tpu.memref_slice %arg3[%mul3A_2] : memref<16384xi32, #tpu.memory_space<hbm>> -> memref<512xi32, #tpu.memory_space<hbm>>
      %dma_wait3A_10 = tpu.memref_slice %arg3[%mul3A_2] : memref<16384xi32, #tpu.memory_space<hbm>> -> memref<512xi32, #tpu.memory_space<hbm>>
      tpu.wait_dma2 semaphore(%run_scoped3A : memref<!tpu.dma_semaphore, #tpu.memory_space<semaphore_mem>>) src(%dma_wait3A_10 : memref<512xi32, #tpu.memory_space<hbm>>) dst(%arg5 : memref<512xi32, #tpu.memory_space<vmem>>)
      tpu.yield
    }) : () -> ()
    %dma_start3A = arith.constant 0 : i32
    %dma_start3A_3 = arith.constant 0 : i32
    %dma_start3A_4 = tpu.memref_slice %arg2[%dma_start3A, %dma_start3A_3] : memref<32768x32xf32, #tpu.memory_space<hbm>> -> memref<32768x32xf32, #tpu.memory_space<hbm>>
    tpu.enqueue_indirect_dma source(%dma_start3A_4 : memref<32768x32xf32, #tpu.memory_space<hbm>>) target(%arg6 : memref<512x32xf32, #tpu.memory_space<vmem>>) offsets(%arg5 : memref<512xi32, #tpu.memory_space<vmem>>) semaphore(%arg7 : memref<!tpu.dma_semaphore, #tpu.memory_space<semaphore_mem>>)
    %dma_wait3A = arith.constant 0 : i32
    %dma_wait3A_5 = arith.constant 0 : i32
    %dma_wait3A_6 = tpu.memref_slice %arg2[%dma_wait3A, %dma_wait3A_5] : memref<32768x32xf32, #tpu.memory_space<hbm>> -> memref<32768x32xf32, #tpu.memory_space<hbm>>
    tpu.wait_indirect_dma semaphore(%arg7 : memref<!tpu.dma_semaphore, #tpu.memory_space<semaphore_mem>>) src(%dma_wait3A_6 : memref<32768x32xf32, #tpu.memory_space<hbm>>) dst(%arg6 : memref<512x32xf32, #tpu.memory_space<vmem>>)
    "tpu.region"() ({
      %run_scoped3A = tpu.sem_alloc : memref<!tpu.dma_semaphore, #tpu.memory_space<semaphore_mem>>
      %dma_start3A_7 = arith.constant 0 : i32
      %dma_start3A_8 = tpu.memref_slice %arg4[%mul3A_2, %dma_start3A_7] : memref<16384x128xf32, #tpu.memory_space<hbm>> -> memref<512x32xf32, #tpu.memory_space<hbm>>
      %dma_start3A_9 = arith.constant 0 : i32
      %dma_start3A_10 = tpu.memref_slice %arg4[%mul3A_2, %dma_start3A_9] : memref<16384x128xf32, #tpu.memory_space<hbm>> -> memref<512x32xf32, #tpu.memory_space<hbm>>
      tpu.enqueue_dma source(%arg6 : memref<512x32xf32, #tpu.memory_space<vmem>>) target(%dma_start3A_10 : memref<512x32xf32, #tpu.memory_space<hbm>>) target_semaphore(%run_scoped3A : memref<!tpu.dma_semaphore, #tpu.memory_space<semaphore_mem>>)
      %dma_wait3A_11 = arith.constant 0 : i32
      %dma_wait3A_12 = tpu.memref_slice %arg4[%mul3A_2, %dma_wait3A_11] : memref<16384x128xf32, #tpu.memory_space<hbm>> -> memref<512x32xf32, #tpu.memory_space<hbm>>
      %dma_wait3A_13 = arith.constant 0 : i32
      %dma_wait3A_14 = tpu.memref_slice %arg4[%mul3A_2, %dma_wait3A_13] : memref<16384x128xf32, #tpu.memory_space<hbm>> -> memref<512x32xf32, #tpu.memory_space<hbm>>
      tpu.wait_dma2 semaphore(%run_scoped3A : memref<!tpu.dma_semaphore, #tpu.memory_space<semaphore_mem>>) src(%arg6 : memref<512x32xf32, #tpu.memory_space<vmem>>) dst(%dma_wait3A_14 : memref<512x32xf32, #tpu.memory_space<hbm>>)
      tpu.yield
    }) : () -> ()
    return
  }
}

module attributes {stable_mosaic.version = 14 : i64} {
  func.func @_prep_body(%arg0: memref<64x32x128xf32, #tpu.memory_space<vmem>>, %arg1: memref<256x64xi32, #tpu.memory_space<vmem>>, %arg2: memref<8192x128xf32, #tpu.memory_space<vmem>>, %arg3: memref<128x128xi32, #tpu.memory_space<vmem>>) attributes {dimension_semantics = [], scalar_prefetch = 0 : i64, scratch_operands = 0 : i64, tpu.core_type = #tpu.core_type<tc>} {
    %get3A = arith.constant 0 : index
    %get3A_0 = arith.constant 0 : index
    %get3A_1 = arith.constant 0 : index
    %get3A_2 = vector.load %arg0[%get3A, %get3A_0, %get3A_1] : memref<64x32x128xf32, #tpu.memory_space<vmem>>, vector<1x32x128xf32>
    %get3A_3 = vector.shape_cast %get3A_2 : vector<1x32x128xf32> to vector<32x128xf32>
    %transpose3A = tpu.transpose %get3A_3, [1, 0] : vector<32x128xf32> -> vector<128x32xf32>
    %swap3A = arith.constant 0 : index
    %swap3A_4 = arith.constant 0 : index
    %swap3A_5 = vector.load %arg2[%swap3A, %swap3A_4] : memref<8192x128xf32, #tpu.memory_space<vmem>>, vector<128x32xf32>
    tpu.vector_store %arg2[%swap3A, %swap3A_4], %transpose3A {strides = array<i32>} : memref<8192x128xf32, #tpu.memory_space<vmem>>, vector<128x32xf32>,
    %get3A_6 = arith.constant 1 : index
    %get3A_7 = arith.constant 0 : index
    %get3A_8 = arith.constant 0 : index
    %get3A_9 = vector.load %arg0[%get3A_6, %get3A_7, %get3A_8] : memref<64x32x128xf32, #tpu.memory_space<vmem>>, vector<1x32x128xf32>
    %get3A_10 = vector.shape_cast %get3A_9 : vector<1x32x128xf32> to vector<32x128xf32>
    %transpose3A_11 = tpu.transpose %get3A_10, [1, 0] : vector<32x128xf32> -> vector<128x32xf32>
    %swap3A_12 = arith.constant 128 : index
    %swap3A_13 = arith.constant 0 : index
    %swap3A_14 = vector.load %arg2[%swap3A_12, %swap3A_13] : memref<8192x128xf32, #tpu.memory_space<vmem>>, vector<128x32xf32>
    tpu.vector_store %arg2[%swap3A_12, %swap3A_13], %transpose3A_11 {strides = array<i32>} : memref<8192x128xf32, #tpu.memory_space<vmem>>, vector<128x32xf32>,
    %get3A_15 = arith.constant 2 : index
    %get3A_16 = arith.constant 0 : index
    %get3A_17 = arith.constant 0 : index
    %get3A_18 = vector.load %arg0[%get3A_15, %get3A_16, %get3A_17] : memref<64x32x128xf32, #tpu.memory_space<vmem>>, vector<1x32x128xf32>
    %get3A_19 = vector.shape_cast %get3A_18 : vector<1x32x128xf32> to vector<32x128xf32>
    %transpose3A_20 = tpu.transpose %get3A_19, [1, 0] : vector<32x128xf32> -> vector<128x32xf32>
    %swap3A_21 = arith.constant 256 : index
    %swap3A_22 = arith.constant 0 : index
    %swap3A_23 = vector.load %arg2[%swap3A_21, %swap3A_22] : memref<8192x128xf32, #tpu.memory_space<vmem>>, vector<128x32xf32>
    tpu.vector_store %arg2[%swap3A_21, %swap3A_22], %transpose3A_20 {strides = array<i32>} : memref<8192x128xf32, #tpu.memory_space<vmem>>, vector<128x32xf32>,
    %get3A_24 = arith.constant 3 : index
    %get3A_25 = arith.constant 0 : index
    %get3A_26 = arith.constant 0 : index
    %get3A_27 = vector.load %arg0[%get3A_24, %get3A_25, %get3A_26] : memref<64x32x128xf32, #tpu.memory_space<vmem>>, vector<1x32x128xf32>
    %get3A_28 = vector.shape_cast %get3A_27 : vector<1x32x128xf32> to vector<32x128xf32>
    %transpose3A_29 = tpu.transpose %get3A_28, [1, 0] : vector<32x128xf32> -> vector<128x32xf32>
    %swap3A_30 = arith.constant 384 : index
    %swap3A_31 = arith.constant 0 : index
    %swap3A_32 = vector.load %arg2[%swap3A_30, %swap3A_31] : memref<8192x128xf32, #tpu.memory_space<vmem>>, vector<128x32xf32>
    tpu.vector_store %arg2[%swap3A_30, %swap3A_31], %transpose3A_29 {strides = array<i32>} : memref<8192x128xf32, #tpu.memory_space<vmem>>, vector<128x32xf32>,
    %get3A_33 = arith.constant 4 : index
    %get3A_34 = arith.constant 0 : index
    %get3A_35 = arith.constant 0 : index
    %get3A_36 = vector.load %arg0[%get3A_33, %get3A_34, %get3A_35] : memref<64x32x128xf32, #tpu.memory_space<vmem>>, vector<1x32x128xf32>
    %get3A_37 = vector.shape_cast %get3A_36 : vector<1x32x128xf32> to vector<32x128xf32>
    %transpose3A_38 = tpu.transpose %get3A_37, [1, 0] : vector<32x128xf32> -> vector<128x32xf32>
    %swap3A_39 = arith.constant 512 : index
    %swap3A_40 = arith.constant 0 : index
    %swap3A_41 = vector.load %arg2[%swap3A_39, %swap3A_40] : memref<8192x128xf32, #tpu.memory_space<vmem>>, vector<128x32xf32>
    tpu.vector_store %arg2[%swap3A_39, %swap3A_40], %transpose3A_38 {strides = array<i32>} : memref<8192x128xf32, #tpu.memory_space<vmem>>, vector<128x32xf32>,
    %get3A_42 = arith.constant 5 : index
    %get3A_43 = arith.constant 0 : index
    %get3A_44 = arith.constant 0 : index
    %get3A_45 = vector.load %arg0[%get3A_42, %get3A_43, %get3A_44] : memref<64x32x128xf32, #tpu.memory_space<vmem>>, vector<1x32x128xf32>
    %get3A_46 = vector.shape_cast %get3A_45 : vector<1x32x128xf32> to vector<32x128xf32>
    %transpose3A_47 = tpu.transpose %get3A_46, [1, 0] : vector<32x128xf32> -> vector<128x32xf32>
    %swap3A_48 = arith.constant 640 : index
    %swap3A_49 = arith.constant 0 : index
    %swap3A_50 = vector.load %arg2[%swap3A_48, %swap3A_49] : memref<8192x128xf32, #tpu.memory_space<vmem>>, vector<128x32xf32>
    tpu.vector_store %arg2[%swap3A_48, %swap3A_49], %transpose3A_47 {strides = array<i32>} : memref<8192x128xf32, #tpu.memory_space<vmem>>, vector<128x32xf32>,
    %get3A_51 = arith.constant 6 : index
    %get3A_52 = arith.constant 0 : index
    %get3A_53 = arith.constant 0 : index
    %get3A_54 = vector.load %arg0[%get3A_51, %get3A_52, %get3A_53] : memref<64x32x128xf32, #tpu.memory_space<vmem>>, vector<1x32x128xf32>
    %get3A_55 = vector.shape_cast %get3A_54 : vector<1x32x128xf32> to vector<32x128xf32>
    %transpose3A_56 = tpu.transpose %get3A_55, [1, 0] : vector<32x128xf32> -> vector<128x32xf32>
    %swap3A_57 = arith.constant 768 : index
    %swap3A_58 = arith.constant 0 : index
    %swap3A_59 = vector.load %arg2[%swap3A_57, %swap3A_58] : memref<8192x128xf32, #tpu.memory_space<vmem>>, vector<128x32xf32>
    tpu.vector_store %arg2[%swap3A_57, %swap3A_58], %transpose3A_56 {strides = array<i32>} : memref<8192x128xf32, #tpu.memory_space<vmem>>, vector<128x32xf32>,
    %get3A_60 = arith.constant 7 : index
    %get3A_61 = arith.constant 0 : index
    %get3A_62 = arith.constant 0 : index
    %get3A_63 = vector.load %arg0[%get3A_60, %get3A_61, %get3A_62] : memref<64x32x128xf32, #tpu.memory_space<vmem>>, vector<1x32x128xf32>
    %get3A_64 = vector.shape_cast %get3A_63 : vector<1x32x128xf32> to vector<32x128xf32>
    %transpose3A_65 = tpu.transpose %get3A_64, [1, 0] : vector<32x128xf32> -> vector<128x32xf32>
    %swap3A_66 = arith.constant 896 : index
    %swap3A_67 = arith.constant 0 : index
    %swap3A_68 = vector.load %arg2[%swap3A_66, %swap3A_67] : memref<8192x128xf32, #tpu.memory_space<vmem>>, vector<128x32xf32>
    tpu.vector_store %arg2[%swap3A_66, %swap3A_67], %transpose3A_65 {strides = array<i32>} : memref<8192x128xf32, #tpu.memory_space<vmem>>, vector<128x32xf32>,
    %get3A_69 = arith.constant 8 : index
    %get3A_70 = arith.constant 0 : index
    %get3A_71 = arith.constant 0 : index
    %get3A_72 = vector.load %arg0[%get3A_69, %get3A_70, %get3A_71] : memref<64x32x128xf32, #tpu.memory_space<vmem>>, vector<1x32x128xf32>
    %get3A_73 = vector.shape_cast %get3A_72 : vector<1x32x128xf32> to vector<32x128xf32>
    %transpose3A_74 = tpu.transpose %get3A_73, [1, 0] : vector<32x128xf32> -> vector<128x32xf32>
    %swap3A_75 = arith.constant 1024 : index
    %swap3A_76 = arith.constant 0 : index
    %swap3A_77 = vector.load %arg2[%swap3A_75, %swap3A_76] : memref<8192x128xf32, #tpu.memory_space<vmem>>, vector<128x32xf32>
    tpu.vector_store %arg2[%swap3A_75, %swap3A_76], %transpose3A_74 {strides = array<i32>} : memref<8192x128xf32, #tpu.memory_space<vmem>>, vector<128x32xf32>,
    %get3A_78 = arith.constant 9 : index
    %get3A_79 = arith.constant 0 : index
    %get3A_80 = arith.constant 0 : index
    %get3A_81 = vector.load %arg0[%get3A_78, %get3A_79, %get3A_80] : memref<64x32x128xf32, #tpu.memory_space<vmem>>, vector<1x32x128xf32>
    %get3A_82 = vector.shape_cast %get3A_81 : vector<1x32x128xf32> to vector<32x128xf32>
    %transpose3A_83 = tpu.transpose %get3A_82, [1, 0] : vector<32x128xf32> -> vector<128x32xf32>
    %swap3A_84 = arith.constant 1152 : index
    %swap3A_85 = arith.constant 0 : index
    %swap3A_86 = vector.load %arg2[%swap3A_84, %swap3A_85] : memref<8192x128xf32, #tpu.memory_space<vmem>>, vector<128x32xf32>
    tpu.vector_store %arg2[%swap3A_84, %swap3A_85], %transpose3A_83 {strides = array<i32>} : memref<8192x128xf32, #tpu.memory_space<vmem>>, vector<128x32xf32>,
    %get3A_87 = arith.constant 10 : index
    %get3A_88 = arith.constant 0 : index
    %get3A_89 = arith.constant 0 : index
    %get3A_90 = vector.load %arg0[%get3A_87, %get3A_88, %get3A_89] : memref<64x32x128xf32, #tpu.memory_space<vmem>>, vector<1x32x128xf32>
    %get3A_91 = vector.shape_cast %get3A_90 : vector<1x32x128xf32> to vector<32x128xf32>
    %transpose3A_92 = tpu.transpose %get3A_91, [1, 0] : vector<32x128xf32> -> vector<128x32xf32>
    %swap3A_93 = arith.constant 1280 : index
    %swap3A_94 = arith.constant 0 : index
    %swap3A_95 = vector.load %arg2[%swap3A_93, %swap3A_94] : memref<8192x128xf32, #tpu.memory_space<vmem>>, vector<128x32xf32>
    tpu.vector_store %arg2[%swap3A_93, %swap3A_94], %transpose3A_92 {strides = array<i32>} : memref<8192x128xf32, #tpu.memory_space<vmem>>, vector<128x32xf32>,
    %get3A_96 = arith.constant 11 : index
    %get3A_97 = arith.constant 0 : index
    %get3A_98 = arith.constant 0 : index
    %get3A_99 = vector.load %arg0[%get3A_96, %get3A_97, %get3A_98] : memref<64x32x128xf32, #tpu.memory_space<vmem>>, vector<1x32x128xf32>
    %get3A_100 = vector.shape_cast %get3A_99 : vector<1x32x128xf32> to vector<32x128xf32>
    %transpose3A_101 = tpu.transpose %get3A_100, [1, 0] : vector<32x128xf32> -> vector<128x32xf32>
    %swap3A_102 = arith.constant 1408 : index
    %swap3A_103 = arith.constant 0 : index
    %swap3A_104 = vector.load %arg2[%swap3A_102, %swap3A_103] : memref<8192x128xf32, #tpu.memory_space<vmem>>, vector<128x32xf32>
    tpu.vector_store %arg2[%swap3A_102, %swap3A_103], %transpose3A_101 {strides = array<i32>} : memref<8192x128xf32, #tpu.memory_space<vmem>>, vector<128x32xf32>,
    %get3A_105 = arith.constant 12 : index
    %get3A_106 = arith.constant 0 : index
    %get3A_107 = arith.constant 0 : index
    %get3A_108 = vector.load %arg0[%get3A_105, %get3A_106, %get3A_107] : memref<64x32x128xf32, #tpu.memory_space<vmem>>, vector<1x32x128xf32>
    %get3A_109 = vector.shape_cast %get3A_108 : vector<1x32x128xf32> to vector<32x128xf32>
    %transpose3A_110 = tpu.transpose %get3A_109, [1, 0] : vector<32x128xf32> -> vector<128x32xf32>
    %swap3A_111 = arith.constant 1536 : index
    %swap3A_112 = arith.constant 0 : index
    %swap3A_113 = vector.load %arg2[%swap3A_111, %swap3A_112] : memref<8192x128xf32, #tpu.memory_space<vmem>>, vector<128x32xf32>
    tpu.vector_store %arg2[%swap3A_111, %swap3A_112], %transpose3A_110 {strides = array<i32>} : memref<8192x128xf32, #tpu.memory_space<vmem>>, vector<128x32xf32>,
    %get3A_114 = arith.constant 13 : index
    %get3A_115 = arith.constant 0 : index
    %get3A_116 = arith.constant 0 : index
    %get3A_117 = vector.load %arg0[%get3A_114, %get3A_115, %get3A_116] : memref<64x32x128xf32, #tpu.memory_space<vmem>>, vector<1x32x128xf32>
    %get3A_118 = vector.shape_cast %get3A_117 : vector<1x32x128xf32> to vector<32x128xf32>
    %transpose3A_119 = tpu.transpose %get3A_118, [1, 0] : vector<32x128xf32> -> vector<128x32xf32>
    %swap3A_120 = arith.constant 1664 : index
    %swap3A_121 = arith.constant 0 : index
    %swap3A_122 = vector.load %arg2[%swap3A_120, %swap3A_121] : memref<8192x128xf32, #tpu.memory_space<vmem>>, vector<128x32xf32>
    tpu.vector_store %arg2[%swap3A_120, %swap3A_121], %transpose3A_119 {strides = array<i32>} : memref<8192x128xf32, #tpu.memory_space<vmem>>, vector<128x32xf32>,
    %get3A_123 = arith.constant 14 : index
    %get3A_124 = arith.constant 0 : index
    %get3A_125 = arith.constant 0 : index
    %get3A_126 = vector.load %arg0[%get3A_123, %get3A_124, %get3A_125] : memref<64x32x128xf32, #tpu.memory_space<vmem>>, vector<1x32x128xf32>
    %get3A_127 = vector.shape_cast %get3A_126 : vector<1x32x128xf32> to vector<32x128xf32>
    %transpose3A_128 = tpu.transpose %get3A_127, [1, 0] : vector<32x128xf32> -> vector<128x32xf32>
    %swap3A_129 = arith.constant 1792 : index
    %swap3A_130 = arith.constant 0 : index
    %swap3A_131 = vector.load %arg2[%swap3A_129, %swap3A_130] : memref<8192x128xf32, #tpu.memory_space<vmem>>, vector<128x32xf32>
    tpu.vector_store %arg2[%swap3A_129, %swap3A_130], %transpose3A_128 {strides = array<i32>} : memref<8192x128xf32, #tpu.memory_space<vmem>>, vector<128x32xf32>,
    %get3A_132 = arith.constant 15 : index
    %get3A_133 = arith.constant 0 : index
    %get3A_134 = arith.constant 0 : index
    %get3A_135 = vector.load %arg0[%get3A_132, %get3A_133, %get3A_134] : memref<64x32x128xf32, #tpu.memory_space<vmem>>, vector<1x32x128xf32>
    %get3A_136 = vector.shape_cast %get3A_135 : vector<1x32x128xf32> to vector<32x128xf32>
    %transpose3A_137 = tpu.transpose %get3A_136, [1, 0] : vector<32x128xf32> -> vector<128x32xf32>
    %swap3A_138 = arith.constant 1920 : index
    %swap3A_139 = arith.constant 0 : index
    %swap3A_140 = vector.load %arg2[%swap3A_138, %swap3A_139] : memref<8192x128xf32, #tpu.memory_space<vmem>>, vector<128x32xf32>
    tpu.vector_store %arg2[%swap3A_138, %swap3A_139], %transpose3A_137 {strides = array<i32>} : memref<8192x128xf32, #tpu.memory_space<vmem>>, vector<128x32xf32>,
    %get3A_141 = arith.constant 16 : index
    %get3A_142 = arith.constant 0 : index
    %get3A_143 = arith.constant 0 : index
    %get3A_144 = vector.load %arg0[%get3A_141, %get3A_142, %get3A_143] : memref<64x32x128xf32, #tpu.memory_space<vmem>>, vector<1x32x128xf32>
    %get3A_145 = vector.shape_cast %get3A_144 : vector<1x32x128xf32> to vector<32x128xf32>
    %transpose3A_146 = tpu.transpose %get3A_145, [1, 0] : vector<32x128xf32> -> vector<128x32xf32>
    %swap3A_147 = arith.constant 2048 : index
    %swap3A_148 = arith.constant 0 : index
    %swap3A_149 = vector.load %arg2[%swap3A_147, %swap3A_148] : memref<8192x128xf32, #tpu.memory_space<vmem>>, vector<128x32xf32>
    tpu.vector_store %arg2[%swap3A_147, %swap3A_148], %transpose3A_146 {strides = array<i32>} : memref<8192x128xf32, #tpu.memory_space<vmem>>, vector<128x32xf32>,
    %get3A_150 = arith.constant 17 : index
    %get3A_151 = arith.constant 0 : index
    %get3A_152 = arith.constant 0 : index
    %get3A_153 = vector.load %arg0[%get3A_150, %get3A_151, %get3A_152] : memref<64x32x128xf32, #tpu.memory_space<vmem>>, vector<1x32x128xf32>
    %get3A_154 = vector.shape_cast %get3A_153 : vector<1x32x128xf32> to vector<32x128xf32>
    %transpose3A_155 = tpu.transpose %get3A_154, [1, 0] : vector<32x128xf32> -> vector<128x32xf32>
    %swap3A_156 = arith.constant 2176 : index
    %swap3A_157 = arith.constant 0 : index
    %swap3A_158 = vector.load %arg2[%swap3A_156, %swap3A_157] : memref<8192x128xf32, #tpu.memory_space<vmem>>, vector<128x32xf32>
    tpu.vector_store %arg2[%swap3A_156, %swap3A_157], %transpose3A_155 {strides = array<i32>} : memref<8192x128xf32, #tpu.memory_space<vmem>>, vector<128x32xf32>,
    %get3A_159 = arith.constant 18 : index
    %get3A_160 = arith.constant 0 : index
    %get3A_161 = arith.constant 0 : index
    %get3A_162 = vector.load %arg0[%get3A_159, %get3A_160, %get3A_161] : memref<64x32x128xf32, #tpu.memory_space<vmem>>, vector<1x32x128xf32>
    %get3A_163 = vector.shape_cast %get3A_162 : vector<1x32x128xf32> to vector<32x128xf32>
    %transpose3A_164 = tpu.transpose %get3A_163, [1, 0] : vector<32x128xf32> -> vector<128x32xf32>
    %swap3A_165 = arith.constant 2304 : index
    %swap3A_166 = arith.constant 0 : index
    %swap3A_167 = vector.load %arg2[%swap3A_165, %swap3A_166] : memref<8192x128xf32, #tpu.memory_space<vmem>>, vector<128x32xf32>
    tpu.vector_store %arg2[%swap3A_165, %swap3A_166], %transpose3A_164 {strides = array<i32>} : memref<8192x128xf32, #tpu.memory_space<vmem>>, vector<128x32xf32>,
    %get3A_168 = arith.constant 19 : index
    %get3A_169 = arith.constant 0 : index
    %get3A_170 = arith.constant 0 : index
    %get3A_171 = vector.load %arg0[%get3A_168, %get3A_169, %get3A_170] : memref<64x32x128xf32, #tpu.memory_space<vmem>>, vector<1x32x128xf32>
    %get3A_172 = vector.shape_cast %get3A_171 : vector<1x32x128xf32> to vector<32x128xf32>
    %transpose3A_173 = tpu.transpose %get3A_172, [1, 0] : vector<32x128xf32> -> vector<128x32xf32>
    %swap3A_174 = arith.constant 2432 : index
    %swap3A_175 = arith.constant 0 : index
    %swap3A_176 = vector.load %arg2[%swap3A_174, %swap3A_175] : memref<8192x128xf32, #tpu.memory_space<vmem>>, vector<128x32xf32>
    tpu.vector_store %arg2[%swap3A_174, %swap3A_175], %transpose3A_173 {strides = array<i32>} : memref<8192x128xf32, #tpu.memory_space<vmem>>, vector<128x32xf32>,
    %get3A_177 = arith.constant 20 : index
    %get3A_178 = arith.constant 0 : index
    %get3A_179 = arith.constant 0 : index
    %get3A_180 = vector.load %arg0[%get3A_177, %get3A_178, %get3A_179] : memref<64x32x128xf32, #tpu.memory_space<vmem>>, vector<1x32x128xf32>
    %get3A_181 = vector.shape_cast %get3A_180 : vector<1x32x128xf32> to vector<32x128xf32>
    %transpose3A_182 = tpu.transpose %get3A_181, [1, 0] : vector<32x128xf32> -> vector<128x32xf32>
    %swap3A_183 = arith.constant 2560 : index
    %swap3A_184 = arith.constant 0 : index
    %swap3A_185 = vector.load %arg2[%swap3A_183, %swap3A_184] : memref<8192x128xf32, #tpu.memory_space<vmem>>, vector<128x32xf32>
    tpu.vector_store %arg2[%swap3A_183, %swap3A_184], %transpose3A_182 {strides = array<i32>} : memref<8192x128xf32, #tpu.memory_space<vmem>>, vector<128x32xf32>,
    %get3A_186 = arith.constant 21 : index
    %get3A_187 = arith.constant 0 : index
    %get3A_188 = arith.constant 0 : index
    %get3A_189 = vector.load %arg0[%get3A_186, %get3A_187, %get3A_188] : memref<64x32x128xf32, #tpu.memory_space<vmem>>, vector<1x32x128xf32>
    %get3A_190 = vector.shape_cast %get3A_189 : vector<1x32x128xf32> to vector<32x128xf32>
    %transpose3A_191 = tpu.transpose %get3A_190, [1, 0] : vector<32x128xf32> -> vector<128x32xf32>
    %swap3A_192 = arith.constant 2688 : index
    %swap3A_193 = arith.constant 0 : index
    %swap3A_194 = vector.load %arg2[%swap3A_192, %swap3A_193] : memref<8192x128xf32, #tpu.memory_space<vmem>>, vector<128x32xf32>
    tpu.vector_store %arg2[%swap3A_192, %swap3A_193], %transpose3A_191 {strides = array<i32>} : memref<8192x128xf32, #tpu.memory_space<vmem>>, vector<128x32xf32>,
    %get3A_195 = arith.constant 22 : index
    %get3A_196 = arith.constant 0 : index
    %get3A_197 = arith.constant 0 : index
    %get3A_198 = vector.load %arg0[%get3A_195, %get3A_196, %get3A_197] : memref<64x32x128xf32, #tpu.memory_space<vmem>>, vector<1x32x128xf32>
    %get3A_199 = vector.shape_cast %get3A_198 : vector<1x32x128xf32> to vector<32x128xf32>
    %transpose3A_200 = tpu.transpose %get3A_199, [1, 0] : vector<32x128xf32> -> vector<128x32xf32>
    %swap3A_201 = arith.constant 2816 : index
    %swap3A_202 = arith.constant 0 : index
    %swap3A_203 = vector.load %arg2[%swap3A_201, %swap3A_202] : memref<8192x128xf32, #tpu.memory_space<vmem>>, vector<128x32xf32>
    tpu.vector_store %arg2[%swap3A_201, %swap3A_202], %transpose3A_200 {strides = array<i32>} : memref<8192x128xf32, #tpu.memory_space<vmem>>, vector<128x32xf32>,
    %get3A_204 = arith.constant 23 : index
    %get3A_205 = arith.constant 0 : index
    %get3A_206 = arith.constant 0 : index
    %get3A_207 = vector.load %arg0[%get3A_204, %get3A_205, %get3A_206] : memref<64x32x128xf32, #tpu.memory_space<vmem>>, vector<1x32x128xf32>
    %get3A_208 = vector.shape_cast %get3A_207 : vector<1x32x128xf32> to vector<32x128xf32>
    %transpose3A_209 = tpu.transpose %get3A_208, [1, 0] : vector<32x128xf32> -> vector<128x32xf32>
    %swap3A_210 = arith.constant 2944 : index
    %swap3A_211 = arith.constant 0 : index
    %swap3A_212 = vector.load %arg2[%swap3A_210, %swap3A_211] : memref<8192x128xf32, #tpu.memory_space<vmem>>, vector<128x32xf32>
    tpu.vector_store %arg2[%swap3A_210, %swap3A_211], %transpose3A_209 {strides = array<i32>} : memref<8192x128xf32, #tpu.memory_space<vmem>>, vector<128x32xf32>,
    %get3A_213 = arith.constant 24 : index
    %get3A_214 = arith.constant 0 : index
    %get3A_215 = arith.constant 0 : index
    %get3A_216 = vector.load %arg0[%get3A_213, %get3A_214, %get3A_215] : memref<64x32x128xf32, #tpu.memory_space<vmem>>, vector<1x32x128xf32>
    %get3A_217 = vector.shape_cast %get3A_216 : vector<1x32x128xf32> to vector<32x128xf32>
    %transpose3A_218 = tpu.transpose %get3A_217, [1, 0] : vector<32x128xf32> -> vector<128x32xf32>
    %swap3A_219 = arith.constant 3072 : index
    %swap3A_220 = arith.constant 0 : index
    %swap3A_221 = vector.load %arg2[%swap3A_219, %swap3A_220] : memref<8192x128xf32, #tpu.memory_space<vmem>>, vector<128x32xf32>
    tpu.vector_store %arg2[%swap3A_219, %swap3A_220], %transpose3A_218 {strides = array<i32>} : memref<8192x128xf32, #tpu.memory_space<vmem>>, vector<128x32xf32>,
    %get3A_222 = arith.constant 25 : index
    %get3A_223 = arith.constant 0 : index
    %get3A_224 = arith.constant 0 : index
    %get3A_225 = vector.load %arg0[%get3A_222, %get3A_223, %get3A_224] : memref<64x32x128xf32, #tpu.memory_space<vmem>>, vector<1x32x128xf32>
    %get3A_226 = vector.shape_cast %get3A_225 : vector<1x32x128xf32> to vector<32x128xf32>
    %transpose3A_227 = tpu.transpose %get3A_226, [1, 0] : vector<32x128xf32> -> vector<128x32xf32>
    %swap3A_228 = arith.constant 3200 : index
    %swap3A_229 = arith.constant 0 : index
    %swap3A_230 = vector.load %arg2[%swap3A_228, %swap3A_229] : memref<8192x128xf32, #tpu.memory_space<vmem>>, vector<128x32xf32>
    tpu.vector_store %arg2[%swap3A_228, %swap3A_229], %transpose3A_227 {strides = array<i32>} : memref<8192x128xf32, #tpu.memory_space<vmem>>, vector<128x32xf32>,
    %get3A_231 = arith.constant 26 : index
    %get3A_232 = arith.constant 0 : index
    %get3A_233 = arith.constant 0 : index
    %get3A_234 = vector.load %arg0[%get3A_231, %get3A_232, %get3A_233] : memref<64x32x128xf32, #tpu.memory_space<vmem>>, vector<1x32x128xf32>
    %get3A_235 = vector.shape_cast %get3A_234 : vector<1x32x128xf32> to vector<32x128xf32>
    %transpose3A_236 = tpu.transpose %get3A_235, [1, 0] : vector<32x128xf32> -> vector<128x32xf32>
    %swap3A_237 = arith.constant 3328 : index
    %swap3A_238 = arith.constant 0 : index
    %swap3A_239 = vector.load %arg2[%swap3A_237, %swap3A_238] : memref<8192x128xf32, #tpu.memory_space<vmem>>, vector<128x32xf32>
    tpu.vector_store %arg2[%swap3A_237, %swap3A_238], %transpose3A_236 {strides = array<i32>} : memref<8192x128xf32, #tpu.memory_space<vmem>>, vector<128x32xf32>,
    %get3A_240 = arith.constant 27 : index
    %get3A_241 = arith.constant 0 : index
    %get3A_242 = arith.constant 0 : index
    %get3A_243 = vector.load %arg0[%get3A_240, %get3A_241, %get3A_242] : memref<64x32x128xf32, #tpu.memory_space<vmem>>, vector<1x32x128xf32>
    %get3A_244 = vector.shape_cast %get3A_243 : vector<1x32x128xf32> to vector<32x128xf32>
    %transpose3A_245 = tpu.transpose %get3A_244, [1, 0] : vector<32x128xf32> -> vector<128x32xf32>
    %swap3A_246 = arith.constant 3456 : index
    %swap3A_247 = arith.constant 0 : index
    %swap3A_248 = vector.load %arg2[%swap3A_246, %swap3A_247] : memref<8192x128xf32, #tpu.memory_space<vmem>>, vector<128x32xf32>
    tpu.vector_store %arg2[%swap3A_246, %swap3A_247], %transpose3A_245 {strides = array<i32>} : memref<8192x128xf32, #tpu.memory_space<vmem>>, vector<128x32xf32>,
    %get3A_249 = arith.constant 28 : index
    %get3A_250 = arith.constant 0 : index
    %get3A_251 = arith.constant 0 : index
    %get3A_252 = vector.load %arg0[%get3A_249, %get3A_250, %get3A_251] : memref<64x32x128xf32, #tpu.memory_space<vmem>>, vector<1x32x128xf32>
    %get3A_253 = vector.shape_cast %get3A_252 : vector<1x32x128xf32> to vector<32x128xf32>
    %transpose3A_254 = tpu.transpose %get3A_253, [1, 0] : vector<32x128xf32> -> vector<128x32xf32>
    %swap3A_255 = arith.constant 3584 : index
    %swap3A_256 = arith.constant 0 : index
    %swap3A_257 = vector.load %arg2[%swap3A_255, %swap3A_256] : memref<8192x128xf32, #tpu.memory_space<vmem>>, vector<128x32xf32>
    tpu.vector_store %arg2[%swap3A_255, %swap3A_256], %transpose3A_254 {strides = array<i32>} : memref<8192x128xf32, #tpu.memory_space<vmem>>, vector<128x32xf32>,
    %get3A_258 = arith.constant 29 : index
    %get3A_259 = arith.constant 0 : index
    %get3A_260 = arith.constant 0 : index
    %get3A_261 = vector.load %arg0[%get3A_258, %get3A_259, %get3A_260] : memref<64x32x128xf32, #tpu.memory_space<vmem>>, vector<1x32x128xf32>
    %get3A_262 = vector.shape_cast %get3A_261 : vector<1x32x128xf32> to vector<32x128xf32>
    %transpose3A_263 = tpu.transpose %get3A_262, [1, 0] : vector<32x128xf32> -> vector<128x32xf32>
    %swap3A_264 = arith.constant 3712 : index
    %swap3A_265 = arith.constant 0 : index
    %swap3A_266 = vector.load %arg2[%swap3A_264, %swap3A_265] : memref<8192x128xf32, #tpu.memory_space<vmem>>, vector<128x32xf32>
    tpu.vector_store %arg2[%swap3A_264, %swap3A_265], %transpose3A_263 {strides = array<i32>} : memref<8192x128xf32, #tpu.memory_space<vmem>>, vector<128x32xf32>,
    %get3A_267 = arith.constant 30 : index
    %get3A_268 = arith.constant 0 : index
    %get3A_269 = arith.constant 0 : index
    %get3A_270 = vector.load %arg0[%get3A_267, %get3A_268, %get3A_269] : memref<64x32x128xf32, #tpu.memory_space<vmem>>, vector<1x32x128xf32>
    %get3A_271 = vector.shape_cast %get3A_270 : vector<1x32x128xf32> to vector<32x128xf32>
    %transpose3A_272 = tpu.transpose %get3A_271, [1, 0] : vector<32x128xf32> -> vector<128x32xf32>
    %swap3A_273 = arith.constant 3840 : index
    %swap3A_274 = arith.constant 0 : index
    %swap3A_275 = vector.load %arg2[%swap3A_273, %swap3A_274] : memref<8192x128xf32, #tpu.memory_space<vmem>>, vector<128x32xf32>
    tpu.vector_store %arg2[%swap3A_273, %swap3A_274], %transpose3A_272 {strides = array<i32>} : memref<8192x128xf32, #tpu.memory_space<vmem>>, vector<128x32xf32>,
    %get3A_276 = arith.constant 31 : index
    %get3A_277 = arith.constant 0 : index
    %get3A_278 = arith.constant 0 : index
    %get3A_279 = vector.load %arg0[%get3A_276, %get3A_277, %get3A_278] : memref<64x32x128xf32, #tpu.memory_space<vmem>>, vector<1x32x128xf32>
    %get3A_280 = vector.shape_cast %get3A_279 : vector<1x32x128xf32> to vector<32x128xf32>
    %transpose3A_281 = tpu.transpose %get3A_280, [1, 0] : vector<32x128xf32> -> vector<128x32xf32>
    %swap3A_282 = arith.constant 3968 : index
    %swap3A_283 = arith.constant 0 : index
    %swap3A_284 = vector.load %arg2[%swap3A_282, %swap3A_283] : memref<8192x128xf32, #tpu.memory_space<vmem>>, vector<128x32xf32>
    tpu.vector_store %arg2[%swap3A_282, %swap3A_283], %transpose3A_281 {strides = array<i32>} : memref<8192x128xf32, #tpu.memory_space<vmem>>, vector<128x32xf32>,
    %get3A_285 = arith.constant 32 : index
    %get3A_286 = arith.constant 0 : index
    %get3A_287 = arith.constant 0 : index
    %get3A_288 = vector.load %arg0[%get3A_285, %get3A_286, %get3A_287] : memref<64x32x128xf32, #tpu.memory_space<vmem>>, vector<1x32x128xf32>
    %get3A_289 = vector.shape_cast %get3A_288 : vector<1x32x128xf32> to vector<32x128xf32>
    %transpose3A_290 = tpu.transpose %get3A_289, [1, 0] : vector<32x128xf32> -> vector<128x32xf32>
    %swap3A_291 = arith.constant 4096 : index
    %swap3A_292 = arith.constant 0 : index
    %swap3A_293 = vector.load %arg2[%swap3A_291, %swap3A_292] : memref<8192x128xf32, #tpu.memory_space<vmem>>, vector<128x32xf32>
    tpu.vector_store %arg2[%swap3A_291, %swap3A_292], %transpose3A_290 {strides = array<i32>} : memref<8192x128xf32, #tpu.memory_space<vmem>>, vector<128x32xf32>,
    %get3A_294 = arith.constant 33 : index
    %get3A_295 = arith.constant 0 : index
    %get3A_296 = arith.constant 0 : index
    %get3A_297 = vector.load %arg0[%get3A_294, %get3A_295, %get3A_296] : memref<64x32x128xf32, #tpu.memory_space<vmem>>, vector<1x32x128xf32>
    %get3A_298 = vector.shape_cast %get3A_297 : vector<1x32x128xf32> to vector<32x128xf32>
    %transpose3A_299 = tpu.transpose %get3A_298, [1, 0] : vector<32x128xf32> -> vector<128x32xf32>
    %swap3A_300 = arith.constant 4224 : index
    %swap3A_301 = arith.constant 0 : index
    %swap3A_302 = vector.load %arg2[%swap3A_300, %swap3A_301] : memref<8192x128xf32, #tpu.memory_space<vmem>>, vector<128x32xf32>
    tpu.vector_store %arg2[%swap3A_300, %swap3A_301], %transpose3A_299 {strides = array<i32>} : memref<8192x128xf32, #tpu.memory_space<vmem>>, vector<128x32xf32>,
    %get3A_303 = arith.constant 34 : index
    %get3A_304 = arith.constant 0 : index
    %get3A_305 = arith.constant 0 : index
    %get3A_306 = vector.load %arg0[%get3A_303, %get3A_304, %get3A_305] : memref<64x32x128xf32, #tpu.memory_space<vmem>>, vector<1x32x128xf32>
    %get3A_307 = vector.shape_cast %get3A_306 : vector<1x32x128xf32> to vector<32x128xf32>
    %transpose3A_308 = tpu.transpose %get3A_307, [1, 0] : vector<32x128xf32> -> vector<128x32xf32>
    %swap3A_309 = arith.constant 4352 : index
    %swap3A_310 = arith.constant 0 : index
    %swap3A_311 = vector.load %arg2[%swap3A_309, %swap3A_310] : memref<8192x128xf32, #tpu.memory_space<vmem>>, vector<128x32xf32>
    tpu.vector_store %arg2[%swap3A_309, %swap3A_310], %transpose3A_308 {strides = array<i32>} : memref<8192x128xf32, #tpu.memory_space<vmem>>, vector<128x32xf32>,
    %get3A_312 = arith.constant 35 : index
    %get3A_313 = arith.constant 0 : index
    %get3A_314 = arith.constant 0 : index
    %get3A_315 = vector.load %arg0[%get3A_312, %get3A_313, %get3A_314] : memref<64x32x128xf32, #tpu.memory_space<vmem>>, vector<1x32x128xf32>
    %get3A_316 = vector.shape_cast %get3A_315 : vector<1x32x128xf32> to vector<32x128xf32>
    %transpose3A_317 = tpu.transpose %get3A_316, [1, 0] : vector<32x128xf32> -> vector<128x32xf32>
    %swap3A_318 = arith.constant 4480 : index
    %swap3A_319 = arith.constant 0 : index
    %swap3A_320 = vector.load %arg2[%swap3A_318, %swap3A_319] : memref<8192x128xf32, #tpu.memory_space<vmem>>, vector<128x32xf32>
    tpu.vector_store %arg2[%swap3A_318, %swap3A_319], %transpose3A_317 {strides = array<i32>} : memref<8192x128xf32, #tpu.memory_space<vmem>>, vector<128x32xf32>,
    %get3A_321 = arith.constant 36 : index
    %get3A_322 = arith.constant 0 : index
    %get3A_323 = arith.constant 0 : index
    %get3A_324 = vector.load %arg0[%get3A_321, %get3A_322, %get3A_323] : memref<64x32x128xf32, #tpu.memory_space<vmem>>, vector<1x32x128xf32>
    %get3A_325 = vector.shape_cast %get3A_324 : vector<1x32x128xf32> to vector<32x128xf32>
    %transpose3A_326 = tpu.transpose %get3A_325, [1, 0] : vector<32x128xf32> -> vector<128x32xf32>
    %swap3A_327 = arith.constant 4608 : index
    %swap3A_328 = arith.constant 0 : index
    %swap3A_329 = vector.load %arg2[%swap3A_327, %swap3A_328] : memref<8192x128xf32, #tpu.memory_space<vmem>>, vector<128x32xf32>
    tpu.vector_store %arg2[%swap3A_327, %swap3A_328], %transpose3A_326 {strides = array<i32>} : memref<8192x128xf32, #tpu.memory_space<vmem>>, vector<128x32xf32>,
    %get3A_330 = arith.constant 37 : index
    %get3A_331 = arith.constant 0 : index
    %get3A_332 = arith.constant 0 : index
    %get3A_333 = vector.load %arg0[%get3A_330, %get3A_331, %get3A_332] : memref<64x32x128xf32, #tpu.memory_space<vmem>>, vector<1x32x128xf32>
    %get3A_334 = vector.shape_cast %get3A_333 : vector<1x32x128xf32> to vector<32x128xf32>
    %transpose3A_335 = tpu.transpose %get3A_334, [1, 0] : vector<32x128xf32> -> vector<128x32xf32>
    %swap3A_336 = arith.constant 4736 : index
    %swap3A_337 = arith.constant 0 : index
    %swap3A_338 = vector.load %arg2[%swap3A_336, %swap3A_337] : memref<8192x128xf32, #tpu.memory_space<vmem>>, vector<128x32xf32>
    tpu.vector_store %arg2[%swap3A_336, %swap3A_337], %transpose3A_335 {strides = array<i32>} : memref<8192x128xf32, #tpu.memory_space<vmem>>, vector<128x32xf32>,
    %get3A_339 = arith.constant 38 : index
    %get3A_340 = arith.constant 0 : index
    %get3A_341 = arith.constant 0 : index
    %get3A_342 = vector.load %arg0[%get3A_339, %get3A_340, %get3A_341] : memref<64x32x128xf32, #tpu.memory_space<vmem>>, vector<1x32x128xf32>
    %get3A_343 = vector.shape_cast %get3A_342 : vector<1x32x128xf32> to vector<32x128xf32>
    %transpose3A_344 = tpu.transpose %get3A_343, [1, 0] : vector<32x128xf32> -> vector<128x32xf32>
    %swap3A_345 = arith.constant 4864 : index
    %swap3A_346 = arith.constant 0 : index
    %swap3A_347 = vector.load %arg2[%swap3A_345, %swap3A_346] : memref<8192x128xf32, #tpu.memory_space<vmem>>, vector<128x32xf32>
    tpu.vector_store %arg2[%swap3A_345, %swap3A_346], %transpose3A_344 {strides = array<i32>} : memref<8192x128xf32, #tpu.memory_space<vmem>>, vector<128x32xf32>,
    %get3A_348 = arith.constant 39 : index
    %get3A_349 = arith.constant 0 : index
    %get3A_350 = arith.constant 0 : index
    %get3A_351 = vector.load %arg0[%get3A_348, %get3A_349, %get3A_350] : memref<64x32x128xf32, #tpu.memory_space<vmem>>, vector<1x32x128xf32>
    %get3A_352 = vector.shape_cast %get3A_351 : vector<1x32x128xf32> to vector<32x128xf32>
    %transpose3A_353 = tpu.transpose %get3A_352, [1, 0] : vector<32x128xf32> -> vector<128x32xf32>
    %swap3A_354 = arith.constant 4992 : index
    %swap3A_355 = arith.constant 0 : index
    %swap3A_356 = vector.load %arg2[%swap3A_354, %swap3A_355] : memref<8192x128xf32, #tpu.memory_space<vmem>>, vector<128x32xf32>
    tpu.vector_store %arg2[%swap3A_354, %swap3A_355], %transpose3A_353 {strides = array<i32>} : memref<8192x128xf32, #tpu.memory_space<vmem>>, vector<128x32xf32>,
    %get3A_357 = arith.constant 40 : index
    %get3A_358 = arith.constant 0 : index
    %get3A_359 = arith.constant 0 : index
    %get3A_360 = vector.load %arg0[%get3A_357, %get3A_358, %get3A_359] : memref<64x32x128xf32, #tpu.memory_space<vmem>>, vector<1x32x128xf32>
    %get3A_361 = vector.shape_cast %get3A_360 : vector<1x32x128xf32> to vector<32x128xf32>
    %transpose3A_362 = tpu.transpose %get3A_361, [1, 0] : vector<32x128xf32> -> vector<128x32xf32>
    %swap3A_363 = arith.constant 5120 : index
    %swap3A_364 = arith.constant 0 : index
    %swap3A_365 = vector.load %arg2[%swap3A_363, %swap3A_364] : memref<8192x128xf32, #tpu.memory_space<vmem>>, vector<128x32xf32>
    tpu.vector_store %arg2[%swap3A_363, %swap3A_364], %transpose3A_362 {strides = array<i32>} : memref<8192x128xf32, #tpu.memory_space<vmem>>, vector<128x32xf32>,
    %get3A_366 = arith.constant 41 : index
    %get3A_367 = arith.constant 0 : index
    %get3A_368 = arith.constant 0 : index
    %get3A_369 = vector.load %arg0[%get3A_366, %get3A_367, %get3A_368] : memref<64x32x128xf32, #tpu.memory_space<vmem>>, vector<1x32x128xf32>
    %get3A_370 = vector.shape_cast %get3A_369 : vector<1x32x128xf32> to vector<32x128xf32>
    %transpose3A_371 = tpu.transpose %get3A_370, [1, 0] : vector<32x128xf32> -> vector<128x32xf32>
    %swap3A_372 = arith.constant 5248 : index
    %swap3A_373 = arith.constant 0 : index
    %swap3A_374 = vector.load %arg2[%swap3A_372, %swap3A_373] : memref<8192x128xf32, #tpu.memory_space<vmem>>, vector<128x32xf32>
    tpu.vector_store %arg2[%swap3A_372, %swap3A_373], %transpose3A_371 {strides = array<i32>} : memref<8192x128xf32, #tpu.memory_space<vmem>>, vector<128x32xf32>,
    %get3A_375 = arith.constant 42 : index
    %get3A_376 = arith.constant 0 : index
    %get3A_377 = arith.constant 0 : index
    %get3A_378 = vector.load %arg0[%get3A_375, %get3A_376, %get3A_377] : memref<64x32x128xf32, #tpu.memory_space<vmem>>, vector<1x32x128xf32>
    %get3A_379 = vector.shape_cast %get3A_378 : vector<1x32x128xf32> to vector<32x128xf32>
    %transpose3A_380 = tpu.transpose %get3A_379, [1, 0] : vector<32x128xf32> -> vector<128x32xf32>
    %swap3A_381 = arith.constant 5376 : index
    %swap3A_382 = arith.constant 0 : index
    %swap3A_383 = vector.load %arg2[%swap3A_381, %swap3A_382] : memref<8192x128xf32, #tpu.memory_space<vmem>>, vector<128x32xf32>
    tpu.vector_store %arg2[%swap3A_381, %swap3A_382], %transpose3A_380 {strides = array<i32>} : memref<8192x128xf32, #tpu.memory_space<vmem>>, vector<128x32xf32>,
    %get3A_384 = arith.constant 43 : index
    %get3A_385 = arith.constant 0 : index
    %get3A_386 = arith.constant 0 : index
    %get3A_387 = vector.load %arg0[%get3A_384, %get3A_385, %get3A_386] : memref<64x32x128xf32, #tpu.memory_space<vmem>>, vector<1x32x128xf32>
    %get3A_388 = vector.shape_cast %get3A_387 : vector<1x32x128xf32> to vector<32x128xf32>
    %transpose3A_389 = tpu.transpose %get3A_388, [1, 0] : vector<32x128xf32> -> vector<128x32xf32>
    %swap3A_390 = arith.constant 5504 : index
    %swap3A_391 = arith.constant 0 : index
    %swap3A_392 = vector.load %arg2[%swap3A_390, %swap3A_391] : memref<8192x128xf32, #tpu.memory_space<vmem>>, vector<128x32xf32>
    tpu.vector_store %arg2[%swap3A_390, %swap3A_391], %transpose3A_389 {strides = array<i32>} : memref<8192x128xf32, #tpu.memory_space<vmem>>, vector<128x32xf32>,
    %get3A_393 = arith.constant 44 : index
    %get3A_394 = arith.constant 0 : index
    %get3A_395 = arith.constant 0 : index
    %get3A_396 = vector.load %arg0[%get3A_393, %get3A_394, %get3A_395] : memref<64x32x128xf32, #tpu.memory_space<vmem>>, vector<1x32x128xf32>
    %get3A_397 = vector.shape_cast %get3A_396 : vector<1x32x128xf32> to vector<32x128xf32>
    %transpose3A_398 = tpu.transpose %get3A_397, [1, 0] : vector<32x128xf32> -> vector<128x32xf32>
    %swap3A_399 = arith.constant 5632 : index
    %swap3A_400 = arith.constant 0 : index
    %swap3A_401 = vector.load %arg2[%swap3A_399, %swap3A_400] : memref<8192x128xf32, #tpu.memory_space<vmem>>, vector<128x32xf32>
    tpu.vector_store %arg2[%swap3A_399, %swap3A_400], %transpose3A_398 {strides = array<i32>} : memref<8192x128xf32, #tpu.memory_space<vmem>>, vector<128x32xf32>,
    %get3A_402 = arith.constant 45 : index
    %get3A_403 = arith.constant 0 : index
    %get3A_404 = arith.constant 0 : index
    %get3A_405 = vector.load %arg0[%get3A_402, %get3A_403, %get3A_404] : memref<64x32x128xf32, #tpu.memory_space<vmem>>, vector<1x32x128xf32>
    %get3A_406 = vector.shape_cast %get3A_405 : vector<1x32x128xf32> to vector<32x128xf32>
    %transpose3A_407 = tpu.transpose %get3A_406, [1, 0] : vector<32x128xf32> -> vector<128x32xf32>
    %swap3A_408 = arith.constant 5760 : index
    %swap3A_409 = arith.constant 0 : index
    %swap3A_410 = vector.load %arg2[%swap3A_408, %swap3A_409] : memref<8192x128xf32, #tpu.memory_space<vmem>>, vector<128x32xf32>
    tpu.vector_store %arg2[%swap3A_408, %swap3A_409], %transpose3A_407 {strides = array<i32>} : memref<8192x128xf32, #tpu.memory_space<vmem>>, vector<128x32xf32>,
    %get3A_411 = arith.constant 46 : index
    %get3A_412 = arith.constant 0 : index
    %get3A_413 = arith.constant 0 : index
    %get3A_414 = vector.load %arg0[%get3A_411, %get3A_412, %get3A_413] : memref<64x32x128xf32, #tpu.memory_space<vmem>>, vector<1x32x128xf32>
    %get3A_415 = vector.shape_cast %get3A_414 : vector<1x32x128xf32> to vector<32x128xf32>
    %transpose3A_416 = tpu.transpose %get3A_415, [1, 0] : vector<32x128xf32> -> vector<128x32xf32>
    %swap3A_417 = arith.constant 5888 : index
    %swap3A_418 = arith.constant 0 : index
    %swap3A_419 = vector.load %arg2[%swap3A_417, %swap3A_418] : memref<8192x128xf32, #tpu.memory_space<vmem>>, vector<128x32xf32>
    tpu.vector_store %arg2[%swap3A_417, %swap3A_418], %transpose3A_416 {strides = array<i32>} : memref<8192x128xf32, #tpu.memory_space<vmem>>, vector<128x32xf32>,
    %get3A_420 = arith.constant 47 : index
    %get3A_421 = arith.constant 0 : index
    %get3A_422 = arith.constant 0 : index
    %get3A_423 = vector.load %arg0[%get3A_420, %get3A_421, %get3A_422] : memref<64x32x128xf32, #tpu.memory_space<vmem>>, vector<1x32x128xf32>
    %get3A_424 = vector.shape_cast %get3A_423 : vector<1x32x128xf32> to vector<32x128xf32>
    %transpose3A_425 = tpu.transpose %get3A_424, [1, 0] : vector<32x128xf32> -> vector<128x32xf32>
    %swap3A_426 = arith.constant 6016 : index
    %swap3A_427 = arith.constant 0 : index
    %swap3A_428 = vector.load %arg2[%swap3A_426, %swap3A_427] : memref<8192x128xf32, #tpu.memory_space<vmem>>, vector<128x32xf32>
    tpu.vector_store %arg2[%swap3A_426, %swap3A_427], %transpose3A_425 {strides = array<i32>} : memref<8192x128xf32, #tpu.memory_space<vmem>>, vector<128x32xf32>,
    %get3A_429 = arith.constant 48 : index
    %get3A_430 = arith.constant 0 : index
    %get3A_431 = arith.constant 0 : index
    %get3A_432 = vector.load %arg0[%get3A_429, %get3A_430, %get3A_431] : memref<64x32x128xf32, #tpu.memory_space<vmem>>, vector<1x32x128xf32>
    %get3A_433 = vector.shape_cast %get3A_432 : vector<1x32x128xf32> to vector<32x128xf32>
    %transpose3A_434 = tpu.transpose %get3A_433, [1, 0] : vector<32x128xf32> -> vector<128x32xf32>
    %swap3A_435 = arith.constant 6144 : index
    %swap3A_436 = arith.constant 0 : index
    %swap3A_437 = vector.load %arg2[%swap3A_435, %swap3A_436] : memref<8192x128xf32, #tpu.memory_space<vmem>>, vector<128x32xf32>
    tpu.vector_store %arg2[%swap3A_435, %swap3A_436], %transpose3A_434 {strides = array<i32>} : memref<8192x128xf32, #tpu.memory_space<vmem>>, vector<128x32xf32>,
    %get3A_438 = arith.constant 49 : index
    %get3A_439 = arith.constant 0 : index
    %get3A_440 = arith.constant 0 : index
    %get3A_441 = vector.load %arg0[%get3A_438, %get3A_439, %get3A_440] : memref<64x32x128xf32, #tpu.memory_space<vmem>>, vector<1x32x128xf32>
    %get3A_442 = vector.shape_cast %get3A_441 : vector<1x32x128xf32> to vector<32x128xf32>
    %transpose3A_443 = tpu.transpose %get3A_442, [1, 0] : vector<32x128xf32> -> vector<128x32xf32>
    %swap3A_444 = arith.constant 6272 : index
    %swap3A_445 = arith.constant 0 : index
    %swap3A_446 = vector.load %arg2[%swap3A_444, %swap3A_445] : memref<8192x128xf32, #tpu.memory_space<vmem>>, vector<128x32xf32>
    tpu.vector_store %arg2[%swap3A_444, %swap3A_445], %transpose3A_443 {strides = array<i32>} : memref<8192x128xf32, #tpu.memory_space<vmem>>, vector<128x32xf32>,
    %get3A_447 = arith.constant 50 : index
    %get3A_448 = arith.constant 0 : index
    %get3A_449 = arith.constant 0 : index
    %get3A_450 = vector.load %arg0[%get3A_447, %get3A_448, %get3A_449] : memref<64x32x128xf32, #tpu.memory_space<vmem>>, vector<1x32x128xf32>
    %get3A_451 = vector.shape_cast %get3A_450 : vector<1x32x128xf32> to vector<32x128xf32>
    %transpose3A_452 = tpu.transpose %get3A_451, [1, 0] : vector<32x128xf32> -> vector<128x32xf32>
    %swap3A_453 = arith.constant 6400 : index
    %swap3A_454 = arith.constant 0 : index
    %swap3A_455 = vector.load %arg2[%swap3A_453, %swap3A_454] : memref<8192x128xf32, #tpu.memory_space<vmem>>, vector<128x32xf32>
    tpu.vector_store %arg2[%swap3A_453, %swap3A_454], %transpose3A_452 {strides = array<i32>} : memref<8192x128xf32, #tpu.memory_space<vmem>>, vector<128x32xf32>,
    %get3A_456 = arith.constant 51 : index
    %get3A_457 = arith.constant 0 : index
    %get3A_458 = arith.constant 0 : index
    %get3A_459 = vector.load %arg0[%get3A_456, %get3A_457, %get3A_458] : memref<64x32x128xf32, #tpu.memory_space<vmem>>, vector<1x32x128xf32>
    %get3A_460 = vector.shape_cast %get3A_459 : vector<1x32x128xf32> to vector<32x128xf32>
    %transpose3A_461 = tpu.transpose %get3A_460, [1, 0] : vector<32x128xf32> -> vector<128x32xf32>
    %swap3A_462 = arith.constant 6528 : index
    %swap3A_463 = arith.constant 0 : index
    %swap3A_464 = vector.load %arg2[%swap3A_462, %swap3A_463] : memref<8192x128xf32, #tpu.memory_space<vmem>>, vector<128x32xf32>
    tpu.vector_store %arg2[%swap3A_462, %swap3A_463], %transpose3A_461 {strides = array<i32>} : memref<8192x128xf32, #tpu.memory_space<vmem>>, vector<128x32xf32>,
    %get3A_465 = arith.constant 52 : index
    %get3A_466 = arith.constant 0 : index
    %get3A_467 = arith.constant 0 : index
    %get3A_468 = vector.load %arg0[%get3A_465, %get3A_466, %get3A_467] : memref<64x32x128xf32, #tpu.memory_space<vmem>>, vector<1x32x128xf32>
    %get3A_469 = vector.shape_cast %get3A_468 : vector<1x32x128xf32> to vector<32x128xf32>
    %transpose3A_470 = tpu.transpose %get3A_469, [1, 0] : vector<32x128xf32> -> vector<128x32xf32>
    %swap3A_471 = arith.constant 6656 : index
    %swap3A_472 = arith.constant 0 : index
    %swap3A_473 = vector.load %arg2[%swap3A_471, %swap3A_472] : memref<8192x128xf32, #tpu.memory_space<vmem>>, vector<128x32xf32>
    tpu.vector_store %arg2[%swap3A_471, %swap3A_472], %transpose3A_470 {strides = array<i32>} : memref<8192x128xf32, #tpu.memory_space<vmem>>, vector<128x32xf32>,
    %get3A_474 = arith.constant 53 : index
    %get3A_475 = arith.constant 0 : index
    %get3A_476 = arith.constant 0 : index
    %get3A_477 = vector.load %arg0[%get3A_474, %get3A_475, %get3A_476] : memref<64x32x128xf32, #tpu.memory_space<vmem>>, vector<1x32x128xf32>
    %get3A_478 = vector.shape_cast %get3A_477 : vector<1x32x128xf32> to vector<32x128xf32>
    %transpose3A_479 = tpu.transpose %get3A_478, [1, 0] : vector<32x128xf32> -> vector<128x32xf32>
    %swap3A_480 = arith.constant 6784 : index
    %swap3A_481 = arith.constant 0 : index
    %swap3A_482 = vector.load %arg2[%swap3A_480, %swap3A_481] : memref<8192x128xf32, #tpu.memory_space<vmem>>, vector<128x32xf32>
    tpu.vector_store %arg2[%swap3A_480, %swap3A_481], %transpose3A_479 {strides = array<i32>} : memref<8192x128xf32, #tpu.memory_space<vmem>>, vector<128x32xf32>,
    %get3A_483 = arith.constant 54 : index
    %get3A_484 = arith.constant 0 : index
    %get3A_485 = arith.constant 0 : index
    %get3A_486 = vector.load %arg0[%get3A_483, %get3A_484, %get3A_485] : memref<64x32x128xf32, #tpu.memory_space<vmem>>, vector<1x32x128xf32>
    %get3A_487 = vector.shape_cast %get3A_486 : vector<1x32x128xf32> to vector<32x128xf32>
    %transpose3A_488 = tpu.transpose %get3A_487, [1, 0] : vector<32x128xf32> -> vector<128x32xf32>
    %swap3A_489 = arith.constant 6912 : index
    %swap3A_490 = arith.constant 0 : index
    %swap3A_491 = vector.load %arg2[%swap3A_489, %swap3A_490] : memref<8192x128xf32, #tpu.memory_space<vmem>>, vector<128x32xf32>
    tpu.vector_store %arg2[%swap3A_489, %swap3A_490], %transpose3A_488 {strides = array<i32>} : memref<8192x128xf32, #tpu.memory_space<vmem>>, vector<128x32xf32>,
    %get3A_492 = arith.constant 55 : index
    %get3A_493 = arith.constant 0 : index
    %get3A_494 = arith.constant 0 : index
    %get3A_495 = vector.load %arg0[%get3A_492, %get3A_493, %get3A_494] : memref<64x32x128xf32, #tpu.memory_space<vmem>>, vector<1x32x128xf32>
    %get3A_496 = vector.shape_cast %get3A_495 : vector<1x32x128xf32> to vector<32x128xf32>
    %transpose3A_497 = tpu.transpose %get3A_496, [1, 0] : vector<32x128xf32> -> vector<128x32xf32>
    %swap3A_498 = arith.constant 7040 : index
    %swap3A_499 = arith.constant 0 : index
    %swap3A_500 = vector.load %arg2[%swap3A_498, %swap3A_499] : memref<8192x128xf32, #tpu.memory_space<vmem>>, vector<128x32xf32>
    tpu.vector_store %arg2[%swap3A_498, %swap3A_499], %transpose3A_497 {strides = array<i32>} : memref<8192x128xf32, #tpu.memory_space<vmem>>, vector<128x32xf32>,
    %get3A_501 = arith.constant 56 : index
    %get3A_502 = arith.constant 0 : index
    %get3A_503 = arith.constant 0 : index
    %get3A_504 = vector.load %arg0[%get3A_501, %get3A_502, %get3A_503] : memref<64x32x128xf32, #tpu.memory_space<vmem>>, vector<1x32x128xf32>
    %get3A_505 = vector.shape_cast %get3A_504 : vector<1x32x128xf32> to vector<32x128xf32>
    %transpose3A_506 = tpu.transpose %get3A_505, [1, 0] : vector<32x128xf32> -> vector<128x32xf32>
    %swap3A_507 = arith.constant 7168 : index
    %swap3A_508 = arith.constant 0 : index
    %swap3A_509 = vector.load %arg2[%swap3A_507, %swap3A_508] : memref<8192x128xf32, #tpu.memory_space<vmem>>, vector<128x32xf32>
    tpu.vector_store %arg2[%swap3A_507, %swap3A_508], %transpose3A_506 {strides = array<i32>} : memref<8192x128xf32, #tpu.memory_space<vmem>>, vector<128x32xf32>,
    %get3A_510 = arith.constant 57 : index
    %get3A_511 = arith.constant 0 : index
    %get3A_512 = arith.constant 0 : index
    %get3A_513 = vector.load %arg0[%get3A_510, %get3A_511, %get3A_512] : memref<64x32x128xf32, #tpu.memory_space<vmem>>, vector<1x32x128xf32>
    %get3A_514 = vector.shape_cast %get3A_513 : vector<1x32x128xf32> to vector<32x128xf32>
    %transpose3A_515 = tpu.transpose %get3A_514, [1, 0] : vector<32x128xf32> -> vector<128x32xf32>
    %swap3A_516 = arith.constant 7296 : index
    %swap3A_517 = arith.constant 0 : index
    %swap3A_518 = vector.load %arg2[%swap3A_516, %swap3A_517] : memref<8192x128xf32, #tpu.memory_space<vmem>>, vector<128x32xf32>
    tpu.vector_store %arg2[%swap3A_516, %swap3A_517], %transpose3A_515 {strides = array<i32>} : memref<8192x128xf32, #tpu.memory_space<vmem>>, vector<128x32xf32>,
    %get3A_519 = arith.constant 58 : index
    %get3A_520 = arith.constant 0 : index
    %get3A_521 = arith.constant 0 : index
    %get3A_522 = vector.load %arg0[%get3A_519, %get3A_520, %get3A_521] : memref<64x32x128xf32, #tpu.memory_space<vmem>>, vector<1x32x128xf32>
    %get3A_523 = vector.shape_cast %get3A_522 : vector<1x32x128xf32> to vector<32x128xf32>
    %transpose3A_524 = tpu.transpose %get3A_523, [1, 0] : vector<32x128xf32> -> vector<128x32xf32>
    %swap3A_525 = arith.constant 7424 : index
    %swap3A_526 = arith.constant 0 : index
    %swap3A_527 = vector.load %arg2[%swap3A_525, %swap3A_526] : memref<8192x128xf32, #tpu.memory_space<vmem>>, vector<128x32xf32>
    tpu.vector_store %arg2[%swap3A_525, %swap3A_526], %transpose3A_524 {strides = array<i32>} : memref<8192x128xf32, #tpu.memory_space<vmem>>, vector<128x32xf32>,
    %get3A_528 = arith.constant 59 : index
    %get3A_529 = arith.constant 0 : index
    %get3A_530 = arith.constant 0 : index
    %get3A_531 = vector.load %arg0[%get3A_528, %get3A_529, %get3A_530] : memref<64x32x128xf32, #tpu.memory_space<vmem>>, vector<1x32x128xf32>
    %get3A_532 = vector.shape_cast %get3A_531 : vector<1x32x128xf32> to vector<32x128xf32>
    %transpose3A_533 = tpu.transpose %get3A_532, [1, 0] : vector<32x128xf32> -> vector<128x32xf32>
    %swap3A_534 = arith.constant 7552 : index
    %swap3A_535 = arith.constant 0 : index
    %swap3A_536 = vector.load %arg2[%swap3A_534, %swap3A_535] : memref<8192x128xf32, #tpu.memory_space<vmem>>, vector<128x32xf32>
    tpu.vector_store %arg2[%swap3A_534, %swap3A_535], %transpose3A_533 {strides = array<i32>} : memref<8192x128xf32, #tpu.memory_space<vmem>>, vector<128x32xf32>,
    %get3A_537 = arith.constant 60 : index
    %get3A_538 = arith.constant 0 : index
    %get3A_539 = arith.constant 0 : index
    %get3A_540 = vector.load %arg0[%get3A_537, %get3A_538, %get3A_539] : memref<64x32x128xf32, #tpu.memory_space<vmem>>, vector<1x32x128xf32>
    %get3A_541 = vector.shape_cast %get3A_540 : vector<1x32x128xf32> to vector<32x128xf32>
    %transpose3A_542 = tpu.transpose %get3A_541, [1, 0] : vector<32x128xf32> -> vector<128x32xf32>
    %swap3A_543 = arith.constant 7680 : index
    %swap3A_544 = arith.constant 0 : index
    %swap3A_545 = vector.load %arg2[%swap3A_543, %swap3A_544] : memref<8192x128xf32, #tpu.memory_space<vmem>>, vector<128x32xf32>
    tpu.vector_store %arg2[%swap3A_543, %swap3A_544], %transpose3A_542 {strides = array<i32>} : memref<8192x128xf32, #tpu.memory_space<vmem>>, vector<128x32xf32>,
    %get3A_546 = arith.constant 61 : index
    %get3A_547 = arith.constant 0 : index
    %get3A_548 = arith.constant 0 : index
    %get3A_549 = vector.load %arg0[%get3A_546, %get3A_547, %get3A_548] : memref<64x32x128xf32, #tpu.memory_space<vmem>>, vector<1x32x128xf32>
    %get3A_550 = vector.shape_cast %get3A_549 : vector<1x32x128xf32> to vector<32x128xf32>
    %transpose3A_551 = tpu.transpose %get3A_550, [1, 0] : vector<32x128xf32> -> vector<128x32xf32>
    %swap3A_552 = arith.constant 7808 : index
    %swap3A_553 = arith.constant 0 : index
    %swap3A_554 = vector.load %arg2[%swap3A_552, %swap3A_553] : memref<8192x128xf32, #tpu.memory_space<vmem>>, vector<128x32xf32>
    tpu.vector_store %arg2[%swap3A_552, %swap3A_553], %transpose3A_551 {strides = array<i32>} : memref<8192x128xf32, #tpu.memory_space<vmem>>, vector<128x32xf32>,
    %get3A_555 = arith.constant 62 : index
    %get3A_556 = arith.constant 0 : index
    %get3A_557 = arith.constant 0 : index
    %get3A_558 = vector.load %arg0[%get3A_555, %get3A_556, %get3A_557] : memref<64x32x128xf32, #tpu.memory_space<vmem>>, vector<1x32x128xf32>
    %get3A_559 = vector.shape_cast %get3A_558 : vector<1x32x128xf32> to vector<32x128xf32>
    %transpose3A_560 = tpu.transpose %get3A_559, [1, 0] : vector<32x128xf32> -> vector<128x32xf32>
    %swap3A_561 = arith.constant 7936 : index
    %swap3A_562 = arith.constant 0 : index
    %swap3A_563 = vector.load %arg2[%swap3A_561, %swap3A_562] : memref<8192x128xf32, #tpu.memory_space<vmem>>, vector<128x32xf32>
    tpu.vector_store %arg2[%swap3A_561, %swap3A_562], %transpose3A_560 {strides = array<i32>} : memref<8192x128xf32, #tpu.memory_space<vmem>>, vector<128x32xf32>,
    %get3A_564 = arith.constant 63 : index
    %get3A_565 = arith.constant 0 : index
    %get3A_566 = arith.constant 0 : index
    %get3A_567 = vector.load %arg0[%get3A_564, %get3A_565, %get3A_566] : memref<64x32x128xf32, #tpu.memory_space<vmem>>, vector<1x32x128xf32>
    %get3A_568 = vector.shape_cast %get3A_567 : vector<1x32x128xf32> to vector<32x128xf32>
    %transpose3A_569 = tpu.transpose %get3A_568, [1, 0] : vector<32x128xf32> -> vector<128x32xf32>
    %swap3A_570 = arith.constant 8064 : index
    %swap3A_571 = arith.constant 0 : index
    %swap3A_572 = vector.load %arg2[%swap3A_570, %swap3A_571] : memref<8192x128xf32, #tpu.memory_space<vmem>>, vector<128x32xf32>
    tpu.vector_store %arg2[%swap3A_570, %swap3A_571], %transpose3A_569 {strides = array<i32>} : memref<8192x128xf32, #tpu.memory_space<vmem>>, vector<128x32xf32>,
    %iota3A = tpu.iota {dimensions = array<i32: 0>} : vector<64x256xi32>
    %mul3A = arith.constant 128 : i32
    %mul3A_573 = vector.broadcast %mul3A : i32 to vector<64x256xi32>
    %mul3A_574 = arith.muli %iota3A, %mul3A_573 : vector<64x256xi32>
    %get3A_575 = arith.constant 0 : index
    %get3A_576 = arith.constant 0 : index
    %get3A_577 = vector.load %arg1[%get3A_575, %get3A_576] : memref<256x64xi32, #tpu.memory_space<vmem>>, vector<256x64xi32>
    %transpose3A_578 = tpu.transpose %get3A_577, [1, 0] : vector<256x64xi32> -> vector<64x256xi32>
    %add3A = arith.addi %transpose3A_578, %mul3A_574 : vector<64x256xi32>
    %mul3A_579 = arith.constant 4 : i32
    %mul3A_580 = vector.broadcast %mul3A_579 : i32 to vector<64x256xi32>
    %mul3A_581 = arith.muli %add3A, %mul3A_580 : vector<64x256xi32>
    %slice3A = vector.extract_strided_slice %mul3A_581 {offsets = [0, 0], sizes = [64, 128], strides = [1, 1]} : vector<64x256xi32> to vector<64x128xi32>
    %broadcast_in_dim3A = vector.shape_cast %slice3A : vector<64x128xi32> to vector<64x1x128xi32>
    %slice3A_582 = vector.extract_strided_slice %mul3A_581 {offsets = [0, 128], sizes = [64, 128], strides = [1, 1]} : vector<64x256xi32> to vector<64x128xi32>
    %broadcast_in_dim3A_583 = vector.shape_cast %slice3A_582 : vector<64x128xi32> to vector<64x1x128xi32>
    %concatenate3A = tpu.concatenate %broadcast_in_dim3A, %broadcast_in_dim3A_583 in 1 : vector<64x1x128xi32>, vector<64x1x128xi32> -> vector<64x2x128xi32>
    %reshape3A = vector.shape_cast %concatenate3A : vector<64x2x128xi32> to vector<128x128xi32>
    %swap3A_584 = arith.constant 0 : index
    %swap3A_585 = arith.constant 0 : index
    %swap3A_586 = vector.load %arg3[%swap3A_584, %swap3A_585] : memref<128x128xi32, #tpu.memory_space<vmem>>, vector<128x128xi32>
    tpu.vector_store %arg3[%swap3A_584, %swap3A_585], %reshape3A {strides = array<i32>} : memref<128x128xi32, #tpu.memory_space<vmem>>, vector<128x128xi32>,
    return
  }
}

module attributes {stable_mosaic.version = 14 : i64} {
  func.func @_tc_body(%arg0: memref<16384x128xf32, #tpu.memory_space<vmem>>, %arg1: memref<32x32x1024xf32, #tpu.memory_space<vmem>>, %arg2: memref<16x32x1024xf32, #tpu.memory_space<vmem>>, %arg3: memref<8x32x1024xf32, #tpu.memory_space<vmem>>, %arg4: memref<4x32x1024xf32, #tpu.memory_space<vmem>>, %arg5: memref<2x32x1024xf32, #tpu.memory_space<vmem>>, %arg6: memref<1x32x1024xf32, #tpu.memory_space<vmem>>, %arg7: memref<32x1xf32, #tpu.memory_space<vmem>>, %arg8: memref<1x256xf32, #tpu.memory_space<vmem>>, %arg9: memref<32x32x256xbf16, #tpu.memory_space<vmem>>, %arg10: memref<16x32x256xbf16, #tpu.memory_space<vmem>>, %arg11: memref<8x32x256xbf16, #tpu.memory_space<vmem>>, %arg12: memref<4x32x256xbf16, #tpu.memory_space<vmem>>, %arg13: memref<2x32x256xbf16, #tpu.memory_space<vmem>>) attributes {dimension_semantics = [], scalar_prefetch = 0 : i64, scratch_operands = 5 : i64, tpu.core_type = #tpu.core_type<tc>} {
    %get3A = arith.constant 0 : index
    %get3A_0 = arith.constant 0 : index
    %get3A_1 = vector.load %arg0[%get3A, %get3A_0] : memref<16384x128xf32, #tpu.memory_space<vmem>>, vector<256x32xf32>
    %transpose3A = tpu.transpose %get3A_1, [1, 0] : vector<256x32xf32> -> vector<32x256xf32>
    %get3A_2 = arith.constant 256 : index
    %get3A_3 = arith.constant 0 : index
    %get3A_4 = vector.load %arg0[%get3A_2, %get3A_3] : memref<16384x128xf32, #tpu.memory_space<vmem>>, vector<256x32xf32>
    %transpose3A_5 = tpu.transpose %get3A_4, [1, 0] : vector<256x32xf32> -> vector<32x256xf32>
    %reduce_max3A = arith.constant dense<0xFF800000> : vector<256xf32>
    %reduce_max3A_6 = vector.multi_reduction <maximumf>, %transpose3A, %reduce_max3A [0] : vector<32x256xf32> to vector<256xf32>
    %broadcast_in_dim3A = vector.shape_cast %reduce_max3A_6 : vector<256xf32> to vector<1x256xf32>
    %reduce_max3A_7 = arith.constant dense<0xFF800000> : vector<256xf32>
    %reduce_max3A_8 = vector.multi_reduction <maximumf>, %transpose3A_5, %reduce_max3A_7 [0] : vector<32x256xf32> to vector<256xf32>
    %broadcast_in_dim3A_9 = vector.shape_cast %reduce_max3A_8 : vector<256xf32> to vector<1x256xf32>
    %sub3A = vector.broadcast %broadcast_in_dim3A : vector<1x256xf32> to vector<32x256xf32>
    %sub3A_10 = arith.subf %transpose3A, %sub3A : vector<32x256xf32>
    %exp3A = math.exp %sub3A_10 : vector<32x256xf32>
    %convert_element_type3A = arith.truncf %exp3A : vector<32x256xf32> to vector<32x256xbf16>
    %sub3A_11 = vector.broadcast %broadcast_in_dim3A_9 : vector<1x256xf32> to vector<32x256xf32>
    %sub3A_12 = arith.subf %transpose3A_5, %sub3A_11 : vector<32x256xf32>
    %exp3A_13 = math.exp %sub3A_12 : vector<32x256xf32>
    %convert_element_type3A_14 = arith.truncf %exp3A_13 : vector<32x256xf32> to vector<32x256xbf16>
    %broadcast_in_dim3A_15 = vector.shape_cast %convert_element_type3A : vector<32x256xbf16> to vector<32x1x256xbf16>
    %broadcast_in_dim3A_16 = vector.shape_cast %convert_element_type3A_14 : vector<32x256xbf16> to vector<1x32x256xbf16>
    %mul3A = vector.broadcast %broadcast_in_dim3A_15 : vector<32x1x256xbf16> to vector<32x32x256xbf16>
    %mul3A_17 = vector.broadcast %broadcast_in_dim3A_16 : vector<1x32x256xbf16> to vector<32x32x256xbf16>
    %mul3A_18 = arith.mulf %mul3A, %mul3A_17 : vector<32x32x256xbf16>
    %reshape3A = vector.shape_cast %mul3A_18 : vector<32x32x256xbf16> to vector<1024x256xbf16>
    %get3A_19 = arith.constant 0 : index
    %get3A_20 = arith.constant 0 : index
    %get3A_21 = arith.constant 0 : index
    %get3A_22 = vector.load %arg1[%get3A_19, %get3A_20, %get3A_21] : memref<32x32x1024xf32, #tpu.memory_space<vmem>>, vector<1x32x1024xf32>
    %get3A_23 = vector.shape_cast %get3A_22 : vector<1x32x1024xf32> to vector<32x1024xf32>
    %exp3A_24 = math.exp %get3A_23 : vector<32x1024xf32>
    %convert_element_type3A_25 = arith.truncf %exp3A_24 : vector<32x1024xf32> to vector<32x1024xbf16>
    %dot_general3A = arith.constant dense<0.000000e+00> : vector<32x256xf32>
    %dot_general3A_26 = tpu.matmul %convert_element_type3A_25, %reshape3A, %dot_general3A {dimension_numbers = #tpu.dot_dimension_numbers<[1], [0], [0], [1], [0, 0, 1, 1], [], []>, transpose_lhs_hint = false} : vector<32x1024xbf16>, vector<1024x256xbf16>, vector<32x256xf32> -> vector<32x256xf32>
    %reduce_max3A_27 = arith.constant dense<0xFF800000> : vector<256xf32>
    %reduce_max3A_28 = vector.multi_reduction <maximumf>, %dot_general3A_26, %reduce_max3A_27 [0] : vector<32x256xf32> to vector<256xf32>
    %broadcast_in_dim3A_29 = vector.shape_cast %reduce_max3A_28 : vector<256xf32> to vector<1x256xf32>
    %add3A = arith.addf %broadcast_in_dim3A, %broadcast_in_dim3A_9 : vector<1x256xf32>
    %log3A = math.log %broadcast_in_dim3A_29 : vector<1x256xf32>
    %add3A_30 = arith.addf %add3A, %log3A : vector<1x256xf32>
    %div3A = arith.constant 1.000000e+00 : f32
    %div3A_31 = vector.broadcast %div3A : f32 to vector<1x256xf32>
    %div3A_32 = arith.divf %div3A_31, %broadcast_in_dim3A_29 : vector<1x256xf32>
    %mul3A_33 = vector.broadcast %div3A_32 : vector<1x256xf32> to vector<32x256xf32>
    %mul3A_34 = arith.mulf %dot_general3A_26, %mul3A_33 : vector<32x256xf32>
    %convert_element_type3A_35 = arith.truncf %mul3A_34 : vector<32x256xf32> to vector<32x256xbf16>
    %swap3A = arith.constant 0 : index
    %swap3A_36 = arith.constant 0 : index
    %swap3A_37 = arith.constant 0 : index
    %swap3A_38 = vector.load %arg9[%swap3A, %swap3A_36, %swap3A_37] : memref<32x32x256xbf16, #tpu.memory_space<vmem>>, vector<1x32x256xbf16>
    %swap3A_39 = vector.shape_cast %swap3A_38 : vector<1x32x256xbf16> to vector<32x256xbf16>
    %swap3A_40 = vector.shape_cast %convert_element_type3A_35 : vector<32x256xbf16> to vector<1x32x256xbf16>
    tpu.vector_store %arg9[%swap3A, %swap3A_36, %swap3A_37], %swap3A_40 {strides = array<i32>} : memref<32x32x256xbf16, #tpu.memory_space<vmem>>, vector<1x32x256xbf16>,
    %get3A_41 = arith.constant 512 : index
    %get3A_42 = arith.constant 0 : index
    %get3A_43 = vector.load %arg0[%get3A_41, %get3A_42] : memref<16384x128xf32, #tpu.memory_space<vmem>>, vector<256x32xf32>
    %transpose3A_44 = tpu.transpose %get3A_43, [1, 0] : vector<256x32xf32> -> vector<32x256xf32>
    %get3A_45 = arith.constant 768 : index
    %get3A_46 = arith.constant 0 : index
    %get3A_47 = vector.load %arg0[%get3A_45, %get3A_46] : memref<16384x128xf32, #tpu.memory_space<vmem>>, vector<256x32xf32>
    %transpose3A_48 = tpu.transpose %get3A_47, [1, 0] : vector<256x32xf32> -> vector<32x256xf32>
    %reduce_max3A_49 = arith.constant dense<0xFF800000> : vector<256xf32>
    %reduce_max3A_50 = vector.multi_reduction <maximumf>, %transpose3A_44, %reduce_max3A_49 [0] : vector<32x256xf32> to vector<256xf32>
    %broadcast_in_dim3A_51 = vector.shape_cast %reduce_max3A_50 : vector<256xf32> to vector<1x256xf32>
    %reduce_max3A_52 = arith.constant dense<0xFF800000> : vector<256xf32>
    %reduce_max3A_53 = vector.multi_reduction <maximumf>, %transpose3A_48, %reduce_max3A_52 [0] : vector<32x256xf32> to vector<256xf32>
    %broadcast_in_dim3A_54 = vector.shape_cast %reduce_max3A_53 : vector<256xf32> to vector<1x256xf32>
    %sub3A_55 = vector.broadcast %broadcast_in_dim3A_51 : vector<1x256xf32> to vector<32x256xf32>
    %sub3A_56 = arith.subf %transpose3A_44, %sub3A_55 : vector<32x256xf32>
    %exp3A_57 = math.exp %sub3A_56 : vector<32x256xf32>
    %convert_element_type3A_58 = arith.truncf %exp3A_57 : vector<32x256xf32> to vector<32x256xbf16>
    %sub3A_59 = vector.broadcast %broadcast_in_dim3A_54 : vector<1x256xf32> to vector<32x256xf32>
    %sub3A_60 = arith.subf %transpose3A_48, %sub3A_59 : vector<32x256xf32>
    %exp3A_61 = math.exp %sub3A_60 : vector<32x256xf32>
    %convert_element_type3A_62 = arith.truncf %exp3A_61 : vector<32x256xf32> to vector<32x256xbf16>
    %broadcast_in_dim3A_63 = vector.shape_cast %convert_element_type3A_58 : vector<32x256xbf16> to vector<32x1x256xbf16>
    %broadcast_in_dim3A_64 = vector.shape_cast %convert_element_type3A_62 : vector<32x256xbf16> to vector<1x32x256xbf16>
    %mul3A_65 = vector.broadcast %broadcast_in_dim3A_63 : vector<32x1x256xbf16> to vector<32x32x256xbf16>
    %mul3A_66 = vector.broadcast %broadcast_in_dim3A_64 : vector<1x32x256xbf16> to vector<32x32x256xbf16>
    %mul3A_67 = arith.mulf %mul3A_65, %mul3A_66 : vector<32x32x256xbf16>
    %reshape3A_68 = vector.shape_cast %mul3A_67 : vector<32x32x256xbf16> to vector<1024x256xbf16>
    %get3A_69 = arith.constant 1 : index
    %get3A_70 = arith.constant 0 : index
    %get3A_71 = arith.constant 0 : index
    %get3A_72 = vector.load %arg1[%get3A_69, %get3A_70, %get3A_71] : memref<32x32x1024xf32, #tpu.memory_space<vmem>>, vector<1x32x1024xf32>
    %get3A_73 = vector.shape_cast %get3A_72 : vector<1x32x1024xf32> to vector<32x1024xf32>
    %exp3A_74 = math.exp %get3A_73 : vector<32x1024xf32>
    %convert_element_type3A_75 = arith.truncf %exp3A_74 : vector<32x1024xf32> to vector<32x1024xbf16>
    %dot_general3A_76 = arith.constant dense<0.000000e+00> : vector<32x256xf32>
    %dot_general3A_77 = tpu.matmul %convert_element_type3A_75, %reshape3A_68, %dot_general3A_76 {dimension_numbers = #tpu.dot_dimension_numbers<[1], [0], [0], [1], [0, 0, 1, 1], [], []>, transpose_lhs_hint = false} : vector<32x1024xbf16>, vector<1024x256xbf16>, vector<32x256xf32> -> vector<32x256xf32>
    %reduce_max3A_78 = arith.constant dense<0xFF800000> : vector<256xf32>
    %reduce_max3A_79 = vector.multi_reduction <maximumf>, %dot_general3A_77, %reduce_max3A_78 [0] : vector<32x256xf32> to vector<256xf32>
    %broadcast_in_dim3A_80 = vector.shape_cast %reduce_max3A_79 : vector<256xf32> to vector<1x256xf32>
    %add3A_81 = arith.addf %broadcast_in_dim3A_51, %broadcast_in_dim3A_54 : vector<1x256xf32>
    %log3A_82 = math.log %broadcast_in_dim3A_80 : vector<1x256xf32>
    %add3A_83 = arith.addf %add3A_81, %log3A_82 : vector<1x256xf32>
    %div3A_84 = arith.constant 1.000000e+00 : f32
    %div3A_85 = vector.broadcast %div3A_84 : f32 to vector<1x256xf32>
    %div3A_86 = arith.divf %div3A_85, %broadcast_in_dim3A_80 : vector<1x256xf32>
    %mul3A_87 = vector.broadcast %div3A_86 : vector<1x256xf32> to vector<32x256xf32>
    %mul3A_88 = arith.mulf %dot_general3A_77, %mul3A_87 : vector<32x256xf32>
    %convert_element_type3A_89 = arith.truncf %mul3A_88 : vector<32x256xf32> to vector<32x256xbf16>
    %swap3A_90 = arith.constant 1 : index
    %swap3A_91 = arith.constant 0 : index
    %swap3A_92 = arith.constant 0 : index
    %swap3A_93 = vector.load %arg9[%swap3A_90, %swap3A_91, %swap3A_92] : memref<32x32x256xbf16, #tpu.memory_space<vmem>>, vector<1x32x256xbf16>
    %swap3A_94 = vector.shape_cast %swap3A_93 : vector<1x32x256xbf16> to vector<32x256xbf16>
    %swap3A_95 = vector.shape_cast %convert_element_type3A_89 : vector<32x256xbf16> to vector<1x32x256xbf16>
    tpu.vector_store %arg9[%swap3A_90, %swap3A_91, %swap3A_92], %swap3A_95 {strides = array<i32>} : memref<32x32x256xbf16, #tpu.memory_space<vmem>>, vector<1x32x256xbf16>,
    %get3A_96 = arith.constant 1024 : index
    %get3A_97 = arith.constant 0 : index
    %get3A_98 = vector.load %arg0[%get3A_96, %get3A_97] : memref<16384x128xf32, #tpu.memory_space<vmem>>, vector<256x32xf32>
    %transpose3A_99 = tpu.transpose %get3A_98, [1, 0] : vector<256x32xf32> -> vector<32x256xf32>
    %get3A_100 = arith.constant 1280 : index
    %get3A_101 = arith.constant 0 : index
    %get3A_102 = vector.load %arg0[%get3A_100, %get3A_101] : memref<16384x128xf32, #tpu.memory_space<vmem>>, vector<256x32xf32>
    %transpose3A_103 = tpu.transpose %get3A_102, [1, 0] : vector<256x32xf32> -> vector<32x256xf32>
    %reduce_max3A_104 = arith.constant dense<0xFF800000> : vector<256xf32>
    %reduce_max3A_105 = vector.multi_reduction <maximumf>, %transpose3A_99, %reduce_max3A_104 [0] : vector<32x256xf32> to vector<256xf32>
    %broadcast_in_dim3A_106 = vector.shape_cast %reduce_max3A_105 : vector<256xf32> to vector<1x256xf32>
    %reduce_max3A_107 = arith.constant dense<0xFF800000> : vector<256xf32>
    %reduce_max3A_108 = vector.multi_reduction <maximumf>, %transpose3A_103, %reduce_max3A_107 [0] : vector<32x256xf32> to vector<256xf32>
    %broadcast_in_dim3A_109 = vector.shape_cast %reduce_max3A_108 : vector<256xf32> to vector<1x256xf32>
    %sub3A_110 = vector.broadcast %broadcast_in_dim3A_106 : vector<1x256xf32> to vector<32x256xf32>
    %sub3A_111 = arith.subf %transpose3A_99, %sub3A_110 : vector<32x256xf32>
    %exp3A_112 = math.exp %sub3A_111 : vector<32x256xf32>
    %convert_element_type3A_113 = arith.truncf %exp3A_112 : vector<32x256xf32> to vector<32x256xbf16>
    %sub3A_114 = vector.broadcast %broadcast_in_dim3A_109 : vector<1x256xf32> to vector<32x256xf32>
    %sub3A_115 = arith.subf %transpose3A_103, %sub3A_114 : vector<32x256xf32>
    %exp3A_116 = math.exp %sub3A_115 : vector<32x256xf32>
    %convert_element_type3A_117 = arith.truncf %exp3A_116 : vector<32x256xf32> to vector<32x256xbf16>
    %broadcast_in_dim3A_118 = vector.shape_cast %convert_element_type3A_113 : vector<32x256xbf16> to vector<32x1x256xbf16>
    %broadcast_in_dim3A_119 = vector.shape_cast %convert_element_type3A_117 : vector<32x256xbf16> to vector<1x32x256xbf16>
    %mul3A_120 = vector.broadcast %broadcast_in_dim3A_118 : vector<32x1x256xbf16> to vector<32x32x256xbf16>
    %mul3A_121 = vector.broadcast %broadcast_in_dim3A_119 : vector<1x32x256xbf16> to vector<32x32x256xbf16>
    %mul3A_122 = arith.mulf %mul3A_120, %mul3A_121 : vector<32x32x256xbf16>
    %reshape3A_123 = vector.shape_cast %mul3A_122 : vector<32x32x256xbf16> to vector<1024x256xbf16>
    %get3A_124 = arith.constant 2 : index
    %get3A_125 = arith.constant 0 : index
    %get3A_126 = arith.constant 0 : index
    %get3A_127 = vector.load %arg1[%get3A_124, %get3A_125, %get3A_126] : memref<32x32x1024xf32, #tpu.memory_space<vmem>>, vector<1x32x1024xf32>
    %get3A_128 = vector.shape_cast %get3A_127 : vector<1x32x1024xf32> to vector<32x1024xf32>
    %exp3A_129 = math.exp %get3A_128 : vector<32x1024xf32>
    %convert_element_type3A_130 = arith.truncf %exp3A_129 : vector<32x1024xf32> to vector<32x1024xbf16>
    %dot_general3A_131 = arith.constant dense<0.000000e+00> : vector<32x256xf32>
    %dot_general3A_132 = tpu.matmul %convert_element_type3A_130, %reshape3A_123, %dot_general3A_131 {dimension_numbers = #tpu.dot_dimension_numbers<[1], [0], [0], [1], [0, 0, 1, 1], [], []>, transpose_lhs_hint = false} : vector<32x1024xbf16>, vector<1024x256xbf16>, vector<32x256xf32> -> vector<32x256xf32>
    %reduce_max3A_133 = arith.constant dense<0xFF800000> : vector<256xf32>
    %reduce_max3A_134 = vector.multi_reduction <maximumf>, %dot_general3A_132, %reduce_max3A_133 [0] : vector<32x256xf32> to vector<256xf32>
    %broadcast_in_dim3A_135 = vector.shape_cast %reduce_max3A_134 : vector<256xf32> to vector<1x256xf32>
    %add3A_136 = arith.addf %broadcast_in_dim3A_106, %broadcast_in_dim3A_109 : vector<1x256xf32>
    %log3A_137 = math.log %broadcast_in_dim3A_135 : vector<1x256xf32>
    %add3A_138 = arith.addf %add3A_136, %log3A_137 : vector<1x256xf32>
    %div3A_139 = arith.constant 1.000000e+00 : f32
    %div3A_140 = vector.broadcast %div3A_139 : f32 to vector<1x256xf32>
    %div3A_141 = arith.divf %div3A_140, %broadcast_in_dim3A_135 : vector<1x256xf32>
    %mul3A_142 = vector.broadcast %div3A_141 : vector<1x256xf32> to vector<32x256xf32>
    %mul3A_143 = arith.mulf %dot_general3A_132, %mul3A_142 : vector<32x256xf32>
    %convert_element_type3A_144 = arith.truncf %mul3A_143 : vector<32x256xf32> to vector<32x256xbf16>
    %swap3A_145 = arith.constant 2 : index
    %swap3A_146 = arith.constant 0 : index
    %swap3A_147 = arith.constant 0 : index
    %swap3A_148 = vector.load %arg9[%swap3A_145, %swap3A_146, %swap3A_147] : memref<32x32x256xbf16, #tpu.memory_space<vmem>>, vector<1x32x256xbf16>
    %swap3A_149 = vector.shape_cast %swap3A_148 : vector<1x32x256xbf16> to vector<32x256xbf16>
    %swap3A_150 = vector.shape_cast %convert_element_type3A_144 : vector<32x256xbf16> to vector<1x32x256xbf16>
    tpu.vector_store %arg9[%swap3A_145, %swap3A_146, %swap3A_147], %swap3A_150 {strides = array<i32>} : memref<32x32x256xbf16, #tpu.memory_space<vmem>>, vector<1x32x256xbf16>,
    %get3A_151 = arith.constant 1536 : index
    %get3A_152 = arith.constant 0 : index
    %get3A_153 = vector.load %arg0[%get3A_151, %get3A_152] : memref<16384x128xf32, #tpu.memory_space<vmem>>, vector<256x32xf32>
    %transpose3A_154 = tpu.transpose %get3A_153, [1, 0] : vector<256x32xf32> -> vector<32x256xf32>
    %get3A_155 = arith.constant 1792 : index
    %get3A_156 = arith.constant 0 : index
    %get3A_157 = vector.load %arg0[%get3A_155, %get3A_156] : memref<16384x128xf32, #tpu.memory_space<vmem>>, vector<256x32xf32>
    %transpose3A_158 = tpu.transpose %get3A_157, [1, 0] : vector<256x32xf32> -> vector<32x256xf32>
    %reduce_max3A_159 = arith.constant dense<0xFF800000> : vector<256xf32>
    %reduce_max3A_160 = vector.multi_reduction <maximumf>, %transpose3A_154, %reduce_max3A_159 [0] : vector<32x256xf32> to vector<256xf32>
    %broadcast_in_dim3A_161 = vector.shape_cast %reduce_max3A_160 : vector<256xf32> to vector<1x256xf32>
    %reduce_max3A_162 = arith.constant dense<0xFF800000> : vector<256xf32>
    %reduce_max3A_163 = vector.multi_reduction <maximumf>, %transpose3A_158, %reduce_max3A_162 [0] : vector<32x256xf32> to vector<256xf32>
    %broadcast_in_dim3A_164 = vector.shape_cast %reduce_max3A_163 : vector<256xf32> to vector<1x256xf32>
    %sub3A_165 = vector.broadcast %broadcast_in_dim3A_161 : vector<1x256xf32> to vector<32x256xf32>
    %sub3A_166 = arith.subf %transpose3A_154, %sub3A_165 : vector<32x256xf32>
    %exp3A_167 = math.exp %sub3A_166 : vector<32x256xf32>
    %convert_element_type3A_168 = arith.truncf %exp3A_167 : vector<32x256xf32> to vector<32x256xbf16>
    %sub3A_169 = vector.broadcast %broadcast_in_dim3A_164 : vector<1x256xf32> to vector<32x256xf32>
    %sub3A_170 = arith.subf %transpose3A_158, %sub3A_169 : vector<32x256xf32>
    %exp3A_171 = math.exp %sub3A_170 : vector<32x256xf32>
    %convert_element_type3A_172 = arith.truncf %exp3A_171 : vector<32x256xf32> to vector<32x256xbf16>
    %broadcast_in_dim3A_173 = vector.shape_cast %convert_element_type3A_168 : vector<32x256xbf16> to vector<32x1x256xbf16>
    %broadcast_in_dim3A_174 = vector.shape_cast %convert_element_type3A_172 : vector<32x256xbf16> to vector<1x32x256xbf16>
    %mul3A_175 = vector.broadcast %broadcast_in_dim3A_173 : vector<32x1x256xbf16> to vector<32x32x256xbf16>
    %mul3A_176 = vector.broadcast %broadcast_in_dim3A_174 : vector<1x32x256xbf16> to vector<32x32x256xbf16>
    %mul3A_177 = arith.mulf %mul3A_175, %mul3A_176 : vector<32x32x256xbf16>
    %reshape3A_178 = vector.shape_cast %mul3A_177 : vector<32x32x256xbf16> to vector<1024x256xbf16>
    %get3A_179 = arith.constant 3 : index
    %get3A_180 = arith.constant 0 : index
    %get3A_181 = arith.constant 0 : index
    %get3A_182 = vector.load %arg1[%get3A_179, %get3A_180, %get3A_181] : memref<32x32x1024xf32, #tpu.memory_space<vmem>>, vector<1x32x1024xf32>
    %get3A_183 = vector.shape_cast %get3A_182 : vector<1x32x1024xf32> to vector<32x1024xf32>
    %exp3A_184 = math.exp %get3A_183 : vector<32x1024xf32>
    %convert_element_type3A_185 = arith.truncf %exp3A_184 : vector<32x1024xf32> to vector<32x1024xbf16>
    %dot_general3A_186 = arith.constant dense<0.000000e+00> : vector<32x256xf32>
    %dot_general3A_187 = tpu.matmul %convert_element_type3A_185, %reshape3A_178, %dot_general3A_186 {dimension_numbers = #tpu.dot_dimension_numbers<[1], [0], [0], [1], [0, 0, 1, 1], [], []>, transpose_lhs_hint = false} : vector<32x1024xbf16>, vector<1024x256xbf16>, vector<32x256xf32> -> vector<32x256xf32>
    %reduce_max3A_188 = arith.constant dense<0xFF800000> : vector<256xf32>
    %reduce_max3A_189 = vector.multi_reduction <maximumf>, %dot_general3A_187, %reduce_max3A_188 [0] : vector<32x256xf32> to vector<256xf32>
    %broadcast_in_dim3A_190 = vector.shape_cast %reduce_max3A_189 : vector<256xf32> to vector<1x256xf32>
    %add3A_191 = arith.addf %broadcast_in_dim3A_161, %broadcast_in_dim3A_164 : vector<1x256xf32>
    %log3A_192 = math.log %broadcast_in_dim3A_190 : vector<1x256xf32>
    %add3A_193 = arith.addf %add3A_191, %log3A_192 : vector<1x256xf32>
    %div3A_194 = arith.constant 1.000000e+00 : f32
    %div3A_195 = vector.broadcast %div3A_194 : f32 to vector<1x256xf32>
    %div3A_196 = arith.divf %div3A_195, %broadcast_in_dim3A_190 : vector<1x256xf32>
    %mul3A_197 = vector.broadcast %div3A_196 : vector<1x256xf32> to vector<32x256xf32>
    %mul3A_198 = arith.mulf %dot_general3A_187, %mul3A_197 : vector<32x256xf32>
    %convert_element_type3A_199 = arith.truncf %mul3A_198 : vector<32x256xf32> to vector<32x256xbf16>
    %swap3A_200 = arith.constant 3 : index
    %swap3A_201 = arith.constant 0 : index
    %swap3A_202 = arith.constant 0 : index
    %swap3A_203 = vector.load %arg9[%swap3A_200, %swap3A_201, %swap3A_202] : memref<32x32x256xbf16, #tpu.memory_space<vmem>>, vector<1x32x256xbf16>
    %swap3A_204 = vector.shape_cast %swap3A_203 : vector<1x32x256xbf16> to vector<32x256xbf16>
    %swap3A_205 = vector.shape_cast %convert_element_type3A_199 : vector<32x256xbf16> to vector<1x32x256xbf16>
    tpu.vector_store %arg9[%swap3A_200, %swap3A_201, %swap3A_202], %swap3A_205 {strides = array<i32>} : memref<32x32x256xbf16, #tpu.memory_space<vmem>>, vector<1x32x256xbf16>,
    %get3A_206 = arith.constant 2048 : index
    %get3A_207 = arith.constant 0 : index
    %get3A_208 = vector.load %arg0[%get3A_206, %get3A_207] : memref<16384x128xf32, #tpu.memory_space<vmem>>, vector<256x32xf32>
    %transpose3A_209 = tpu.transpose %get3A_208, [1, 0] : vector<256x32xf32> -> vector<32x256xf32>
    %get3A_210 = arith.constant 2304 : index
    %get3A_211 = arith.constant 0 : index
    %get3A_212 = vector.load %arg0[%get3A_210, %get3A_211] : memref<16384x128xf32, #tpu.memory_space<vmem>>, vector<256x32xf32>
    %transpose3A_213 = tpu.transpose %get3A_212, [1, 0] : vector<256x32xf32> -> vector<32x256xf32>
    %reduce_max3A_214 = arith.constant dense<0xFF800000> : vector<256xf32>
    %reduce_max3A_215 = vector.multi_reduction <maximumf>, %transpose3A_209, %reduce_max3A_214 [0] : vector<32x256xf32> to vector<256xf32>
    %broadcast_in_dim3A_216 = vector.shape_cast %reduce_max3A_215 : vector<256xf32> to vector<1x256xf32>
    %reduce_max3A_217 = arith.constant dense<0xFF800000> : vector<256xf32>
    %reduce_max3A_218 = vector.multi_reduction <maximumf>, %transpose3A_213, %reduce_max3A_217 [0] : vector<32x256xf32> to vector<256xf32>
    %broadcast_in_dim3A_219 = vector.shape_cast %reduce_max3A_218 : vector<256xf32> to vector<1x256xf32>
    %sub3A_220 = vector.broadcast %broadcast_in_dim3A_216 : vector<1x256xf32> to vector<32x256xf32>
    %sub3A_221 = arith.subf %transpose3A_209, %sub3A_220 : vector<32x256xf32>
    %exp3A_222 = math.exp %sub3A_221 : vector<32x256xf32>
    %convert_element_type3A_223 = arith.truncf %exp3A_222 : vector<32x256xf32> to vector<32x256xbf16>
    %sub3A_224 = vector.broadcast %broadcast_in_dim3A_219 : vector<1x256xf32> to vector<32x256xf32>
    %sub3A_225 = arith.subf %transpose3A_213, %sub3A_224 : vector<32x256xf32>
    %exp3A_226 = math.exp %sub3A_225 : vector<32x256xf32>
    %convert_element_type3A_227 = arith.truncf %exp3A_226 : vector<32x256xf32> to vector<32x256xbf16>
    %broadcast_in_dim3A_228 = vector.shape_cast %convert_element_type3A_223 : vector<32x256xbf16> to vector<32x1x256xbf16>
    %broadcast_in_dim3A_229 = vector.shape_cast %convert_element_type3A_227 : vector<32x256xbf16> to vector<1x32x256xbf16>
    %mul3A_230 = vector.broadcast %broadcast_in_dim3A_228 : vector<32x1x256xbf16> to vector<32x32x256xbf16>
    %mul3A_231 = vector.broadcast %broadcast_in_dim3A_229 : vector<1x32x256xbf16> to vector<32x32x256xbf16>
    %mul3A_232 = arith.mulf %mul3A_230, %mul3A_231 : vector<32x32x256xbf16>
    %reshape3A_233 = vector.shape_cast %mul3A_232 : vector<32x32x256xbf16> to vector<1024x256xbf16>
    %get3A_234 = arith.constant 4 : index
    %get3A_235 = arith.constant 0 : index
    %get3A_236 = arith.constant 0 : index
    %get3A_237 = vector.load %arg1[%get3A_234, %get3A_235, %get3A_236] : memref<32x32x1024xf32, #tpu.memory_space<vmem>>, vector<1x32x1024xf32>
    %get3A_238 = vector.shape_cast %get3A_237 : vector<1x32x1024xf32> to vector<32x1024xf32>
    %exp3A_239 = math.exp %get3A_238 : vector<32x1024xf32>
    %convert_element_type3A_240 = arith.truncf %exp3A_239 : vector<32x1024xf32> to vector<32x1024xbf16>
    %dot_general3A_241 = arith.constant dense<0.000000e+00> : vector<32x256xf32>
    %dot_general3A_242 = tpu.matmul %convert_element_type3A_240, %reshape3A_233, %dot_general3A_241 {dimension_numbers = #tpu.dot_dimension_numbers<[1], [0], [0], [1], [0, 0, 1, 1], [], []>, transpose_lhs_hint = false} : vector<32x1024xbf16>, vector<1024x256xbf16>, vector<32x256xf32> -> vector<32x256xf32>
    %reduce_max3A_243 = arith.constant dense<0xFF800000> : vector<256xf32>
    %reduce_max3A_244 = vector.multi_reduction <maximumf>, %dot_general3A_242, %reduce_max3A_243 [0] : vector<32x256xf32> to vector<256xf32>
    %broadcast_in_dim3A_245 = vector.shape_cast %reduce_max3A_244 : vector<256xf32> to vector<1x256xf32>
    %add3A_246 = arith.addf %broadcast_in_dim3A_216, %broadcast_in_dim3A_219 : vector<1x256xf32>
    %log3A_247 = math.log %broadcast_in_dim3A_245 : vector<1x256xf32>
    %add3A_248 = arith.addf %add3A_246, %log3A_247 : vector<1x256xf32>
    %div3A_249 = arith.constant 1.000000e+00 : f32
    %div3A_250 = vector.broadcast %div3A_249 : f32 to vector<1x256xf32>
    %div3A_251 = arith.divf %div3A_250, %broadcast_in_dim3A_245 : vector<1x256xf32>
    %mul3A_252 = vector.broadcast %div3A_251 : vector<1x256xf32> to vector<32x256xf32>
    %mul3A_253 = arith.mulf %dot_general3A_242, %mul3A_252 : vector<32x256xf32>
    %convert_element_type3A_254 = arith.truncf %mul3A_253 : vector<32x256xf32> to vector<32x256xbf16>
    %swap3A_255 = arith.constant 4 : index
    %swap3A_256 = arith.constant 0 : index
    %swap3A_257 = arith.constant 0 : index
    %swap3A_258 = vector.load %arg9[%swap3A_255, %swap3A_256, %swap3A_257] : memref<32x32x256xbf16, #tpu.memory_space<vmem>>, vector<1x32x256xbf16>
    %swap3A_259 = vector.shape_cast %swap3A_258 : vector<1x32x256xbf16> to vector<32x256xbf16>
    %swap3A_260 = vector.shape_cast %convert_element_type3A_254 : vector<32x256xbf16> to vector<1x32x256xbf16>
    tpu.vector_store %arg9[%swap3A_255, %swap3A_256, %swap3A_257], %swap3A_260 {strides = array<i32>} : memref<32x32x256xbf16, #tpu.memory_space<vmem>>, vector<1x32x256xbf16>,
    %get3A_261 = arith.constant 2560 : index
    %get3A_262 = arith.constant 0 : index
    %get3A_263 = vector.load %arg0[%get3A_261, %get3A_262] : memref<16384x128xf32, #tpu.memory_space<vmem>>, vector<256x32xf32>
    %transpose3A_264 = tpu.transpose %get3A_263, [1, 0] : vector<256x32xf32> -> vector<32x256xf32>
    %get3A_265 = arith.constant 2816 : index
    %get3A_266 = arith.constant 0 : index
    %get3A_267 = vector.load %arg0[%get3A_265, %get3A_266] : memref<16384x128xf32, #tpu.memory_space<vmem>>, vector<256x32xf32>
    %transpose3A_268 = tpu.transpose %get3A_267, [1, 0] : vector<256x32xf32> -> vector<32x256xf32>
    %reduce_max3A_269 = arith.constant dense<0xFF800000> : vector<256xf32>
    %reduce_max3A_270 = vector.multi_reduction <maximumf>, %transpose3A_264, %reduce_max3A_269 [0] : vector<32x256xf32> to vector<256xf32>
    %broadcast_in_dim3A_271 = vector.shape_cast %reduce_max3A_270 : vector<256xf32> to vector<1x256xf32>
    %reduce_max3A_272 = arith.constant dense<0xFF800000> : vector<256xf32>
    %reduce_max3A_273 = vector.multi_reduction <maximumf>, %transpose3A_268, %reduce_max3A_272 [0] : vector<32x256xf32> to vector<256xf32>
    %broadcast_in_dim3A_274 = vector.shape_cast %reduce_max3A_273 : vector<256xf32> to vector<1x256xf32>
    %sub3A_275 = vector.broadcast %broadcast_in_dim3A_271 : vector<1x256xf32> to vector<32x256xf32>
    %sub3A_276 = arith.subf %transpose3A_264, %sub3A_275 : vector<32x256xf32>
    %exp3A_277 = math.exp %sub3A_276 : vector<32x256xf32>
    %convert_element_type3A_278 = arith.truncf %exp3A_277 : vector<32x256xf32> to vector<32x256xbf16>
    %sub3A_279 = vector.broadcast %broadcast_in_dim3A_274 : vector<1x256xf32> to vector<32x256xf32>
    %sub3A_280 = arith.subf %transpose3A_268, %sub3A_279 : vector<32x256xf32>
    %exp3A_281 = math.exp %sub3A_280 : vector<32x256xf32>
    %convert_element_type3A_282 = arith.truncf %exp3A_281 : vector<32x256xf32> to vector<32x256xbf16>
    %broadcast_in_dim3A_283 = vector.shape_cast %convert_element_type3A_278 : vector<32x256xbf16> to vector<32x1x256xbf16>
    %broadcast_in_dim3A_284 = vector.shape_cast %convert_element_type3A_282 : vector<32x256xbf16> to vector<1x32x256xbf16>
    %mul3A_285 = vector.broadcast %broadcast_in_dim3A_283 : vector<32x1x256xbf16> to vector<32x32x256xbf16>
    %mul3A_286 = vector.broadcast %broadcast_in_dim3A_284 : vector<1x32x256xbf16> to vector<32x32x256xbf16>
    %mul3A_287 = arith.mulf %mul3A_285, %mul3A_286 : vector<32x32x256xbf16>
    %reshape3A_288 = vector.shape_cast %mul3A_287 : vector<32x32x256xbf16> to vector<1024x256xbf16>
    %get3A_289 = arith.constant 5 : index
    %get3A_290 = arith.constant 0 : index
    %get3A_291 = arith.constant 0 : index
    %get3A_292 = vector.load %arg1[%get3A_289, %get3A_290, %get3A_291] : memref<32x32x1024xf32, #tpu.memory_space<vmem>>, vector<1x32x1024xf32>
    %get3A_293 = vector.shape_cast %get3A_292 : vector<1x32x1024xf32> to vector<32x1024xf32>
    %exp3A_294 = math.exp %get3A_293 : vector<32x1024xf32>
    %convert_element_type3A_295 = arith.truncf %exp3A_294 : vector<32x1024xf32> to vector<32x1024xbf16>
    %dot_general3A_296 = arith.constant dense<0.000000e+00> : vector<32x256xf32>
    %dot_general3A_297 = tpu.matmul %convert_element_type3A_295, %reshape3A_288, %dot_general3A_296 {dimension_numbers = #tpu.dot_dimension_numbers<[1], [0], [0], [1], [0, 0, 1, 1], [], []>, transpose_lhs_hint = false} : vector<32x1024xbf16>, vector<1024x256xbf16>, vector<32x256xf32> -> vector<32x256xf32>
    %reduce_max3A_298 = arith.constant dense<0xFF800000> : vector<256xf32>
    %reduce_max3A_299 = vector.multi_reduction <maximumf>, %dot_general3A_297, %reduce_max3A_298 [0] : vector<32x256xf32> to vector<256xf32>
    %broadcast_in_dim3A_300 = vector.shape_cast %reduce_max3A_299 : vector<256xf32> to vector<1x256xf32>
    %add3A_301 = arith.addf %broadcast_in_dim3A_271, %broadcast_in_dim3A_274 : vector<1x256xf32>
    %log3A_302 = math.log %broadcast_in_dim3A_300 : vector<1x256xf32>
    %add3A_303 = arith.addf %add3A_301, %log3A_302 : vector<1x256xf32>
    %div3A_304 = arith.constant 1.000000e+00 : f32
    %div3A_305 = vector.broadcast %div3A_304 : f32 to vector<1x256xf32>
    %div3A_306 = arith.divf %div3A_305, %broadcast_in_dim3A_300 : vector<1x256xf32>
    %mul3A_307 = vector.broadcast %div3A_306 : vector<1x256xf32> to vector<32x256xf32>
    %mul3A_308 = arith.mulf %dot_general3A_297, %mul3A_307 : vector<32x256xf32>
    %convert_element_type3A_309 = arith.truncf %mul3A_308 : vector<32x256xf32> to vector<32x256xbf16>
    %swap3A_310 = arith.constant 5 : index
    %swap3A_311 = arith.constant 0 : index
    %swap3A_312 = arith.constant 0 : index
    %swap3A_313 = vector.load %arg9[%swap3A_310, %swap3A_311, %swap3A_312] : memref<32x32x256xbf16, #tpu.memory_space<vmem>>, vector<1x32x256xbf16>
    %swap3A_314 = vector.shape_cast %swap3A_313 : vector<1x32x256xbf16> to vector<32x256xbf16>
    %swap3A_315 = vector.shape_cast %convert_element_type3A_309 : vector<32x256xbf16> to vector<1x32x256xbf16>
    tpu.vector_store %arg9[%swap3A_310, %swap3A_311, %swap3A_312], %swap3A_315 {strides = array<i32>} : memref<32x32x256xbf16, #tpu.memory_space<vmem>>, vector<1x32x256xbf16>,
    %get3A_316 = arith.constant 3072 : index
    %get3A_317 = arith.constant 0 : index
    %get3A_318 = vector.load %arg0[%get3A_316, %get3A_317] : memref<16384x128xf32, #tpu.memory_space<vmem>>, vector<256x32xf32>
    %transpose3A_319 = tpu.transpose %get3A_318, [1, 0] : vector<256x32xf32> -> vector<32x256xf32>
    %get3A_320 = arith.constant 3328 : index
    %get3A_321 = arith.constant 0 : index
    %get3A_322 = vector.load %arg0[%get3A_320, %get3A_321] : memref<16384x128xf32, #tpu.memory_space<vmem>>, vector<256x32xf32>
    %transpose3A_323 = tpu.transpose %get3A_322, [1, 0] : vector<256x32xf32> -> vector<32x256xf32>
    %reduce_max3A_324 = arith.constant dense<0xFF800000> : vector<256xf32>
    %reduce_max3A_325 = vector.multi_reduction <maximumf>, %transpose3A_319, %reduce_max3A_324 [0] : vector<32x256xf32> to vector<256xf32>
    %broadcast_in_dim3A_326 = vector.shape_cast %reduce_max3A_325 : vector<256xf32> to vector<1x256xf32>
    %reduce_max3A_327 = arith.constant dense<0xFF800000> : vector<256xf32>
    %reduce_max3A_328 = vector.multi_reduction <maximumf>, %transpose3A_323, %reduce_max3A_327 [0] : vector<32x256xf32> to vector<256xf32>
    %broadcast_in_dim3A_329 = vector.shape_cast %reduce_max3A_328 : vector<256xf32> to vector<1x256xf32>
    %sub3A_330 = vector.broadcast %broadcast_in_dim3A_326 : vector<1x256xf32> to vector<32x256xf32>
    %sub3A_331 = arith.subf %transpose3A_319, %sub3A_330 : vector<32x256xf32>
    %exp3A_332 = math.exp %sub3A_331 : vector<32x256xf32>
    %convert_element_type3A_333 = arith.truncf %exp3A_332 : vector<32x256xf32> to vector<32x256xbf16>
    %sub3A_334 = vector.broadcast %broadcast_in_dim3A_329 : vector<1x256xf32> to vector<32x256xf32>
    %sub3A_335 = arith.subf %transpose3A_323, %sub3A_334 : vector<32x256xf32>
    %exp3A_336 = math.exp %sub3A_335 : vector<32x256xf32>
    %convert_element_type3A_337 = arith.truncf %exp3A_336 : vector<32x256xf32> to vector<32x256xbf16>
    %broadcast_in_dim3A_338 = vector.shape_cast %convert_element_type3A_333 : vector<32x256xbf16> to vector<32x1x256xbf16>
    %broadcast_in_dim3A_339 = vector.shape_cast %convert_element_type3A_337 : vector<32x256xbf16> to vector<1x32x256xbf16>
    %mul3A_340 = vector.broadcast %broadcast_in_dim3A_338 : vector<32x1x256xbf16> to vector<32x32x256xbf16>
    %mul3A_341 = vector.broadcast %broadcast_in_dim3A_339 : vector<1x32x256xbf16> to vector<32x32x256xbf16>
    %mul3A_342 = arith.mulf %mul3A_340, %mul3A_341 : vector<32x32x256xbf16>
    %reshape3A_343 = vector.shape_cast %mul3A_342 : vector<32x32x256xbf16> to vector<1024x256xbf16>
    %get3A_344 = arith.constant 6 : index
    %get3A_345 = arith.constant 0 : index
    %get3A_346 = arith.constant 0 : index
    %get3A_347 = vector.load %arg1[%get3A_344, %get3A_345, %get3A_346] : memref<32x32x1024xf32, #tpu.memory_space<vmem>>, vector<1x32x1024xf32>
    %get3A_348 = vector.shape_cast %get3A_347 : vector<1x32x1024xf32> to vector<32x1024xf32>
    %exp3A_349 = math.exp %get3A_348 : vector<32x1024xf32>
    %convert_element_type3A_350 = arith.truncf %exp3A_349 : vector<32x1024xf32> to vector<32x1024xbf16>
    %dot_general3A_351 = arith.constant dense<0.000000e+00> : vector<32x256xf32>
    %dot_general3A_352 = tpu.matmul %convert_element_type3A_350, %reshape3A_343, %dot_general3A_351 {dimension_numbers = #tpu.dot_dimension_numbers<[1], [0], [0], [1], [0, 0, 1, 1], [], []>, transpose_lhs_hint = false} : vector<32x1024xbf16>, vector<1024x256xbf16>, vector<32x256xf32> -> vector<32x256xf32>
    %reduce_max3A_353 = arith.constant dense<0xFF800000> : vector<256xf32>
    %reduce_max3A_354 = vector.multi_reduction <maximumf>, %dot_general3A_352, %reduce_max3A_353 [0] : vector<32x256xf32> to vector<256xf32>
    %broadcast_in_dim3A_355 = vector.shape_cast %reduce_max3A_354 : vector<256xf32> to vector<1x256xf32>
    %add3A_356 = arith.addf %broadcast_in_dim3A_326, %broadcast_in_dim3A_329 : vector<1x256xf32>
    %log3A_357 = math.log %broadcast_in_dim3A_355 : vector<1x256xf32>
    %add3A_358 = arith.addf %add3A_356, %log3A_357 : vector<1x256xf32>
    %div3A_359 = arith.constant 1.000000e+00 : f32
    %div3A_360 = vector.broadcast %div3A_359 : f32 to vector<1x256xf32>
    %div3A_361 = arith.divf %div3A_360, %broadcast_in_dim3A_355 : vector<1x256xf32>
    %mul3A_362 = vector.broadcast %div3A_361 : vector<1x256xf32> to vector<32x256xf32>
    %mul3A_363 = arith.mulf %dot_general3A_352, %mul3A_362 : vector<32x256xf32>
    %convert_element_type3A_364 = arith.truncf %mul3A_363 : vector<32x256xf32> to vector<32x256xbf16>
    %swap3A_365 = arith.constant 6 : index
    %swap3A_366 = arith.constant 0 : index
    %swap3A_367 = arith.constant 0 : index
    %swap3A_368 = vector.load %arg9[%swap3A_365, %swap3A_366, %swap3A_367] : memref<32x32x256xbf16, #tpu.memory_space<vmem>>, vector<1x32x256xbf16>
    %swap3A_369 = vector.shape_cast %swap3A_368 : vector<1x32x256xbf16> to vector<32x256xbf16>
    %swap3A_370 = vector.shape_cast %convert_element_type3A_364 : vector<32x256xbf16> to vector<1x32x256xbf16>
    tpu.vector_store %arg9[%swap3A_365, %swap3A_366, %swap3A_367], %swap3A_370 {strides = array<i32>} : memref<32x32x256xbf16, #tpu.memory_space<vmem>>, vector<1x32x256xbf16>,
    %get3A_371 = arith.constant 3584 : index
    %get3A_372 = arith.constant 0 : index
    %get3A_373 = vector.load %arg0[%get3A_371, %get3A_372] : memref<16384x128xf32, #tpu.memory_space<vmem>>, vector<256x32xf32>
    %transpose3A_374 = tpu.transpose %get3A_373, [1, 0] : vector<256x32xf32> -> vector<32x256xf32>
    %get3A_375 = arith.constant 3840 : index
    %get3A_376 = arith.constant 0 : index
    %get3A_377 = vector.load %arg0[%get3A_375, %get3A_376] : memref<16384x128xf32, #tpu.memory_space<vmem>>, vector<256x32xf32>
    %transpose3A_378 = tpu.transpose %get3A_377, [1, 0] : vector<256x32xf32> -> vector<32x256xf32>
    %reduce_max3A_379 = arith.constant dense<0xFF800000> : vector<256xf32>
    %reduce_max3A_380 = vector.multi_reduction <maximumf>, %transpose3A_374, %reduce_max3A_379 [0] : vector<32x256xf32> to vector<256xf32>
    %broadcast_in_dim3A_381 = vector.shape_cast %reduce_max3A_380 : vector<256xf32> to vector<1x256xf32>
    %reduce_max3A_382 = arith.constant dense<0xFF800000> : vector<256xf32>
    %reduce_max3A_383 = vector.multi_reduction <maximumf>, %transpose3A_378, %reduce_max3A_382 [0] : vector<32x256xf32> to vector<256xf32>
    %broadcast_in_dim3A_384 = vector.shape_cast %reduce_max3A_383 : vector<256xf32> to vector<1x256xf32>
    %sub3A_385 = vector.broadcast %broadcast_in_dim3A_381 : vector<1x256xf32> to vector<32x256xf32>
    %sub3A_386 = arith.subf %transpose3A_374, %sub3A_385 : vector<32x256xf32>
    %exp3A_387 = math.exp %sub3A_386 : vector<32x256xf32>
    %convert_element_type3A_388 = arith.truncf %exp3A_387 : vector<32x256xf32> to vector<32x256xbf16>
    %sub3A_389 = vector.broadcast %broadcast_in_dim3A_384 : vector<1x256xf32> to vector<32x256xf32>
    %sub3A_390 = arith.subf %transpose3A_378, %sub3A_389 : vector<32x256xf32>
    %exp3A_391 = math.exp %sub3A_390 : vector<32x256xf32>
    %convert_element_type3A_392 = arith.truncf %exp3A_391 : vector<32x256xf32> to vector<32x256xbf16>
    %broadcast_in_dim3A_393 = vector.shape_cast %convert_element_type3A_388 : vector<32x256xbf16> to vector<32x1x256xbf16>
    %broadcast_in_dim3A_394 = vector.shape_cast %convert_element_type3A_392 : vector<32x256xbf16> to vector<1x32x256xbf16>
    %mul3A_395 = vector.broadcast %broadcast_in_dim3A_393 : vector<32x1x256xbf16> to vector<32x32x256xbf16>
    %mul3A_396 = vector.broadcast %broadcast_in_dim3A_394 : vector<1x32x256xbf16> to vector<32x32x256xbf16>
    %mul3A_397 = arith.mulf %mul3A_395, %mul3A_396 : vector<32x32x256xbf16>
    %reshape3A_398 = vector.shape_cast %mul3A_397 : vector<32x32x256xbf16> to vector<1024x256xbf16>
    %get3A_399 = arith.constant 7 : index
    %get3A_400 = arith.constant 0 : index
    %get3A_401 = arith.constant 0 : index
    %get3A_402 = vector.load %arg1[%get3A_399, %get3A_400, %get3A_401] : memref<32x32x1024xf32, #tpu.memory_space<vmem>>, vector<1x32x1024xf32>
    %get3A_403 = vector.shape_cast %get3A_402 : vector<1x32x1024xf32> to vector<32x1024xf32>
    %exp3A_404 = math.exp %get3A_403 : vector<32x1024xf32>
    %convert_element_type3A_405 = arith.truncf %exp3A_404 : vector<32x1024xf32> to vector<32x1024xbf16>
    %dot_general3A_406 = arith.constant dense<0.000000e+00> : vector<32x256xf32>
    %dot_general3A_407 = tpu.matmul %convert_element_type3A_405, %reshape3A_398, %dot_general3A_406 {dimension_numbers = #tpu.dot_dimension_numbers<[1], [0], [0], [1], [0, 0, 1, 1], [], []>, transpose_lhs_hint = false} : vector<32x1024xbf16>, vector<1024x256xbf16>, vector<32x256xf32> -> vector<32x256xf32>
    %reduce_max3A_408 = arith.constant dense<0xFF800000> : vector<256xf32>
    %reduce_max3A_409 = vector.multi_reduction <maximumf>, %dot_general3A_407, %reduce_max3A_408 [0] : vector<32x256xf32> to vector<256xf32>
    %broadcast_in_dim3A_410 = vector.shape_cast %reduce_max3A_409 : vector<256xf32> to vector<1x256xf32>
    %add3A_411 = arith.addf %broadcast_in_dim3A_381, %broadcast_in_dim3A_384 : vector<1x256xf32>
    %log3A_412 = math.log %broadcast_in_dim3A_410 : vector<1x256xf32>
    %add3A_413 = arith.addf %add3A_411, %log3A_412 : vector<1x256xf32>
    %div3A_414 = arith.constant 1.000000e+00 : f32
    %div3A_415 = vector.broadcast %div3A_414 : f32 to vector<1x256xf32>
    %div3A_416 = arith.divf %div3A_415, %broadcast_in_dim3A_410 : vector<1x256xf32>
    %mul3A_417 = vector.broadcast %div3A_416 : vector<1x256xf32> to vector<32x256xf32>
    %mul3A_418 = arith.mulf %dot_general3A_407, %mul3A_417 : vector<32x256xf32>
    %convert_element_type3A_419 = arith.truncf %mul3A_418 : vector<32x256xf32> to vector<32x256xbf16>
    %swap3A_420 = arith.constant 7 : index
    %swap3A_421 = arith.constant 0 : index
    %swap3A_422 = arith.constant 0 : index
    %swap3A_423 = vector.load %arg9[%swap3A_420, %swap3A_421, %swap3A_422] : memref<32x32x256xbf16, #tpu.memory_space<vmem>>, vector<1x32x256xbf16>
    %swap3A_424 = vector.shape_cast %swap3A_423 : vector<1x32x256xbf16> to vector<32x256xbf16>
    %swap3A_425 = vector.shape_cast %convert_element_type3A_419 : vector<32x256xbf16> to vector<1x32x256xbf16>
    tpu.vector_store %arg9[%swap3A_420, %swap3A_421, %swap3A_422], %swap3A_425 {strides = array<i32>} : memref<32x32x256xbf16, #tpu.memory_space<vmem>>, vector<1x32x256xbf16>,
    %get3A_426 = arith.constant 4096 : index
    %get3A_427 = arith.constant 0 : index
    %get3A_428 = vector.load %arg0[%get3A_426, %get3A_427] : memref<16384x128xf32, #tpu.memory_space<vmem>>, vector<256x32xf32>
    %transpose3A_429 = tpu.transpose %get3A_428, [1, 0] : vector<256x32xf32> -> vector<32x256xf32>
    %get3A_430 = arith.constant 4352 : index
    %get3A_431 = arith.constant 0 : index
    %get3A_432 = vector.load %arg0[%get3A_430, %get3A_431] : memref<16384x128xf32, #tpu.memory_space<vmem>>, vector<256x32xf32>
    %transpose3A_433 = tpu.transpose %get3A_432, [1, 0] : vector<256x32xf32> -> vector<32x256xf32>
    %reduce_max3A_434 = arith.constant dense<0xFF800000> : vector<256xf32>
    %reduce_max3A_435 = vector.multi_reduction <maximumf>, %transpose3A_429, %reduce_max3A_434 [0] : vector<32x256xf32> to vector<256xf32>
    %broadcast_in_dim3A_436 = vector.shape_cast %reduce_max3A_435 : vector<256xf32> to vector<1x256xf32>
    %reduce_max3A_437 = arith.constant dense<0xFF800000> : vector<256xf32>
    %reduce_max3A_438 = vector.multi_reduction <maximumf>, %transpose3A_433, %reduce_max3A_437 [0] : vector<32x256xf32> to vector<256xf32>
    %broadcast_in_dim3A_439 = vector.shape_cast %reduce_max3A_438 : vector<256xf32> to vector<1x256xf32>
    %sub3A_440 = vector.broadcast %broadcast_in_dim3A_436 : vector<1x256xf32> to vector<32x256xf32>
    %sub3A_441 = arith.subf %transpose3A_429, %sub3A_440 : vector<32x256xf32>
    %exp3A_442 = math.exp %sub3A_441 : vector<32x256xf32>
    %convert_element_type3A_443 = arith.truncf %exp3A_442 : vector<32x256xf32> to vector<32x256xbf16>
    %sub3A_444 = vector.broadcast %broadcast_in_dim3A_439 : vector<1x256xf32> to vector<32x256xf32>
    %sub3A_445 = arith.subf %transpose3A_433, %sub3A_444 : vector<32x256xf32>
    %exp3A_446 = math.exp %sub3A_445 : vector<32x256xf32>
    %convert_element_type3A_447 = arith.truncf %exp3A_446 : vector<32x256xf32> to vector<32x256xbf16>
    %broadcast_in_dim3A_448 = vector.shape_cast %convert_element_type3A_443 : vector<32x256xbf16> to vector<32x1x256xbf16>
    %broadcast_in_dim3A_449 = vector.shape_cast %convert_element_type3A_447 : vector<32x256xbf16> to vector<1x32x256xbf16>
    %mul3A_450 = vector.broadcast %broadcast_in_dim3A_448 : vector<32x1x256xbf16> to vector<32x32x256xbf16>
    %mul3A_451 = vector.broadcast %broadcast_in_dim3A_449 : vector<1x32x256xbf16> to vector<32x32x256xbf16>
    %mul3A_452 = arith.mulf %mul3A_450, %mul3A_451 : vector<32x32x256xbf16>
    %reshape3A_453 = vector.shape_cast %mul3A_452 : vector<32x32x256xbf16> to vector<1024x256xbf16>
    %get3A_454 = arith.constant 8 : index
    %get3A_455 = arith.constant 0 : index
    %get3A_456 = arith.constant 0 : index
    %get3A_457 = vector.load %arg1[%get3A_454, %get3A_455, %get3A_456] : memref<32x32x1024xf32, #tpu.memory_space<vmem>>, vector<1x32x1024xf32>
    %get3A_458 = vector.shape_cast %get3A_457 : vector<1x32x1024xf32> to vector<32x1024xf32>
    %exp3A_459 = math.exp %get3A_458 : vector<32x1024xf32>
    %convert_element_type3A_460 = arith.truncf %exp3A_459 : vector<32x1024xf32> to vector<32x1024xbf16>
    %dot_general3A_461 = arith.constant dense<0.000000e+00> : vector<32x256xf32>
    %dot_general3A_462 = tpu.matmul %convert_element_type3A_460, %reshape3A_453, %dot_general3A_461 {dimension_numbers = #tpu.dot_dimension_numbers<[1], [0], [0], [1], [0, 0, 1, 1], [], []>, transpose_lhs_hint = false} : vector<32x1024xbf16>, vector<1024x256xbf16>, vector<32x256xf32> -> vector<32x256xf32>
    %reduce_max3A_463 = arith.constant dense<0xFF800000> : vector<256xf32>
    %reduce_max3A_464 = vector.multi_reduction <maximumf>, %dot_general3A_462, %reduce_max3A_463 [0] : vector<32x256xf32> to vector<256xf32>
    %broadcast_in_dim3A_465 = vector.shape_cast %reduce_max3A_464 : vector<256xf32> to vector<1x256xf32>
    %add3A_466 = arith.addf %broadcast_in_dim3A_436, %broadcast_in_dim3A_439 : vector<1x256xf32>
    %log3A_467 = math.log %broadcast_in_dim3A_465 : vector<1x256xf32>
    %add3A_468 = arith.addf %add3A_466, %log3A_467 : vector<1x256xf32>
    %div3A_469 = arith.constant 1.000000e+00 : f32
    %div3A_470 = vector.broadcast %div3A_469 : f32 to vector<1x256xf32>
    %div3A_471 = arith.divf %div3A_470, %broadcast_in_dim3A_465 : vector<1x256xf32>
    %mul3A_472 = vector.broadcast %div3A_471 : vector<1x256xf32> to vector<32x256xf32>
    %mul3A_473 = arith.mulf %dot_general3A_462, %mul3A_472 : vector<32x256xf32>
    %convert_element_type3A_474 = arith.truncf %mul3A_473 : vector<32x256xf32> to vector<32x256xbf16>
    %swap3A_475 = arith.constant 8 : index
    %swap3A_476 = arith.constant 0 : index
    %swap3A_477 = arith.constant 0 : index
    %swap3A_478 = vector.load %arg9[%swap3A_475, %swap3A_476, %swap3A_477] : memref<32x32x256xbf16, #tpu.memory_space<vmem>>, vector<1x32x256xbf16>
    %swap3A_479 = vector.shape_cast %swap3A_478 : vector<1x32x256xbf16> to vector<32x256xbf16>
    %swap3A_480 = vector.shape_cast %convert_element_type3A_474 : vector<32x256xbf16> to vector<1x32x256xbf16>
    tpu.vector_store %arg9[%swap3A_475, %swap3A_476, %swap3A_477], %swap3A_480 {strides = array<i32>} : memref<32x32x256xbf16, #tpu.memory_space<vmem>>, vector<1x32x256xbf16>,
    %get3A_481 = arith.constant 4608 : index
    %get3A_482 = arith.constant 0 : index
    %get3A_483 = vector.load %arg0[%get3A_481, %get3A_482] : memref<16384x128xf32, #tpu.memory_space<vmem>>, vector<256x32xf32>
    %transpose3A_484 = tpu.transpose %get3A_483, [1, 0] : vector<256x32xf32> -> vector<32x256xf32>
    %get3A_485 = arith.constant 4864 : index
    %get3A_486 = arith.constant 0 : index
    %get3A_487 = vector.load %arg0[%get3A_485, %get3A_486] : memref<16384x128xf32, #tpu.memory_space<vmem>>, vector<256x32xf32>
    %transpose3A_488 = tpu.transpose %get3A_487, [1, 0] : vector<256x32xf32> -> vector<32x256xf32>
    %reduce_max3A_489 = arith.constant dense<0xFF800000> : vector<256xf32>
    %reduce_max3A_490 = vector.multi_reduction <maximumf>, %transpose3A_484, %reduce_max3A_489 [0] : vector<32x256xf32> to vector<256xf32>
    %broadcast_in_dim3A_491 = vector.shape_cast %reduce_max3A_490 : vector<256xf32> to vector<1x256xf32>
    %reduce_max3A_492 = arith.constant dense<0xFF800000> : vector<256xf32>
    %reduce_max3A_493 = vector.multi_reduction <maximumf>, %transpose3A_488, %reduce_max3A_492 [0] : vector<32x256xf32> to vector<256xf32>
    %broadcast_in_dim3A_494 = vector.shape_cast %reduce_max3A_493 : vector<256xf32> to vector<1x256xf32>
    %sub3A_495 = vector.broadcast %broadcast_in_dim3A_491 : vector<1x256xf32> to vector<32x256xf32>
    %sub3A_496 = arith.subf %transpose3A_484, %sub3A_495 : vector<32x256xf32>
    %exp3A_497 = math.exp %sub3A_496 : vector<32x256xf32>
    %convert_element_type3A_498 = arith.truncf %exp3A_497 : vector<32x256xf32> to vector<32x256xbf16>
    %sub3A_499 = vector.broadcast %broadcast_in_dim3A_494 : vector<1x256xf32> to vector<32x256xf32>
    %sub3A_500 = arith.subf %transpose3A_488, %sub3A_499 : vector<32x256xf32>
    %exp3A_501 = math.exp %sub3A_500 : vector<32x256xf32>
    %convert_element_type3A_502 = arith.truncf %exp3A_501 : vector<32x256xf32> to vector<32x256xbf16>
    %broadcast_in_dim3A_503 = vector.shape_cast %convert_element_type3A_498 : vector<32x256xbf16> to vector<32x1x256xbf16>
    %broadcast_in_dim3A_504 = vector.shape_cast %convert_element_type3A_502 : vector<32x256xbf16> to vector<1x32x256xbf16>
    %mul3A_505 = vector.broadcast %broadcast_in_dim3A_503 : vector<32x1x256xbf16> to vector<32x32x256xbf16>
    %mul3A_506 = vector.broadcast %broadcast_in_dim3A_504 : vector<1x32x256xbf16> to vector<32x32x256xbf16>
    %mul3A_507 = arith.mulf %mul3A_505, %mul3A_506 : vector<32x32x256xbf16>
    %reshape3A_508 = vector.shape_cast %mul3A_507 : vector<32x32x256xbf16> to vector<1024x256xbf16>
    %get3A_509 = arith.constant 9 : index
    %get3A_510 = arith.constant 0 : index
    %get3A_511 = arith.constant 0 : index
    %get3A_512 = vector.load %arg1[%get3A_509, %get3A_510, %get3A_511] : memref<32x32x1024xf32, #tpu.memory_space<vmem>>, vector<1x32x1024xf32>
    %get3A_513 = vector.shape_cast %get3A_512 : vector<1x32x1024xf32> to vector<32x1024xf32>
    %exp3A_514 = math.exp %get3A_513 : vector<32x1024xf32>
    %convert_element_type3A_515 = arith.truncf %exp3A_514 : vector<32x1024xf32> to vector<32x1024xbf16>
    %dot_general3A_516 = arith.constant dense<0.000000e+00> : vector<32x256xf32>
    %dot_general3A_517 = tpu.matmul %convert_element_type3A_515, %reshape3A_508, %dot_general3A_516 {dimension_numbers = #tpu.dot_dimension_numbers<[1], [0], [0], [1], [0, 0, 1, 1], [], []>, transpose_lhs_hint = false} : vector<32x1024xbf16>, vector<1024x256xbf16>, vector<32x256xf32> -> vector<32x256xf32>
    %reduce_max3A_518 = arith.constant dense<0xFF800000> : vector<256xf32>
    %reduce_max3A_519 = vector.multi_reduction <maximumf>, %dot_general3A_517, %reduce_max3A_518 [0] : vector<32x256xf32> to vector<256xf32>
    %broadcast_in_dim3A_520 = vector.shape_cast %reduce_max3A_519 : vector<256xf32> to vector<1x256xf32>
    %add3A_521 = arith.addf %broadcast_in_dim3A_491, %broadcast_in_dim3A_494 : vector<1x256xf32>
    %log3A_522 = math.log %broadcast_in_dim3A_520 : vector<1x256xf32>
    %add3A_523 = arith.addf %add3A_521, %log3A_522 : vector<1x256xf32>
    %div3A_524 = arith.constant 1.000000e+00 : f32
    %div3A_525 = vector.broadcast %div3A_524 : f32 to vector<1x256xf32>
    %div3A_526 = arith.divf %div3A_525, %broadcast_in_dim3A_520 : vector<1x256xf32>
    %mul3A_527 = vector.broadcast %div3A_526 : vector<1x256xf32> to vector<32x256xf32>
    %mul3A_528 = arith.mulf %dot_general3A_517, %mul3A_527 : vector<32x256xf32>
    %convert_element_type3A_529 = arith.truncf %mul3A_528 : vector<32x256xf32> to vector<32x256xbf16>
    %swap3A_530 = arith.constant 9 : index
    %swap3A_531 = arith.constant 0 : index
    %swap3A_532 = arith.constant 0 : index
    %swap3A_533 = vector.load %arg9[%swap3A_530, %swap3A_531, %swap3A_532] : memref<32x32x256xbf16, #tpu.memory_space<vmem>>, vector<1x32x256xbf16>
    %swap3A_534 = vector.shape_cast %swap3A_533 : vector<1x32x256xbf16> to vector<32x256xbf16>
    %swap3A_535 = vector.shape_cast %convert_element_type3A_529 : vector<32x256xbf16> to vector<1x32x256xbf16>
    tpu.vector_store %arg9[%swap3A_530, %swap3A_531, %swap3A_532], %swap3A_535 {strides = array<i32>} : memref<32x32x256xbf16, #tpu.memory_space<vmem>>, vector<1x32x256xbf16>,
    %get3A_536 = arith.constant 5120 : index
    %get3A_537 = arith.constant 0 : index
    %get3A_538 = vector.load %arg0[%get3A_536, %get3A_537] : memref<16384x128xf32, #tpu.memory_space<vmem>>, vector<256x32xf32>
    %transpose3A_539 = tpu.transpose %get3A_538, [1, 0] : vector<256x32xf32> -> vector<32x256xf32>
    %get3A_540 = arith.constant 5376 : index
    %get3A_541 = arith.constant 0 : index
    %get3A_542 = vector.load %arg0[%get3A_540, %get3A_541] : memref<16384x128xf32, #tpu.memory_space<vmem>>, vector<256x32xf32>
    %transpose3A_543 = tpu.transpose %get3A_542, [1, 0] : vector<256x32xf32> -> vector<32x256xf32>
    %reduce_max3A_544 = arith.constant dense<0xFF800000> : vector<256xf32>
    %reduce_max3A_545 = vector.multi_reduction <maximumf>, %transpose3A_539, %reduce_max3A_544 [0] : vector<32x256xf32> to vector<256xf32>
    %broadcast_in_dim3A_546 = vector.shape_cast %reduce_max3A_545 : vector<256xf32> to vector<1x256xf32>
    %reduce_max3A_547 = arith.constant dense<0xFF800000> : vector<256xf32>
    %reduce_max3A_548 = vector.multi_reduction <maximumf>, %transpose3A_543, %reduce_max3A_547 [0] : vector<32x256xf32> to vector<256xf32>
    %broadcast_in_dim3A_549 = vector.shape_cast %reduce_max3A_548 : vector<256xf32> to vector<1x256xf32>
    %sub3A_550 = vector.broadcast %broadcast_in_dim3A_546 : vector<1x256xf32> to vector<32x256xf32>
    %sub3A_551 = arith.subf %transpose3A_539, %sub3A_550 : vector<32x256xf32>
    %exp3A_552 = math.exp %sub3A_551 : vector<32x256xf32>
    %convert_element_type3A_553 = arith.truncf %exp3A_552 : vector<32x256xf32> to vector<32x256xbf16>
    %sub3A_554 = vector.broadcast %broadcast_in_dim3A_549 : vector<1x256xf32> to vector<32x256xf32>
    %sub3A_555 = arith.subf %transpose3A_543, %sub3A_554 : vector<32x256xf32>
    %exp3A_556 = math.exp %sub3A_555 : vector<32x256xf32>
    %convert_element_type3A_557 = arith.truncf %exp3A_556 : vector<32x256xf32> to vector<32x256xbf16>
    %broadcast_in_dim3A_558 = vector.shape_cast %convert_element_type3A_553 : vector<32x256xbf16> to vector<32x1x256xbf16>
    %broadcast_in_dim3A_559 = vector.shape_cast %convert_element_type3A_557 : vector<32x256xbf16> to vector<1x32x256xbf16>
    %mul3A_560 = vector.broadcast %broadcast_in_dim3A_558 : vector<32x1x256xbf16> to vector<32x32x256xbf16>
    %mul3A_561 = vector.broadcast %broadcast_in_dim3A_559 : vector<1x32x256xbf16> to vector<32x32x256xbf16>
    %mul3A_562 = arith.mulf %mul3A_560, %mul3A_561 : vector<32x32x256xbf16>
    %reshape3A_563 = vector.shape_cast %mul3A_562 : vector<32x32x256xbf16> to vector<1024x256xbf16>
    %get3A_564 = arith.constant 10 : index
    %get3A_565 = arith.constant 0 : index
    %get3A_566 = arith.constant 0 : index
    %get3A_567 = vector.load %arg1[%get3A_564, %get3A_565, %get3A_566] : memref<32x32x1024xf32, #tpu.memory_space<vmem>>, vector<1x32x1024xf32>
    %get3A_568 = vector.shape_cast %get3A_567 : vector<1x32x1024xf32> to vector<32x1024xf32>
    %exp3A_569 = math.exp %get3A_568 : vector<32x1024xf32>
    %convert_element_type3A_570 = arith.truncf %exp3A_569 : vector<32x1024xf32> to vector<32x1024xbf16>
    %dot_general3A_571 = arith.constant dense<0.000000e+00> : vector<32x256xf32>
    %dot_general3A_572 = tpu.matmul %convert_element_type3A_570, %reshape3A_563, %dot_general3A_571 {dimension_numbers = #tpu.dot_dimension_numbers<[1], [0], [0], [1], [0, 0, 1, 1], [], []>, transpose_lhs_hint = false} : vector<32x1024xbf16>, vector<1024x256xbf16>, vector<32x256xf32> -> vector<32x256xf32>
    %reduce_max3A_573 = arith.constant dense<0xFF800000> : vector<256xf32>
    %reduce_max3A_574 = vector.multi_reduction <maximumf>, %dot_general3A_572, %reduce_max3A_573 [0] : vector<32x256xf32> to vector<256xf32>
    %broadcast_in_dim3A_575 = vector.shape_cast %reduce_max3A_574 : vector<256xf32> to vector<1x256xf32>
    %add3A_576 = arith.addf %broadcast_in_dim3A_546, %broadcast_in_dim3A_549 : vector<1x256xf32>
    %log3A_577 = math.log %broadcast_in_dim3A_575 : vector<1x256xf32>
    %add3A_578 = arith.addf %add3A_576, %log3A_577 : vector<1x256xf32>
    %div3A_579 = arith.constant 1.000000e+00 : f32
    %div3A_580 = vector.broadcast %div3A_579 : f32 to vector<1x256xf32>
    %div3A_581 = arith.divf %div3A_580, %broadcast_in_dim3A_575 : vector<1x256xf32>
    %mul3A_582 = vector.broadcast %div3A_581 : vector<1x256xf32> to vector<32x256xf32>
    %mul3A_583 = arith.mulf %dot_general3A_572, %mul3A_582 : vector<32x256xf32>
    %convert_element_type3A_584 = arith.truncf %mul3A_583 : vector<32x256xf32> to vector<32x256xbf16>
    %swap3A_585 = arith.constant 10 : index
    %swap3A_586 = arith.constant 0 : index
    %swap3A_587 = arith.constant 0 : index
    %swap3A_588 = vector.load %arg9[%swap3A_585, %swap3A_586, %swap3A_587] : memref<32x32x256xbf16, #tpu.memory_space<vmem>>, vector<1x32x256xbf16>
    %swap3A_589 = vector.shape_cast %swap3A_588 : vector<1x32x256xbf16> to vector<32x256xbf16>
    %swap3A_590 = vector.shape_cast %convert_element_type3A_584 : vector<32x256xbf16> to vector<1x32x256xbf16>
    tpu.vector_store %arg9[%swap3A_585, %swap3A_586, %swap3A_587], %swap3A_590 {strides = array<i32>} : memref<32x32x256xbf16, #tpu.memory_space<vmem>>, vector<1x32x256xbf16>,
    %get3A_591 = arith.constant 5632 : index
    %get3A_592 = arith.constant 0 : index
    %get3A_593 = vector.load %arg0[%get3A_591, %get3A_592] : memref<16384x128xf32, #tpu.memory_space<vmem>>, vector<256x32xf32>
    %transpose3A_594 = tpu.transpose %get3A_593, [1, 0] : vector<256x32xf32> -> vector<32x256xf32>
    %get3A_595 = arith.constant 5888 : index
    %get3A_596 = arith.constant 0 : index
    %get3A_597 = vector.load %arg0[%get3A_595, %get3A_596] : memref<16384x128xf32, #tpu.memory_space<vmem>>, vector<256x32xf32>
    %transpose3A_598 = tpu.transpose %get3A_597, [1, 0] : vector<256x32xf32> -> vector<32x256xf32>
    %reduce_max3A_599 = arith.constant dense<0xFF800000> : vector<256xf32>
    %reduce_max3A_600 = vector.multi_reduction <maximumf>, %transpose3A_594, %reduce_max3A_599 [0] : vector<32x256xf32> to vector<256xf32>
    %broadcast_in_dim3A_601 = vector.shape_cast %reduce_max3A_600 : vector<256xf32> to vector<1x256xf32>
    %reduce_max3A_602 = arith.constant dense<0xFF800000> : vector<256xf32>
    %reduce_max3A_603 = vector.multi_reduction <maximumf>, %transpose3A_598, %reduce_max3A_602 [0] : vector<32x256xf32> to vector<256xf32>
    %broadcast_in_dim3A_604 = vector.shape_cast %reduce_max3A_603 : vector<256xf32> to vector<1x256xf32>
    %sub3A_605 = vector.broadcast %broadcast_in_dim3A_601 : vector<1x256xf32> to vector<32x256xf32>
    %sub3A_606 = arith.subf %transpose3A_594, %sub3A_605 : vector<32x256xf32>
    %exp3A_607 = math.exp %sub3A_606 : vector<32x256xf32>
    %convert_element_type3A_608 = arith.truncf %exp3A_607 : vector<32x256xf32> to vector<32x256xbf16>
    %sub3A_609 = vector.broadcast %broadcast_in_dim3A_604 : vector<1x256xf32> to vector<32x256xf32>
    %sub3A_610 = arith.subf %transpose3A_598, %sub3A_609 : vector<32x256xf32>
    %exp3A_611 = math.exp %sub3A_610 : vector<32x256xf32>
    %convert_element_type3A_612 = arith.truncf %exp3A_611 : vector<32x256xf32> to vector<32x256xbf16>
    %broadcast_in_dim3A_613 = vector.shape_cast %convert_element_type3A_608 : vector<32x256xbf16> to vector<32x1x256xbf16>
    %broadcast_in_dim3A_614 = vector.shape_cast %convert_element_type3A_612 : vector<32x256xbf16> to vector<1x32x256xbf16>
    %mul3A_615 = vector.broadcast %broadcast_in_dim3A_613 : vector<32x1x256xbf16> to vector<32x32x256xbf16>
    %mul3A_616 = vector.broadcast %broadcast_in_dim3A_614 : vector<1x32x256xbf16> to vector<32x32x256xbf16>
    %mul3A_617 = arith.mulf %mul3A_615, %mul3A_616 : vector<32x32x256xbf16>
    %reshape3A_618 = vector.shape_cast %mul3A_617 : vector<32x32x256xbf16> to vector<1024x256xbf16>
    %get3A_619 = arith.constant 11 : index
    %get3A_620 = arith.constant 0 : index
    %get3A_621 = arith.constant 0 : index
    %get3A_622 = vector.load %arg1[%get3A_619, %get3A_620, %get3A_621] : memref<32x32x1024xf32, #tpu.memory_space<vmem>>, vector<1x32x1024xf32>
    %get3A_623 = vector.shape_cast %get3A_622 : vector<1x32x1024xf32> to vector<32x1024xf32>
    %exp3A_624 = math.exp %get3A_623 : vector<32x1024xf32>
    %convert_element_type3A_625 = arith.truncf %exp3A_624 : vector<32x1024xf32> to vector<32x1024xbf16>
    %dot_general3A_626 = arith.constant dense<0.000000e+00> : vector<32x256xf32>
    %dot_general3A_627 = tpu.matmul %convert_element_type3A_625, %reshape3A_618, %dot_general3A_626 {dimension_numbers = #tpu.dot_dimension_numbers<[1], [0], [0], [1], [0, 0, 1, 1], [], []>, transpose_lhs_hint = false} : vector<32x1024xbf16>, vector<1024x256xbf16>, vector<32x256xf32> -> vector<32x256xf32>
    %reduce_max3A_628 = arith.constant dense<0xFF800000> : vector<256xf32>
    %reduce_max3A_629 = vector.multi_reduction <maximumf>, %dot_general3A_627, %reduce_max3A_628 [0] : vector<32x256xf32> to vector<256xf32>
    %broadcast_in_dim3A_630 = vector.shape_cast %reduce_max3A_629 : vector<256xf32> to vector<1x256xf32>
    %add3A_631 = arith.addf %broadcast_in_dim3A_601, %broadcast_in_dim3A_604 : vector<1x256xf32>
    %log3A_632 = math.log %broadcast_in_dim3A_630 : vector<1x256xf32>
    %add3A_633 = arith.addf %add3A_631, %log3A_632 : vector<1x256xf32>
    %div3A_634 = arith.constant 1.000000e+00 : f32
    %div3A_635 = vector.broadcast %div3A_634 : f32 to vector<1x256xf32>
    %div3A_636 = arith.divf %div3A_635, %broadcast_in_dim3A_630 : vector<1x256xf32>
    %mul3A_637 = vector.broadcast %div3A_636 : vector<1x256xf32> to vector<32x256xf32>
    %mul3A_638 = arith.mulf %dot_general3A_627, %mul3A_637 : vector<32x256xf32>
    %convert_element_type3A_639 = arith.truncf %mul3A_638 : vector<32x256xf32> to vector<32x256xbf16>
    %swap3A_640 = arith.constant 11 : index
    %swap3A_641 = arith.constant 0 : index
    %swap3A_642 = arith.constant 0 : index
    %swap3A_643 = vector.load %arg9[%swap3A_640, %swap3A_641, %swap3A_642] : memref<32x32x256xbf16, #tpu.memory_space<vmem>>, vector<1x32x256xbf16>
    %swap3A_644 = vector.shape_cast %swap3A_643 : vector<1x32x256xbf16> to vector<32x256xbf16>
    %swap3A_645 = vector.shape_cast %convert_element_type3A_639 : vector<32x256xbf16> to vector<1x32x256xbf16>
    tpu.vector_store %arg9[%swap3A_640, %swap3A_641, %swap3A_642], %swap3A_645 {strides = array<i32>} : memref<32x32x256xbf16, #tpu.memory_space<vmem>>, vector<1x32x256xbf16>,
    %get3A_646 = arith.constant 6144 : index
    %get3A_647 = arith.constant 0 : index
    %get3A_648 = vector.load %arg0[%get3A_646, %get3A_647] : memref<16384x128xf32, #tpu.memory_space<vmem>>, vector<256x32xf32>
    %transpose3A_649 = tpu.transpose %get3A_648, [1, 0] : vector<256x32xf32> -> vector<32x256xf32>
    %get3A_650 = arith.constant 6400 : index
    %get3A_651 = arith.constant 0 : index
    %get3A_652 = vector.load %arg0[%get3A_650, %get3A_651] : memref<16384x128xf32, #tpu.memory_space<vmem>>, vector<256x32xf32>
    %transpose3A_653 = tpu.transpose %get3A_652, [1, 0] : vector<256x32xf32> -> vector<32x256xf32>
    %reduce_max3A_654 = arith.constant dense<0xFF800000> : vector<256xf32>
    %reduce_max3A_655 = vector.multi_reduction <maximumf>, %transpose3A_649, %reduce_max3A_654 [0] : vector<32x256xf32> to vector<256xf32>
    %broadcast_in_dim3A_656 = vector.shape_cast %reduce_max3A_655 : vector<256xf32> to vector<1x256xf32>
    %reduce_max3A_657 = arith.constant dense<0xFF800000> : vector<256xf32>
    %reduce_max3A_658 = vector.multi_reduction <maximumf>, %transpose3A_653, %reduce_max3A_657 [0] : vector<32x256xf32> to vector<256xf32>
    %broadcast_in_dim3A_659 = vector.shape_cast %reduce_max3A_658 : vector<256xf32> to vector<1x256xf32>
    %sub3A_660 = vector.broadcast %broadcast_in_dim3A_656 : vector<1x256xf32> to vector<32x256xf32>
    %sub3A_661 = arith.subf %transpose3A_649, %sub3A_660 : vector<32x256xf32>
    %exp3A_662 = math.exp %sub3A_661 : vector<32x256xf32>
    %convert_element_type3A_663 = arith.truncf %exp3A_662 : vector<32x256xf32> to vector<32x256xbf16>
    %sub3A_664 = vector.broadcast %broadcast_in_dim3A_659 : vector<1x256xf32> to vector<32x256xf32>
    %sub3A_665 = arith.subf %transpose3A_653, %sub3A_664 : vector<32x256xf32>
    %exp3A_666 = math.exp %sub3A_665 : vector<32x256xf32>
    %convert_element_type3A_667 = arith.truncf %exp3A_666 : vector<32x256xf32> to vector<32x256xbf16>
    %broadcast_in_dim3A_668 = vector.shape_cast %convert_element_type3A_663 : vector<32x256xbf16> to vector<32x1x256xbf16>
    %broadcast_in_dim3A_669 = vector.shape_cast %convert_element_type3A_667 : vector<32x256xbf16> to vector<1x32x256xbf16>
    %mul3A_670 = vector.broadcast %broadcast_in_dim3A_668 : vector<32x1x256xbf16> to vector<32x32x256xbf16>
    %mul3A_671 = vector.broadcast %broadcast_in_dim3A_669 : vector<1x32x256xbf16> to vector<32x32x256xbf16>
    %mul3A_672 = arith.mulf %mul3A_670, %mul3A_671 : vector<32x32x256xbf16>
    %reshape3A_673 = vector.shape_cast %mul3A_672 : vector<32x32x256xbf16> to vector<1024x256xbf16>
    %get3A_674 = arith.constant 12 : index
    %get3A_675 = arith.constant 0 : index
    %get3A_676 = arith.constant 0 : index
    %get3A_677 = vector.load %arg1[%get3A_674, %get3A_675, %get3A_676] : memref<32x32x1024xf32, #tpu.memory_space<vmem>>, vector<1x32x1024xf32>
    %get3A_678 = vector.shape_cast %get3A_677 : vector<1x32x1024xf32> to vector<32x1024xf32>
    %exp3A_679 = math.exp %get3A_678 : vector<32x1024xf32>
    %convert_element_type3A_680 = arith.truncf %exp3A_679 : vector<32x1024xf32> to vector<32x1024xbf16>
    %dot_general3A_681 = arith.constant dense<0.000000e+00> : vector<32x256xf32>
    %dot_general3A_682 = tpu.matmul %convert_element_type3A_680, %reshape3A_673, %dot_general3A_681 {dimension_numbers = #tpu.dot_dimension_numbers<[1], [0], [0], [1], [0, 0, 1, 1], [], []>, transpose_lhs_hint = false} : vector<32x1024xbf16>, vector<1024x256xbf16>, vector<32x256xf32> -> vector<32x256xf32>
    %reduce_max3A_683 = arith.constant dense<0xFF800000> : vector<256xf32>
    %reduce_max3A_684 = vector.multi_reduction <maximumf>, %dot_general3A_682, %reduce_max3A_683 [0] : vector<32x256xf32> to vector<256xf32>
    %broadcast_in_dim3A_685 = vector.shape_cast %reduce_max3A_684 : vector<256xf32> to vector<1x256xf32>
    %add3A_686 = arith.addf %broadcast_in_dim3A_656, %broadcast_in_dim3A_659 : vector<1x256xf32>
    %log3A_687 = math.log %broadcast_in_dim3A_685 : vector<1x256xf32>
    %add3A_688 = arith.addf %add3A_686, %log3A_687 : vector<1x256xf32>
    %div3A_689 = arith.constant 1.000000e+00 : f32
    %div3A_690 = vector.broadcast %div3A_689 : f32 to vector<1x256xf32>
    %div3A_691 = arith.divf %div3A_690, %broadcast_in_dim3A_685 : vector<1x256xf32>
    %mul3A_692 = vector.broadcast %div3A_691 : vector<1x256xf32> to vector<32x256xf32>
    %mul3A_693 = arith.mulf %dot_general3A_682, %mul3A_692 : vector<32x256xf32>
    %convert_element_type3A_694 = arith.truncf %mul3A_693 : vector<32x256xf32> to vector<32x256xbf16>
    %swap3A_695 = arith.constant 12 : index
    %swap3A_696 = arith.constant 0 : index
    %swap3A_697 = arith.constant 0 : index
    %swap3A_698 = vector.load %arg9[%swap3A_695, %swap3A_696, %swap3A_697] : memref<32x32x256xbf16, #tpu.memory_space<vmem>>, vector<1x32x256xbf16>
    %swap3A_699 = vector.shape_cast %swap3A_698 : vector<1x32x256xbf16> to vector<32x256xbf16>
    %swap3A_700 = vector.shape_cast %convert_element_type3A_694 : vector<32x256xbf16> to vector<1x32x256xbf16>
    tpu.vector_store %arg9[%swap3A_695, %swap3A_696, %swap3A_697], %swap3A_700 {strides = array<i32>} : memref<32x32x256xbf16, #tpu.memory_space<vmem>>, vector<1x32x256xbf16>,
    %get3A_701 = arith.constant 6656 : index
    %get3A_702 = arith.constant 0 : index
    %get3A_703 = vector.load %arg0[%get3A_701, %get3A_702] : memref<16384x128xf32, #tpu.memory_space<vmem>>, vector<256x32xf32>
    %transpose3A_704 = tpu.transpose %get3A_703, [1, 0] : vector<256x32xf32> -> vector<32x256xf32>
    %get3A_705 = arith.constant 6912 : index
    %get3A_706 = arith.constant 0 : index
    %get3A_707 = vector.load %arg0[%get3A_705, %get3A_706] : memref<16384x128xf32, #tpu.memory_space<vmem>>, vector<256x32xf32>
    %transpose3A_708 = tpu.transpose %get3A_707, [1, 0] : vector<256x32xf32> -> vector<32x256xf32>
    %reduce_max3A_709 = arith.constant dense<0xFF800000> : vector<256xf32>
    %reduce_max3A_710 = vector.multi_reduction <maximumf>, %transpose3A_704, %reduce_max3A_709 [0] : vector<32x256xf32> to vector<256xf32>
    %broadcast_in_dim3A_711 = vector.shape_cast %reduce_max3A_710 : vector<256xf32> to vector<1x256xf32>
    %reduce_max3A_712 = arith.constant dense<0xFF800000> : vector<256xf32>
    %reduce_max3A_713 = vector.multi_reduction <maximumf>, %transpose3A_708, %reduce_max3A_712 [0] : vector<32x256xf32> to vector<256xf32>
    %broadcast_in_dim3A_714 = vector.shape_cast %reduce_max3A_713 : vector<256xf32> to vector<1x256xf32>
    %sub3A_715 = vector.broadcast %broadcast_in_dim3A_711 : vector<1x256xf32> to vector<32x256xf32>
    %sub3A_716 = arith.subf %transpose3A_704, %sub3A_715 : vector<32x256xf32>
    %exp3A_717 = math.exp %sub3A_716 : vector<32x256xf32>
    %convert_element_type3A_718 = arith.truncf %exp3A_717 : vector<32x256xf32> to vector<32x256xbf16>
    %sub3A_719 = vector.broadcast %broadcast_in_dim3A_714 : vector<1x256xf32> to vector<32x256xf32>
    %sub3A_720 = arith.subf %transpose3A_708, %sub3A_719 : vector<32x256xf32>
    %exp3A_721 = math.exp %sub3A_720 : vector<32x256xf32>
    %convert_element_type3A_722 = arith.truncf %exp3A_721 : vector<32x256xf32> to vector<32x256xbf16>
    %broadcast_in_dim3A_723 = vector.shape_cast %convert_element_type3A_718 : vector<32x256xbf16> to vector<32x1x256xbf16>
    %broadcast_in_dim3A_724 = vector.shape_cast %convert_element_type3A_722 : vector<32x256xbf16> to vector<1x32x256xbf16>
    %mul3A_725 = vector.broadcast %broadcast_in_dim3A_723 : vector<32x1x256xbf16> to vector<32x32x256xbf16>
    %mul3A_726 = vector.broadcast %broadcast_in_dim3A_724 : vector<1x32x256xbf16> to vector<32x32x256xbf16>
    %mul3A_727 = arith.mulf %mul3A_725, %mul3A_726 : vector<32x32x256xbf16>
    %reshape3A_728 = vector.shape_cast %mul3A_727 : vector<32x32x256xbf16> to vector<1024x256xbf16>
    %get3A_729 = arith.constant 13 : index
    %get3A_730 = arith.constant 0 : index
    %get3A_731 = arith.constant 0 : index
    %get3A_732 = vector.load %arg1[%get3A_729, %get3A_730, %get3A_731] : memref<32x32x1024xf32, #tpu.memory_space<vmem>>, vector<1x32x1024xf32>
    %get3A_733 = vector.shape_cast %get3A_732 : vector<1x32x1024xf32> to vector<32x1024xf32>
    %exp3A_734 = math.exp %get3A_733 : vector<32x1024xf32>
    %convert_element_type3A_735 = arith.truncf %exp3A_734 : vector<32x1024xf32> to vector<32x1024xbf16>
    %dot_general3A_736 = arith.constant dense<0.000000e+00> : vector<32x256xf32>
    %dot_general3A_737 = tpu.matmul %convert_element_type3A_735, %reshape3A_728, %dot_general3A_736 {dimension_numbers = #tpu.dot_dimension_numbers<[1], [0], [0], [1], [0, 0, 1, 1], [], []>, transpose_lhs_hint = false} : vector<32x1024xbf16>, vector<1024x256xbf16>, vector<32x256xf32> -> vector<32x256xf32>
    %reduce_max3A_738 = arith.constant dense<0xFF800000> : vector<256xf32>
    %reduce_max3A_739 = vector.multi_reduction <maximumf>, %dot_general3A_737, %reduce_max3A_738 [0] : vector<32x256xf32> to vector<256xf32>
    %broadcast_in_dim3A_740 = vector.shape_cast %reduce_max3A_739 : vector<256xf32> to vector<1x256xf32>
    %add3A_741 = arith.addf %broadcast_in_dim3A_711, %broadcast_in_dim3A_714 : vector<1x256xf32>
    %log3A_742 = math.log %broadcast_in_dim3A_740 : vector<1x256xf32>
    %add3A_743 = arith.addf %add3A_741, %log3A_742 : vector<1x256xf32>
    %div3A_744 = arith.constant 1.000000e+00 : f32
    %div3A_745 = vector.broadcast %div3A_744 : f32 to vector<1x256xf32>
    %div3A_746 = arith.divf %div3A_745, %broadcast_in_dim3A_740 : vector<1x256xf32>
    %mul3A_747 = vector.broadcast %div3A_746 : vector<1x256xf32> to vector<32x256xf32>
    %mul3A_748 = arith.mulf %dot_general3A_737, %mul3A_747 : vector<32x256xf32>
    %convert_element_type3A_749 = arith.truncf %mul3A_748 : vector<32x256xf32> to vector<32x256xbf16>
    %swap3A_750 = arith.constant 13 : index
    %swap3A_751 = arith.constant 0 : index
    %swap3A_752 = arith.constant 0 : index
    %swap3A_753 = vector.load %arg9[%swap3A_750, %swap3A_751, %swap3A_752] : memref<32x32x256xbf16, #tpu.memory_space<vmem>>, vector<1x32x256xbf16>
    %swap3A_754 = vector.shape_cast %swap3A_753 : vector<1x32x256xbf16> to vector<32x256xbf16>
    %swap3A_755 = vector.shape_cast %convert_element_type3A_749 : vector<32x256xbf16> to vector<1x32x256xbf16>
    tpu.vector_store %arg9[%swap3A_750, %swap3A_751, %swap3A_752], %swap3A_755 {strides = array<i32>} : memref<32x32x256xbf16, #tpu.memory_space<vmem>>, vector<1x32x256xbf16>,
    %get3A_756 = arith.constant 7168 : index
    %get3A_757 = arith.constant 0 : index
    %get3A_758 = vector.load %arg0[%get3A_756, %get3A_757] : memref<16384x128xf32, #tpu.memory_space<vmem>>, vector<256x32xf32>
    %transpose3A_759 = tpu.transpose %get3A_758, [1, 0] : vector<256x32xf32> -> vector<32x256xf32>
    %get3A_760 = arith.constant 7424 : index
    %get3A_761 = arith.constant 0 : index
    %get3A_762 = vector.load %arg0[%get3A_760, %get3A_761] : memref<16384x128xf32, #tpu.memory_space<vmem>>, vector<256x32xf32>
    %transpose3A_763 = tpu.transpose %get3A_762, [1, 0] : vector<256x32xf32> -> vector<32x256xf32>
    %reduce_max3A_764 = arith.constant dense<0xFF800000> : vector<256xf32>
    %reduce_max3A_765 = vector.multi_reduction <maximumf>, %transpose3A_759, %reduce_max3A_764 [0] : vector<32x256xf32> to vector<256xf32>
    %broadcast_in_dim3A_766 = vector.shape_cast %reduce_max3A_765 : vector<256xf32> to vector<1x256xf32>
    %reduce_max3A_767 = arith.constant dense<0xFF800000> : vector<256xf32>
    %reduce_max3A_768 = vector.multi_reduction <maximumf>, %transpose3A_763, %reduce_max3A_767 [0] : vector<32x256xf32> to vector<256xf32>
    %broadcast_in_dim3A_769 = vector.shape_cast %reduce_max3A_768 : vector<256xf32> to vector<1x256xf32>
    %sub3A_770 = vector.broadcast %broadcast_in_dim3A_766 : vector<1x256xf32> to vector<32x256xf32>
    %sub3A_771 = arith.subf %transpose3A_759, %sub3A_770 : vector<32x256xf32>
    %exp3A_772 = math.exp %sub3A_771 : vector<32x256xf32>
    %convert_element_type3A_773 = arith.truncf %exp3A_772 : vector<32x256xf32> to vector<32x256xbf16>
    %sub3A_774 = vector.broadcast %broadcast_in_dim3A_769 : vector<1x256xf32> to vector<32x256xf32>
    %sub3A_775 = arith.subf %transpose3A_763, %sub3A_774 : vector<32x256xf32>
    %exp3A_776 = math.exp %sub3A_775 : vector<32x256xf32>
    %convert_element_type3A_777 = arith.truncf %exp3A_776 : vector<32x256xf32> to vector<32x256xbf16>
    %broadcast_in_dim3A_778 = vector.shape_cast %convert_element_type3A_773 : vector<32x256xbf16> to vector<32x1x256xbf16>
    %broadcast_in_dim3A_779 = vector.shape_cast %convert_element_type3A_777 : vector<32x256xbf16> to vector<1x32x256xbf16>
    %mul3A_780 = vector.broadcast %broadcast_in_dim3A_778 : vector<32x1x256xbf16> to vector<32x32x256xbf16>
    %mul3A_781 = vector.broadcast %broadcast_in_dim3A_779 : vector<1x32x256xbf16> to vector<32x32x256xbf16>
    %mul3A_782 = arith.mulf %mul3A_780, %mul3A_781 : vector<32x32x256xbf16>
    %reshape3A_783 = vector.shape_cast %mul3A_782 : vector<32x32x256xbf16> to vector<1024x256xbf16>
    %get3A_784 = arith.constant 14 : index
    %get3A_785 = arith.constant 0 : index
    %get3A_786 = arith.constant 0 : index
    %get3A_787 = vector.load %arg1[%get3A_784, %get3A_785, %get3A_786] : memref<32x32x1024xf32, #tpu.memory_space<vmem>>, vector<1x32x1024xf32>
    %get3A_788 = vector.shape_cast %get3A_787 : vector<1x32x1024xf32> to vector<32x1024xf32>
    %exp3A_789 = math.exp %get3A_788 : vector<32x1024xf32>
    %convert_element_type3A_790 = arith.truncf %exp3A_789 : vector<32x1024xf32> to vector<32x1024xbf16>
    %dot_general3A_791 = arith.constant dense<0.000000e+00> : vector<32x256xf32>
    %dot_general3A_792 = tpu.matmul %convert_element_type3A_790, %reshape3A_783, %dot_general3A_791 {dimension_numbers = #tpu.dot_dimension_numbers<[1], [0], [0], [1], [0, 0, 1, 1], [], []>, transpose_lhs_hint = false} : vector<32x1024xbf16>, vector<1024x256xbf16>, vector<32x256xf32> -> vector<32x256xf32>
    %reduce_max3A_793 = arith.constant dense<0xFF800000> : vector<256xf32>
    %reduce_max3A_794 = vector.multi_reduction <maximumf>, %dot_general3A_792, %reduce_max3A_793 [0] : vector<32x256xf32> to vector<256xf32>
    %broadcast_in_dim3A_795 = vector.shape_cast %reduce_max3A_794 : vector<256xf32> to vector<1x256xf32>
    %add3A_796 = arith.addf %broadcast_in_dim3A_766, %broadcast_in_dim3A_769 : vector<1x256xf32>
    %log3A_797 = math.log %broadcast_in_dim3A_795 : vector<1x256xf32>
    %add3A_798 = arith.addf %add3A_796, %log3A_797 : vector<1x256xf32>
    %div3A_799 = arith.constant 1.000000e+00 : f32
    %div3A_800 = vector.broadcast %div3A_799 : f32 to vector<1x256xf32>
    %div3A_801 = arith.divf %div3A_800, %broadcast_in_dim3A_795 : vector<1x256xf32>
    %mul3A_802 = vector.broadcast %div3A_801 : vector<1x256xf32> to vector<32x256xf32>
    %mul3A_803 = arith.mulf %dot_general3A_792, %mul3A_802 : vector<32x256xf32>
    %convert_element_type3A_804 = arith.truncf %mul3A_803 : vector<32x256xf32> to vector<32x256xbf16>
    %swap3A_805 = arith.constant 14 : index
    %swap3A_806 = arith.constant 0 : index
    %swap3A_807 = arith.constant 0 : index
    %swap3A_808 = vector.load %arg9[%swap3A_805, %swap3A_806, %swap3A_807] : memref<32x32x256xbf16, #tpu.memory_space<vmem>>, vector<1x32x256xbf16>
    %swap3A_809 = vector.shape_cast %swap3A_808 : vector<1x32x256xbf16> to vector<32x256xbf16>
    %swap3A_810 = vector.shape_cast %convert_element_type3A_804 : vector<32x256xbf16> to vector<1x32x256xbf16>
    tpu.vector_store %arg9[%swap3A_805, %swap3A_806, %swap3A_807], %swap3A_810 {strides = array<i32>} : memref<32x32x256xbf16, #tpu.memory_space<vmem>>, vector<1x32x256xbf16>,
    %get3A_811 = arith.constant 7680 : index
    %get3A_812 = arith.constant 0 : index
    %get3A_813 = vector.load %arg0[%get3A_811, %get3A_812] : memref<16384x128xf32, #tpu.memory_space<vmem>>, vector<256x32xf32>
    %transpose3A_814 = tpu.transpose %get3A_813, [1, 0] : vector<256x32xf32> -> vector<32x256xf32>
    %get3A_815 = arith.constant 7936 : index
    %get3A_816 = arith.constant 0 : index
    %get3A_817 = vector.load %arg0[%get3A_815, %get3A_816] : memref<16384x128xf32, #tpu.memory_space<vmem>>, vector<256x32xf32>
    %transpose3A_818 = tpu.transpose %get3A_817, [1, 0] : vector<256x32xf32> -> vector<32x256xf32>
    %reduce_max3A_819 = arith.constant dense<0xFF800000> : vector<256xf32>
    %reduce_max3A_820 = vector.multi_reduction <maximumf>, %transpose3A_814, %reduce_max3A_819 [0] : vector<32x256xf32> to vector<256xf32>
    %broadcast_in_dim3A_821 = vector.shape_cast %reduce_max3A_820 : vector<256xf32> to vector<1x256xf32>
    %reduce_max3A_822 = arith.constant dense<0xFF800000> : vector<256xf32>
    %reduce_max3A_823 = vector.multi_reduction <maximumf>, %transpose3A_818, %reduce_max3A_822 [0] : vector<32x256xf32> to vector<256xf32>
    %broadcast_in_dim3A_824 = vector.shape_cast %reduce_max3A_823 : vector<256xf32> to vector<1x256xf32>
    %sub3A_825 = vector.broadcast %broadcast_in_dim3A_821 : vector<1x256xf32> to vector<32x256xf32>
    %sub3A_826 = arith.subf %transpose3A_814, %sub3A_825 : vector<32x256xf32>
    %exp3A_827 = math.exp %sub3A_826 : vector<32x256xf32>
    %convert_element_type3A_828 = arith.truncf %exp3A_827 : vector<32x256xf32> to vector<32x256xbf16>
    %sub3A_829 = vector.broadcast %broadcast_in_dim3A_824 : vector<1x256xf32> to vector<32x256xf32>
    %sub3A_830 = arith.subf %transpose3A_818, %sub3A_829 : vector<32x256xf32>
    %exp3A_831 = math.exp %sub3A_830 : vector<32x256xf32>
    %convert_element_type3A_832 = arith.truncf %exp3A_831 : vector<32x256xf32> to vector<32x256xbf16>
    %broadcast_in_dim3A_833 = vector.shape_cast %convert_element_type3A_828 : vector<32x256xbf16> to vector<32x1x256xbf16>
    %broadcast_in_dim3A_834 = vector.shape_cast %convert_element_type3A_832 : vector<32x256xbf16> to vector<1x32x256xbf16>
    %mul3A_835 = vector.broadcast %broadcast_in_dim3A_833 : vector<32x1x256xbf16> to vector<32x32x256xbf16>
    %mul3A_836 = vector.broadcast %broadcast_in_dim3A_834 : vector<1x32x256xbf16> to vector<32x32x256xbf16>
    %mul3A_837 = arith.mulf %mul3A_835, %mul3A_836 : vector<32x32x256xbf16>
    %reshape3A_838 = vector.shape_cast %mul3A_837 : vector<32x32x256xbf16> to vector<1024x256xbf16>
    %get3A_839 = arith.constant 15 : index
    %get3A_840 = arith.constant 0 : index
    %get3A_841 = arith.constant 0 : index
    %get3A_842 = vector.load %arg1[%get3A_839, %get3A_840, %get3A_841] : memref<32x32x1024xf32, #tpu.memory_space<vmem>>, vector<1x32x1024xf32>
    %get3A_843 = vector.shape_cast %get3A_842 : vector<1x32x1024xf32> to vector<32x1024xf32>
    %exp3A_844 = math.exp %get3A_843 : vector<32x1024xf32>
    %convert_element_type3A_845 = arith.truncf %exp3A_844 : vector<32x1024xf32> to vector<32x1024xbf16>
    %dot_general3A_846 = arith.constant dense<0.000000e+00> : vector<32x256xf32>
    %dot_general3A_847 = tpu.matmul %convert_element_type3A_845, %reshape3A_838, %dot_general3A_846 {dimension_numbers = #tpu.dot_dimension_numbers<[1], [0], [0], [1], [0, 0, 1, 1], [], []>, transpose_lhs_hint = false} : vector<32x1024xbf16>, vector<1024x256xbf16>, vector<32x256xf32> -> vector<32x256xf32>
    %reduce_max3A_848 = arith.constant dense<0xFF800000> : vector<256xf32>
    %reduce_max3A_849 = vector.multi_reduction <maximumf>, %dot_general3A_847, %reduce_max3A_848 [0] : vector<32x256xf32> to vector<256xf32>
    %broadcast_in_dim3A_850 = vector.shape_cast %reduce_max3A_849 : vector<256xf32> to vector<1x256xf32>
    %add3A_851 = arith.addf %broadcast_in_dim3A_821, %broadcast_in_dim3A_824 : vector<1x256xf32>
    %log3A_852 = math.log %broadcast_in_dim3A_850 : vector<1x256xf32>
    %add3A_853 = arith.addf %add3A_851, %log3A_852 : vector<1x256xf32>
    %div3A_854 = arith.constant 1.000000e+00 : f32
    %div3A_855 = vector.broadcast %div3A_854 : f32 to vector<1x256xf32>
    %div3A_856 = arith.divf %div3A_855, %broadcast_in_dim3A_850 : vector<1x256xf32>
    %mul3A_857 = vector.broadcast %div3A_856 : vector<1x256xf32> to vector<32x256xf32>
    %mul3A_858 = arith.mulf %dot_general3A_847, %mul3A_857 : vector<32x256xf32>
    %convert_element_type3A_859 = arith.truncf %mul3A_858 : vector<32x256xf32> to vector<32x256xbf16>
    %swap3A_860 = arith.constant 15 : index
    %swap3A_861 = arith.constant 0 : index
    %swap3A_862 = arith.constant 0 : index
    %swap3A_863 = vector.load %arg9[%swap3A_860, %swap3A_861, %swap3A_862] : memref<32x32x256xbf16, #tpu.memory_space<vmem>>, vector<1x32x256xbf16>
    %swap3A_864 = vector.shape_cast %swap3A_863 : vector<1x32x256xbf16> to vector<32x256xbf16>
    %swap3A_865 = vector.shape_cast %convert_element_type3A_859 : vector<32x256xbf16> to vector<1x32x256xbf16>
    tpu.vector_store %arg9[%swap3A_860, %swap3A_861, %swap3A_862], %swap3A_865 {strides = array<i32>} : memref<32x32x256xbf16, #tpu.memory_space<vmem>>, vector<1x32x256xbf16>,
    %get3A_866 = arith.constant 8192 : index
    %get3A_867 = arith.constant 0 : index
    %get3A_868 = vector.load %arg0[%get3A_866, %get3A_867] : memref<16384x128xf32, #tpu.memory_space<vmem>>, vector<256x32xf32>
    %transpose3A_869 = tpu.transpose %get3A_868, [1, 0] : vector<256x32xf32> -> vector<32x256xf32>
    %get3A_870 = arith.constant 8448 : index
    %get3A_871 = arith.constant 0 : index
    %get3A_872 = vector.load %arg0[%get3A_870, %get3A_871] : memref<16384x128xf32, #tpu.memory_space<vmem>>, vector<256x32xf32>
    %transpose3A_873 = tpu.transpose %get3A_872, [1, 0] : vector<256x32xf32> -> vector<32x256xf32>
    %reduce_max3A_874 = arith.constant dense<0xFF800000> : vector<256xf32>
    %reduce_max3A_875 = vector.multi_reduction <maximumf>, %transpose3A_869, %reduce_max3A_874 [0] : vector<32x256xf32> to vector<256xf32>
    %broadcast_in_dim3A_876 = vector.shape_cast %reduce_max3A_875 : vector<256xf32> to vector<1x256xf32>
    %reduce_max3A_877 = arith.constant dense<0xFF800000> : vector<256xf32>
    %reduce_max3A_878 = vector.multi_reduction <maximumf>, %transpose3A_873, %reduce_max3A_877 [0] : vector<32x256xf32> to vector<256xf32>
    %broadcast_in_dim3A_879 = vector.shape_cast %reduce_max3A_878 : vector<256xf32> to vector<1x256xf32>
    %sub3A_880 = vector.broadcast %broadcast_in_dim3A_876 : vector<1x256xf32> to vector<32x256xf32>
    %sub3A_881 = arith.subf %transpose3A_869, %sub3A_880 : vector<32x256xf32>
    %exp3A_882 = math.exp %sub3A_881 : vector<32x256xf32>
    %convert_element_type3A_883 = arith.truncf %exp3A_882 : vector<32x256xf32> to vector<32x256xbf16>
    %sub3A_884 = vector.broadcast %broadcast_in_dim3A_879 : vector<1x256xf32> to vector<32x256xf32>
    %sub3A_885 = arith.subf %transpose3A_873, %sub3A_884 : vector<32x256xf32>
    %exp3A_886 = math.exp %sub3A_885 : vector<32x256xf32>
    %convert_element_type3A_887 = arith.truncf %exp3A_886 : vector<32x256xf32> to vector<32x256xbf16>
    %broadcast_in_dim3A_888 = vector.shape_cast %convert_element_type3A_883 : vector<32x256xbf16> to vector<32x1x256xbf16>
    %broadcast_in_dim3A_889 = vector.shape_cast %convert_element_type3A_887 : vector<32x256xbf16> to vector<1x32x256xbf16>
    %mul3A_890 = vector.broadcast %broadcast_in_dim3A_888 : vector<32x1x256xbf16> to vector<32x32x256xbf16>
    %mul3A_891 = vector.broadcast %broadcast_in_dim3A_889 : vector<1x32x256xbf16> to vector<32x32x256xbf16>
    %mul3A_892 = arith.mulf %mul3A_890, %mul3A_891 : vector<32x32x256xbf16>
    %reshape3A_893 = vector.shape_cast %mul3A_892 : vector<32x32x256xbf16> to vector<1024x256xbf16>
    %get3A_894 = arith.constant 16 : index
    %get3A_895 = arith.constant 0 : index
    %get3A_896 = arith.constant 0 : index
    %get3A_897 = vector.load %arg1[%get3A_894, %get3A_895, %get3A_896] : memref<32x32x1024xf32, #tpu.memory_space<vmem>>, vector<1x32x1024xf32>
    %get3A_898 = vector.shape_cast %get3A_897 : vector<1x32x1024xf32> to vector<32x1024xf32>
    %exp3A_899 = math.exp %get3A_898 : vector<32x1024xf32>
    %convert_element_type3A_900 = arith.truncf %exp3A_899 : vector<32x1024xf32> to vector<32x1024xbf16>
    %dot_general3A_901 = arith.constant dense<0.000000e+00> : vector<32x256xf32>
    %dot_general3A_902 = tpu.matmul %convert_element_type3A_900, %reshape3A_893, %dot_general3A_901 {dimension_numbers = #tpu.dot_dimension_numbers<[1], [0], [0], [1], [0, 0, 1, 1], [], []>, transpose_lhs_hint = false} : vector<32x1024xbf16>, vector<1024x256xbf16>, vector<32x256xf32> -> vector<32x256xf32>
    %reduce_max3A_903 = arith.constant dense<0xFF800000> : vector<256xf32>
    %reduce_max3A_904 = vector.multi_reduction <maximumf>, %dot_general3A_902, %reduce_max3A_903 [0] : vector<32x256xf32> to vector<256xf32>
    %broadcast_in_dim3A_905 = vector.shape_cast %reduce_max3A_904 : vector<256xf32> to vector<1x256xf32>
    %add3A_906 = arith.addf %broadcast_in_dim3A_876, %broadcast_in_dim3A_879 : vector<1x256xf32>
    %log3A_907 = math.log %broadcast_in_dim3A_905 : vector<1x256xf32>
    %add3A_908 = arith.addf %add3A_906, %log3A_907 : vector<1x256xf32>
    %div3A_909 = arith.constant 1.000000e+00 : f32
    %div3A_910 = vector.broadcast %div3A_909 : f32 to vector<1x256xf32>
    %div3A_911 = arith.divf %div3A_910, %broadcast_in_dim3A_905 : vector<1x256xf32>
    %mul3A_912 = vector.broadcast %div3A_911 : vector<1x256xf32> to vector<32x256xf32>
    %mul3A_913 = arith.mulf %dot_general3A_902, %mul3A_912 : vector<32x256xf32>
    %convert_element_type3A_914 = arith.truncf %mul3A_913 : vector<32x256xf32> to vector<32x256xbf16>
    %swap3A_915 = arith.constant 16 : index
    %swap3A_916 = arith.constant 0 : index
    %swap3A_917 = arith.constant 0 : index
    %swap3A_918 = vector.load %arg9[%swap3A_915, %swap3A_916, %swap3A_917] : memref<32x32x256xbf16, #tpu.memory_space<vmem>>, vector<1x32x256xbf16>
    %swap3A_919 = vector.shape_cast %swap3A_918 : vector<1x32x256xbf16> to vector<32x256xbf16>
    %swap3A_920 = vector.shape_cast %convert_element_type3A_914 : vector<32x256xbf16> to vector<1x32x256xbf16>
    tpu.vector_store %arg9[%swap3A_915, %swap3A_916, %swap3A_917], %swap3A_920 {strides = array<i32>} : memref<32x32x256xbf16, #tpu.memory_space<vmem>>, vector<1x32x256xbf16>,
    %get3A_921 = arith.constant 8704 : index
    %get3A_922 = arith.constant 0 : index
    %get3A_923 = vector.load %arg0[%get3A_921, %get3A_922] : memref<16384x128xf32, #tpu.memory_space<vmem>>, vector<256x32xf32>
    %transpose3A_924 = tpu.transpose %get3A_923, [1, 0] : vector<256x32xf32> -> vector<32x256xf32>
    %get3A_925 = arith.constant 8960 : index
    %get3A_926 = arith.constant 0 : index
    %get3A_927 = vector.load %arg0[%get3A_925, %get3A_926] : memref<16384x128xf32, #tpu.memory_space<vmem>>, vector<256x32xf32>
    %transpose3A_928 = tpu.transpose %get3A_927, [1, 0] : vector<256x32xf32> -> vector<32x256xf32>
    %reduce_max3A_929 = arith.constant dense<0xFF800000> : vector<256xf32>
    %reduce_max3A_930 = vector.multi_reduction <maximumf>, %transpose3A_924, %reduce_max3A_929 [0] : vector<32x256xf32> to vector<256xf32>
    %broadcast_in_dim3A_931 = vector.shape_cast %reduce_max3A_930 : vector<256xf32> to vector<1x256xf32>
    %reduce_max3A_932 = arith.constant dense<0xFF800000> : vector<256xf32>
    %reduce_max3A_933 = vector.multi_reduction <maximumf>, %transpose3A_928, %reduce_max3A_932 [0] : vector<32x256xf32> to vector<256xf32>
    %broadcast_in_dim3A_934 = vector.shape_cast %reduce_max3A_933 : vector<256xf32> to vector<1x256xf32>
    %sub3A_935 = vector.broadcast %broadcast_in_dim3A_931 : vector<1x256xf32> to vector<32x256xf32>
    %sub3A_936 = arith.subf %transpose3A_924, %sub3A_935 : vector<32x256xf32>
    %exp3A_937 = math.exp %sub3A_936 : vector<32x256xf32>
    %convert_element_type3A_938 = arith.truncf %exp3A_937 : vector<32x256xf32> to vector<32x256xbf16>
    %sub3A_939 = vector.broadcast %broadcast_in_dim3A_934 : vector<1x256xf32> to vector<32x256xf32>
    %sub3A_940 = arith.subf %transpose3A_928, %sub3A_939 : vector<32x256xf32>
    %exp3A_941 = math.exp %sub3A_940 : vector<32x256xf32>
    %convert_element_type3A_942 = arith.truncf %exp3A_941 : vector<32x256xf32> to vector<32x256xbf16>
    %broadcast_in_dim3A_943 = vector.shape_cast %convert_element_type3A_938 : vector<32x256xbf16> to vector<32x1x256xbf16>
    %broadcast_in_dim3A_944 = vector.shape_cast %convert_element_type3A_942 : vector<32x256xbf16> to vector<1x32x256xbf16>
    %mul3A_945 = vector.broadcast %broadcast_in_dim3A_943 : vector<32x1x256xbf16> to vector<32x32x256xbf16>
    %mul3A_946 = vector.broadcast %broadcast_in_dim3A_944 : vector<1x32x256xbf16> to vector<32x32x256xbf16>
    %mul3A_947 = arith.mulf %mul3A_945, %mul3A_946 : vector<32x32x256xbf16>
    %reshape3A_948 = vector.shape_cast %mul3A_947 : vector<32x32x256xbf16> to vector<1024x256xbf16>
    %get3A_949 = arith.constant 17 : index
    %get3A_950 = arith.constant 0 : index
    %get3A_951 = arith.constant 0 : index
    %get3A_952 = vector.load %arg1[%get3A_949, %get3A_950, %get3A_951] : memref<32x32x1024xf32, #tpu.memory_space<vmem>>, vector<1x32x1024xf32>
    %get3A_953 = vector.shape_cast %get3A_952 : vector<1x32x1024xf32> to vector<32x1024xf32>
    %exp3A_954 = math.exp %get3A_953 : vector<32x1024xf32>
    %convert_element_type3A_955 = arith.truncf %exp3A_954 : vector<32x1024xf32> to vector<32x1024xbf16>
    %dot_general3A_956 = arith.constant dense<0.000000e+00> : vector<32x256xf32>
    %dot_general3A_957 = tpu.matmul %convert_element_type3A_955, %reshape3A_948, %dot_general3A_956 {dimension_numbers = #tpu.dot_dimension_numbers<[1], [0], [0], [1], [0, 0, 1, 1], [], []>, transpose_lhs_hint = false} : vector<32x1024xbf16>, vector<1024x256xbf16>, vector<32x256xf32> -> vector<32x256xf32>
    %reduce_max3A_958 = arith.constant dense<0xFF800000> : vector<256xf32>
    %reduce_max3A_959 = vector.multi_reduction <maximumf>, %dot_general3A_957, %reduce_max3A_958 [0] : vector<32x256xf32> to vector<256xf32>
    %broadcast_in_dim3A_960 = vector.shape_cast %reduce_max3A_959 : vector<256xf32> to vector<1x256xf32>
    %add3A_961 = arith.addf %broadcast_in_dim3A_931, %broadcast_in_dim3A_934 : vector<1x256xf32>
    %log3A_962 = math.log %broadcast_in_dim3A_960 : vector<1x256xf32>
    %add3A_963 = arith.addf %add3A_961, %log3A_962 : vector<1x256xf32>
    %div3A_964 = arith.constant 1.000000e+00 : f32
    %div3A_965 = vector.broadcast %div3A_964 : f32 to vector<1x256xf32>
    %div3A_966 = arith.divf %div3A_965, %broadcast_in_dim3A_960 : vector<1x256xf32>
    %mul3A_967 = vector.broadcast %div3A_966 : vector<1x256xf32> to vector<32x256xf32>
    %mul3A_968 = arith.mulf %dot_general3A_957, %mul3A_967 : vector<32x256xf32>
    %convert_element_type3A_969 = arith.truncf %mul3A_968 : vector<32x256xf32> to vector<32x256xbf16>
    %swap3A_970 = arith.constant 17 : index
    %swap3A_971 = arith.constant 0 : index
    %swap3A_972 = arith.constant 0 : index
    %swap3A_973 = vector.load %arg9[%swap3A_970, %swap3A_971, %swap3A_972] : memref<32x32x256xbf16, #tpu.memory_space<vmem>>, vector<1x32x256xbf16>
    %swap3A_974 = vector.shape_cast %swap3A_973 : vector<1x32x256xbf16> to vector<32x256xbf16>
    %swap3A_975 = vector.shape_cast %convert_element_type3A_969 : vector<32x256xbf16> to vector<1x32x256xbf16>
    tpu.vector_store %arg9[%swap3A_970, %swap3A_971, %swap3A_972], %swap3A_975 {strides = array<i32>} : memref<32x32x256xbf16, #tpu.memory_space<vmem>>, vector<1x32x256xbf16>,
    %get3A_976 = arith.constant 9216 : index
    %get3A_977 = arith.constant 0 : index
    %get3A_978 = vector.load %arg0[%get3A_976, %get3A_977] : memref<16384x128xf32, #tpu.memory_space<vmem>>, vector<256x32xf32>
    %transpose3A_979 = tpu.transpose %get3A_978, [1, 0] : vector<256x32xf32> -> vector<32x256xf32>
    %get3A_980 = arith.constant 9472 : index
    %get3A_981 = arith.constant 0 : index
    %get3A_982 = vector.load %arg0[%get3A_980, %get3A_981] : memref<16384x128xf32, #tpu.memory_space<vmem>>, vector<256x32xf32>
    %transpose3A_983 = tpu.transpose %get3A_982, [1, 0] : vector<256x32xf32> -> vector<32x256xf32>
    %reduce_max3A_984 = arith.constant dense<0xFF800000> : vector<256xf32>
    %reduce_max3A_985 = vector.multi_reduction <maximumf>, %transpose3A_979, %reduce_max3A_984 [0] : vector<32x256xf32> to vector<256xf32>
    %broadcast_in_dim3A_986 = vector.shape_cast %reduce_max3A_985 : vector<256xf32> to vector<1x256xf32>
    %reduce_max3A_987 = arith.constant dense<0xFF800000> : vector<256xf32>
    %reduce_max3A_988 = vector.multi_reduction <maximumf>, %transpose3A_983, %reduce_max3A_987 [0] : vector<32x256xf32> to vector<256xf32>
    %broadcast_in_dim3A_989 = vector.shape_cast %reduce_max3A_988 : vector<256xf32> to vector<1x256xf32>
    %sub3A_990 = vector.broadcast %broadcast_in_dim3A_986 : vector<1x256xf32> to vector<32x256xf32>
    %sub3A_991 = arith.subf %transpose3A_979, %sub3A_990 : vector<32x256xf32>
    %exp3A_992 = math.exp %sub3A_991 : vector<32x256xf32>
    %convert_element_type3A_993 = arith.truncf %exp3A_992 : vector<32x256xf32> to vector<32x256xbf16>
    %sub3A_994 = vector.broadcast %broadcast_in_dim3A_989 : vector<1x256xf32> to vector<32x256xf32>
    %sub3A_995 = arith.subf %transpose3A_983, %sub3A_994 : vector<32x256xf32>
    %exp3A_996 = math.exp %sub3A_995 : vector<32x256xf32>
    %convert_element_type3A_997 = arith.truncf %exp3A_996 : vector<32x256xf32> to vector<32x256xbf16>
    %broadcast_in_dim3A_998 = vector.shape_cast %convert_element_type3A_993 : vector<32x256xbf16> to vector<32x1x256xbf16>
    %broadcast_in_dim3A_999 = vector.shape_cast %convert_element_type3A_997 : vector<32x256xbf16> to vector<1x32x256xbf16>
    %mul3A_1000 = vector.broadcast %broadcast_in_dim3A_998 : vector<32x1x256xbf16> to vector<32x32x256xbf16>
    %mul3A_1001 = vector.broadcast %broadcast_in_dim3A_999 : vector<1x32x256xbf16> to vector<32x32x256xbf16>
    %mul3A_1002 = arith.mulf %mul3A_1000, %mul3A_1001 : vector<32x32x256xbf16>
    %reshape3A_1003 = vector.shape_cast %mul3A_1002 : vector<32x32x256xbf16> to vector<1024x256xbf16>
    %get3A_1004 = arith.constant 18 : index
    %get3A_1005 = arith.constant 0 : index
    %get3A_1006 = arith.constant 0 : index
    %get3A_1007 = vector.load %arg1[%get3A_1004, %get3A_1005, %get3A_1006] : memref<32x32x1024xf32, #tpu.memory_space<vmem>>, vector<1x32x1024xf32>
    %get3A_1008 = vector.shape_cast %get3A_1007 : vector<1x32x1024xf32> to vector<32x1024xf32>
    %exp3A_1009 = math.exp %get3A_1008 : vector<32x1024xf32>
    %convert_element_type3A_1010 = arith.truncf %exp3A_1009 : vector<32x1024xf32> to vector<32x1024xbf16>
    %dot_general3A_1011 = arith.constant dense<0.000000e+00> : vector<32x256xf32>
    %dot_general3A_1012 = tpu.matmul %convert_element_type3A_1010, %reshape3A_1003, %dot_general3A_1011 {dimension_numbers = #tpu.dot_dimension_numbers<[1], [0], [0], [1], [0, 0, 1, 1], [], []>, transpose_lhs_hint = false} : vector<32x1024xbf16>, vector<1024x256xbf16>, vector<32x256xf32> -> vector<32x256xf32>
    %reduce_max3A_1013 = arith.constant dense<0xFF800000> : vector<256xf32>
    %reduce_max3A_1014 = vector.multi_reduction <maximumf>, %dot_general3A_1012, %reduce_max3A_1013 [0] : vector<32x256xf32> to vector<256xf32>
    %broadcast_in_dim3A_1015 = vector.shape_cast %reduce_max3A_1014 : vector<256xf32> to vector<1x256xf32>
    %add3A_1016 = arith.addf %broadcast_in_dim3A_986, %broadcast_in_dim3A_989 : vector<1x256xf32>
    %log3A_1017 = math.log %broadcast_in_dim3A_1015 : vector<1x256xf32>
    %add3A_1018 = arith.addf %add3A_1016, %log3A_1017 : vector<1x256xf32>
    %div3A_1019 = arith.constant 1.000000e+00 : f32
    %div3A_1020 = vector.broadcast %div3A_1019 : f32 to vector<1x256xf32>
    %div3A_1021 = arith.divf %div3A_1020, %broadcast_in_dim3A_1015 : vector<1x256xf32>
    %mul3A_1022 = vector.broadcast %div3A_1021 : vector<1x256xf32> to vector<32x256xf32>
    %mul3A_1023 = arith.mulf %dot_general3A_1012, %mul3A_1022 : vector<32x256xf32>
    %convert_element_type3A_1024 = arith.truncf %mul3A_1023 : vector<32x256xf32> to vector<32x256xbf16>
    %swap3A_1025 = arith.constant 18 : index
    %swap3A_1026 = arith.constant 0 : index
    %swap3A_1027 = arith.constant 0 : index
    %swap3A_1028 = vector.load %arg9[%swap3A_1025, %swap3A_1026, %swap3A_1027] : memref<32x32x256xbf16, #tpu.memory_space<vmem>>, vector<1x32x256xbf16>
    %swap3A_1029 = vector.shape_cast %swap3A_1028 : vector<1x32x256xbf16> to vector<32x256xbf16>
    %swap3A_1030 = vector.shape_cast %convert_element_type3A_1024 : vector<32x256xbf16> to vector<1x32x256xbf16>
    tpu.vector_store %arg9[%swap3A_1025, %swap3A_1026, %swap3A_1027], %swap3A_1030 {strides = array<i32>} : memref<32x32x256xbf16, #tpu.memory_space<vmem>>, vector<1x32x256xbf16>,
    %get3A_1031 = arith.constant 9728 : index
    %get3A_1032 = arith.constant 0 : index
    %get3A_1033 = vector.load %arg0[%get3A_1031, %get3A_1032] : memref<16384x128xf32, #tpu.memory_space<vmem>>, vector<256x32xf32>
    %transpose3A_1034 = tpu.transpose %get3A_1033, [1, 0] : vector<256x32xf32> -> vector<32x256xf32>
    %get3A_1035 = arith.constant 9984 : index
    %get3A_1036 = arith.constant 0 : index
    %get3A_1037 = vector.load %arg0[%get3A_1035, %get3A_1036] : memref<16384x128xf32, #tpu.memory_space<vmem>>, vector<256x32xf32>
    %transpose3A_1038 = tpu.transpose %get3A_1037, [1, 0] : vector<256x32xf32> -> vector<32x256xf32>
    %reduce_max3A_1039 = arith.constant dense<0xFF800000> : vector<256xf32>
    %reduce_max3A_1040 = vector.multi_reduction <maximumf>, %transpose3A_1034, %reduce_max3A_1039 [0] : vector<32x256xf32> to vector<256xf32>
    %broadcast_in_dim3A_1041 = vector.shape_cast %reduce_max3A_1040 : vector<256xf32> to vector<1x256xf32>
    %reduce_max3A_1042 = arith.constant dense<0xFF800000> : vector<256xf32>
    %reduce_max3A_1043 = vector.multi_reduction <maximumf>, %transpose3A_1038, %reduce_max3A_1042 [0] : vector<32x256xf32> to vector<256xf32>
    %broadcast_in_dim3A_1044 = vector.shape_cast %reduce_max3A_1043 : vector<256xf32> to vector<1x256xf32>
    %sub3A_1045 = vector.broadcast %broadcast_in_dim3A_1041 : vector<1x256xf32> to vector<32x256xf32>
    %sub3A_1046 = arith.subf %transpose3A_1034, %sub3A_1045 : vector<32x256xf32>
    %exp3A_1047 = math.exp %sub3A_1046 : vector<32x256xf32>
    %convert_element_type3A_1048 = arith.truncf %exp3A_1047 : vector<32x256xf32> to vector<32x256xbf16>
    %sub3A_1049 = vector.broadcast %broadcast_in_dim3A_1044 : vector<1x256xf32> to vector<32x256xf32>
    %sub3A_1050 = arith.subf %transpose3A_1038, %sub3A_1049 : vector<32x256xf32>
    %exp3A_1051 = math.exp %sub3A_1050 : vector<32x256xf32>
    %convert_element_type3A_1052 = arith.truncf %exp3A_1051 : vector<32x256xf32> to vector<32x256xbf16>
    %broadcast_in_dim3A_1053 = vector.shape_cast %convert_element_type3A_1048 : vector<32x256xbf16> to vector<32x1x256xbf16>
    %broadcast_in_dim3A_1054 = vector.shape_cast %convert_element_type3A_1052 : vector<32x256xbf16> to vector<1x32x256xbf16>
    %mul3A_1055 = vector.broadcast %broadcast_in_dim3A_1053 : vector<32x1x256xbf16> to vector<32x32x256xbf16>
    %mul3A_1056 = vector.broadcast %broadcast_in_dim3A_1054 : vector<1x32x256xbf16> to vector<32x32x256xbf16>
    %mul3A_1057 = arith.mulf %mul3A_1055, %mul3A_1056 : vector<32x32x256xbf16>
    %reshape3A_1058 = vector.shape_cast %mul3A_1057 : vector<32x32x256xbf16> to vector<1024x256xbf16>
    %get3A_1059 = arith.constant 19 : index
    %get3A_1060 = arith.constant 0 : index
    %get3A_1061 = arith.constant 0 : index
    %get3A_1062 = vector.load %arg1[%get3A_1059, %get3A_1060, %get3A_1061] : memref<32x32x1024xf32, #tpu.memory_space<vmem>>, vector<1x32x1024xf32>
    %get3A_1063 = vector.shape_cast %get3A_1062 : vector<1x32x1024xf32> to vector<32x1024xf32>
    %exp3A_1064 = math.exp %get3A_1063 : vector<32x1024xf32>
    %convert_element_type3A_1065 = arith.truncf %exp3A_1064 : vector<32x1024xf32> to vector<32x1024xbf16>
    %dot_general3A_1066 = arith.constant dense<0.000000e+00> : vector<32x256xf32>
    %dot_general3A_1067 = tpu.matmul %convert_element_type3A_1065, %reshape3A_1058, %dot_general3A_1066 {dimension_numbers = #tpu.dot_dimension_numbers<[1], [0], [0], [1], [0, 0, 1, 1], [], []>, transpose_lhs_hint = false} : vector<32x1024xbf16>, vector<1024x256xbf16>, vector<32x256xf32> -> vector<32x256xf32>
    %reduce_max3A_1068 = arith.constant dense<0xFF800000> : vector<256xf32>
    %reduce_max3A_1069 = vector.multi_reduction <maximumf>, %dot_general3A_1067, %reduce_max3A_1068 [0] : vector<32x256xf32> to vector<256xf32>
    %broadcast_in_dim3A_1070 = vector.shape_cast %reduce_max3A_1069 : vector<256xf32> to vector<1x256xf32>
    %add3A_1071 = arith.addf %broadcast_in_dim3A_1041, %broadcast_in_dim3A_1044 : vector<1x256xf32>
    %log3A_1072 = math.log %broadcast_in_dim3A_1070 : vector<1x256xf32>
    %add3A_1073 = arith.addf %add3A_1071, %log3A_1072 : vector<1x256xf32>
    %div3A_1074 = arith.constant 1.000000e+00 : f32
    %div3A_1075 = vector.broadcast %div3A_1074 : f32 to vector<1x256xf32>
    %div3A_1076 = arith.divf %div3A_1075, %broadcast_in_dim3A_1070 : vector<1x256xf32>
    %mul3A_1077 = vector.broadcast %div3A_1076 : vector<1x256xf32> to vector<32x256xf32>
    %mul3A_1078 = arith.mulf %dot_general3A_1067, %mul3A_1077 : vector<32x256xf32>
    %convert_element_type3A_1079 = arith.truncf %mul3A_1078 : vector<32x256xf32> to vector<32x256xbf16>
    %swap3A_1080 = arith.constant 19 : index
    %swap3A_1081 = arith.constant 0 : index
    %swap3A_1082 = arith.constant 0 : index
    %swap3A_1083 = vector.load %arg9[%swap3A_1080, %swap3A_1081, %swap3A_1082] : memref<32x32x256xbf16, #tpu.memory_space<vmem>>, vector<1x32x256xbf16>
    %swap3A_1084 = vector.shape_cast %swap3A_1083 : vector<1x32x256xbf16> to vector<32x256xbf16>
    %swap3A_1085 = vector.shape_cast %convert_element_type3A_1079 : vector<32x256xbf16> to vector<1x32x256xbf16>
    tpu.vector_store %arg9[%swap3A_1080, %swap3A_1081, %swap3A_1082], %swap3A_1085 {strides = array<i32>} : memref<32x32x256xbf16, #tpu.memory_space<vmem>>, vector<1x32x256xbf16>,
    %get3A_1086 = arith.constant 10240 : index
    %get3A_1087 = arith.constant 0 : index
    %get3A_1088 = vector.load %arg0[%get3A_1086, %get3A_1087] : memref<16384x128xf32, #tpu.memory_space<vmem>>, vector<256x32xf32>
    %transpose3A_1089 = tpu.transpose %get3A_1088, [1, 0] : vector<256x32xf32> -> vector<32x256xf32>
    %get3A_1090 = arith.constant 10496 : index
    %get3A_1091 = arith.constant 0 : index
    %get3A_1092 = vector.load %arg0[%get3A_1090, %get3A_1091] : memref<16384x128xf32, #tpu.memory_space<vmem>>, vector<256x32xf32>
    %transpose3A_1093 = tpu.transpose %get3A_1092, [1, 0] : vector<256x32xf32> -> vector<32x256xf32>
    %reduce_max3A_1094 = arith.constant dense<0xFF800000> : vector<256xf32>
    %reduce_max3A_1095 = vector.multi_reduction <maximumf>, %transpose3A_1089, %reduce_max3A_1094 [0] : vector<32x256xf32> to vector<256xf32>
    %broadcast_in_dim3A_1096 = vector.shape_cast %reduce_max3A_1095 : vector<256xf32> to vector<1x256xf32>
    %reduce_max3A_1097 = arith.constant dense<0xFF800000> : vector<256xf32>
    %reduce_max3A_1098 = vector.multi_reduction <maximumf>, %transpose3A_1093, %reduce_max3A_1097 [0] : vector<32x256xf32> to vector<256xf32>
    %broadcast_in_dim3A_1099 = vector.shape_cast %reduce_max3A_1098 : vector<256xf32> to vector<1x256xf32>
    %sub3A_1100 = vector.broadcast %broadcast_in_dim3A_1096 : vector<1x256xf32> to vector<32x256xf32>
    %sub3A_1101 = arith.subf %transpose3A_1089, %sub3A_1100 : vector<32x256xf32>
    %exp3A_1102 = math.exp %sub3A_1101 : vector<32x256xf32>
    %convert_element_type3A_1103 = arith.truncf %exp3A_1102 : vector<32x256xf32> to vector<32x256xbf16>
    %sub3A_1104 = vector.broadcast %broadcast_in_dim3A_1099 : vector<1x256xf32> to vector<32x256xf32>
    %sub3A_1105 = arith.subf %transpose3A_1093, %sub3A_1104 : vector<32x256xf32>
    %exp3A_1106 = math.exp %sub3A_1105 : vector<32x256xf32>
    %convert_element_type3A_1107 = arith.truncf %exp3A_1106 : vector<32x256xf32> to vector<32x256xbf16>
    %broadcast_in_dim3A_1108 = vector.shape_cast %convert_element_type3A_1103 : vector<32x256xbf16> to vector<32x1x256xbf16>
    %broadcast_in_dim3A_1109 = vector.shape_cast %convert_element_type3A_1107 : vector<32x256xbf16> to vector<1x32x256xbf16>
    %mul3A_1110 = vector.broadcast %broadcast_in_dim3A_1108 : vector<32x1x256xbf16> to vector<32x32x256xbf16>
    %mul3A_1111 = vector.broadcast %broadcast_in_dim3A_1109 : vector<1x32x256xbf16> to vector<32x32x256xbf16>
    %mul3A_1112 = arith.mulf %mul3A_1110, %mul3A_1111 : vector<32x32x256xbf16>
    %reshape3A_1113 = vector.shape_cast %mul3A_1112 : vector<32x32x256xbf16> to vector<1024x256xbf16>
    %get3A_1114 = arith.constant 20 : index
    %get3A_1115 = arith.constant 0 : index
    %get3A_1116 = arith.constant 0 : index
    %get3A_1117 = vector.load %arg1[%get3A_1114, %get3A_1115, %get3A_1116] : memref<32x32x1024xf32, #tpu.memory_space<vmem>>, vector<1x32x1024xf32>
    %get3A_1118 = vector.shape_cast %get3A_1117 : vector<1x32x1024xf32> to vector<32x1024xf32>
    %exp3A_1119 = math.exp %get3A_1118 : vector<32x1024xf32>
    %convert_element_type3A_1120 = arith.truncf %exp3A_1119 : vector<32x1024xf32> to vector<32x1024xbf16>
    %dot_general3A_1121 = arith.constant dense<0.000000e+00> : vector<32x256xf32>
    %dot_general3A_1122 = tpu.matmul %convert_element_type3A_1120, %reshape3A_1113, %dot_general3A_1121 {dimension_numbers = #tpu.dot_dimension_numbers<[1], [0], [0], [1], [0, 0, 1, 1], [], []>, transpose_lhs_hint = false} : vector<32x1024xbf16>, vector<1024x256xbf16>, vector<32x256xf32> -> vector<32x256xf32>
    %reduce_max3A_1123 = arith.constant dense<0xFF800000> : vector<256xf32>
    %reduce_max3A_1124 = vector.multi_reduction <maximumf>, %dot_general3A_1122, %reduce_max3A_1123 [0] : vector<32x256xf32> to vector<256xf32>
    %broadcast_in_dim3A_1125 = vector.shape_cast %reduce_max3A_1124 : vector<256xf32> to vector<1x256xf32>
    %add3A_1126 = arith.addf %broadcast_in_dim3A_1096, %broadcast_in_dim3A_1099 : vector<1x256xf32>
    %log3A_1127 = math.log %broadcast_in_dim3A_1125 : vector<1x256xf32>
    %add3A_1128 = arith.addf %add3A_1126, %log3A_1127 : vector<1x256xf32>
    %div3A_1129 = arith.constant 1.000000e+00 : f32
    %div3A_1130 = vector.broadcast %div3A_1129 : f32 to vector<1x256xf32>
    %div3A_1131 = arith.divf %div3A_1130, %broadcast_in_dim3A_1125 : vector<1x256xf32>
    %mul3A_1132 = vector.broadcast %div3A_1131 : vector<1x256xf32> to vector<32x256xf32>
    %mul3A_1133 = arith.mulf %dot_general3A_1122, %mul3A_1132 : vector<32x256xf32>
    %convert_element_type3A_1134 = arith.truncf %mul3A_1133 : vector<32x256xf32> to vector<32x256xbf16>
    %swap3A_1135 = arith.constant 20 : index
    %swap3A_1136 = arith.constant 0 : index
    %swap3A_1137 = arith.constant 0 : index
    %swap3A_1138 = vector.load %arg9[%swap3A_1135, %swap3A_1136, %swap3A_1137] : memref<32x32x256xbf16, #tpu.memory_space<vmem>>, vector<1x32x256xbf16>
    %swap3A_1139 = vector.shape_cast %swap3A_1138 : vector<1x32x256xbf16> to vector<32x256xbf16>
    %swap3A_1140 = vector.shape_cast %convert_element_type3A_1134 : vector<32x256xbf16> to vector<1x32x256xbf16>
    tpu.vector_store %arg9[%swap3A_1135, %swap3A_1136, %swap3A_1137], %swap3A_1140 {strides = array<i32>} : memref<32x32x256xbf16, #tpu.memory_space<vmem>>, vector<1x32x256xbf16>,
    %get3A_1141 = arith.constant 10752 : index
    %get3A_1142 = arith.constant 0 : index
    %get3A_1143 = vector.load %arg0[%get3A_1141, %get3A_1142] : memref<16384x128xf32, #tpu.memory_space<vmem>>, vector<256x32xf32>
    %transpose3A_1144 = tpu.transpose %get3A_1143, [1, 0] : vector<256x32xf32> -> vector<32x256xf32>
    %get3A_1145 = arith.constant 11008 : index
    %get3A_1146 = arith.constant 0 : index
    %get3A_1147 = vector.load %arg0[%get3A_1145, %get3A_1146] : memref<16384x128xf32, #tpu.memory_space<vmem>>, vector<256x32xf32>
    %transpose3A_1148 = tpu.transpose %get3A_1147, [1, 0] : vector<256x32xf32> -> vector<32x256xf32>
    %reduce_max3A_1149 = arith.constant dense<0xFF800000> : vector<256xf32>
    %reduce_max3A_1150 = vector.multi_reduction <maximumf>, %transpose3A_1144, %reduce_max3A_1149 [0] : vector<32x256xf32> to vector<256xf32>
    %broadcast_in_dim3A_1151 = vector.shape_cast %reduce_max3A_1150 : vector<256xf32> to vector<1x256xf32>
    %reduce_max3A_1152 = arith.constant dense<0xFF800000> : vector<256xf32>
    %reduce_max3A_1153 = vector.multi_reduction <maximumf>, %transpose3A_1148, %reduce_max3A_1152 [0] : vector<32x256xf32> to vector<256xf32>
    %broadcast_in_dim3A_1154 = vector.shape_cast %reduce_max3A_1153 : vector<256xf32> to vector<1x256xf32>
    %sub3A_1155 = vector.broadcast %broadcast_in_dim3A_1151 : vector<1x256xf32> to vector<32x256xf32>
    %sub3A_1156 = arith.subf %transpose3A_1144, %sub3A_1155 : vector<32x256xf32>
    %exp3A_1157 = math.exp %sub3A_1156 : vector<32x256xf32>
    %convert_element_type3A_1158 = arith.truncf %exp3A_1157 : vector<32x256xf32> to vector<32x256xbf16>
    %sub3A_1159 = vector.broadcast %broadcast_in_dim3A_1154 : vector<1x256xf32> to vector<32x256xf32>
    %sub3A_1160 = arith.subf %transpose3A_1148, %sub3A_1159 : vector<32x256xf32>
    %exp3A_1161 = math.exp %sub3A_1160 : vector<32x256xf32>
    %convert_element_type3A_1162 = arith.truncf %exp3A_1161 : vector<32x256xf32> to vector<32x256xbf16>
    %broadcast_in_dim3A_1163 = vector.shape_cast %convert_element_type3A_1158 : vector<32x256xbf16> to vector<32x1x256xbf16>
    %broadcast_in_dim3A_1164 = vector.shape_cast %convert_element_type3A_1162 : vector<32x256xbf16> to vector<1x32x256xbf16>
    %mul3A_1165 = vector.broadcast %broadcast_in_dim3A_1163 : vector<32x1x256xbf16> to vector<32x32x256xbf16>
    %mul3A_1166 = vector.broadcast %broadcast_in_dim3A_1164 : vector<1x32x256xbf16> to vector<32x32x256xbf16>
    %mul3A_1167 = arith.mulf %mul3A_1165, %mul3A_1166 : vector<32x32x256xbf16>
    %reshape3A_1168 = vector.shape_cast %mul3A_1167 : vector<32x32x256xbf16> to vector<1024x256xbf16>
    %get3A_1169 = arith.constant 21 : index
    %get3A_1170 = arith.constant 0 : index
    %get3A_1171 = arith.constant 0 : index
    %get3A_1172 = vector.load %arg1[%get3A_1169, %get3A_1170, %get3A_1171] : memref<32x32x1024xf32, #tpu.memory_space<vmem>>, vector<1x32x1024xf32>
    %get3A_1173 = vector.shape_cast %get3A_1172 : vector<1x32x1024xf32> to vector<32x1024xf32>
    %exp3A_1174 = math.exp %get3A_1173 : vector<32x1024xf32>
    %convert_element_type3A_1175 = arith.truncf %exp3A_1174 : vector<32x1024xf32> to vector<32x1024xbf16>
    %dot_general3A_1176 = arith.constant dense<0.000000e+00> : vector<32x256xf32>
    %dot_general3A_1177 = tpu.matmul %convert_element_type3A_1175, %reshape3A_1168, %dot_general3A_1176 {dimension_numbers = #tpu.dot_dimension_numbers<[1], [0], [0], [1], [0, 0, 1, 1], [], []>, transpose_lhs_hint = false} : vector<32x1024xbf16>, vector<1024x256xbf16>, vector<32x256xf32> -> vector<32x256xf32>
    %reduce_max3A_1178 = arith.constant dense<0xFF800000> : vector<256xf32>
    %reduce_max3A_1179 = vector.multi_reduction <maximumf>, %dot_general3A_1177, %reduce_max3A_1178 [0] : vector<32x256xf32> to vector<256xf32>
    %broadcast_in_dim3A_1180 = vector.shape_cast %reduce_max3A_1179 : vector<256xf32> to vector<1x256xf32>
    %add3A_1181 = arith.addf %broadcast_in_dim3A_1151, %broadcast_in_dim3A_1154 : vector<1x256xf32>
    %log3A_1182 = math.log %broadcast_in_dim3A_1180 : vector<1x256xf32>
    %add3A_1183 = arith.addf %add3A_1181, %log3A_1182 : vector<1x256xf32>
    %div3A_1184 = arith.constant 1.000000e+00 : f32
    %div3A_1185 = vector.broadcast %div3A_1184 : f32 to vector<1x256xf32>
    %div3A_1186 = arith.divf %div3A_1185, %broadcast_in_dim3A_1180 : vector<1x256xf32>
    %mul3A_1187 = vector.broadcast %div3A_1186 : vector<1x256xf32> to vector<32x256xf32>
    %mul3A_1188 = arith.mulf %dot_general3A_1177, %mul3A_1187 : vector<32x256xf32>
    %convert_element_type3A_1189 = arith.truncf %mul3A_1188 : vector<32x256xf32> to vector<32x256xbf16>
    %swap3A_1190 = arith.constant 21 : index
    %swap3A_1191 = arith.constant 0 : index
    %swap3A_1192 = arith.constant 0 : index
    %swap3A_1193 = vector.load %arg9[%swap3A_1190, %swap3A_1191, %swap3A_1192] : memref<32x32x256xbf16, #tpu.memory_space<vmem>>, vector<1x32x256xbf16>
    %swap3A_1194 = vector.shape_cast %swap3A_1193 : vector<1x32x256xbf16> to vector<32x256xbf16>
    %swap3A_1195 = vector.shape_cast %convert_element_type3A_1189 : vector<32x256xbf16> to vector<1x32x256xbf16>
    tpu.vector_store %arg9[%swap3A_1190, %swap3A_1191, %swap3A_1192], %swap3A_1195 {strides = array<i32>} : memref<32x32x256xbf16, #tpu.memory_space<vmem>>, vector<1x32x256xbf16>,
    %get3A_1196 = arith.constant 11264 : index
    %get3A_1197 = arith.constant 0 : index
    %get3A_1198 = vector.load %arg0[%get3A_1196, %get3A_1197] : memref<16384x128xf32, #tpu.memory_space<vmem>>, vector<256x32xf32>
    %transpose3A_1199 = tpu.transpose %get3A_1198, [1, 0] : vector<256x32xf32> -> vector<32x256xf32>
    %get3A_1200 = arith.constant 11520 : index
    %get3A_1201 = arith.constant 0 : index
    %get3A_1202 = vector.load %arg0[%get3A_1200, %get3A_1201] : memref<16384x128xf32, #tpu.memory_space<vmem>>, vector<256x32xf32>
    %transpose3A_1203 = tpu.transpose %get3A_1202, [1, 0] : vector<256x32xf32> -> vector<32x256xf32>
    %reduce_max3A_1204 = arith.constant dense<0xFF800000> : vector<256xf32>
    %reduce_max3A_1205 = vector.multi_reduction <maximumf>, %transpose3A_1199, %reduce_max3A_1204 [0] : vector<32x256xf32> to vector<256xf32>
    %broadcast_in_dim3A_1206 = vector.shape_cast %reduce_max3A_1205 : vector<256xf32> to vector<1x256xf32>
    %reduce_max3A_1207 = arith.constant dense<0xFF800000> : vector<256xf32>
    %reduce_max3A_1208 = vector.multi_reduction <maximumf>, %transpose3A_1203, %reduce_max3A_1207 [0] : vector<32x256xf32> to vector<256xf32>
    %broadcast_in_dim3A_1209 = vector.shape_cast %reduce_max3A_1208 : vector<256xf32> to vector<1x256xf32>
    %sub3A_1210 = vector.broadcast %broadcast_in_dim3A_1206 : vector<1x256xf32> to vector<32x256xf32>
    %sub3A_1211 = arith.subf %transpose3A_1199, %sub3A_1210 : vector<32x256xf32>
    %exp3A_1212 = math.exp %sub3A_1211 : vector<32x256xf32>
    %convert_element_type3A_1213 = arith.truncf %exp3A_1212 : vector<32x256xf32> to vector<32x256xbf16>
    %sub3A_1214 = vector.broadcast %broadcast_in_dim3A_1209 : vector<1x256xf32> to vector<32x256xf32>
    %sub3A_1215 = arith.subf %transpose3A_1203, %sub3A_1214 : vector<32x256xf32>
    %exp3A_1216 = math.exp %sub3A_1215 : vector<32x256xf32>
    %convert_element_type3A_1217 = arith.truncf %exp3A_1216 : vector<32x256xf32> to vector<32x256xbf16>
    %broadcast_in_dim3A_1218 = vector.shape_cast %convert_element_type3A_1213 : vector<32x256xbf16> to vector<32x1x256xbf16>
    %broadcast_in_dim3A_1219 = vector.shape_cast %convert_element_type3A_1217 : vector<32x256xbf16> to vector<1x32x256xbf16>
    %mul3A_1220 = vector.broadcast %broadcast_in_dim3A_1218 : vector<32x1x256xbf16> to vector<32x32x256xbf16>
    %mul3A_1221 = vector.broadcast %broadcast_in_dim3A_1219 : vector<1x32x256xbf16> to vector<32x32x256xbf16>
    %mul3A_1222 = arith.mulf %mul3A_1220, %mul3A_1221 : vector<32x32x256xbf16>
    %reshape3A_1223 = vector.shape_cast %mul3A_1222 : vector<32x32x256xbf16> to vector<1024x256xbf16>
    %get3A_1224 = arith.constant 22 : index
    %get3A_1225 = arith.constant 0 : index
    %get3A_1226 = arith.constant 0 : index
    %get3A_1227 = vector.load %arg1[%get3A_1224, %get3A_1225, %get3A_1226] : memref<32x32x1024xf32, #tpu.memory_space<vmem>>, vector<1x32x1024xf32>
    %get3A_1228 = vector.shape_cast %get3A_1227 : vector<1x32x1024xf32> to vector<32x1024xf32>
    %exp3A_1229 = math.exp %get3A_1228 : vector<32x1024xf32>
    %convert_element_type3A_1230 = arith.truncf %exp3A_1229 : vector<32x1024xf32> to vector<32x1024xbf16>
    %dot_general3A_1231 = arith.constant dense<0.000000e+00> : vector<32x256xf32>
    %dot_general3A_1232 = tpu.matmul %convert_element_type3A_1230, %reshape3A_1223, %dot_general3A_1231 {dimension_numbers = #tpu.dot_dimension_numbers<[1], [0], [0], [1], [0, 0, 1, 1], [], []>, transpose_lhs_hint = false} : vector<32x1024xbf16>, vector<1024x256xbf16>, vector<32x256xf32> -> vector<32x256xf32>
    %reduce_max3A_1233 = arith.constant dense<0xFF800000> : vector<256xf32>
    %reduce_max3A_1234 = vector.multi_reduction <maximumf>, %dot_general3A_1232, %reduce_max3A_1233 [0] : vector<32x256xf32> to vector<256xf32>
    %broadcast_in_dim3A_1235 = vector.shape_cast %reduce_max3A_1234 : vector<256xf32> to vector<1x256xf32>
    %add3A_1236 = arith.addf %broadcast_in_dim3A_1206, %broadcast_in_dim3A_1209 : vector<1x256xf32>
    %log3A_1237 = math.log %broadcast_in_dim3A_1235 : vector<1x256xf32>
    %add3A_1238 = arith.addf %add3A_1236, %log3A_1237 : vector<1x256xf32>
    %div3A_1239 = arith.constant 1.000000e+00 : f32
    %div3A_1240 = vector.broadcast %div3A_1239 : f32 to vector<1x256xf32>
    %div3A_1241 = arith.divf %div3A_1240, %broadcast_in_dim3A_1235 : vector<1x256xf32>
    %mul3A_1242 = vector.broadcast %div3A_1241 : vector<1x256xf32> to vector<32x256xf32>
    %mul3A_1243 = arith.mulf %dot_general3A_1232, %mul3A_1242 : vector<32x256xf32>
    %convert_element_type3A_1244 = arith.truncf %mul3A_1243 : vector<32x256xf32> to vector<32x256xbf16>
    %swap3A_1245 = arith.constant 22 : index
    %swap3A_1246 = arith.constant 0 : index
    %swap3A_1247 = arith.constant 0 : index
    %swap3A_1248 = vector.load %arg9[%swap3A_1245, %swap3A_1246, %swap3A_1247] : memref<32x32x256xbf16, #tpu.memory_space<vmem>>, vector<1x32x256xbf16>
    %swap3A_1249 = vector.shape_cast %swap3A_1248 : vector<1x32x256xbf16> to vector<32x256xbf16>
    %swap3A_1250 = vector.shape_cast %convert_element_type3A_1244 : vector<32x256xbf16> to vector<1x32x256xbf16>
    tpu.vector_store %arg9[%swap3A_1245, %swap3A_1246, %swap3A_1247], %swap3A_1250 {strides = array<i32>} : memref<32x32x256xbf16, #tpu.memory_space<vmem>>, vector<1x32x256xbf16>,
    %get3A_1251 = arith.constant 11776 : index
    %get3A_1252 = arith.constant 0 : index
    %get3A_1253 = vector.load %arg0[%get3A_1251, %get3A_1252] : memref<16384x128xf32, #tpu.memory_space<vmem>>, vector<256x32xf32>
    %transpose3A_1254 = tpu.transpose %get3A_1253, [1, 0] : vector<256x32xf32> -> vector<32x256xf32>
    %get3A_1255 = arith.constant 12032 : index
    %get3A_1256 = arith.constant 0 : index
    %get3A_1257 = vector.load %arg0[%get3A_1255, %get3A_1256] : memref<16384x128xf32, #tpu.memory_space<vmem>>, vector<256x32xf32>
    %transpose3A_1258 = tpu.transpose %get3A_1257, [1, 0] : vector<256x32xf32> -> vector<32x256xf32>
    %reduce_max3A_1259 = arith.constant dense<0xFF800000> : vector<256xf32>
    %reduce_max3A_1260 = vector.multi_reduction <maximumf>, %transpose3A_1254, %reduce_max3A_1259 [0] : vector<32x256xf32> to vector<256xf32>
    %broadcast_in_dim3A_1261 = vector.shape_cast %reduce_max3A_1260 : vector<256xf32> to vector<1x256xf32>
    %reduce_max3A_1262 = arith.constant dense<0xFF800000> : vector<256xf32>
    %reduce_max3A_1263 = vector.multi_reduction <maximumf>, %transpose3A_1258, %reduce_max3A_1262 [0] : vector<32x256xf32> to vector<256xf32>
    %broadcast_in_dim3A_1264 = vector.shape_cast %reduce_max3A_1263 : vector<256xf32> to vector<1x256xf32>
    %sub3A_1265 = vector.broadcast %broadcast_in_dim3A_1261 : vector<1x256xf32> to vector<32x256xf32>
    %sub3A_1266 = arith.subf %transpose3A_1254, %sub3A_1265 : vector<32x256xf32>
    %exp3A_1267 = math.exp %sub3A_1266 : vector<32x256xf32>
    %convert_element_type3A_1268 = arith.truncf %exp3A_1267 : vector<32x256xf32> to vector<32x256xbf16>
    %sub3A_1269 = vector.broadcast %broadcast_in_dim3A_1264 : vector<1x256xf32> to vector<32x256xf32>
    %sub3A_1270 = arith.subf %transpose3A_1258, %sub3A_1269 : vector<32x256xf32>
    %exp3A_1271 = math.exp %sub3A_1270 : vector<32x256xf32>
    %convert_element_type3A_1272 = arith.truncf %exp3A_1271 : vector<32x256xf32> to vector<32x256xbf16>
    %broadcast_in_dim3A_1273 = vector.shape_cast %convert_element_type3A_1268 : vector<32x256xbf16> to vector<32x1x256xbf16>
    %broadcast_in_dim3A_1274 = vector.shape_cast %convert_element_type3A_1272 : vector<32x256xbf16> to vector<1x32x256xbf16>
    %mul3A_1275 = vector.broadcast %broadcast_in_dim3A_1273 : vector<32x1x256xbf16> to vector<32x32x256xbf16>
    %mul3A_1276 = vector.broadcast %broadcast_in_dim3A_1274 : vector<1x32x256xbf16> to vector<32x32x256xbf16>
    %mul3A_1277 = arith.mulf %mul3A_1275, %mul3A_1276 : vector<32x32x256xbf16>
    %reshape3A_1278 = vector.shape_cast %mul3A_1277 : vector<32x32x256xbf16> to vector<1024x256xbf16>
    %get3A_1279 = arith.constant 23 : index
    %get3A_1280 = arith.constant 0 : index
    %get3A_1281 = arith.constant 0 : index
    %get3A_1282 = vector.load %arg1[%get3A_1279, %get3A_1280, %get3A_1281] : memref<32x32x1024xf32, #tpu.memory_space<vmem>>, vector<1x32x1024xf32>
    %get3A_1283 = vector.shape_cast %get3A_1282 : vector<1x32x1024xf32> to vector<32x1024xf32>
    %exp3A_1284 = math.exp %get3A_1283 : vector<32x1024xf32>
    %convert_element_type3A_1285 = arith.truncf %exp3A_1284 : vector<32x1024xf32> to vector<32x1024xbf16>
    %dot_general3A_1286 = arith.constant dense<0.000000e+00> : vector<32x256xf32>
    %dot_general3A_1287 = tpu.matmul %convert_element_type3A_1285, %reshape3A_1278, %dot_general3A_1286 {dimension_numbers = #tpu.dot_dimension_numbers<[1], [0], [0], [1], [0, 0, 1, 1], [], []>, transpose_lhs_hint = false} : vector<32x1024xbf16>, vector<1024x256xbf16>, vector<32x256xf32> -> vector<32x256xf32>
    %reduce_max3A_1288 = arith.constant dense<0xFF800000> : vector<256xf32>
    %reduce_max3A_1289 = vector.multi_reduction <maximumf>, %dot_general3A_1287, %reduce_max3A_1288 [0] : vector<32x256xf32> to vector<256xf32>
    %broadcast_in_dim3A_1290 = vector.shape_cast %reduce_max3A_1289 : vector<256xf32> to vector<1x256xf32>
    %add3A_1291 = arith.addf %broadcast_in_dim3A_1261, %broadcast_in_dim3A_1264 : vector<1x256xf32>
    %log3A_1292 = math.log %broadcast_in_dim3A_1290 : vector<1x256xf32>
    %add3A_1293 = arith.addf %add3A_1291, %log3A_1292 : vector<1x256xf32>
    %div3A_1294 = arith.constant 1.000000e+00 : f32
    %div3A_1295 = vector.broadcast %div3A_1294 : f32 to vector<1x256xf32>
    %div3A_1296 = arith.divf %div3A_1295, %broadcast_in_dim3A_1290 : vector<1x256xf32>
    %mul3A_1297 = vector.broadcast %div3A_1296 : vector<1x256xf32> to vector<32x256xf32>
    %mul3A_1298 = arith.mulf %dot_general3A_1287, %mul3A_1297 : vector<32x256xf32>
    %convert_element_type3A_1299 = arith.truncf %mul3A_1298 : vector<32x256xf32> to vector<32x256xbf16>
    %swap3A_1300 = arith.constant 23 : index
    %swap3A_1301 = arith.constant 0 : index
    %swap3A_1302 = arith.constant 0 : index
    %swap3A_1303 = vector.load %arg9[%swap3A_1300, %swap3A_1301, %swap3A_1302] : memref<32x32x256xbf16, #tpu.memory_space<vmem>>, vector<1x32x256xbf16>
    %swap3A_1304 = vector.shape_cast %swap3A_1303 : vector<1x32x256xbf16> to vector<32x256xbf16>
    %swap3A_1305 = vector.shape_cast %convert_element_type3A_1299 : vector<32x256xbf16> to vector<1x32x256xbf16>
    tpu.vector_store %arg9[%swap3A_1300, %swap3A_1301, %swap3A_1302], %swap3A_1305 {strides = array<i32>} : memref<32x32x256xbf16, #tpu.memory_space<vmem>>, vector<1x32x256xbf16>,
    %get3A_1306 = arith.constant 12288 : index
    %get3A_1307 = arith.constant 0 : index
    %get3A_1308 = vector.load %arg0[%get3A_1306, %get3A_1307] : memref<16384x128xf32, #tpu.memory_space<vmem>>, vector<256x32xf32>
    %transpose3A_1309 = tpu.transpose %get3A_1308, [1, 0] : vector<256x32xf32> -> vector<32x256xf32>
    %get3A_1310 = arith.constant 12544 : index
    %get3A_1311 = arith.constant 0 : index
    %get3A_1312 = vector.load %arg0[%get3A_1310, %get3A_1311] : memref<16384x128xf32, #tpu.memory_space<vmem>>, vector<256x32xf32>
    %transpose3A_1313 = tpu.transpose %get3A_1312, [1, 0] : vector<256x32xf32> -> vector<32x256xf32>
    %reduce_max3A_1314 = arith.constant dense<0xFF800000> : vector<256xf32>
    %reduce_max3A_1315 = vector.multi_reduction <maximumf>, %transpose3A_1309, %reduce_max3A_1314 [0] : vector<32x256xf32> to vector<256xf32>
    %broadcast_in_dim3A_1316 = vector.shape_cast %reduce_max3A_1315 : vector<256xf32> to vector<1x256xf32>
    %reduce_max3A_1317 = arith.constant dense<0xFF800000> : vector<256xf32>
    %reduce_max3A_1318 = vector.multi_reduction <maximumf>, %transpose3A_1313, %reduce_max3A_1317 [0] : vector<32x256xf32> to vector<256xf32>
    %broadcast_in_dim3A_1319 = vector.shape_cast %reduce_max3A_1318 : vector<256xf32> to vector<1x256xf32>
    %sub3A_1320 = vector.broadcast %broadcast_in_dim3A_1316 : vector<1x256xf32> to vector<32x256xf32>
    %sub3A_1321 = arith.subf %transpose3A_1309, %sub3A_1320 : vector<32x256xf32>
    %exp3A_1322 = math.exp %sub3A_1321 : vector<32x256xf32>
    %convert_element_type3A_1323 = arith.truncf %exp3A_1322 : vector<32x256xf32> to vector<32x256xbf16>
    %sub3A_1324 = vector.broadcast %broadcast_in_dim3A_1319 : vector<1x256xf32> to vector<32x256xf32>
    %sub3A_1325 = arith.subf %transpose3A_1313, %sub3A_1324 : vector<32x256xf32>
    %exp3A_1326 = math.exp %sub3A_1325 : vector<32x256xf32>
    %convert_element_type3A_1327 = arith.truncf %exp3A_1326 : vector<32x256xf32> to vector<32x256xbf16>
    %broadcast_in_dim3A_1328 = vector.shape_cast %convert_element_type3A_1323 : vector<32x256xbf16> to vector<32x1x256xbf16>
    %broadcast_in_dim3A_1329 = vector.shape_cast %convert_element_type3A_1327 : vector<32x256xbf16> to vector<1x32x256xbf16>
    %mul3A_1330 = vector.broadcast %broadcast_in_dim3A_1328 : vector<32x1x256xbf16> to vector<32x32x256xbf16>
    %mul3A_1331 = vector.broadcast %broadcast_in_dim3A_1329 : vector<1x32x256xbf16> to vector<32x32x256xbf16>
    %mul3A_1332 = arith.mulf %mul3A_1330, %mul3A_1331 : vector<32x32x256xbf16>
    %reshape3A_1333 = vector.shape_cast %mul3A_1332 : vector<32x32x256xbf16> to vector<1024x256xbf16>
    %get3A_1334 = arith.constant 24 : index
    %get3A_1335 = arith.constant 0 : index
    %get3A_1336 = arith.constant 0 : index
    %get3A_1337 = vector.load %arg1[%get3A_1334, %get3A_1335, %get3A_1336] : memref<32x32x1024xf32, #tpu.memory_space<vmem>>, vector<1x32x1024xf32>
    %get3A_1338 = vector.shape_cast %get3A_1337 : vector<1x32x1024xf32> to vector<32x1024xf32>
    %exp3A_1339 = math.exp %get3A_1338 : vector<32x1024xf32>
    %convert_element_type3A_1340 = arith.truncf %exp3A_1339 : vector<32x1024xf32> to vector<32x1024xbf16>
    %dot_general3A_1341 = arith.constant dense<0.000000e+00> : vector<32x256xf32>
    %dot_general3A_1342 = tpu.matmul %convert_element_type3A_1340, %reshape3A_1333, %dot_general3A_1341 {dimension_numbers = #tpu.dot_dimension_numbers<[1], [0], [0], [1], [0, 0, 1, 1], [], []>, transpose_lhs_hint = false} : vector<32x1024xbf16>, vector<1024x256xbf16>, vector<32x256xf32> -> vector<32x256xf32>
    %reduce_max3A_1343 = arith.constant dense<0xFF800000> : vector<256xf32>
    %reduce_max3A_1344 = vector.multi_reduction <maximumf>, %dot_general3A_1342, %reduce_max3A_1343 [0] : vector<32x256xf32> to vector<256xf32>
    %broadcast_in_dim3A_1345 = vector.shape_cast %reduce_max3A_1344 : vector<256xf32> to vector<1x256xf32>
    %add3A_1346 = arith.addf %broadcast_in_dim3A_1316, %broadcast_in_dim3A_1319 : vector<1x256xf32>
    %log3A_1347 = math.log %broadcast_in_dim3A_1345 : vector<1x256xf32>
    %add3A_1348 = arith.addf %add3A_1346, %log3A_1347 : vector<1x256xf32>
    %div3A_1349 = arith.constant 1.000000e+00 : f32
    %div3A_1350 = vector.broadcast %div3A_1349 : f32 to vector<1x256xf32>
    %div3A_1351 = arith.divf %div3A_1350, %broadcast_in_dim3A_1345 : vector<1x256xf32>
    %mul3A_1352 = vector.broadcast %div3A_1351 : vector<1x256xf32> to vector<32x256xf32>
    %mul3A_1353 = arith.mulf %dot_general3A_1342, %mul3A_1352 : vector<32x256xf32>
    %convert_element_type3A_1354 = arith.truncf %mul3A_1353 : vector<32x256xf32> to vector<32x256xbf16>
    %swap3A_1355 = arith.constant 24 : index
    %swap3A_1356 = arith.constant 0 : index
    %swap3A_1357 = arith.constant 0 : index
    %swap3A_1358 = vector.load %arg9[%swap3A_1355, %swap3A_1356, %swap3A_1357] : memref<32x32x256xbf16, #tpu.memory_space<vmem>>, vector<1x32x256xbf16>
    %swap3A_1359 = vector.shape_cast %swap3A_1358 : vector<1x32x256xbf16> to vector<32x256xbf16>
    %swap3A_1360 = vector.shape_cast %convert_element_type3A_1354 : vector<32x256xbf16> to vector<1x32x256xbf16>
    tpu.vector_store %arg9[%swap3A_1355, %swap3A_1356, %swap3A_1357], %swap3A_1360 {strides = array<i32>} : memref<32x32x256xbf16, #tpu.memory_space<vmem>>, vector<1x32x256xbf16>,
    %get3A_1361 = arith.constant 12800 : index
    %get3A_1362 = arith.constant 0 : index
    %get3A_1363 = vector.load %arg0[%get3A_1361, %get3A_1362] : memref<16384x128xf32, #tpu.memory_space<vmem>>, vector<256x32xf32>
    %transpose3A_1364 = tpu.transpose %get3A_1363, [1, 0] : vector<256x32xf32> -> vector<32x256xf32>
    %get3A_1365 = arith.constant 13056 : index
    %get3A_1366 = arith.constant 0 : index
    %get3A_1367 = vector.load %arg0[%get3A_1365, %get3A_1366] : memref<16384x128xf32, #tpu.memory_space<vmem>>, vector<256x32xf32>
    %transpose3A_1368 = tpu.transpose %get3A_1367, [1, 0] : vector<256x32xf32> -> vector<32x256xf32>
    %reduce_max3A_1369 = arith.constant dense<0xFF800000> : vector<256xf32>
    %reduce_max3A_1370 = vector.multi_reduction <maximumf>, %transpose3A_1364, %reduce_max3A_1369 [0] : vector<32x256xf32> to vector<256xf32>
    %broadcast_in_dim3A_1371 = vector.shape_cast %reduce_max3A_1370 : vector<256xf32> to vector<1x256xf32>
    %reduce_max3A_1372 = arith.constant dense<0xFF800000> : vector<256xf32>
    %reduce_max3A_1373 = vector.multi_reduction <maximumf>, %transpose3A_1368, %reduce_max3A_1372 [0] : vector<32x256xf32> to vector<256xf32>
    %broadcast_in_dim3A_1374 = vector.shape_cast %reduce_max3A_1373 : vector<256xf32> to vector<1x256xf32>
    %sub3A_1375 = vector.broadcast %broadcast_in_dim3A_1371 : vector<1x256xf32> to vector<32x256xf32>
    %sub3A_1376 = arith.subf %transpose3A_1364, %sub3A_1375 : vector<32x256xf32>
    %exp3A_1377 = math.exp %sub3A_1376 : vector<32x256xf32>
    %convert_element_type3A_1378 = arith.truncf %exp3A_1377 : vector<32x256xf32> to vector<32x256xbf16>
    %sub3A_1379 = vector.broadcast %broadcast_in_dim3A_1374 : vector<1x256xf32> to vector<32x256xf32>
    %sub3A_1380 = arith.subf %transpose3A_1368, %sub3A_1379 : vector<32x256xf32>
    %exp3A_1381 = math.exp %sub3A_1380 : vector<32x256xf32>
    %convert_element_type3A_1382 = arith.truncf %exp3A_1381 : vector<32x256xf32> to vector<32x256xbf16>
    %broadcast_in_dim3A_1383 = vector.shape_cast %convert_element_type3A_1378 : vector<32x256xbf16> to vector<32x1x256xbf16>
    %broadcast_in_dim3A_1384 = vector.shape_cast %convert_element_type3A_1382 : vector<32x256xbf16> to vector<1x32x256xbf16>
    %mul3A_1385 = vector.broadcast %broadcast_in_dim3A_1383 : vector<32x1x256xbf16> to vector<32x32x256xbf16>
    %mul3A_1386 = vector.broadcast %broadcast_in_dim3A_1384 : vector<1x32x256xbf16> to vector<32x32x256xbf16>
    %mul3A_1387 = arith.mulf %mul3A_1385, %mul3A_1386 : vector<32x32x256xbf16>
    %reshape3A_1388 = vector.shape_cast %mul3A_1387 : vector<32x32x256xbf16> to vector<1024x256xbf16>
    %get3A_1389 = arith.constant 25 : index
    %get3A_1390 = arith.constant 0 : index
    %get3A_1391 = arith.constant 0 : index
    %get3A_1392 = vector.load %arg1[%get3A_1389, %get3A_1390, %get3A_1391] : memref<32x32x1024xf32, #tpu.memory_space<vmem>>, vector<1x32x1024xf32>
    %get3A_1393 = vector.shape_cast %get3A_1392 : vector<1x32x1024xf32> to vector<32x1024xf32>
    %exp3A_1394 = math.exp %get3A_1393 : vector<32x1024xf32>
    %convert_element_type3A_1395 = arith.truncf %exp3A_1394 : vector<32x1024xf32> to vector<32x1024xbf16>
    %dot_general3A_1396 = arith.constant dense<0.000000e+00> : vector<32x256xf32>
    %dot_general3A_1397 = tpu.matmul %convert_element_type3A_1395, %reshape3A_1388, %dot_general3A_1396 {dimension_numbers = #tpu.dot_dimension_numbers<[1], [0], [0], [1], [0, 0, 1, 1], [], []>, transpose_lhs_hint = false} : vector<32x1024xbf16>, vector<1024x256xbf16>, vector<32x256xf32> -> vector<32x256xf32>
    %reduce_max3A_1398 = arith.constant dense<0xFF800000> : vector<256xf32>
    %reduce_max3A_1399 = vector.multi_reduction <maximumf>, %dot_general3A_1397, %reduce_max3A_1398 [0] : vector<32x256xf32> to vector<256xf32>
    %broadcast_in_dim3A_1400 = vector.shape_cast %reduce_max3A_1399 : vector<256xf32> to vector<1x256xf32>
    %add3A_1401 = arith.addf %broadcast_in_dim3A_1371, %broadcast_in_dim3A_1374 : vector<1x256xf32>
    %log3A_1402 = math.log %broadcast_in_dim3A_1400 : vector<1x256xf32>
    %add3A_1403 = arith.addf %add3A_1401, %log3A_1402 : vector<1x256xf32>
    %div3A_1404 = arith.constant 1.000000e+00 : f32
    %div3A_1405 = vector.broadcast %div3A_1404 : f32 to vector<1x256xf32>
    %div3A_1406 = arith.divf %div3A_1405, %broadcast_in_dim3A_1400 : vector<1x256xf32>
    %mul3A_1407 = vector.broadcast %div3A_1406 : vector<1x256xf32> to vector<32x256xf32>
    %mul3A_1408 = arith.mulf %dot_general3A_1397, %mul3A_1407 : vector<32x256xf32>
    %convert_element_type3A_1409 = arith.truncf %mul3A_1408 : vector<32x256xf32> to vector<32x256xbf16>
    %swap3A_1410 = arith.constant 25 : index
    %swap3A_1411 = arith.constant 0 : index
    %swap3A_1412 = arith.constant 0 : index
    %swap3A_1413 = vector.load %arg9[%swap3A_1410, %swap3A_1411, %swap3A_1412] : memref<32x32x256xbf16, #tpu.memory_space<vmem>>, vector<1x32x256xbf16>
    %swap3A_1414 = vector.shape_cast %swap3A_1413 : vector<1x32x256xbf16> to vector<32x256xbf16>
    %swap3A_1415 = vector.shape_cast %convert_element_type3A_1409 : vector<32x256xbf16> to vector<1x32x256xbf16>
    tpu.vector_store %arg9[%swap3A_1410, %swap3A_1411, %swap3A_1412], %swap3A_1415 {strides = array<i32>} : memref<32x32x256xbf16, #tpu.memory_space<vmem>>, vector<1x32x256xbf16>,
    %get3A_1416 = arith.constant 13312 : index
    %get3A_1417 = arith.constant 0 : index
    %get3A_1418 = vector.load %arg0[%get3A_1416, %get3A_1417] : memref<16384x128xf32, #tpu.memory_space<vmem>>, vector<256x32xf32>
    %transpose3A_1419 = tpu.transpose %get3A_1418, [1, 0] : vector<256x32xf32> -> vector<32x256xf32>
    %get3A_1420 = arith.constant 13568 : index
    %get3A_1421 = arith.constant 0 : index
    %get3A_1422 = vector.load %arg0[%get3A_1420, %get3A_1421] : memref<16384x128xf32, #tpu.memory_space<vmem>>, vector<256x32xf32>
    %transpose3A_1423 = tpu.transpose %get3A_1422, [1, 0] : vector<256x32xf32> -> vector<32x256xf32>
    %reduce_max3A_1424 = arith.constant dense<0xFF800000> : vector<256xf32>
    %reduce_max3A_1425 = vector.multi_reduction <maximumf>, %transpose3A_1419, %reduce_max3A_1424 [0] : vector<32x256xf32> to vector<256xf32>
    %broadcast_in_dim3A_1426 = vector.shape_cast %reduce_max3A_1425 : vector<256xf32> to vector<1x256xf32>
    %reduce_max3A_1427 = arith.constant dense<0xFF800000> : vector<256xf32>
    %reduce_max3A_1428 = vector.multi_reduction <maximumf>, %transpose3A_1423, %reduce_max3A_1427 [0] : vector<32x256xf32> to vector<256xf32>
    %broadcast_in_dim3A_1429 = vector.shape_cast %reduce_max3A_1428 : vector<256xf32> to vector<1x256xf32>
    %sub3A_1430 = vector.broadcast %broadcast_in_dim3A_1426 : vector<1x256xf32> to vector<32x256xf32>
    %sub3A_1431 = arith.subf %transpose3A_1419, %sub3A_1430 : vector<32x256xf32>
    %exp3A_1432 = math.exp %sub3A_1431 : vector<32x256xf32>
    %convert_element_type3A_1433 = arith.truncf %exp3A_1432 : vector<32x256xf32> to vector<32x256xbf16>
    %sub3A_1434 = vector.broadcast %broadcast_in_dim3A_1429 : vector<1x256xf32> to vector<32x256xf32>
    %sub3A_1435 = arith.subf %transpose3A_1423, %sub3A_1434 : vector<32x256xf32>
    %exp3A_1436 = math.exp %sub3A_1435 : vector<32x256xf32>
    %convert_element_type3A_1437 = arith.truncf %exp3A_1436 : vector<32x256xf32> to vector<32x256xbf16>
    %broadcast_in_dim3A_1438 = vector.shape_cast %convert_element_type3A_1433 : vector<32x256xbf16> to vector<32x1x256xbf16>
    %broadcast_in_dim3A_1439 = vector.shape_cast %convert_element_type3A_1437 : vector<32x256xbf16> to vector<1x32x256xbf16>
    %mul3A_1440 = vector.broadcast %broadcast_in_dim3A_1438 : vector<32x1x256xbf16> to vector<32x32x256xbf16>
    %mul3A_1441 = vector.broadcast %broadcast_in_dim3A_1439 : vector<1x32x256xbf16> to vector<32x32x256xbf16>
    %mul3A_1442 = arith.mulf %mul3A_1440, %mul3A_1441 : vector<32x32x256xbf16>
    %reshape3A_1443 = vector.shape_cast %mul3A_1442 : vector<32x32x256xbf16> to vector<1024x256xbf16>
    %get3A_1444 = arith.constant 26 : index
    %get3A_1445 = arith.constant 0 : index
    %get3A_1446 = arith.constant 0 : index
    %get3A_1447 = vector.load %arg1[%get3A_1444, %get3A_1445, %get3A_1446] : memref<32x32x1024xf32, #tpu.memory_space<vmem>>, vector<1x32x1024xf32>
    %get3A_1448 = vector.shape_cast %get3A_1447 : vector<1x32x1024xf32> to vector<32x1024xf32>
    %exp3A_1449 = math.exp %get3A_1448 : vector<32x1024xf32>
    %convert_element_type3A_1450 = arith.truncf %exp3A_1449 : vector<32x1024xf32> to vector<32x1024xbf16>
    %dot_general3A_1451 = arith.constant dense<0.000000e+00> : vector<32x256xf32>
    %dot_general3A_1452 = tpu.matmul %convert_element_type3A_1450, %reshape3A_1443, %dot_general3A_1451 {dimension_numbers = #tpu.dot_dimension_numbers<[1], [0], [0], [1], [0, 0, 1, 1], [], []>, transpose_lhs_hint = false} : vector<32x1024xbf16>, vector<1024x256xbf16>, vector<32x256xf32> -> vector<32x256xf32>
    %reduce_max3A_1453 = arith.constant dense<0xFF800000> : vector<256xf32>
    %reduce_max3A_1454 = vector.multi_reduction <maximumf>, %dot_general3A_1452, %reduce_max3A_1453 [0] : vector<32x256xf32> to vector<256xf32>
    %broadcast_in_dim3A_1455 = vector.shape_cast %reduce_max3A_1454 : vector<256xf32> to vector<1x256xf32>
    %add3A_1456 = arith.addf %broadcast_in_dim3A_1426, %broadcast_in_dim3A_1429 : vector<1x256xf32>
    %log3A_1457 = math.log %broadcast_in_dim3A_1455 : vector<1x256xf32>
    %add3A_1458 = arith.addf %add3A_1456, %log3A_1457 : vector<1x256xf32>
    %div3A_1459 = arith.constant 1.000000e+00 : f32
    %div3A_1460 = vector.broadcast %div3A_1459 : f32 to vector<1x256xf32>
    %div3A_1461 = arith.divf %div3A_1460, %broadcast_in_dim3A_1455 : vector<1x256xf32>
    %mul3A_1462 = vector.broadcast %div3A_1461 : vector<1x256xf32> to vector<32x256xf32>
    %mul3A_1463 = arith.mulf %dot_general3A_1452, %mul3A_1462 : vector<32x256xf32>
    %convert_element_type3A_1464 = arith.truncf %mul3A_1463 : vector<32x256xf32> to vector<32x256xbf16>
    %swap3A_1465 = arith.constant 26 : index
    %swap3A_1466 = arith.constant 0 : index
    %swap3A_1467 = arith.constant 0 : index
    %swap3A_1468 = vector.load %arg9[%swap3A_1465, %swap3A_1466, %swap3A_1467] : memref<32x32x256xbf16, #tpu.memory_space<vmem>>, vector<1x32x256xbf16>
    %swap3A_1469 = vector.shape_cast %swap3A_1468 : vector<1x32x256xbf16> to vector<32x256xbf16>
    %swap3A_1470 = vector.shape_cast %convert_element_type3A_1464 : vector<32x256xbf16> to vector<1x32x256xbf16>
    tpu.vector_store %arg9[%swap3A_1465, %swap3A_1466, %swap3A_1467], %swap3A_1470 {strides = array<i32>} : memref<32x32x256xbf16, #tpu.memory_space<vmem>>, vector<1x32x256xbf16>,
    %get3A_1471 = arith.constant 13824 : index
    %get3A_1472 = arith.constant 0 : index
    %get3A_1473 = vector.load %arg0[%get3A_1471, %get3A_1472] : memref<16384x128xf32, #tpu.memory_space<vmem>>, vector<256x32xf32>
    %transpose3A_1474 = tpu.transpose %get3A_1473, [1, 0] : vector<256x32xf32> -> vector<32x256xf32>
    %get3A_1475 = arith.constant 14080 : index
    %get3A_1476 = arith.constant 0 : index
    %get3A_1477 = vector.load %arg0[%get3A_1475, %get3A_1476] : memref<16384x128xf32, #tpu.memory_space<vmem>>, vector<256x32xf32>
    %transpose3A_1478 = tpu.transpose %get3A_1477, [1, 0] : vector<256x32xf32> -> vector<32x256xf32>
    %reduce_max3A_1479 = arith.constant dense<0xFF800000> : vector<256xf32>
    %reduce_max3A_1480 = vector.multi_reduction <maximumf>, %transpose3A_1474, %reduce_max3A_1479 [0] : vector<32x256xf32> to vector<256xf32>
    %broadcast_in_dim3A_1481 = vector.shape_cast %reduce_max3A_1480 : vector<256xf32> to vector<1x256xf32>
    %reduce_max3A_1482 = arith.constant dense<0xFF800000> : vector<256xf32>
    %reduce_max3A_1483 = vector.multi_reduction <maximumf>, %transpose3A_1478, %reduce_max3A_1482 [0] : vector<32x256xf32> to vector<256xf32>
    %broadcast_in_dim3A_1484 = vector.shape_cast %reduce_max3A_1483 : vector<256xf32> to vector<1x256xf32>
    %sub3A_1485 = vector.broadcast %broadcast_in_dim3A_1481 : vector<1x256xf32> to vector<32x256xf32>
    %sub3A_1486 = arith.subf %transpose3A_1474, %sub3A_1485 : vector<32x256xf32>
    %exp3A_1487 = math.exp %sub3A_1486 : vector<32x256xf32>
    %convert_element_type3A_1488 = arith.truncf %exp3A_1487 : vector<32x256xf32> to vector<32x256xbf16>
    %sub3A_1489 = vector.broadcast %broadcast_in_dim3A_1484 : vector<1x256xf32> to vector<32x256xf32>
    %sub3A_1490 = arith.subf %transpose3A_1478, %sub3A_1489 : vector<32x256xf32>
    %exp3A_1491 = math.exp %sub3A_1490 : vector<32x256xf32>
    %convert_element_type3A_1492 = arith.truncf %exp3A_1491 : vector<32x256xf32> to vector<32x256xbf16>
    %broadcast_in_dim3A_1493 = vector.shape_cast %convert_element_type3A_1488 : vector<32x256xbf16> to vector<32x1x256xbf16>
    %broadcast_in_dim3A_1494 = vector.shape_cast %convert_element_type3A_1492 : vector<32x256xbf16> to vector<1x32x256xbf16>
    %mul3A_1495 = vector.broadcast %broadcast_in_dim3A_1493 : vector<32x1x256xbf16> to vector<32x32x256xbf16>
    %mul3A_1496 = vector.broadcast %broadcast_in_dim3A_1494 : vector<1x32x256xbf16> to vector<32x32x256xbf16>
    %mul3A_1497 = arith.mulf %mul3A_1495, %mul3A_1496 : vector<32x32x256xbf16>
    %reshape3A_1498 = vector.shape_cast %mul3A_1497 : vector<32x32x256xbf16> to vector<1024x256xbf16>
    %get3A_1499 = arith.constant 27 : index
    %get3A_1500 = arith.constant 0 : index
    %get3A_1501 = arith.constant 0 : index
    %get3A_1502 = vector.load %arg1[%get3A_1499, %get3A_1500, %get3A_1501] : memref<32x32x1024xf32, #tpu.memory_space<vmem>>, vector<1x32x1024xf32>
    %get3A_1503 = vector.shape_cast %get3A_1502 : vector<1x32x1024xf32> to vector<32x1024xf32>
    %exp3A_1504 = math.exp %get3A_1503 : vector<32x1024xf32>
    %convert_element_type3A_1505 = arith.truncf %exp3A_1504 : vector<32x1024xf32> to vector<32x1024xbf16>
    %dot_general3A_1506 = arith.constant dense<0.000000e+00> : vector<32x256xf32>
    %dot_general3A_1507 = tpu.matmul %convert_element_type3A_1505, %reshape3A_1498, %dot_general3A_1506 {dimension_numbers = #tpu.dot_dimension_numbers<[1], [0], [0], [1], [0, 0, 1, 1], [], []>, transpose_lhs_hint = false} : vector<32x1024xbf16>, vector<1024x256xbf16>, vector<32x256xf32> -> vector<32x256xf32>
    %reduce_max3A_1508 = arith.constant dense<0xFF800000> : vector<256xf32>
    %reduce_max3A_1509 = vector.multi_reduction <maximumf>, %dot_general3A_1507, %reduce_max3A_1508 [0] : vector<32x256xf32> to vector<256xf32>
    %broadcast_in_dim3A_1510 = vector.shape_cast %reduce_max3A_1509 : vector<256xf32> to vector<1x256xf32>
    %add3A_1511 = arith.addf %broadcast_in_dim3A_1481, %broadcast_in_dim3A_1484 : vector<1x256xf32>
    %log3A_1512 = math.log %broadcast_in_dim3A_1510 : vector<1x256xf32>
    %add3A_1513 = arith.addf %add3A_1511, %log3A_1512 : vector<1x256xf32>
    %div3A_1514 = arith.constant 1.000000e+00 : f32
    %div3A_1515 = vector.broadcast %div3A_1514 : f32 to vector<1x256xf32>
    %div3A_1516 = arith.divf %div3A_1515, %broadcast_in_dim3A_1510 : vector<1x256xf32>
    %mul3A_1517 = vector.broadcast %div3A_1516 : vector<1x256xf32> to vector<32x256xf32>
    %mul3A_1518 = arith.mulf %dot_general3A_1507, %mul3A_1517 : vector<32x256xf32>
    %convert_element_type3A_1519 = arith.truncf %mul3A_1518 : vector<32x256xf32> to vector<32x256xbf16>
    %swap3A_1520 = arith.constant 27 : index
    %swap3A_1521 = arith.constant 0 : index
    %swap3A_1522 = arith.constant 0 : index
    %swap3A_1523 = vector.load %arg9[%swap3A_1520, %swap3A_1521, %swap3A_1522] : memref<32x32x256xbf16, #tpu.memory_space<vmem>>, vector<1x32x256xbf16>
    %swap3A_1524 = vector.shape_cast %swap3A_1523 : vector<1x32x256xbf16> to vector<32x256xbf16>
    %swap3A_1525 = vector.shape_cast %convert_element_type3A_1519 : vector<32x256xbf16> to vector<1x32x256xbf16>
    tpu.vector_store %arg9[%swap3A_1520, %swap3A_1521, %swap3A_1522], %swap3A_1525 {strides = array<i32>} : memref<32x32x256xbf16, #tpu.memory_space<vmem>>, vector<1x32x256xbf16>,
    %get3A_1526 = arith.constant 14336 : index
    %get3A_1527 = arith.constant 0 : index
    %get3A_1528 = vector.load %arg0[%get3A_1526, %get3A_1527] : memref<16384x128xf32, #tpu.memory_space<vmem>>, vector<256x32xf32>
    %transpose3A_1529 = tpu.transpose %get3A_1528, [1, 0] : vector<256x32xf32> -> vector<32x256xf32>
    %get3A_1530 = arith.constant 14592 : index
    %get3A_1531 = arith.constant 0 : index
    %get3A_1532 = vector.load %arg0[%get3A_1530, %get3A_1531] : memref<16384x128xf32, #tpu.memory_space<vmem>>, vector<256x32xf32>
    %transpose3A_1533 = tpu.transpose %get3A_1532, [1, 0] : vector<256x32xf32> -> vector<32x256xf32>
    %reduce_max3A_1534 = arith.constant dense<0xFF800000> : vector<256xf32>
    %reduce_max3A_1535 = vector.multi_reduction <maximumf>, %transpose3A_1529, %reduce_max3A_1534 [0] : vector<32x256xf32> to vector<256xf32>
    %broadcast_in_dim3A_1536 = vector.shape_cast %reduce_max3A_1535 : vector<256xf32> to vector<1x256xf32>
    %reduce_max3A_1537 = arith.constant dense<0xFF800000> : vector<256xf32>
    %reduce_max3A_1538 = vector.multi_reduction <maximumf>, %transpose3A_1533, %reduce_max3A_1537 [0] : vector<32x256xf32> to vector<256xf32>
    %broadcast_in_dim3A_1539 = vector.shape_cast %reduce_max3A_1538 : vector<256xf32> to vector<1x256xf32>
    %sub3A_1540 = vector.broadcast %broadcast_in_dim3A_1536 : vector<1x256xf32> to vector<32x256xf32>
    %sub3A_1541 = arith.subf %transpose3A_1529, %sub3A_1540 : vector<32x256xf32>
    %exp3A_1542 = math.exp %sub3A_1541 : vector<32x256xf32>
    %convert_element_type3A_1543 = arith.truncf %exp3A_1542 : vector<32x256xf32> to vector<32x256xbf16>
    %sub3A_1544 = vector.broadcast %broadcast_in_dim3A_1539 : vector<1x256xf32> to vector<32x256xf32>
    %sub3A_1545 = arith.subf %transpose3A_1533, %sub3A_1544 : vector<32x256xf32>
    %exp3A_1546 = math.exp %sub3A_1545 : vector<32x256xf32>
    %convert_element_type3A_1547 = arith.truncf %exp3A_1546 : vector<32x256xf32> to vector<32x256xbf16>
    %broadcast_in_dim3A_1548 = vector.shape_cast %convert_element_type3A_1543 : vector<32x256xbf16> to vector<32x1x256xbf16>
    %broadcast_in_dim3A_1549 = vector.shape_cast %convert_element_type3A_1547 : vector<32x256xbf16> to vector<1x32x256xbf16>
    %mul3A_1550 = vector.broadcast %broadcast_in_dim3A_1548 : vector<32x1x256xbf16> to vector<32x32x256xbf16>
    %mul3A_1551 = vector.broadcast %broadcast_in_dim3A_1549 : vector<1x32x256xbf16> to vector<32x32x256xbf16>
    %mul3A_1552 = arith.mulf %mul3A_1550, %mul3A_1551 : vector<32x32x256xbf16>
    %reshape3A_1553 = vector.shape_cast %mul3A_1552 : vector<32x32x256xbf16> to vector<1024x256xbf16>
    %get3A_1554 = arith.constant 28 : index
    %get3A_1555 = arith.constant 0 : index
    %get3A_1556 = arith.constant 0 : index
    %get3A_1557 = vector.load %arg1[%get3A_1554, %get3A_1555, %get3A_1556] : memref<32x32x1024xf32, #tpu.memory_space<vmem>>, vector<1x32x1024xf32>
    %get3A_1558 = vector.shape_cast %get3A_1557 : vector<1x32x1024xf32> to vector<32x1024xf32>
    %exp3A_1559 = math.exp %get3A_1558 : vector<32x1024xf32>
    %convert_element_type3A_1560 = arith.truncf %exp3A_1559 : vector<32x1024xf32> to vector<32x1024xbf16>
    %dot_general3A_1561 = arith.constant dense<0.000000e+00> : vector<32x256xf32>
    %dot_general3A_1562 = tpu.matmul %convert_element_type3A_1560, %reshape3A_1553, %dot_general3A_1561 {dimension_numbers = #tpu.dot_dimension_numbers<[1], [0], [0], [1], [0, 0, 1, 1], [], []>, transpose_lhs_hint = false} : vector<32x1024xbf16>, vector<1024x256xbf16>, vector<32x256xf32> -> vector<32x256xf32>
    %reduce_max3A_1563 = arith.constant dense<0xFF800000> : vector<256xf32>
    %reduce_max3A_1564 = vector.multi_reduction <maximumf>, %dot_general3A_1562, %reduce_max3A_1563 [0] : vector<32x256xf32> to vector<256xf32>
    %broadcast_in_dim3A_1565 = vector.shape_cast %reduce_max3A_1564 : vector<256xf32> to vector<1x256xf32>
    %add3A_1566 = arith.addf %broadcast_in_dim3A_1536, %broadcast_in_dim3A_1539 : vector<1x256xf32>
    %log3A_1567 = math.log %broadcast_in_dim3A_1565 : vector<1x256xf32>
    %add3A_1568 = arith.addf %add3A_1566, %log3A_1567 : vector<1x256xf32>
    %div3A_1569 = arith.constant 1.000000e+00 : f32
    %div3A_1570 = vector.broadcast %div3A_1569 : f32 to vector<1x256xf32>
    %div3A_1571 = arith.divf %div3A_1570, %broadcast_in_dim3A_1565 : vector<1x256xf32>
    %mul3A_1572 = vector.broadcast %div3A_1571 : vector<1x256xf32> to vector<32x256xf32>
    %mul3A_1573 = arith.mulf %dot_general3A_1562, %mul3A_1572 : vector<32x256xf32>
    %convert_element_type3A_1574 = arith.truncf %mul3A_1573 : vector<32x256xf32> to vector<32x256xbf16>
    %swap3A_1575 = arith.constant 28 : index
    %swap3A_1576 = arith.constant 0 : index
    %swap3A_1577 = arith.constant 0 : index
    %swap3A_1578 = vector.load %arg9[%swap3A_1575, %swap3A_1576, %swap3A_1577] : memref<32x32x256xbf16, #tpu.memory_space<vmem>>, vector<1x32x256xbf16>
    %swap3A_1579 = vector.shape_cast %swap3A_1578 : vector<1x32x256xbf16> to vector<32x256xbf16>
    %swap3A_1580 = vector.shape_cast %convert_element_type3A_1574 : vector<32x256xbf16> to vector<1x32x256xbf16>
    tpu.vector_store %arg9[%swap3A_1575, %swap3A_1576, %swap3A_1577], %swap3A_1580 {strides = array<i32>} : memref<32x32x256xbf16, #tpu.memory_space<vmem>>, vector<1x32x256xbf16>,
    %get3A_1581 = arith.constant 14848 : index
    %get3A_1582 = arith.constant 0 : index
    %get3A_1583 = vector.load %arg0[%get3A_1581, %get3A_1582] : memref<16384x128xf32, #tpu.memory_space<vmem>>, vector<256x32xf32>
    %transpose3A_1584 = tpu.transpose %get3A_1583, [1, 0] : vector<256x32xf32> -> vector<32x256xf32>
    %get3A_1585 = arith.constant 15104 : index
    %get3A_1586 = arith.constant 0 : index
    %get3A_1587 = vector.load %arg0[%get3A_1585, %get3A_1586] : memref<16384x128xf32, #tpu.memory_space<vmem>>, vector<256x32xf32>
    %transpose3A_1588 = tpu.transpose %get3A_1587, [1, 0] : vector<256x32xf32> -> vector<32x256xf32>
    %reduce_max3A_1589 = arith.constant dense<0xFF800000> : vector<256xf32>
    %reduce_max3A_1590 = vector.multi_reduction <maximumf>, %transpose3A_1584, %reduce_max3A_1589 [0] : vector<32x256xf32> to vector<256xf32>
    %broadcast_in_dim3A_1591 = vector.shape_cast %reduce_max3A_1590 : vector<256xf32> to vector<1x256xf32>
    %reduce_max3A_1592 = arith.constant dense<0xFF800000> : vector<256xf32>
    %reduce_max3A_1593 = vector.multi_reduction <maximumf>, %transpose3A_1588, %reduce_max3A_1592 [0] : vector<32x256xf32> to vector<256xf32>
    %broadcast_in_dim3A_1594 = vector.shape_cast %reduce_max3A_1593 : vector<256xf32> to vector<1x256xf32>
    %sub3A_1595 = vector.broadcast %broadcast_in_dim3A_1591 : vector<1x256xf32> to vector<32x256xf32>
    %sub3A_1596 = arith.subf %transpose3A_1584, %sub3A_1595 : vector<32x256xf32>
    %exp3A_1597 = math.exp %sub3A_1596 : vector<32x256xf32>
    %convert_element_type3A_1598 = arith.truncf %exp3A_1597 : vector<32x256xf32> to vector<32x256xbf16>
    %sub3A_1599 = vector.broadcast %broadcast_in_dim3A_1594 : vector<1x256xf32> to vector<32x256xf32>
    %sub3A_1600 = arith.subf %transpose3A_1588, %sub3A_1599 : vector<32x256xf32>
    %exp3A_1601 = math.exp %sub3A_1600 : vector<32x256xf32>
    %convert_element_type3A_1602 = arith.truncf %exp3A_1601 : vector<32x256xf32> to vector<32x256xbf16>
    %broadcast_in_dim3A_1603 = vector.shape_cast %convert_element_type3A_1598 : vector<32x256xbf16> to vector<32x1x256xbf16>
    %broadcast_in_dim3A_1604 = vector.shape_cast %convert_element_type3A_1602 : vector<32x256xbf16> to vector<1x32x256xbf16>
    %mul3A_1605 = vector.broadcast %broadcast_in_dim3A_1603 : vector<32x1x256xbf16> to vector<32x32x256xbf16>
    %mul3A_1606 = vector.broadcast %broadcast_in_dim3A_1604 : vector<1x32x256xbf16> to vector<32x32x256xbf16>
    %mul3A_1607 = arith.mulf %mul3A_1605, %mul3A_1606 : vector<32x32x256xbf16>
    %reshape3A_1608 = vector.shape_cast %mul3A_1607 : vector<32x32x256xbf16> to vector<1024x256xbf16>
    %get3A_1609 = arith.constant 29 : index
    %get3A_1610 = arith.constant 0 : index
    %get3A_1611 = arith.constant 0 : index
    %get3A_1612 = vector.load %arg1[%get3A_1609, %get3A_1610, %get3A_1611] : memref<32x32x1024xf32, #tpu.memory_space<vmem>>, vector<1x32x1024xf32>
    %get3A_1613 = vector.shape_cast %get3A_1612 : vector<1x32x1024xf32> to vector<32x1024xf32>
    %exp3A_1614 = math.exp %get3A_1613 : vector<32x1024xf32>
    %convert_element_type3A_1615 = arith.truncf %exp3A_1614 : vector<32x1024xf32> to vector<32x1024xbf16>
    %dot_general3A_1616 = arith.constant dense<0.000000e+00> : vector<32x256xf32>
    %dot_general3A_1617 = tpu.matmul %convert_element_type3A_1615, %reshape3A_1608, %dot_general3A_1616 {dimension_numbers = #tpu.dot_dimension_numbers<[1], [0], [0], [1], [0, 0, 1, 1], [], []>, transpose_lhs_hint = false} : vector<32x1024xbf16>, vector<1024x256xbf16>, vector<32x256xf32> -> vector<32x256xf32>
    %reduce_max3A_1618 = arith.constant dense<0xFF800000> : vector<256xf32>
    %reduce_max3A_1619 = vector.multi_reduction <maximumf>, %dot_general3A_1617, %reduce_max3A_1618 [0] : vector<32x256xf32> to vector<256xf32>
    %broadcast_in_dim3A_1620 = vector.shape_cast %reduce_max3A_1619 : vector<256xf32> to vector<1x256xf32>
    %add3A_1621 = arith.addf %broadcast_in_dim3A_1591, %broadcast_in_dim3A_1594 : vector<1x256xf32>
    %log3A_1622 = math.log %broadcast_in_dim3A_1620 : vector<1x256xf32>
    %add3A_1623 = arith.addf %add3A_1621, %log3A_1622 : vector<1x256xf32>
    %div3A_1624 = arith.constant 1.000000e+00 : f32
    %div3A_1625 = vector.broadcast %div3A_1624 : f32 to vector<1x256xf32>
    %div3A_1626 = arith.divf %div3A_1625, %broadcast_in_dim3A_1620 : vector<1x256xf32>
    %mul3A_1627 = vector.broadcast %div3A_1626 : vector<1x256xf32> to vector<32x256xf32>
    %mul3A_1628 = arith.mulf %dot_general3A_1617, %mul3A_1627 : vector<32x256xf32>
    %convert_element_type3A_1629 = arith.truncf %mul3A_1628 : vector<32x256xf32> to vector<32x256xbf16>
    %swap3A_1630 = arith.constant 29 : index
    %swap3A_1631 = arith.constant 0 : index
    %swap3A_1632 = arith.constant 0 : index
    %swap3A_1633 = vector.load %arg9[%swap3A_1630, %swap3A_1631, %swap3A_1632] : memref<32x32x256xbf16, #tpu.memory_space<vmem>>, vector<1x32x256xbf16>
    %swap3A_1634 = vector.shape_cast %swap3A_1633 : vector<1x32x256xbf16> to vector<32x256xbf16>
    %swap3A_1635 = vector.shape_cast %convert_element_type3A_1629 : vector<32x256xbf16> to vector<1x32x256xbf16>
    tpu.vector_store %arg9[%swap3A_1630, %swap3A_1631, %swap3A_1632], %swap3A_1635 {strides = array<i32>} : memref<32x32x256xbf16, #tpu.memory_space<vmem>>, vector<1x32x256xbf16>,
    %get3A_1636 = arith.constant 15360 : index
    %get3A_1637 = arith.constant 0 : index
    %get3A_1638 = vector.load %arg0[%get3A_1636, %get3A_1637] : memref<16384x128xf32, #tpu.memory_space<vmem>>, vector<256x32xf32>
    %transpose3A_1639 = tpu.transpose %get3A_1638, [1, 0] : vector<256x32xf32> -> vector<32x256xf32>
    %get3A_1640 = arith.constant 15616 : index
    %get3A_1641 = arith.constant 0 : index
    %get3A_1642 = vector.load %arg0[%get3A_1640, %get3A_1641] : memref<16384x128xf32, #tpu.memory_space<vmem>>, vector<256x32xf32>
    %transpose3A_1643 = tpu.transpose %get3A_1642, [1, 0] : vector<256x32xf32> -> vector<32x256xf32>
    %reduce_max3A_1644 = arith.constant dense<0xFF800000> : vector<256xf32>
    %reduce_max3A_1645 = vector.multi_reduction <maximumf>, %transpose3A_1639, %reduce_max3A_1644 [0] : vector<32x256xf32> to vector<256xf32>
    %broadcast_in_dim3A_1646 = vector.shape_cast %reduce_max3A_1645 : vector<256xf32> to vector<1x256xf32>
    %reduce_max3A_1647 = arith.constant dense<0xFF800000> : vector<256xf32>
    %reduce_max3A_1648 = vector.multi_reduction <maximumf>, %transpose3A_1643, %reduce_max3A_1647 [0] : vector<32x256xf32> to vector<256xf32>
    %broadcast_in_dim3A_1649 = vector.shape_cast %reduce_max3A_1648 : vector<256xf32> to vector<1x256xf32>
    %sub3A_1650 = vector.broadcast %broadcast_in_dim3A_1646 : vector<1x256xf32> to vector<32x256xf32>
    %sub3A_1651 = arith.subf %transpose3A_1639, %sub3A_1650 : vector<32x256xf32>
    %exp3A_1652 = math.exp %sub3A_1651 : vector<32x256xf32>
    %convert_element_type3A_1653 = arith.truncf %exp3A_1652 : vector<32x256xf32> to vector<32x256xbf16>
    %sub3A_1654 = vector.broadcast %broadcast_in_dim3A_1649 : vector<1x256xf32> to vector<32x256xf32>
    %sub3A_1655 = arith.subf %transpose3A_1643, %sub3A_1654 : vector<32x256xf32>
    %exp3A_1656 = math.exp %sub3A_1655 : vector<32x256xf32>
    %convert_element_type3A_1657 = arith.truncf %exp3A_1656 : vector<32x256xf32> to vector<32x256xbf16>
    %broadcast_in_dim3A_1658 = vector.shape_cast %convert_element_type3A_1653 : vector<32x256xbf16> to vector<32x1x256xbf16>
    %broadcast_in_dim3A_1659 = vector.shape_cast %convert_element_type3A_1657 : vector<32x256xbf16> to vector<1x32x256xbf16>
    %mul3A_1660 = vector.broadcast %broadcast_in_dim3A_1658 : vector<32x1x256xbf16> to vector<32x32x256xbf16>
    %mul3A_1661 = vector.broadcast %broadcast_in_dim3A_1659 : vector<1x32x256xbf16> to vector<32x32x256xbf16>
    %mul3A_1662 = arith.mulf %mul3A_1660, %mul3A_1661 : vector<32x32x256xbf16>
    %reshape3A_1663 = vector.shape_cast %mul3A_1662 : vector<32x32x256xbf16> to vector<1024x256xbf16>
    %get3A_1664 = arith.constant 30 : index
    %get3A_1665 = arith.constant 0 : index
    %get3A_1666 = arith.constant 0 : index
    %get3A_1667 = vector.load %arg1[%get3A_1664, %get3A_1665, %get3A_1666] : memref<32x32x1024xf32, #tpu.memory_space<vmem>>, vector<1x32x1024xf32>
    %get3A_1668 = vector.shape_cast %get3A_1667 : vector<1x32x1024xf32> to vector<32x1024xf32>
    %exp3A_1669 = math.exp %get3A_1668 : vector<32x1024xf32>
    %convert_element_type3A_1670 = arith.truncf %exp3A_1669 : vector<32x1024xf32> to vector<32x1024xbf16>
    %dot_general3A_1671 = arith.constant dense<0.000000e+00> : vector<32x256xf32>
    %dot_general3A_1672 = tpu.matmul %convert_element_type3A_1670, %reshape3A_1663, %dot_general3A_1671 {dimension_numbers = #tpu.dot_dimension_numbers<[1], [0], [0], [1], [0, 0, 1, 1], [], []>, transpose_lhs_hint = false} : vector<32x1024xbf16>, vector<1024x256xbf16>, vector<32x256xf32> -> vector<32x256xf32>
    %reduce_max3A_1673 = arith.constant dense<0xFF800000> : vector<256xf32>
    %reduce_max3A_1674 = vector.multi_reduction <maximumf>, %dot_general3A_1672, %reduce_max3A_1673 [0] : vector<32x256xf32> to vector<256xf32>
    %broadcast_in_dim3A_1675 = vector.shape_cast %reduce_max3A_1674 : vector<256xf32> to vector<1x256xf32>
    %add3A_1676 = arith.addf %broadcast_in_dim3A_1646, %broadcast_in_dim3A_1649 : vector<1x256xf32>
    %log3A_1677 = math.log %broadcast_in_dim3A_1675 : vector<1x256xf32>
    %add3A_1678 = arith.addf %add3A_1676, %log3A_1677 : vector<1x256xf32>
    %div3A_1679 = arith.constant 1.000000e+00 : f32
    %div3A_1680 = vector.broadcast %div3A_1679 : f32 to vector<1x256xf32>
    %div3A_1681 = arith.divf %div3A_1680, %broadcast_in_dim3A_1675 : vector<1x256xf32>
    %mul3A_1682 = vector.broadcast %div3A_1681 : vector<1x256xf32> to vector<32x256xf32>
    %mul3A_1683 = arith.mulf %dot_general3A_1672, %mul3A_1682 : vector<32x256xf32>
    %convert_element_type3A_1684 = arith.truncf %mul3A_1683 : vector<32x256xf32> to vector<32x256xbf16>
    %swap3A_1685 = arith.constant 30 : index
    %swap3A_1686 = arith.constant 0 : index
    %swap3A_1687 = arith.constant 0 : index
    %swap3A_1688 = vector.load %arg9[%swap3A_1685, %swap3A_1686, %swap3A_1687] : memref<32x32x256xbf16, #tpu.memory_space<vmem>>, vector<1x32x256xbf16>
    %swap3A_1689 = vector.shape_cast %swap3A_1688 : vector<1x32x256xbf16> to vector<32x256xbf16>
    %swap3A_1690 = vector.shape_cast %convert_element_type3A_1684 : vector<32x256xbf16> to vector<1x32x256xbf16>
    tpu.vector_store %arg9[%swap3A_1685, %swap3A_1686, %swap3A_1687], %swap3A_1690 {strides = array<i32>} : memref<32x32x256xbf16, #tpu.memory_space<vmem>>, vector<1x32x256xbf16>,
    %get3A_1691 = arith.constant 15872 : index
    %get3A_1692 = arith.constant 0 : index
    %get3A_1693 = vector.load %arg0[%get3A_1691, %get3A_1692] : memref<16384x128xf32, #tpu.memory_space<vmem>>, vector<256x32xf32>
    %transpose3A_1694 = tpu.transpose %get3A_1693, [1, 0] : vector<256x32xf32> -> vector<32x256xf32>
    %get3A_1695 = arith.constant 16128 : index
    %get3A_1696 = arith.constant 0 : index
    %get3A_1697 = vector.load %arg0[%get3A_1695, %get3A_1696] : memref<16384x128xf32, #tpu.memory_space<vmem>>, vector<256x32xf32>
    %transpose3A_1698 = tpu.transpose %get3A_1697, [1, 0] : vector<256x32xf32> -> vector<32x256xf32>
    %reduce_max3A_1699 = arith.constant dense<0xFF800000> : vector<256xf32>
    %reduce_max3A_1700 = vector.multi_reduction <maximumf>, %transpose3A_1694, %reduce_max3A_1699 [0] : vector<32x256xf32> to vector<256xf32>
    %broadcast_in_dim3A_1701 = vector.shape_cast %reduce_max3A_1700 : vector<256xf32> to vector<1x256xf32>
    %reduce_max3A_1702 = arith.constant dense<0xFF800000> : vector<256xf32>
    %reduce_max3A_1703 = vector.multi_reduction <maximumf>, %transpose3A_1698, %reduce_max3A_1702 [0] : vector<32x256xf32> to vector<256xf32>
    %broadcast_in_dim3A_1704 = vector.shape_cast %reduce_max3A_1703 : vector<256xf32> to vector<1x256xf32>
    %sub3A_1705 = vector.broadcast %broadcast_in_dim3A_1701 : vector<1x256xf32> to vector<32x256xf32>
    %sub3A_1706 = arith.subf %transpose3A_1694, %sub3A_1705 : vector<32x256xf32>
    %exp3A_1707 = math.exp %sub3A_1706 : vector<32x256xf32>
    %convert_element_type3A_1708 = arith.truncf %exp3A_1707 : vector<32x256xf32> to vector<32x256xbf16>
    %sub3A_1709 = vector.broadcast %broadcast_in_dim3A_1704 : vector<1x256xf32> to vector<32x256xf32>
    %sub3A_1710 = arith.subf %transpose3A_1698, %sub3A_1709 : vector<32x256xf32>
    %exp3A_1711 = math.exp %sub3A_1710 : vector<32x256xf32>
    %convert_element_type3A_1712 = arith.truncf %exp3A_1711 : vector<32x256xf32> to vector<32x256xbf16>
    %broadcast_in_dim3A_1713 = vector.shape_cast %convert_element_type3A_1708 : vector<32x256xbf16> to vector<32x1x256xbf16>
    %broadcast_in_dim3A_1714 = vector.shape_cast %convert_element_type3A_1712 : vector<32x256xbf16> to vector<1x32x256xbf16>
    %mul3A_1715 = vector.broadcast %broadcast_in_dim3A_1713 : vector<32x1x256xbf16> to vector<32x32x256xbf16>
    %mul3A_1716 = vector.broadcast %broadcast_in_dim3A_1714 : vector<1x32x256xbf16> to vector<32x32x256xbf16>
    %mul3A_1717 = arith.mulf %mul3A_1715, %mul3A_1716 : vector<32x32x256xbf16>
    %reshape3A_1718 = vector.shape_cast %mul3A_1717 : vector<32x32x256xbf16> to vector<1024x256xbf16>
    %get3A_1719 = arith.constant 31 : index
    %get3A_1720 = arith.constant 0 : index
    %get3A_1721 = arith.constant 0 : index
    %get3A_1722 = vector.load %arg1[%get3A_1719, %get3A_1720, %get3A_1721] : memref<32x32x1024xf32, #tpu.memory_space<vmem>>, vector<1x32x1024xf32>
    %get3A_1723 = vector.shape_cast %get3A_1722 : vector<1x32x1024xf32> to vector<32x1024xf32>
    %exp3A_1724 = math.exp %get3A_1723 : vector<32x1024xf32>
    %convert_element_type3A_1725 = arith.truncf %exp3A_1724 : vector<32x1024xf32> to vector<32x1024xbf16>
    %dot_general3A_1726 = arith.constant dense<0.000000e+00> : vector<32x256xf32>
    %dot_general3A_1727 = tpu.matmul %convert_element_type3A_1725, %reshape3A_1718, %dot_general3A_1726 {dimension_numbers = #tpu.dot_dimension_numbers<[1], [0], [0], [1], [0, 0, 1, 1], [], []>, transpose_lhs_hint = false} : vector<32x1024xbf16>, vector<1024x256xbf16>, vector<32x256xf32> -> vector<32x256xf32>
    %reduce_max3A_1728 = arith.constant dense<0xFF800000> : vector<256xf32>
    %reduce_max3A_1729 = vector.multi_reduction <maximumf>, %dot_general3A_1727, %reduce_max3A_1728 [0] : vector<32x256xf32> to vector<256xf32>
    %broadcast_in_dim3A_1730 = vector.shape_cast %reduce_max3A_1729 : vector<256xf32> to vector<1x256xf32>
    %add3A_1731 = arith.addf %broadcast_in_dim3A_1701, %broadcast_in_dim3A_1704 : vector<1x256xf32>
    %log3A_1732 = math.log %broadcast_in_dim3A_1730 : vector<1x256xf32>
    %add3A_1733 = arith.addf %add3A_1731, %log3A_1732 : vector<1x256xf32>
    %div3A_1734 = arith.constant 1.000000e+00 : f32
    %div3A_1735 = vector.broadcast %div3A_1734 : f32 to vector<1x256xf32>
    %div3A_1736 = arith.divf %div3A_1735, %broadcast_in_dim3A_1730 : vector<1x256xf32>
    %mul3A_1737 = vector.broadcast %div3A_1736 : vector<1x256xf32> to vector<32x256xf32>
    %mul3A_1738 = arith.mulf %dot_general3A_1727, %mul3A_1737 : vector<32x256xf32>
    %convert_element_type3A_1739 = arith.truncf %mul3A_1738 : vector<32x256xf32> to vector<32x256xbf16>
    %swap3A_1740 = arith.constant 31 : index
    %swap3A_1741 = arith.constant 0 : index
    %swap3A_1742 = arith.constant 0 : index
    %swap3A_1743 = vector.load %arg9[%swap3A_1740, %swap3A_1741, %swap3A_1742] : memref<32x32x256xbf16, #tpu.memory_space<vmem>>, vector<1x32x256xbf16>
    %swap3A_1744 = vector.shape_cast %swap3A_1743 : vector<1x32x256xbf16> to vector<32x256xbf16>
    %swap3A_1745 = vector.shape_cast %convert_element_type3A_1739 : vector<32x256xbf16> to vector<1x32x256xbf16>
    tpu.vector_store %arg9[%swap3A_1740, %swap3A_1741, %swap3A_1742], %swap3A_1745 {strides = array<i32>} : memref<32x32x256xbf16, #tpu.memory_space<vmem>>, vector<1x32x256xbf16>,
    %get3A_1746 = arith.constant 0 : index
    %get3A_1747 = arith.constant 0 : index
    %get3A_1748 = arith.constant 0 : index
    %get3A_1749 = vector.load %arg9[%get3A_1746, %get3A_1747, %get3A_1748] : memref<32x32x256xbf16, #tpu.memory_space<vmem>>, vector<1x32x256xbf16>
    %get3A_1750 = vector.shape_cast %get3A_1749 : vector<1x32x256xbf16> to vector<32x256xbf16>
    %get3A_1751 = arith.constant 1 : index
    %get3A_1752 = arith.constant 0 : index
    %get3A_1753 = arith.constant 0 : index
    %get3A_1754 = vector.load %arg9[%get3A_1751, %get3A_1752, %get3A_1753] : memref<32x32x256xbf16, #tpu.memory_space<vmem>>, vector<1x32x256xbf16>
    %get3A_1755 = vector.shape_cast %get3A_1754 : vector<1x32x256xbf16> to vector<32x256xbf16>
    %broadcast_in_dim3A_1756 = vector.shape_cast %get3A_1750 : vector<32x256xbf16> to vector<32x1x256xbf16>
    %broadcast_in_dim3A_1757 = vector.shape_cast %get3A_1755 : vector<32x256xbf16> to vector<1x32x256xbf16>
    %mul3A_1758 = vector.broadcast %broadcast_in_dim3A_1756 : vector<32x1x256xbf16> to vector<32x32x256xbf16>
    %mul3A_1759 = vector.broadcast %broadcast_in_dim3A_1757 : vector<1x32x256xbf16> to vector<32x32x256xbf16>
    %mul3A_1760 = arith.mulf %mul3A_1758, %mul3A_1759 : vector<32x32x256xbf16>
    %reshape3A_1761 = vector.shape_cast %mul3A_1760 : vector<32x32x256xbf16> to vector<1024x256xbf16>
    %get3A_1762 = arith.constant 0 : index
    %get3A_1763 = arith.constant 0 : index
    %get3A_1764 = arith.constant 0 : index
    %get3A_1765 = vector.load %arg2[%get3A_1762, %get3A_1763, %get3A_1764] : memref<16x32x1024xf32, #tpu.memory_space<vmem>>, vector<1x32x1024xf32>
    %get3A_1766 = vector.shape_cast %get3A_1765 : vector<1x32x1024xf32> to vector<32x1024xf32>
    %exp3A_1767 = math.exp %get3A_1766 : vector<32x1024xf32>
    %convert_element_type3A_1768 = arith.truncf %exp3A_1767 : vector<32x1024xf32> to vector<32x1024xbf16>
    %dot_general3A_1769 = arith.constant dense<0.000000e+00> : vector<32x256xf32>
    %dot_general3A_1770 = tpu.matmul %convert_element_type3A_1768, %reshape3A_1761, %dot_general3A_1769 {dimension_numbers = #tpu.dot_dimension_numbers<[1], [0], [0], [1], [0, 0, 1, 1], [], []>, transpose_lhs_hint = false} : vector<32x1024xbf16>, vector<1024x256xbf16>, vector<32x256xf32> -> vector<32x256xf32>
    %reduce_max3A_1771 = arith.constant dense<0xFF800000> : vector<256xf32>
    %reduce_max3A_1772 = vector.multi_reduction <maximumf>, %dot_general3A_1770, %reduce_max3A_1771 [0] : vector<32x256xf32> to vector<256xf32>
    %broadcast_in_dim3A_1773 = vector.shape_cast %reduce_max3A_1772 : vector<256xf32> to vector<1x256xf32>
    %add3A_1774 = arith.addf %add3A_30, %add3A_83 : vector<1x256xf32>
    %log3A_1775 = math.log %broadcast_in_dim3A_1773 : vector<1x256xf32>
    %add3A_1776 = arith.addf %add3A_1774, %log3A_1775 : vector<1x256xf32>
    %div3A_1777 = arith.constant 1.000000e+00 : f32
    %div3A_1778 = vector.broadcast %div3A_1777 : f32 to vector<1x256xf32>
    %div3A_1779 = arith.divf %div3A_1778, %broadcast_in_dim3A_1773 : vector<1x256xf32>
    %mul3A_1780 = vector.broadcast %div3A_1779 : vector<1x256xf32> to vector<32x256xf32>
    %mul3A_1781 = arith.mulf %dot_general3A_1770, %mul3A_1780 : vector<32x256xf32>
    %convert_element_type3A_1782 = arith.truncf %mul3A_1781 : vector<32x256xf32> to vector<32x256xbf16>
    %swap3A_1783 = arith.constant 0 : index
    %swap3A_1784 = arith.constant 0 : index
    %swap3A_1785 = arith.constant 0 : index
    %swap3A_1786 = vector.load %arg10[%swap3A_1783, %swap3A_1784, %swap3A_1785] : memref<16x32x256xbf16, #tpu.memory_space<vmem>>, vector<1x32x256xbf16>
    %swap3A_1787 = vector.shape_cast %swap3A_1786 : vector<1x32x256xbf16> to vector<32x256xbf16>
    %swap3A_1788 = vector.shape_cast %convert_element_type3A_1782 : vector<32x256xbf16> to vector<1x32x256xbf16>
    tpu.vector_store %arg10[%swap3A_1783, %swap3A_1784, %swap3A_1785], %swap3A_1788 {strides = array<i32>} : memref<16x32x256xbf16, #tpu.memory_space<vmem>>, vector<1x32x256xbf16>,
    %get3A_1789 = arith.constant 2 : index
    %get3A_1790 = arith.constant 0 : index
    %get3A_1791 = arith.constant 0 : index
    %get3A_1792 = vector.load %arg9[%get3A_1789, %get3A_1790, %get3A_1791] : memref<32x32x256xbf16, #tpu.memory_space<vmem>>, vector<1x32x256xbf16>
    %get3A_1793 = vector.shape_cast %get3A_1792 : vector<1x32x256xbf16> to vector<32x256xbf16>
    %get3A_1794 = arith.constant 3 : index
    %get3A_1795 = arith.constant 0 : index
    %get3A_1796 = arith.constant 0 : index
    %get3A_1797 = vector.load %arg9[%get3A_1794, %get3A_1795, %get3A_1796] : memref<32x32x256xbf16, #tpu.memory_space<vmem>>, vector<1x32x256xbf16>
    %get3A_1798 = vector.shape_cast %get3A_1797 : vector<1x32x256xbf16> to vector<32x256xbf16>
    %broadcast_in_dim3A_1799 = vector.shape_cast %get3A_1793 : vector<32x256xbf16> to vector<32x1x256xbf16>
    %broadcast_in_dim3A_1800 = vector.shape_cast %get3A_1798 : vector<32x256xbf16> to vector<1x32x256xbf16>
    %mul3A_1801 = vector.broadcast %broadcast_in_dim3A_1799 : vector<32x1x256xbf16> to vector<32x32x256xbf16>
    %mul3A_1802 = vector.broadcast %broadcast_in_dim3A_1800 : vector<1x32x256xbf16> to vector<32x32x256xbf16>
    %mul3A_1803 = arith.mulf %mul3A_1801, %mul3A_1802 : vector<32x32x256xbf16>
    %reshape3A_1804 = vector.shape_cast %mul3A_1803 : vector<32x32x256xbf16> to vector<1024x256xbf16>
    %get3A_1805 = arith.constant 1 : index
    %get3A_1806 = arith.constant 0 : index
    %get3A_1807 = arith.constant 0 : index
    %get3A_1808 = vector.load %arg2[%get3A_1805, %get3A_1806, %get3A_1807] : memref<16x32x1024xf32, #tpu.memory_space<vmem>>, vector<1x32x1024xf32>
    %get3A_1809 = vector.shape_cast %get3A_1808 : vector<1x32x1024xf32> to vector<32x1024xf32>
    %exp3A_1810 = math.exp %get3A_1809 : vector<32x1024xf32>
    %convert_element_type3A_1811 = arith.truncf %exp3A_1810 : vector<32x1024xf32> to vector<32x1024xbf16>
    %dot_general3A_1812 = arith.constant dense<0.000000e+00> : vector<32x256xf32>
    %dot_general3A_1813 = tpu.matmul %convert_element_type3A_1811, %reshape3A_1804, %dot_general3A_1812 {dimension_numbers = #tpu.dot_dimension_numbers<[1], [0], [0], [1], [0, 0, 1, 1], [], []>, transpose_lhs_hint = false} : vector<32x1024xbf16>, vector<1024x256xbf16>, vector<32x256xf32> -> vector<32x256xf32>
    %reduce_max3A_1814 = arith.constant dense<0xFF800000> : vector<256xf32>
    %reduce_max3A_1815 = vector.multi_reduction <maximumf>, %dot_general3A_1813, %reduce_max3A_1814 [0] : vector<32x256xf32> to vector<256xf32>
    %broadcast_in_dim3A_1816 = vector.shape_cast %reduce_max3A_1815 : vector<256xf32> to vector<1x256xf32>
    %add3A_1817 = arith.addf %add3A_138, %add3A_193 : vector<1x256xf32>
    %log3A_1818 = math.log %broadcast_in_dim3A_1816 : vector<1x256xf32>
    %add3A_1819 = arith.addf %add3A_1817, %log3A_1818 : vector<1x256xf32>
    %div3A_1820 = arith.constant 1.000000e+00 : f32
    %div3A_1821 = vector.broadcast %div3A_1820 : f32 to vector<1x256xf32>
    %div3A_1822 = arith.divf %div3A_1821, %broadcast_in_dim3A_1816 : vector<1x256xf32>
    %mul3A_1823 = vector.broadcast %div3A_1822 : vector<1x256xf32> to vector<32x256xf32>
    %mul3A_1824 = arith.mulf %dot_general3A_1813, %mul3A_1823 : vector<32x256xf32>
    %convert_element_type3A_1825 = arith.truncf %mul3A_1824 : vector<32x256xf32> to vector<32x256xbf16>
    %swap3A_1826 = arith.constant 1 : index
    %swap3A_1827 = arith.constant 0 : index
    %swap3A_1828 = arith.constant 0 : index
    %swap3A_1829 = vector.load %arg10[%swap3A_1826, %swap3A_1827, %swap3A_1828] : memref<16x32x256xbf16, #tpu.memory_space<vmem>>, vector<1x32x256xbf16>
    %swap3A_1830 = vector.shape_cast %swap3A_1829 : vector<1x32x256xbf16> to vector<32x256xbf16>
    %swap3A_1831 = vector.shape_cast %convert_element_type3A_1825 : vector<32x256xbf16> to vector<1x32x256xbf16>
    tpu.vector_store %arg10[%swap3A_1826, %swap3A_1827, %swap3A_1828], %swap3A_1831 {strides = array<i32>} : memref<16x32x256xbf16, #tpu.memory_space<vmem>>, vector<1x32x256xbf16>,
    %get3A_1832 = arith.constant 4 : index
    %get3A_1833 = arith.constant 0 : index
    %get3A_1834 = arith.constant 0 : index
    %get3A_1835 = vector.load %arg9[%get3A_1832, %get3A_1833, %get3A_1834] : memref<32x32x256xbf16, #tpu.memory_space<vmem>>, vector<1x32x256xbf16>
    %get3A_1836 = vector.shape_cast %get3A_1835 : vector<1x32x256xbf16> to vector<32x256xbf16>
    %get3A_1837 = arith.constant 5 : index
    %get3A_1838 = arith.constant 0 : index
    %get3A_1839 = arith.constant 0 : index
    %get3A_1840 = vector.load %arg9[%get3A_1837, %get3A_1838, %get3A_1839] : memref<32x32x256xbf16, #tpu.memory_space<vmem>>, vector<1x32x256xbf16>
    %get3A_1841 = vector.shape_cast %get3A_1840 : vector<1x32x256xbf16> to vector<32x256xbf16>
    %broadcast_in_dim3A_1842 = vector.shape_cast %get3A_1836 : vector<32x256xbf16> to vector<32x1x256xbf16>
    %broadcast_in_dim3A_1843 = vector.shape_cast %get3A_1841 : vector<32x256xbf16> to vector<1x32x256xbf16>
    %mul3A_1844 = vector.broadcast %broadcast_in_dim3A_1842 : vector<32x1x256xbf16> to vector<32x32x256xbf16>
    %mul3A_1845 = vector.broadcast %broadcast_in_dim3A_1843 : vector<1x32x256xbf16> to vector<32x32x256xbf16>
    %mul3A_1846 = arith.mulf %mul3A_1844, %mul3A_1845 : vector<32x32x256xbf16>
    %reshape3A_1847 = vector.shape_cast %mul3A_1846 : vector<32x32x256xbf16> to vector<1024x256xbf16>
    %get3A_1848 = arith.constant 2 : index
    %get3A_1849 = arith.constant 0 : index
    %get3A_1850 = arith.constant 0 : index
    %get3A_1851 = vector.load %arg2[%get3A_1848, %get3A_1849, %get3A_1850] : memref<16x32x1024xf32, #tpu.memory_space<vmem>>, vector<1x32x1024xf32>
    %get3A_1852 = vector.shape_cast %get3A_1851 : vector<1x32x1024xf32> to vector<32x1024xf32>
    %exp3A_1853 = math.exp %get3A_1852 : vector<32x1024xf32>
    %convert_element_type3A_1854 = arith.truncf %exp3A_1853 : vector<32x1024xf32> to vector<32x1024xbf16>
    %dot_general3A_1855 = arith.constant dense<0.000000e+00> : vector<32x256xf32>
    %dot_general3A_1856 = tpu.matmul %convert_element_type3A_1854, %reshape3A_1847, %dot_general3A_1855 {dimension_numbers = #tpu.dot_dimension_numbers<[1], [0], [0], [1], [0, 0, 1, 1], [], []>, transpose_lhs_hint = false} : vector<32x1024xbf16>, vector<1024x256xbf16>, vector<32x256xf32> -> vector<32x256xf32>
    %reduce_max3A_1857 = arith.constant dense<0xFF800000> : vector<256xf32>
    %reduce_max3A_1858 = vector.multi_reduction <maximumf>, %dot_general3A_1856, %reduce_max3A_1857 [0] : vector<32x256xf32> to vector<256xf32>
    %broadcast_in_dim3A_1859 = vector.shape_cast %reduce_max3A_1858 : vector<256xf32> to vector<1x256xf32>
    %add3A_1860 = arith.addf %add3A_248, %add3A_303 : vector<1x256xf32>
    %log3A_1861 = math.log %broadcast_in_dim3A_1859 : vector<1x256xf32>
    %add3A_1862 = arith.addf %add3A_1860, %log3A_1861 : vector<1x256xf32>
    %div3A_1863 = arith.constant 1.000000e+00 : f32
    %div3A_1864 = vector.broadcast %div3A_1863 : f32 to vector<1x256xf32>
    %div3A_1865 = arith.divf %div3A_1864, %broadcast_in_dim3A_1859 : vector<1x256xf32>
    %mul3A_1866 = vector.broadcast %div3A_1865 : vector<1x256xf32> to vector<32x256xf32>
    %mul3A_1867 = arith.mulf %dot_general3A_1856, %mul3A_1866 : vector<32x256xf32>
    %convert_element_type3A_1868 = arith.truncf %mul3A_1867 : vector<32x256xf32> to vector<32x256xbf16>
    %swap3A_1869 = arith.constant 2 : index
    %swap3A_1870 = arith.constant 0 : index
    %swap3A_1871 = arith.constant 0 : index
    %swap3A_1872 = vector.load %arg10[%swap3A_1869, %swap3A_1870, %swap3A_1871] : memref<16x32x256xbf16, #tpu.memory_space<vmem>>, vector<1x32x256xbf16>
    %swap3A_1873 = vector.shape_cast %swap3A_1872 : vector<1x32x256xbf16> to vector<32x256xbf16>
    %swap3A_1874 = vector.shape_cast %convert_element_type3A_1868 : vector<32x256xbf16> to vector<1x32x256xbf16>
    tpu.vector_store %arg10[%swap3A_1869, %swap3A_1870, %swap3A_1871], %swap3A_1874 {strides = array<i32>} : memref<16x32x256xbf16, #tpu.memory_space<vmem>>, vector<1x32x256xbf16>,
    %get3A_1875 = arith.constant 6 : index
    %get3A_1876 = arith.constant 0 : index
    %get3A_1877 = arith.constant 0 : index
    %get3A_1878 = vector.load %arg9[%get3A_1875, %get3A_1876, %get3A_1877] : memref<32x32x256xbf16, #tpu.memory_space<vmem>>, vector<1x32x256xbf16>
    %get3A_1879 = vector.shape_cast %get3A_1878 : vector<1x32x256xbf16> to vector<32x256xbf16>
    %get3A_1880 = arith.constant 7 : index
    %get3A_1881 = arith.constant 0 : index
    %get3A_1882 = arith.constant 0 : index
    %get3A_1883 = vector.load %arg9[%get3A_1880, %get3A_1881, %get3A_1882] : memref<32x32x256xbf16, #tpu.memory_space<vmem>>, vector<1x32x256xbf16>
    %get3A_1884 = vector.shape_cast %get3A_1883 : vector<1x32x256xbf16> to vector<32x256xbf16>
    %broadcast_in_dim3A_1885 = vector.shape_cast %get3A_1879 : vector<32x256xbf16> to vector<32x1x256xbf16>
    %broadcast_in_dim3A_1886 = vector.shape_cast %get3A_1884 : vector<32x256xbf16> to vector<1x32x256xbf16>
    %mul3A_1887 = vector.broadcast %broadcast_in_dim3A_1885 : vector<32x1x256xbf16> to vector<32x32x256xbf16>
    %mul3A_1888 = vector.broadcast %broadcast_in_dim3A_1886 : vector<1x32x256xbf16> to vector<32x32x256xbf16>
    %mul3A_1889 = arith.mulf %mul3A_1887, %mul3A_1888 : vector<32x32x256xbf16>
    %reshape3A_1890 = vector.shape_cast %mul3A_1889 : vector<32x32x256xbf16> to vector<1024x256xbf16>
    %get3A_1891 = arith.constant 3 : index
    %get3A_1892 = arith.constant 0 : index
    %get3A_1893 = arith.constant 0 : index
    %get3A_1894 = vector.load %arg2[%get3A_1891, %get3A_1892, %get3A_1893] : memref<16x32x1024xf32, #tpu.memory_space<vmem>>, vector<1x32x1024xf32>
    %get3A_1895 = vector.shape_cast %get3A_1894 : vector<1x32x1024xf32> to vector<32x1024xf32>
    %exp3A_1896 = math.exp %get3A_1895 : vector<32x1024xf32>
    %convert_element_type3A_1897 = arith.truncf %exp3A_1896 : vector<32x1024xf32> to vector<32x1024xbf16>
    %dot_general3A_1898 = arith.constant dense<0.000000e+00> : vector<32x256xf32>
    %dot_general3A_1899 = tpu.matmul %convert_element_type3A_1897, %reshape3A_1890, %dot_general3A_1898 {dimension_numbers = #tpu.dot_dimension_numbers<[1], [0], [0], [1], [0, 0, 1, 1], [], []>, transpose_lhs_hint = false} : vector<32x1024xbf16>, vector<1024x256xbf16>, vector<32x256xf32> -> vector<32x256xf32>
    %reduce_max3A_1900 = arith.constant dense<0xFF800000> : vector<256xf32>
    %reduce_max3A_1901 = vector.multi_reduction <maximumf>, %dot_general3A_1899, %reduce_max3A_1900 [0] : vector<32x256xf32> to vector<256xf32>
    %broadcast_in_dim3A_1902 = vector.shape_cast %reduce_max3A_1901 : vector<256xf32> to vector<1x256xf32>
    %add3A_1903 = arith.addf %add3A_358, %add3A_413 : vector<1x256xf32>
    %log3A_1904 = math.log %broadcast_in_dim3A_1902 : vector<1x256xf32>
    %add3A_1905 = arith.addf %add3A_1903, %log3A_1904 : vector<1x256xf32>
    %div3A_1906 = arith.constant 1.000000e+00 : f32
    %div3A_1907 = vector.broadcast %div3A_1906 : f32 to vector<1x256xf32>
    %div3A_1908 = arith.divf %div3A_1907, %broadcast_in_dim3A_1902 : vector<1x256xf32>
    %mul3A_1909 = vector.broadcast %div3A_1908 : vector<1x256xf32> to vector<32x256xf32>
    %mul3A_1910 = arith.mulf %dot_general3A_1899, %mul3A_1909 : vector<32x256xf32>
    %convert_element_type3A_1911 = arith.truncf %mul3A_1910 : vector<32x256xf32> to vector<32x256xbf16>
    %swap3A_1912 = arith.constant 3 : index
    %swap3A_1913 = arith.constant 0 : index
    %swap3A_1914 = arith.constant 0 : index
    %swap3A_1915 = vector.load %arg10[%swap3A_1912, %swap3A_1913, %swap3A_1914] : memref<16x32x256xbf16, #tpu.memory_space<vmem>>, vector<1x32x256xbf16>
    %swap3A_1916 = vector.shape_cast %swap3A_1915 : vector<1x32x256xbf16> to vector<32x256xbf16>
    %swap3A_1917 = vector.shape_cast %convert_element_type3A_1911 : vector<32x256xbf16> to vector<1x32x256xbf16>
    tpu.vector_store %arg10[%swap3A_1912, %swap3A_1913, %swap3A_1914], %swap3A_1917 {strides = array<i32>} : memref<16x32x256xbf16, #tpu.memory_space<vmem>>, vector<1x32x256xbf16>,
    %get3A_1918 = arith.constant 8 : index
    %get3A_1919 = arith.constant 0 : index
    %get3A_1920 = arith.constant 0 : index
    %get3A_1921 = vector.load %arg9[%get3A_1918, %get3A_1919, %get3A_1920] : memref<32x32x256xbf16, #tpu.memory_space<vmem>>, vector<1x32x256xbf16>
    %get3A_1922 = vector.shape_cast %get3A_1921 : vector<1x32x256xbf16> to vector<32x256xbf16>
    %get3A_1923 = arith.constant 9 : index
    %get3A_1924 = arith.constant 0 : index
    %get3A_1925 = arith.constant 0 : index
    %get3A_1926 = vector.load %arg9[%get3A_1923, %get3A_1924, %get3A_1925] : memref<32x32x256xbf16, #tpu.memory_space<vmem>>, vector<1x32x256xbf16>
    %get3A_1927 = vector.shape_cast %get3A_1926 : vector<1x32x256xbf16> to vector<32x256xbf16>
    %broadcast_in_dim3A_1928 = vector.shape_cast %get3A_1922 : vector<32x256xbf16> to vector<32x1x256xbf16>
    %broadcast_in_dim3A_1929 = vector.shape_cast %get3A_1927 : vector<32x256xbf16> to vector<1x32x256xbf16>
    %mul3A_1930 = vector.broadcast %broadcast_in_dim3A_1928 : vector<32x1x256xbf16> to vector<32x32x256xbf16>
    %mul3A_1931 = vector.broadcast %broadcast_in_dim3A_1929 : vector<1x32x256xbf16> to vector<32x32x256xbf16>
    %mul3A_1932 = arith.mulf %mul3A_1930, %mul3A_1931 : vector<32x32x256xbf16>
    %reshape3A_1933 = vector.shape_cast %mul3A_1932 : vector<32x32x256xbf16> to vector<1024x256xbf16>
    %get3A_1934 = arith.constant 4 : index
    %get3A_1935 = arith.constant 0 : index
    %get3A_1936 = arith.constant 0 : index
    %get3A_1937 = vector.load %arg2[%get3A_1934, %get3A_1935, %get3A_1936] : memref<16x32x1024xf32, #tpu.memory_space<vmem>>, vector<1x32x1024xf32>
    %get3A_1938 = vector.shape_cast %get3A_1937 : vector<1x32x1024xf32> to vector<32x1024xf32>
    %exp3A_1939 = math.exp %get3A_1938 : vector<32x1024xf32>
    %convert_element_type3A_1940 = arith.truncf %exp3A_1939 : vector<32x1024xf32> to vector<32x1024xbf16>
    %dot_general3A_1941 = arith.constant dense<0.000000e+00> : vector<32x256xf32>
    %dot_general3A_1942 = tpu.matmul %convert_element_type3A_1940, %reshape3A_1933, %dot_general3A_1941 {dimension_numbers = #tpu.dot_dimension_numbers<[1], [0], [0], [1], [0, 0, 1, 1], [], []>, transpose_lhs_hint = false} : vector<32x1024xbf16>, vector<1024x256xbf16>, vector<32x256xf32> -> vector<32x256xf32>
    %reduce_max3A_1943 = arith.constant dense<0xFF800000> : vector<256xf32>
    %reduce_max3A_1944 = vector.multi_reduction <maximumf>, %dot_general3A_1942, %reduce_max3A_1943 [0] : vector<32x256xf32> to vector<256xf32>
    %broadcast_in_dim3A_1945 = vector.shape_cast %reduce_max3A_1944 : vector<256xf32> to vector<1x256xf32>
    %add3A_1946 = arith.addf %add3A_468, %add3A_523 : vector<1x256xf32>
    %log3A_1947 = math.log %broadcast_in_dim3A_1945 : vector<1x256xf32>
    %add3A_1948 = arith.addf %add3A_1946, %log3A_1947 : vector<1x256xf32>
    %div3A_1949 = arith.constant 1.000000e+00 : f32
    %div3A_1950 = vector.broadcast %div3A_1949 : f32 to vector<1x256xf32>
    %div3A_1951 = arith.divf %div3A_1950, %broadcast_in_dim3A_1945 : vector<1x256xf32>
    %mul3A_1952 = vector.broadcast %div3A_1951 : vector<1x256xf32> to vector<32x256xf32>
    %mul3A_1953 = arith.mulf %dot_general3A_1942, %mul3A_1952 : vector<32x256xf32>
    %convert_element_type3A_1954 = arith.truncf %mul3A_1953 : vector<32x256xf32> to vector<32x256xbf16>
    %swap3A_1955 = arith.constant 4 : index
    %swap3A_1956 = arith.constant 0 : index
    %swap3A_1957 = arith.constant 0 : index
    %swap3A_1958 = vector.load %arg10[%swap3A_1955, %swap3A_1956, %swap3A_1957] : memref<16x32x256xbf16, #tpu.memory_space<vmem>>, vector<1x32x256xbf16>
    %swap3A_1959 = vector.shape_cast %swap3A_1958 : vector<1x32x256xbf16> to vector<32x256xbf16>
    %swap3A_1960 = vector.shape_cast %convert_element_type3A_1954 : vector<32x256xbf16> to vector<1x32x256xbf16>
    tpu.vector_store %arg10[%swap3A_1955, %swap3A_1956, %swap3A_1957], %swap3A_1960 {strides = array<i32>} : memref<16x32x256xbf16, #tpu.memory_space<vmem>>, vector<1x32x256xbf16>,
    %get3A_1961 = arith.constant 10 : index
    %get3A_1962 = arith.constant 0 : index
    %get3A_1963 = arith.constant 0 : index
    %get3A_1964 = vector.load %arg9[%get3A_1961, %get3A_1962, %get3A_1963] : memref<32x32x256xbf16, #tpu.memory_space<vmem>>, vector<1x32x256xbf16>
    %get3A_1965 = vector.shape_cast %get3A_1964 : vector<1x32x256xbf16> to vector<32x256xbf16>
    %get3A_1966 = arith.constant 11 : index
    %get3A_1967 = arith.constant 0 : index
    %get3A_1968 = arith.constant 0 : index
    %get3A_1969 = vector.load %arg9[%get3A_1966, %get3A_1967, %get3A_1968] : memref<32x32x256xbf16, #tpu.memory_space<vmem>>, vector<1x32x256xbf16>
    %get3A_1970 = vector.shape_cast %get3A_1969 : vector<1x32x256xbf16> to vector<32x256xbf16>
    %broadcast_in_dim3A_1971 = vector.shape_cast %get3A_1965 : vector<32x256xbf16> to vector<32x1x256xbf16>
    %broadcast_in_dim3A_1972 = vector.shape_cast %get3A_1970 : vector<32x256xbf16> to vector<1x32x256xbf16>
    %mul3A_1973 = vector.broadcast %broadcast_in_dim3A_1971 : vector<32x1x256xbf16> to vector<32x32x256xbf16>
    %mul3A_1974 = vector.broadcast %broadcast_in_dim3A_1972 : vector<1x32x256xbf16> to vector<32x32x256xbf16>
    %mul3A_1975 = arith.mulf %mul3A_1973, %mul3A_1974 : vector<32x32x256xbf16>
    %reshape3A_1976 = vector.shape_cast %mul3A_1975 : vector<32x32x256xbf16> to vector<1024x256xbf16>
    %get3A_1977 = arith.constant 5 : index
    %get3A_1978 = arith.constant 0 : index
    %get3A_1979 = arith.constant 0 : index
    %get3A_1980 = vector.load %arg2[%get3A_1977, %get3A_1978, %get3A_1979] : memref<16x32x1024xf32, #tpu.memory_space<vmem>>, vector<1x32x1024xf32>
    %get3A_1981 = vector.shape_cast %get3A_1980 : vector<1x32x1024xf32> to vector<32x1024xf32>
    %exp3A_1982 = math.exp %get3A_1981 : vector<32x1024xf32>
    %convert_element_type3A_1983 = arith.truncf %exp3A_1982 : vector<32x1024xf32> to vector<32x1024xbf16>
    %dot_general3A_1984 = arith.constant dense<0.000000e+00> : vector<32x256xf32>
    %dot_general3A_1985 = tpu.matmul %convert_element_type3A_1983, %reshape3A_1976, %dot_general3A_1984 {dimension_numbers = #tpu.dot_dimension_numbers<[1], [0], [0], [1], [0, 0, 1, 1], [], []>, transpose_lhs_hint = false} : vector<32x1024xbf16>, vector<1024x256xbf16>, vector<32x256xf32> -> vector<32x256xf32>
    %reduce_max3A_1986 = arith.constant dense<0xFF800000> : vector<256xf32>
    %reduce_max3A_1987 = vector.multi_reduction <maximumf>, %dot_general3A_1985, %reduce_max3A_1986 [0] : vector<32x256xf32> to vector<256xf32>
    %broadcast_in_dim3A_1988 = vector.shape_cast %reduce_max3A_1987 : vector<256xf32> to vector<1x256xf32>
    %add3A_1989 = arith.addf %add3A_578, %add3A_633 : vector<1x256xf32>
    %log3A_1990 = math.log %broadcast_in_dim3A_1988 : vector<1x256xf32>
    %add3A_1991 = arith.addf %add3A_1989, %log3A_1990 : vector<1x256xf32>
    %div3A_1992 = arith.constant 1.000000e+00 : f32
    %div3A_1993 = vector.broadcast %div3A_1992 : f32 to vector<1x256xf32>
    %div3A_1994 = arith.divf %div3A_1993, %broadcast_in_dim3A_1988 : vector<1x256xf32>
    %mul3A_1995 = vector.broadcast %div3A_1994 : vector<1x256xf32> to vector<32x256xf32>
    %mul3A_1996 = arith.mulf %dot_general3A_1985, %mul3A_1995 : vector<32x256xf32>
    %convert_element_type3A_1997 = arith.truncf %mul3A_1996 : vector<32x256xf32> to vector<32x256xbf16>
    %swap3A_1998 = arith.constant 5 : index
    %swap3A_1999 = arith.constant 0 : index
    %swap3A_2000 = arith.constant 0 : index
    %swap3A_2001 = vector.load %arg10[%swap3A_1998, %swap3A_1999, %swap3A_2000] : memref<16x32x256xbf16, #tpu.memory_space<vmem>>, vector<1x32x256xbf16>
    %swap3A_2002 = vector.shape_cast %swap3A_2001 : vector<1x32x256xbf16> to vector<32x256xbf16>
    %swap3A_2003 = vector.shape_cast %convert_element_type3A_1997 : vector<32x256xbf16> to vector<1x32x256xbf16>
    tpu.vector_store %arg10[%swap3A_1998, %swap3A_1999, %swap3A_2000], %swap3A_2003 {strides = array<i32>} : memref<16x32x256xbf16, #tpu.memory_space<vmem>>, vector<1x32x256xbf16>,
    %get3A_2004 = arith.constant 12 : index
    %get3A_2005 = arith.constant 0 : index
    %get3A_2006 = arith.constant 0 : index
    %get3A_2007 = vector.load %arg9[%get3A_2004, %get3A_2005, %get3A_2006] : memref<32x32x256xbf16, #tpu.memory_space<vmem>>, vector<1x32x256xbf16>
    %get3A_2008 = vector.shape_cast %get3A_2007 : vector<1x32x256xbf16> to vector<32x256xbf16>
    %get3A_2009 = arith.constant 13 : index
    %get3A_2010 = arith.constant 0 : index
    %get3A_2011 = arith.constant 0 : index
    %get3A_2012 = vector.load %arg9[%get3A_2009, %get3A_2010, %get3A_2011] : memref<32x32x256xbf16, #tpu.memory_space<vmem>>, vector<1x32x256xbf16>
    %get3A_2013 = vector.shape_cast %get3A_2012 : vector<1x32x256xbf16> to vector<32x256xbf16>
    %broadcast_in_dim3A_2014 = vector.shape_cast %get3A_2008 : vector<32x256xbf16> to vector<32x1x256xbf16>
    %broadcast_in_dim3A_2015 = vector.shape_cast %get3A_2013 : vector<32x256xbf16> to vector<1x32x256xbf16>
    %mul3A_2016 = vector.broadcast %broadcast_in_dim3A_2014 : vector<32x1x256xbf16> to vector<32x32x256xbf16>
    %mul3A_2017 = vector.broadcast %broadcast_in_dim3A_2015 : vector<1x32x256xbf16> to vector<32x32x256xbf16>
    %mul3A_2018 = arith.mulf %mul3A_2016, %mul3A_2017 : vector<32x32x256xbf16>
    %reshape3A_2019 = vector.shape_cast %mul3A_2018 : vector<32x32x256xbf16> to vector<1024x256xbf16>
    %get3A_2020 = arith.constant 6 : index
    %get3A_2021 = arith.constant 0 : index
    %get3A_2022 = arith.constant 0 : index
    %get3A_2023 = vector.load %arg2[%get3A_2020, %get3A_2021, %get3A_2022] : memref<16x32x1024xf32, #tpu.memory_space<vmem>>, vector<1x32x1024xf32>
    %get3A_2024 = vector.shape_cast %get3A_2023 : vector<1x32x1024xf32> to vector<32x1024xf32>
    %exp3A_2025 = math.exp %get3A_2024 : vector<32x1024xf32>
    %convert_element_type3A_2026 = arith.truncf %exp3A_2025 : vector<32x1024xf32> to vector<32x1024xbf16>
    %dot_general3A_2027 = arith.constant dense<0.000000e+00> : vector<32x256xf32>
    %dot_general3A_2028 = tpu.matmul %convert_element_type3A_2026, %reshape3A_2019, %dot_general3A_2027 {dimension_numbers = #tpu.dot_dimension_numbers<[1], [0], [0], [1], [0, 0, 1, 1], [], []>, transpose_lhs_hint = false} : vector<32x1024xbf16>, vector<1024x256xbf16>, vector<32x256xf32> -> vector<32x256xf32>
    %reduce_max3A_2029 = arith.constant dense<0xFF800000> : vector<256xf32>
    %reduce_max3A_2030 = vector.multi_reduction <maximumf>, %dot_general3A_2028, %reduce_max3A_2029 [0] : vector<32x256xf32> to vector<256xf32>
    %broadcast_in_dim3A_2031 = vector.shape_cast %reduce_max3A_2030 : vector<256xf32> to vector<1x256xf32>
    %add3A_2032 = arith.addf %add3A_688, %add3A_743 : vector<1x256xf32>
    %log3A_2033 = math.log %broadcast_in_dim3A_2031 : vector<1x256xf32>
    %add3A_2034 = arith.addf %add3A_2032, %log3A_2033 : vector<1x256xf32>
    %div3A_2035 = arith.constant 1.000000e+00 : f32
    %div3A_2036 = vector.broadcast %div3A_2035 : f32 to vector<1x256xf32>
    %div3A_2037 = arith.divf %div3A_2036, %broadcast_in_dim3A_2031 : vector<1x256xf32>
    %mul3A_2038 = vector.broadcast %div3A_2037 : vector<1x256xf32> to vector<32x256xf32>
    %mul3A_2039 = arith.mulf %dot_general3A_2028, %mul3A_2038 : vector<32x256xf32>
    %convert_element_type3A_2040 = arith.truncf %mul3A_2039 : vector<32x256xf32> to vector<32x256xbf16>
    %swap3A_2041 = arith.constant 6 : index
    %swap3A_2042 = arith.constant 0 : index
    %swap3A_2043 = arith.constant 0 : index
    %swap3A_2044 = vector.load %arg10[%swap3A_2041, %swap3A_2042, %swap3A_2043] : memref<16x32x256xbf16, #tpu.memory_space<vmem>>, vector<1x32x256xbf16>
    %swap3A_2045 = vector.shape_cast %swap3A_2044 : vector<1x32x256xbf16> to vector<32x256xbf16>
    %swap3A_2046 = vector.shape_cast %convert_element_type3A_2040 : vector<32x256xbf16> to vector<1x32x256xbf16>
    tpu.vector_store %arg10[%swap3A_2041, %swap3A_2042, %swap3A_2043], %swap3A_2046 {strides = array<i32>} : memref<16x32x256xbf16, #tpu.memory_space<vmem>>, vector<1x32x256xbf16>,
    %get3A_2047 = arith.constant 14 : index
    %get3A_2048 = arith.constant 0 : index
    %get3A_2049 = arith.constant 0 : index
    %get3A_2050 = vector.load %arg9[%get3A_2047, %get3A_2048, %get3A_2049] : memref<32x32x256xbf16, #tpu.memory_space<vmem>>, vector<1x32x256xbf16>
    %get3A_2051 = vector.shape_cast %get3A_2050 : vector<1x32x256xbf16> to vector<32x256xbf16>
    %get3A_2052 = arith.constant 15 : index
    %get3A_2053 = arith.constant 0 : index
    %get3A_2054 = arith.constant 0 : index
    %get3A_2055 = vector.load %arg9[%get3A_2052, %get3A_2053, %get3A_2054] : memref<32x32x256xbf16, #tpu.memory_space<vmem>>, vector<1x32x256xbf16>
    %get3A_2056 = vector.shape_cast %get3A_2055 : vector<1x32x256xbf16> to vector<32x256xbf16>
    %broadcast_in_dim3A_2057 = vector.shape_cast %get3A_2051 : vector<32x256xbf16> to vector<32x1x256xbf16>
    %broadcast_in_dim3A_2058 = vector.shape_cast %get3A_2056 : vector<32x256xbf16> to vector<1x32x256xbf16>
    %mul3A_2059 = vector.broadcast %broadcast_in_dim3A_2057 : vector<32x1x256xbf16> to vector<32x32x256xbf16>
    %mul3A_2060 = vector.broadcast %broadcast_in_dim3A_2058 : vector<1x32x256xbf16> to vector<32x32x256xbf16>
    %mul3A_2061 = arith.mulf %mul3A_2059, %mul3A_2060 : vector<32x32x256xbf16>
    %reshape3A_2062 = vector.shape_cast %mul3A_2061 : vector<32x32x256xbf16> to vector<1024x256xbf16>
    %get3A_2063 = arith.constant 7 : index
    %get3A_2064 = arith.constant 0 : index
    %get3A_2065 = arith.constant 0 : index
    %get3A_2066 = vector.load %arg2[%get3A_2063, %get3A_2064, %get3A_2065] : memref<16x32x1024xf32, #tpu.memory_space<vmem>>, vector<1x32x1024xf32>
    %get3A_2067 = vector.shape_cast %get3A_2066 : vector<1x32x1024xf32> to vector<32x1024xf32>
    %exp3A_2068 = math.exp %get3A_2067 : vector<32x1024xf32>
    %convert_element_type3A_2069 = arith.truncf %exp3A_2068 : vector<32x1024xf32> to vector<32x1024xbf16>
    %dot_general3A_2070 = arith.constant dense<0.000000e+00> : vector<32x256xf32>
    %dot_general3A_2071 = tpu.matmul %convert_element_type3A_2069, %reshape3A_2062, %dot_general3A_2070 {dimension_numbers = #tpu.dot_dimension_numbers<[1], [0], [0], [1], [0, 0, 1, 1], [], []>, transpose_lhs_hint = false} : vector<32x1024xbf16>, vector<1024x256xbf16>, vector<32x256xf32> -> vector<32x256xf32>
    %reduce_max3A_2072 = arith.constant dense<0xFF800000> : vector<256xf32>
    %reduce_max3A_2073 = vector.multi_reduction <maximumf>, %dot_general3A_2071, %reduce_max3A_2072 [0] : vector<32x256xf32> to vector<256xf32>
    %broadcast_in_dim3A_2074 = vector.shape_cast %reduce_max3A_2073 : vector<256xf32> to vector<1x256xf32>
    %add3A_2075 = arith.addf %add3A_798, %add3A_853 : vector<1x256xf32>
    %log3A_2076 = math.log %broadcast_in_dim3A_2074 : vector<1x256xf32>
    %add3A_2077 = arith.addf %add3A_2075, %log3A_2076 : vector<1x256xf32>
    %div3A_2078 = arith.constant 1.000000e+00 : f32
    %div3A_2079 = vector.broadcast %div3A_2078 : f32 to vector<1x256xf32>
    %div3A_2080 = arith.divf %div3A_2079, %broadcast_in_dim3A_2074 : vector<1x256xf32>
    %mul3A_2081 = vector.broadcast %div3A_2080 : vector<1x256xf32> to vector<32x256xf32>
    %mul3A_2082 = arith.mulf %dot_general3A_2071, %mul3A_2081 : vector<32x256xf32>
    %convert_element_type3A_2083 = arith.truncf %mul3A_2082 : vector<32x256xf32> to vector<32x256xbf16>
    %swap3A_2084 = arith.constant 7 : index
    %swap3A_2085 = arith.constant 0 : index
    %swap3A_2086 = arith.constant 0 : index
    %swap3A_2087 = vector.load %arg10[%swap3A_2084, %swap3A_2085, %swap3A_2086] : memref<16x32x256xbf16, #tpu.memory_space<vmem>>, vector<1x32x256xbf16>
    %swap3A_2088 = vector.shape_cast %swap3A_2087 : vector<1x32x256xbf16> to vector<32x256xbf16>
    %swap3A_2089 = vector.shape_cast %convert_element_type3A_2083 : vector<32x256xbf16> to vector<1x32x256xbf16>
    tpu.vector_store %arg10[%swap3A_2084, %swap3A_2085, %swap3A_2086], %swap3A_2089 {strides = array<i32>} : memref<16x32x256xbf16, #tpu.memory_space<vmem>>, vector<1x32x256xbf16>,
    %get3A_2090 = arith.constant 16 : index
    %get3A_2091 = arith.constant 0 : index
    %get3A_2092 = arith.constant 0 : index
    %get3A_2093 = vector.load %arg9[%get3A_2090, %get3A_2091, %get3A_2092] : memref<32x32x256xbf16, #tpu.memory_space<vmem>>, vector<1x32x256xbf16>
    %get3A_2094 = vector.shape_cast %get3A_2093 : vector<1x32x256xbf16> to vector<32x256xbf16>
    %get3A_2095 = arith.constant 17 : index
    %get3A_2096 = arith.constant 0 : index
    %get3A_2097 = arith.constant 0 : index
    %get3A_2098 = vector.load %arg9[%get3A_2095, %get3A_2096, %get3A_2097] : memref<32x32x256xbf16, #tpu.memory_space<vmem>>, vector<1x32x256xbf16>
    %get3A_2099 = vector.shape_cast %get3A_2098 : vector<1x32x256xbf16> to vector<32x256xbf16>
    %broadcast_in_dim3A_2100 = vector.shape_cast %get3A_2094 : vector<32x256xbf16> to vector<32x1x256xbf16>
    %broadcast_in_dim3A_2101 = vector.shape_cast %get3A_2099 : vector<32x256xbf16> to vector<1x32x256xbf16>
    %mul3A_2102 = vector.broadcast %broadcast_in_dim3A_2100 : vector<32x1x256xbf16> to vector<32x32x256xbf16>
    %mul3A_2103 = vector.broadcast %broadcast_in_dim3A_2101 : vector<1x32x256xbf16> to vector<32x32x256xbf16>
    %mul3A_2104 = arith.mulf %mul3A_2102, %mul3A_2103 : vector<32x32x256xbf16>
    %reshape3A_2105 = vector.shape_cast %mul3A_2104 : vector<32x32x256xbf16> to vector<1024x256xbf16>
    %get3A_2106 = arith.constant 8 : index
    %get3A_2107 = arith.constant 0 : index
    %get3A_2108 = arith.constant 0 : index
    %get3A_2109 = vector.load %arg2[%get3A_2106, %get3A_2107, %get3A_2108] : memref<16x32x1024xf32, #tpu.memory_space<vmem>>, vector<1x32x1024xf32>
    %get3A_2110 = vector.shape_cast %get3A_2109 : vector<1x32x1024xf32> to vector<32x1024xf32>
    %exp3A_2111 = math.exp %get3A_2110 : vector<32x1024xf32>
    %convert_element_type3A_2112 = arith.truncf %exp3A_2111 : vector<32x1024xf32> to vector<32x1024xbf16>
    %dot_general3A_2113 = arith.constant dense<0.000000e+00> : vector<32x256xf32>
    %dot_general3A_2114 = tpu.matmul %convert_element_type3A_2112, %reshape3A_2105, %dot_general3A_2113 {dimension_numbers = #tpu.dot_dimension_numbers<[1], [0], [0], [1], [0, 0, 1, 1], [], []>, transpose_lhs_hint = false} : vector<32x1024xbf16>, vector<1024x256xbf16>, vector<32x256xf32> -> vector<32x256xf32>
    %reduce_max3A_2115 = arith.constant dense<0xFF800000> : vector<256xf32>
    %reduce_max3A_2116 = vector.multi_reduction <maximumf>, %dot_general3A_2114, %reduce_max3A_2115 [0] : vector<32x256xf32> to vector<256xf32>
    %broadcast_in_dim3A_2117 = vector.shape_cast %reduce_max3A_2116 : vector<256xf32> to vector<1x256xf32>
    %add3A_2118 = arith.addf %add3A_908, %add3A_963 : vector<1x256xf32>
    %log3A_2119 = math.log %broadcast_in_dim3A_2117 : vector<1x256xf32>
    %add3A_2120 = arith.addf %add3A_2118, %log3A_2119 : vector<1x256xf32>
    %div3A_2121 = arith.constant 1.000000e+00 : f32
    %div3A_2122 = vector.broadcast %div3A_2121 : f32 to vector<1x256xf32>
    %div3A_2123 = arith.divf %div3A_2122, %broadcast_in_dim3A_2117 : vector<1x256xf32>
    %mul3A_2124 = vector.broadcast %div3A_2123 : vector<1x256xf32> to vector<32x256xf32>
    %mul3A_2125 = arith.mulf %dot_general3A_2114, %mul3A_2124 : vector<32x256xf32>
    %convert_element_type3A_2126 = arith.truncf %mul3A_2125 : vector<32x256xf32> to vector<32x256xbf16>
    %swap3A_2127 = arith.constant 8 : index
    %swap3A_2128 = arith.constant 0 : index
    %swap3A_2129 = arith.constant 0 : index
    %swap3A_2130 = vector.load %arg10[%swap3A_2127, %swap3A_2128, %swap3A_2129] : memref<16x32x256xbf16, #tpu.memory_space<vmem>>, vector<1x32x256xbf16>
    %swap3A_2131 = vector.shape_cast %swap3A_2130 : vector<1x32x256xbf16> to vector<32x256xbf16>
    %swap3A_2132 = vector.shape_cast %convert_element_type3A_2126 : vector<32x256xbf16> to vector<1x32x256xbf16>
    tpu.vector_store %arg10[%swap3A_2127, %swap3A_2128, %swap3A_2129], %swap3A_2132 {strides = array<i32>} : memref<16x32x256xbf16, #tpu.memory_space<vmem>>, vector<1x32x256xbf16>,
    %get3A_2133 = arith.constant 18 : index
    %get3A_2134 = arith.constant 0 : index
    %get3A_2135 = arith.constant 0 : index
    %get3A_2136 = vector.load %arg9[%get3A_2133, %get3A_2134, %get3A_2135] : memref<32x32x256xbf16, #tpu.memory_space<vmem>>, vector<1x32x256xbf16>
    %get3A_2137 = vector.shape_cast %get3A_2136 : vector<1x32x256xbf16> to vector<32x256xbf16>
    %get3A_2138 = arith.constant 19 : index
    %get3A_2139 = arith.constant 0 : index
    %get3A_2140 = arith.constant 0 : index
    %get3A_2141 = vector.load %arg9[%get3A_2138, %get3A_2139, %get3A_2140] : memref<32x32x256xbf16, #tpu.memory_space<vmem>>, vector<1x32x256xbf16>
    %get3A_2142 = vector.shape_cast %get3A_2141 : vector<1x32x256xbf16> to vector<32x256xbf16>
    %broadcast_in_dim3A_2143 = vector.shape_cast %get3A_2137 : vector<32x256xbf16> to vector<32x1x256xbf16>
    %broadcast_in_dim3A_2144 = vector.shape_cast %get3A_2142 : vector<32x256xbf16> to vector<1x32x256xbf16>
    %mul3A_2145 = vector.broadcast %broadcast_in_dim3A_2143 : vector<32x1x256xbf16> to vector<32x32x256xbf16>
    %mul3A_2146 = vector.broadcast %broadcast_in_dim3A_2144 : vector<1x32x256xbf16> to vector<32x32x256xbf16>
    %mul3A_2147 = arith.mulf %mul3A_2145, %mul3A_2146 : vector<32x32x256xbf16>
    %reshape3A_2148 = vector.shape_cast %mul3A_2147 : vector<32x32x256xbf16> to vector<1024x256xbf16>
    %get3A_2149 = arith.constant 9 : index
    %get3A_2150 = arith.constant 0 : index
    %get3A_2151 = arith.constant 0 : index
    %get3A_2152 = vector.load %arg2[%get3A_2149, %get3A_2150, %get3A_2151] : memref<16x32x1024xf32, #tpu.memory_space<vmem>>, vector<1x32x1024xf32>
    %get3A_2153 = vector.shape_cast %get3A_2152 : vector<1x32x1024xf32> to vector<32x1024xf32>
    %exp3A_2154 = math.exp %get3A_2153 : vector<32x1024xf32>
    %convert_element_type3A_2155 = arith.truncf %exp3A_2154 : vector<32x1024xf32> to vector<32x1024xbf16>
    %dot_general3A_2156 = arith.constant dense<0.000000e+00> : vector<32x256xf32>
    %dot_general3A_2157 = tpu.matmul %convert_element_type3A_2155, %reshape3A_2148, %dot_general3A_2156 {dimension_numbers = #tpu.dot_dimension_numbers<[1], [0], [0], [1], [0, 0, 1, 1], [], []>, transpose_lhs_hint = false} : vector<32x1024xbf16>, vector<1024x256xbf16>, vector<32x256xf32> -> vector<32x256xf32>
    %reduce_max3A_2158 = arith.constant dense<0xFF800000> : vector<256xf32>
    %reduce_max3A_2159 = vector.multi_reduction <maximumf>, %dot_general3A_2157, %reduce_max3A_2158 [0] : vector<32x256xf32> to vector<256xf32>
    %broadcast_in_dim3A_2160 = vector.shape_cast %reduce_max3A_2159 : vector<256xf32> to vector<1x256xf32>
    %add3A_2161 = arith.addf %add3A_1018, %add3A_1073 : vector<1x256xf32>
    %log3A_2162 = math.log %broadcast_in_dim3A_2160 : vector<1x256xf32>
    %add3A_2163 = arith.addf %add3A_2161, %log3A_2162 : vector<1x256xf32>
    %div3A_2164 = arith.constant 1.000000e+00 : f32
    %div3A_2165 = vector.broadcast %div3A_2164 : f32 to vector<1x256xf32>
    %div3A_2166 = arith.divf %div3A_2165, %broadcast_in_dim3A_2160 : vector<1x256xf32>
    %mul3A_2167 = vector.broadcast %div3A_2166 : vector<1x256xf32> to vector<32x256xf32>
    %mul3A_2168 = arith.mulf %dot_general3A_2157, %mul3A_2167 : vector<32x256xf32>
    %convert_element_type3A_2169 = arith.truncf %mul3A_2168 : vector<32x256xf32> to vector<32x256xbf16>
    %swap3A_2170 = arith.constant 9 : index
    %swap3A_2171 = arith.constant 0 : index
    %swap3A_2172 = arith.constant 0 : index
    %swap3A_2173 = vector.load %arg10[%swap3A_2170, %swap3A_2171, %swap3A_2172] : memref<16x32x256xbf16, #tpu.memory_space<vmem>>, vector<1x32x256xbf16>
    %swap3A_2174 = vector.shape_cast %swap3A_2173 : vector<1x32x256xbf16> to vector<32x256xbf16>
    %swap3A_2175 = vector.shape_cast %convert_element_type3A_2169 : vector<32x256xbf16> to vector<1x32x256xbf16>
    tpu.vector_store %arg10[%swap3A_2170, %swap3A_2171, %swap3A_2172], %swap3A_2175 {strides = array<i32>} : memref<16x32x256xbf16, #tpu.memory_space<vmem>>, vector<1x32x256xbf16>,
    %get3A_2176 = arith.constant 20 : index
    %get3A_2177 = arith.constant 0 : index
    %get3A_2178 = arith.constant 0 : index
    %get3A_2179 = vector.load %arg9[%get3A_2176, %get3A_2177, %get3A_2178] : memref<32x32x256xbf16, #tpu.memory_space<vmem>>, vector<1x32x256xbf16>
    %get3A_2180 = vector.shape_cast %get3A_2179 : vector<1x32x256xbf16> to vector<32x256xbf16>
    %get3A_2181 = arith.constant 21 : index
    %get3A_2182 = arith.constant 0 : index
    %get3A_2183 = arith.constant 0 : index
    %get3A_2184 = vector.load %arg9[%get3A_2181, %get3A_2182, %get3A_2183] : memref<32x32x256xbf16, #tpu.memory_space<vmem>>, vector<1x32x256xbf16>
    %get3A_2185 = vector.shape_cast %get3A_2184 : vector<1x32x256xbf16> to vector<32x256xbf16>
    %broadcast_in_dim3A_2186 = vector.shape_cast %get3A_2180 : vector<32x256xbf16> to vector<32x1x256xbf16>
    %broadcast_in_dim3A_2187 = vector.shape_cast %get3A_2185 : vector<32x256xbf16> to vector<1x32x256xbf16>
    %mul3A_2188 = vector.broadcast %broadcast_in_dim3A_2186 : vector<32x1x256xbf16> to vector<32x32x256xbf16>
    %mul3A_2189 = vector.broadcast %broadcast_in_dim3A_2187 : vector<1x32x256xbf16> to vector<32x32x256xbf16>
    %mul3A_2190 = arith.mulf %mul3A_2188, %mul3A_2189 : vector<32x32x256xbf16>
    %reshape3A_2191 = vector.shape_cast %mul3A_2190 : vector<32x32x256xbf16> to vector<1024x256xbf16>
    %get3A_2192 = arith.constant 10 : index
    %get3A_2193 = arith.constant 0 : index
    %get3A_2194 = arith.constant 0 : index
    %get3A_2195 = vector.load %arg2[%get3A_2192, %get3A_2193, %get3A_2194] : memref<16x32x1024xf32, #tpu.memory_space<vmem>>, vector<1x32x1024xf32>
    %get3A_2196 = vector.shape_cast %get3A_2195 : vector<1x32x1024xf32> to vector<32x1024xf32>
    %exp3A_2197 = math.exp %get3A_2196 : vector<32x1024xf32>
    %convert_element_type3A_2198 = arith.truncf %exp3A_2197 : vector<32x1024xf32> to vector<32x1024xbf16>
    %dot_general3A_2199 = arith.constant dense<0.000000e+00> : vector<32x256xf32>
    %dot_general3A_2200 = tpu.matmul %convert_element_type3A_2198, %reshape3A_2191, %dot_general3A_2199 {dimension_numbers = #tpu.dot_dimension_numbers<[1], [0], [0], [1], [0, 0, 1, 1], [], []>, transpose_lhs_hint = false} : vector<32x1024xbf16>, vector<1024x256xbf16>, vector<32x256xf32> -> vector<32x256xf32>
    %reduce_max3A_2201 = arith.constant dense<0xFF800000> : vector<256xf32>
    %reduce_max3A_2202 = vector.multi_reduction <maximumf>, %dot_general3A_2200, %reduce_max3A_2201 [0] : vector<32x256xf32> to vector<256xf32>
    %broadcast_in_dim3A_2203 = vector.shape_cast %reduce_max3A_2202 : vector<256xf32> to vector<1x256xf32>
    %add3A_2204 = arith.addf %add3A_1128, %add3A_1183 : vector<1x256xf32>
    %log3A_2205 = math.log %broadcast_in_dim3A_2203 : vector<1x256xf32>
    %add3A_2206 = arith.addf %add3A_2204, %log3A_2205 : vector<1x256xf32>
    %div3A_2207 = arith.constant 1.000000e+00 : f32
    %div3A_2208 = vector.broadcast %div3A_2207 : f32 to vector<1x256xf32>
    %div3A_2209 = arith.divf %div3A_2208, %broadcast_in_dim3A_2203 : vector<1x256xf32>
    %mul3A_2210 = vector.broadcast %div3A_2209 : vector<1x256xf32> to vector<32x256xf32>
    %mul3A_2211 = arith.mulf %dot_general3A_2200, %mul3A_2210 : vector<32x256xf32>
    %convert_element_type3A_2212 = arith.truncf %mul3A_2211 : vector<32x256xf32> to vector<32x256xbf16>
    %swap3A_2213 = arith.constant 10 : index
    %swap3A_2214 = arith.constant 0 : index
    %swap3A_2215 = arith.constant 0 : index
    %swap3A_2216 = vector.load %arg10[%swap3A_2213, %swap3A_2214, %swap3A_2215] : memref<16x32x256xbf16, #tpu.memory_space<vmem>>, vector<1x32x256xbf16>
    %swap3A_2217 = vector.shape_cast %swap3A_2216 : vector<1x32x256xbf16> to vector<32x256xbf16>
    %swap3A_2218 = vector.shape_cast %convert_element_type3A_2212 : vector<32x256xbf16> to vector<1x32x256xbf16>
    tpu.vector_store %arg10[%swap3A_2213, %swap3A_2214, %swap3A_2215], %swap3A_2218 {strides = array<i32>} : memref<16x32x256xbf16, #tpu.memory_space<vmem>>, vector<1x32x256xbf16>,
    %get3A_2219 = arith.constant 22 : index
    %get3A_2220 = arith.constant 0 : index
    %get3A_2221 = arith.constant 0 : index
    %get3A_2222 = vector.load %arg9[%get3A_2219, %get3A_2220, %get3A_2221] : memref<32x32x256xbf16, #tpu.memory_space<vmem>>, vector<1x32x256xbf16>
    %get3A_2223 = vector.shape_cast %get3A_2222 : vector<1x32x256xbf16> to vector<32x256xbf16>
    %get3A_2224 = arith.constant 23 : index
    %get3A_2225 = arith.constant 0 : index
    %get3A_2226 = arith.constant 0 : index
    %get3A_2227 = vector.load %arg9[%get3A_2224, %get3A_2225, %get3A_2226] : memref<32x32x256xbf16, #tpu.memory_space<vmem>>, vector<1x32x256xbf16>
    %get3A_2228 = vector.shape_cast %get3A_2227 : vector<1x32x256xbf16> to vector<32x256xbf16>
    %broadcast_in_dim3A_2229 = vector.shape_cast %get3A_2223 : vector<32x256xbf16> to vector<32x1x256xbf16>
    %broadcast_in_dim3A_2230 = vector.shape_cast %get3A_2228 : vector<32x256xbf16> to vector<1x32x256xbf16>
    %mul3A_2231 = vector.broadcast %broadcast_in_dim3A_2229 : vector<32x1x256xbf16> to vector<32x32x256xbf16>
    %mul3A_2232 = vector.broadcast %broadcast_in_dim3A_2230 : vector<1x32x256xbf16> to vector<32x32x256xbf16>
    %mul3A_2233 = arith.mulf %mul3A_2231, %mul3A_2232 : vector<32x32x256xbf16>
    %reshape3A_2234 = vector.shape_cast %mul3A_2233 : vector<32x32x256xbf16> to vector<1024x256xbf16>
    %get3A_2235 = arith.constant 11 : index
    %get3A_2236 = arith.constant 0 : index
    %get3A_2237 = arith.constant 0 : index
    %get3A_2238 = vector.load %arg2[%get3A_2235, %get3A_2236, %get3A_2237] : memref<16x32x1024xf32, #tpu.memory_space<vmem>>, vector<1x32x1024xf32>
    %get3A_2239 = vector.shape_cast %get3A_2238 : vector<1x32x1024xf32> to vector<32x1024xf32>
    %exp3A_2240 = math.exp %get3A_2239 : vector<32x1024xf32>
    %convert_element_type3A_2241 = arith.truncf %exp3A_2240 : vector<32x1024xf32> to vector<32x1024xbf16>
    %dot_general3A_2242 = arith.constant dense<0.000000e+00> : vector<32x256xf32>
    %dot_general3A_2243 = tpu.matmul %convert_element_type3A_2241, %reshape3A_2234, %dot_general3A_2242 {dimension_numbers = #tpu.dot_dimension_numbers<[1], [0], [0], [1], [0, 0, 1, 1], [], []>, transpose_lhs_hint = false} : vector<32x1024xbf16>, vector<1024x256xbf16>, vector<32x256xf32> -> vector<32x256xf32>
    %reduce_max3A_2244 = arith.constant dense<0xFF800000> : vector<256xf32>
    %reduce_max3A_2245 = vector.multi_reduction <maximumf>, %dot_general3A_2243, %reduce_max3A_2244 [0] : vector<32x256xf32> to vector<256xf32>
    %broadcast_in_dim3A_2246 = vector.shape_cast %reduce_max3A_2245 : vector<256xf32> to vector<1x256xf32>
    %add3A_2247 = arith.addf %add3A_1238, %add3A_1293 : vector<1x256xf32>
    %log3A_2248 = math.log %broadcast_in_dim3A_2246 : vector<1x256xf32>
    %add3A_2249 = arith.addf %add3A_2247, %log3A_2248 : vector<1x256xf32>
    %div3A_2250 = arith.constant 1.000000e+00 : f32
    %div3A_2251 = vector.broadcast %div3A_2250 : f32 to vector<1x256xf32>
    %div3A_2252 = arith.divf %div3A_2251, %broadcast_in_dim3A_2246 : vector<1x256xf32>
    %mul3A_2253 = vector.broadcast %div3A_2252 : vector<1x256xf32> to vector<32x256xf32>
    %mul3A_2254 = arith.mulf %dot_general3A_2243, %mul3A_2253 : vector<32x256xf32>
    %convert_element_type3A_2255 = arith.truncf %mul3A_2254 : vector<32x256xf32> to vector<32x256xbf16>
    %swap3A_2256 = arith.constant 11 : index
    %swap3A_2257 = arith.constant 0 : index
    %swap3A_2258 = arith.constant 0 : index
    %swap3A_2259 = vector.load %arg10[%swap3A_2256, %swap3A_2257, %swap3A_2258] : memref<16x32x256xbf16, #tpu.memory_space<vmem>>, vector<1x32x256xbf16>
    %swap3A_2260 = vector.shape_cast %swap3A_2259 : vector<1x32x256xbf16> to vector<32x256xbf16>
    %swap3A_2261 = vector.shape_cast %convert_element_type3A_2255 : vector<32x256xbf16> to vector<1x32x256xbf16>
    tpu.vector_store %arg10[%swap3A_2256, %swap3A_2257, %swap3A_2258], %swap3A_2261 {strides = array<i32>} : memref<16x32x256xbf16, #tpu.memory_space<vmem>>, vector<1x32x256xbf16>,
    %get3A_2262 = arith.constant 24 : index
    %get3A_2263 = arith.constant 0 : index
    %get3A_2264 = arith.constant 0 : index
    %get3A_2265 = vector.load %arg9[%get3A_2262, %get3A_2263, %get3A_2264] : memref<32x32x256xbf16, #tpu.memory_space<vmem>>, vector<1x32x256xbf16>
    %get3A_2266 = vector.shape_cast %get3A_2265 : vector<1x32x256xbf16> to vector<32x256xbf16>
    %get3A_2267 = arith.constant 25 : index
    %get3A_2268 = arith.constant 0 : index
    %get3A_2269 = arith.constant 0 : index
    %get3A_2270 = vector.load %arg9[%get3A_2267, %get3A_2268, %get3A_2269] : memref<32x32x256xbf16, #tpu.memory_space<vmem>>, vector<1x32x256xbf16>
    %get3A_2271 = vector.shape_cast %get3A_2270 : vector<1x32x256xbf16> to vector<32x256xbf16>
    %broadcast_in_dim3A_2272 = vector.shape_cast %get3A_2266 : vector<32x256xbf16> to vector<32x1x256xbf16>
    %broadcast_in_dim3A_2273 = vector.shape_cast %get3A_2271 : vector<32x256xbf16> to vector<1x32x256xbf16>
    %mul3A_2274 = vector.broadcast %broadcast_in_dim3A_2272 : vector<32x1x256xbf16> to vector<32x32x256xbf16>
    %mul3A_2275 = vector.broadcast %broadcast_in_dim3A_2273 : vector<1x32x256xbf16> to vector<32x32x256xbf16>
    %mul3A_2276 = arith.mulf %mul3A_2274, %mul3A_2275 : vector<32x32x256xbf16>
    %reshape3A_2277 = vector.shape_cast %mul3A_2276 : vector<32x32x256xbf16> to vector<1024x256xbf16>
    %get3A_2278 = arith.constant 12 : index
    %get3A_2279 = arith.constant 0 : index
    %get3A_2280 = arith.constant 0 : index
    %get3A_2281 = vector.load %arg2[%get3A_2278, %get3A_2279, %get3A_2280] : memref<16x32x1024xf32, #tpu.memory_space<vmem>>, vector<1x32x1024xf32>
    %get3A_2282 = vector.shape_cast %get3A_2281 : vector<1x32x1024xf32> to vector<32x1024xf32>
    %exp3A_2283 = math.exp %get3A_2282 : vector<32x1024xf32>
    %convert_element_type3A_2284 = arith.truncf %exp3A_2283 : vector<32x1024xf32> to vector<32x1024xbf16>
    %dot_general3A_2285 = arith.constant dense<0.000000e+00> : vector<32x256xf32>
    %dot_general3A_2286 = tpu.matmul %convert_element_type3A_2284, %reshape3A_2277, %dot_general3A_2285 {dimension_numbers = #tpu.dot_dimension_numbers<[1], [0], [0], [1], [0, 0, 1, 1], [], []>, transpose_lhs_hint = false} : vector<32x1024xbf16>, vector<1024x256xbf16>, vector<32x256xf32> -> vector<32x256xf32>
    %reduce_max3A_2287 = arith.constant dense<0xFF800000> : vector<256xf32>
    %reduce_max3A_2288 = vector.multi_reduction <maximumf>, %dot_general3A_2286, %reduce_max3A_2287 [0] : vector<32x256xf32> to vector<256xf32>
    %broadcast_in_dim3A_2289 = vector.shape_cast %reduce_max3A_2288 : vector<256xf32> to vector<1x256xf32>
    %add3A_2290 = arith.addf %add3A_1348, %add3A_1403 : vector<1x256xf32>
    %log3A_2291 = math.log %broadcast_in_dim3A_2289 : vector<1x256xf32>
    %add3A_2292 = arith.addf %add3A_2290, %log3A_2291 : vector<1x256xf32>
    %div3A_2293 = arith.constant 1.000000e+00 : f32
    %div3A_2294 = vector.broadcast %div3A_2293 : f32 to vector<1x256xf32>
    %div3A_2295 = arith.divf %div3A_2294, %broadcast_in_dim3A_2289 : vector<1x256xf32>
    %mul3A_2296 = vector.broadcast %div3A_2295 : vector<1x256xf32> to vector<32x256xf32>
    %mul3A_2297 = arith.mulf %dot_general3A_2286, %mul3A_2296 : vector<32x256xf32>
    %convert_element_type3A_2298 = arith.truncf %mul3A_2297 : vector<32x256xf32> to vector<32x256xbf16>
    %swap3A_2299 = arith.constant 12 : index
    %swap3A_2300 = arith.constant 0 : index
    %swap3A_2301 = arith.constant 0 : index
    %swap3A_2302 = vector.load %arg10[%swap3A_2299, %swap3A_2300, %swap3A_2301] : memref<16x32x256xbf16, #tpu.memory_space<vmem>>, vector<1x32x256xbf16>
    %swap3A_2303 = vector.shape_cast %swap3A_2302 : vector<1x32x256xbf16> to vector<32x256xbf16>
    %swap3A_2304 = vector.shape_cast %convert_element_type3A_2298 : vector<32x256xbf16> to vector<1x32x256xbf16>
    tpu.vector_store %arg10[%swap3A_2299, %swap3A_2300, %swap3A_2301], %swap3A_2304 {strides = array<i32>} : memref<16x32x256xbf16, #tpu.memory_space<vmem>>, vector<1x32x256xbf16>,
    %get3A_2305 = arith.constant 26 : index
    %get3A_2306 = arith.constant 0 : index
    %get3A_2307 = arith.constant 0 : index
    %get3A_2308 = vector.load %arg9[%get3A_2305, %get3A_2306, %get3A_2307] : memref<32x32x256xbf16, #tpu.memory_space<vmem>>, vector<1x32x256xbf16>
    %get3A_2309 = vector.shape_cast %get3A_2308 : vector<1x32x256xbf16> to vector<32x256xbf16>
    %get3A_2310 = arith.constant 27 : index
    %get3A_2311 = arith.constant 0 : index
    %get3A_2312 = arith.constant 0 : index
    %get3A_2313 = vector.load %arg9[%get3A_2310, %get3A_2311, %get3A_2312] : memref<32x32x256xbf16, #tpu.memory_space<vmem>>, vector<1x32x256xbf16>
    %get3A_2314 = vector.shape_cast %get3A_2313 : vector<1x32x256xbf16> to vector<32x256xbf16>
    %broadcast_in_dim3A_2315 = vector.shape_cast %get3A_2309 : vector<32x256xbf16> to vector<32x1x256xbf16>
    %broadcast_in_dim3A_2316 = vector.shape_cast %get3A_2314 : vector<32x256xbf16> to vector<1x32x256xbf16>
    %mul3A_2317 = vector.broadcast %broadcast_in_dim3A_2315 : vector<32x1x256xbf16> to vector<32x32x256xbf16>
    %mul3A_2318 = vector.broadcast %broadcast_in_dim3A_2316 : vector<1x32x256xbf16> to vector<32x32x256xbf16>
    %mul3A_2319 = arith.mulf %mul3A_2317, %mul3A_2318 : vector<32x32x256xbf16>
    %reshape3A_2320 = vector.shape_cast %mul3A_2319 : vector<32x32x256xbf16> to vector<1024x256xbf16>
    %get3A_2321 = arith.constant 13 : index
    %get3A_2322 = arith.constant 0 : index
    %get3A_2323 = arith.constant 0 : index
    %get3A_2324 = vector.load %arg2[%get3A_2321, %get3A_2322, %get3A_2323] : memref<16x32x1024xf32, #tpu.memory_space<vmem>>, vector<1x32x1024xf32>
    %get3A_2325 = vector.shape_cast %get3A_2324 : vector<1x32x1024xf32> to vector<32x1024xf32>
    %exp3A_2326 = math.exp %get3A_2325 : vector<32x1024xf32>
    %convert_element_type3A_2327 = arith.truncf %exp3A_2326 : vector<32x1024xf32> to vector<32x1024xbf16>
    %dot_general3A_2328 = arith.constant dense<0.000000e+00> : vector<32x256xf32>
    %dot_general3A_2329 = tpu.matmul %convert_element_type3A_2327, %reshape3A_2320, %dot_general3A_2328 {dimension_numbers = #tpu.dot_dimension_numbers<[1], [0], [0], [1], [0, 0, 1, 1], [], []>, transpose_lhs_hint = false} : vector<32x1024xbf16>, vector<1024x256xbf16>, vector<32x256xf32> -> vector<32x256xf32>
    %reduce_max3A_2330 = arith.constant dense<0xFF800000> : vector<256xf32>
    %reduce_max3A_2331 = vector.multi_reduction <maximumf>, %dot_general3A_2329, %reduce_max3A_2330 [0] : vector<32x256xf32> to vector<256xf32>
    %broadcast_in_dim3A_2332 = vector.shape_cast %reduce_max3A_2331 : vector<256xf32> to vector<1x256xf32>
    %add3A_2333 = arith.addf %add3A_1458, %add3A_1513 : vector<1x256xf32>
    %log3A_2334 = math.log %broadcast_in_dim3A_2332 : vector<1x256xf32>
    %add3A_2335 = arith.addf %add3A_2333, %log3A_2334 : vector<1x256xf32>
    %div3A_2336 = arith.constant 1.000000e+00 : f32
    %div3A_2337 = vector.broadcast %div3A_2336 : f32 to vector<1x256xf32>
    %div3A_2338 = arith.divf %div3A_2337, %broadcast_in_dim3A_2332 : vector<1x256xf32>
    %mul3A_2339 = vector.broadcast %div3A_2338 : vector<1x256xf32> to vector<32x256xf32>
    %mul3A_2340 = arith.mulf %dot_general3A_2329, %mul3A_2339 : vector<32x256xf32>
    %convert_element_type3A_2341 = arith.truncf %mul3A_2340 : vector<32x256xf32> to vector<32x256xbf16>
    %swap3A_2342 = arith.constant 13 : index
    %swap3A_2343 = arith.constant 0 : index
    %swap3A_2344 = arith.constant 0 : index
    %swap3A_2345 = vector.load %arg10[%swap3A_2342, %swap3A_2343, %swap3A_2344] : memref<16x32x256xbf16, #tpu.memory_space<vmem>>, vector<1x32x256xbf16>
    %swap3A_2346 = vector.shape_cast %swap3A_2345 : vector<1x32x256xbf16> to vector<32x256xbf16>
    %swap3A_2347 = vector.shape_cast %convert_element_type3A_2341 : vector<32x256xbf16> to vector<1x32x256xbf16>
    tpu.vector_store %arg10[%swap3A_2342, %swap3A_2343, %swap3A_2344], %swap3A_2347 {strides = array<i32>} : memref<16x32x256xbf16, #tpu.memory_space<vmem>>, vector<1x32x256xbf16>,
    %get3A_2348 = arith.constant 28 : index
    %get3A_2349 = arith.constant 0 : index
    %get3A_2350 = arith.constant 0 : index
    %get3A_2351 = vector.load %arg9[%get3A_2348, %get3A_2349, %get3A_2350] : memref<32x32x256xbf16, #tpu.memory_space<vmem>>, vector<1x32x256xbf16>
    %get3A_2352 = vector.shape_cast %get3A_2351 : vector<1x32x256xbf16> to vector<32x256xbf16>
    %get3A_2353 = arith.constant 29 : index
    %get3A_2354 = arith.constant 0 : index
    %get3A_2355 = arith.constant 0 : index
    %get3A_2356 = vector.load %arg9[%get3A_2353, %get3A_2354, %get3A_2355] : memref<32x32x256xbf16, #tpu.memory_space<vmem>>, vector<1x32x256xbf16>
    %get3A_2357 = vector.shape_cast %get3A_2356 : vector<1x32x256xbf16> to vector<32x256xbf16>
    %broadcast_in_dim3A_2358 = vector.shape_cast %get3A_2352 : vector<32x256xbf16> to vector<32x1x256xbf16>
    %broadcast_in_dim3A_2359 = vector.shape_cast %get3A_2357 : vector<32x256xbf16> to vector<1x32x256xbf16>
    %mul3A_2360 = vector.broadcast %broadcast_in_dim3A_2358 : vector<32x1x256xbf16> to vector<32x32x256xbf16>
    %mul3A_2361 = vector.broadcast %broadcast_in_dim3A_2359 : vector<1x32x256xbf16> to vector<32x32x256xbf16>
    %mul3A_2362 = arith.mulf %mul3A_2360, %mul3A_2361 : vector<32x32x256xbf16>
    %reshape3A_2363 = vector.shape_cast %mul3A_2362 : vector<32x32x256xbf16> to vector<1024x256xbf16>
    %get3A_2364 = arith.constant 14 : index
    %get3A_2365 = arith.constant 0 : index
    %get3A_2366 = arith.constant 0 : index
    %get3A_2367 = vector.load %arg2[%get3A_2364, %get3A_2365, %get3A_2366] : memref<16x32x1024xf32, #tpu.memory_space<vmem>>, vector<1x32x1024xf32>
    %get3A_2368 = vector.shape_cast %get3A_2367 : vector<1x32x1024xf32> to vector<32x1024xf32>
    %exp3A_2369 = math.exp %get3A_2368 : vector<32x1024xf32>
    %convert_element_type3A_2370 = arith.truncf %exp3A_2369 : vector<32x1024xf32> to vector<32x1024xbf16>
    %dot_general3A_2371 = arith.constant dense<0.000000e+00> : vector<32x256xf32>
    %dot_general3A_2372 = tpu.matmul %convert_element_type3A_2370, %reshape3A_2363, %dot_general3A_2371 {dimension_numbers = #tpu.dot_dimension_numbers<[1], [0], [0], [1], [0, 0, 1, 1], [], []>, transpose_lhs_hint = false} : vector<32x1024xbf16>, vector<1024x256xbf16>, vector<32x256xf32> -> vector<32x256xf32>
    %reduce_max3A_2373 = arith.constant dense<0xFF800000> : vector<256xf32>
    %reduce_max3A_2374 = vector.multi_reduction <maximumf>, %dot_general3A_2372, %reduce_max3A_2373 [0] : vector<32x256xf32> to vector<256xf32>
    %broadcast_in_dim3A_2375 = vector.shape_cast %reduce_max3A_2374 : vector<256xf32> to vector<1x256xf32>
    %add3A_2376 = arith.addf %add3A_1568, %add3A_1623 : vector<1x256xf32>
    %log3A_2377 = math.log %broadcast_in_dim3A_2375 : vector<1x256xf32>
    %add3A_2378 = arith.addf %add3A_2376, %log3A_2377 : vector<1x256xf32>
    %div3A_2379 = arith.constant 1.000000e+00 : f32
    %div3A_2380 = vector.broadcast %div3A_2379 : f32 to vector<1x256xf32>
    %div3A_2381 = arith.divf %div3A_2380, %broadcast_in_dim3A_2375 : vector<1x256xf32>
    %mul3A_2382 = vector.broadcast %div3A_2381 : vector<1x256xf32> to vector<32x256xf32>
    %mul3A_2383 = arith.mulf %dot_general3A_2372, %mul3A_2382 : vector<32x256xf32>
    %convert_element_type3A_2384 = arith.truncf %mul3A_2383 : vector<32x256xf32> to vector<32x256xbf16>
    %swap3A_2385 = arith.constant 14 : index
    %swap3A_2386 = arith.constant 0 : index
    %swap3A_2387 = arith.constant 0 : index
    %swap3A_2388 = vector.load %arg10[%swap3A_2385, %swap3A_2386, %swap3A_2387] : memref<16x32x256xbf16, #tpu.memory_space<vmem>>, vector<1x32x256xbf16>
    %swap3A_2389 = vector.shape_cast %swap3A_2388 : vector<1x32x256xbf16> to vector<32x256xbf16>
    %swap3A_2390 = vector.shape_cast %convert_element_type3A_2384 : vector<32x256xbf16> to vector<1x32x256xbf16>
    tpu.vector_store %arg10[%swap3A_2385, %swap3A_2386, %swap3A_2387], %swap3A_2390 {strides = array<i32>} : memref<16x32x256xbf16, #tpu.memory_space<vmem>>, vector<1x32x256xbf16>,
    %get3A_2391 = arith.constant 30 : index
    %get3A_2392 = arith.constant 0 : index
    %get3A_2393 = arith.constant 0 : index
    %get3A_2394 = vector.load %arg9[%get3A_2391, %get3A_2392, %get3A_2393] : memref<32x32x256xbf16, #tpu.memory_space<vmem>>, vector<1x32x256xbf16>
    %get3A_2395 = vector.shape_cast %get3A_2394 : vector<1x32x256xbf16> to vector<32x256xbf16>
    %get3A_2396 = arith.constant 31 : index
    %get3A_2397 = arith.constant 0 : index
    %get3A_2398 = arith.constant 0 : index
    %get3A_2399 = vector.load %arg9[%get3A_2396, %get3A_2397, %get3A_2398] : memref<32x32x256xbf16, #tpu.memory_space<vmem>>, vector<1x32x256xbf16>
    %get3A_2400 = vector.shape_cast %get3A_2399 : vector<1x32x256xbf16> to vector<32x256xbf16>
    %broadcast_in_dim3A_2401 = vector.shape_cast %get3A_2395 : vector<32x256xbf16> to vector<32x1x256xbf16>
    %broadcast_in_dim3A_2402 = vector.shape_cast %get3A_2400 : vector<32x256xbf16> to vector<1x32x256xbf16>
    %mul3A_2403 = vector.broadcast %broadcast_in_dim3A_2401 : vector<32x1x256xbf16> to vector<32x32x256xbf16>
    %mul3A_2404 = vector.broadcast %broadcast_in_dim3A_2402 : vector<1x32x256xbf16> to vector<32x32x256xbf16>
    %mul3A_2405 = arith.mulf %mul3A_2403, %mul3A_2404 : vector<32x32x256xbf16>
    %reshape3A_2406 = vector.shape_cast %mul3A_2405 : vector<32x32x256xbf16> to vector<1024x256xbf16>
    %get3A_2407 = arith.constant 15 : index
    %get3A_2408 = arith.constant 0 : index
    %get3A_2409 = arith.constant 0 : index
    %get3A_2410 = vector.load %arg2[%get3A_2407, %get3A_2408, %get3A_2409] : memref<16x32x1024xf32, #tpu.memory_space<vmem>>, vector<1x32x1024xf32>
    %get3A_2411 = vector.shape_cast %get3A_2410 : vector<1x32x1024xf32> to vector<32x1024xf32>
    %exp3A_2412 = math.exp %get3A_2411 : vector<32x1024xf32>
    %convert_element_type3A_2413 = arith.truncf %exp3A_2412 : vector<32x1024xf32> to vector<32x1024xbf16>
    %dot_general3A_2414 = arith.constant dense<0.000000e+00> : vector<32x256xf32>
    %dot_general3A_2415 = tpu.matmul %convert_element_type3A_2413, %reshape3A_2406, %dot_general3A_2414 {dimension_numbers = #tpu.dot_dimension_numbers<[1], [0], [0], [1], [0, 0, 1, 1], [], []>, transpose_lhs_hint = false} : vector<32x1024xbf16>, vector<1024x256xbf16>, vector<32x256xf32> -> vector<32x256xf32>
    %reduce_max3A_2416 = arith.constant dense<0xFF800000> : vector<256xf32>
    %reduce_max3A_2417 = vector.multi_reduction <maximumf>, %dot_general3A_2415, %reduce_max3A_2416 [0] : vector<32x256xf32> to vector<256xf32>
    %broadcast_in_dim3A_2418 = vector.shape_cast %reduce_max3A_2417 : vector<256xf32> to vector<1x256xf32>
    %add3A_2419 = arith.addf %add3A_1678, %add3A_1733 : vector<1x256xf32>
    %log3A_2420 = math.log %broadcast_in_dim3A_2418 : vector<1x256xf32>
    %add3A_2421 = arith.addf %add3A_2419, %log3A_2420 : vector<1x256xf32>
    %div3A_2422 = arith.constant 1.000000e+00 : f32
    %div3A_2423 = vector.broadcast %div3A_2422 : f32 to vector<1x256xf32>
    %div3A_2424 = arith.divf %div3A_2423, %broadcast_in_dim3A_2418 : vector<1x256xf32>
    %mul3A_2425 = vector.broadcast %div3A_2424 : vector<1x256xf32> to vector<32x256xf32>
    %mul3A_2426 = arith.mulf %dot_general3A_2415, %mul3A_2425 : vector<32x256xf32>
    %convert_element_type3A_2427 = arith.truncf %mul3A_2426 : vector<32x256xf32> to vector<32x256xbf16>
    %swap3A_2428 = arith.constant 15 : index
    %swap3A_2429 = arith.constant 0 : index
    %swap3A_2430 = arith.constant 0 : index
    %swap3A_2431 = vector.load %arg10[%swap3A_2428, %swap3A_2429, %swap3A_2430] : memref<16x32x256xbf16, #tpu.memory_space<vmem>>, vector<1x32x256xbf16>
    %swap3A_2432 = vector.shape_cast %swap3A_2431 : vector<1x32x256xbf16> to vector<32x256xbf16>
    %swap3A_2433 = vector.shape_cast %convert_element_type3A_2427 : vector<32x256xbf16> to vector<1x32x256xbf16>
    tpu.vector_store %arg10[%swap3A_2428, %swap3A_2429, %swap3A_2430], %swap3A_2433 {strides = array<i32>} : memref<16x32x256xbf16, #tpu.memory_space<vmem>>, vector<1x32x256xbf16>,
    %get3A_2434 = arith.constant 0 : index
    %get3A_2435 = arith.constant 0 : index
    %get3A_2436 = arith.constant 0 : index
    %get3A_2437 = vector.load %arg10[%get3A_2434, %get3A_2435, %get3A_2436] : memref<16x32x256xbf16, #tpu.memory_space<vmem>>, vector<1x32x256xbf16>
    %get3A_2438 = vector.shape_cast %get3A_2437 : vector<1x32x256xbf16> to vector<32x256xbf16>
    %get3A_2439 = arith.constant 1 : index
    %get3A_2440 = arith.constant 0 : index
    %get3A_2441 = arith.constant 0 : index
    %get3A_2442 = vector.load %arg10[%get3A_2439, %get3A_2440, %get3A_2441] : memref<16x32x256xbf16, #tpu.memory_space<vmem>>, vector<1x32x256xbf16>
    %get3A_2443 = vector.shape_cast %get3A_2442 : vector<1x32x256xbf16> to vector<32x256xbf16>
    %broadcast_in_dim3A_2444 = vector.shape_cast %get3A_2438 : vector<32x256xbf16> to vector<32x1x256xbf16>
    %broadcast_in_dim3A_2445 = vector.shape_cast %get3A_2443 : vector<32x256xbf16> to vector<1x32x256xbf16>
    %mul3A_2446 = vector.broadcast %broadcast_in_dim3A_2444 : vector<32x1x256xbf16> to vector<32x32x256xbf16>
    %mul3A_2447 = vector.broadcast %broadcast_in_dim3A_2445 : vector<1x32x256xbf16> to vector<32x32x256xbf16>
    %mul3A_2448 = arith.mulf %mul3A_2446, %mul3A_2447 : vector<32x32x256xbf16>
    %reshape3A_2449 = vector.shape_cast %mul3A_2448 : vector<32x32x256xbf16> to vector<1024x256xbf16>
    %get3A_2450 = arith.constant 0 : index
    %get3A_2451 = arith.constant 0 : index
    %get3A_2452 = arith.constant 0 : index
    %get3A_2453 = vector.load %arg3[%get3A_2450, %get3A_2451, %get3A_2452] : memref<8x32x1024xf32, #tpu.memory_space<vmem>>, vector<1x32x1024xf32>
    %get3A_2454 = vector.shape_cast %get3A_2453 : vector<1x32x1024xf32> to vector<32x1024xf32>
    %exp3A_2455 = math.exp %get3A_2454 : vector<32x1024xf32>
    %convert_element_type3A_2456 = arith.truncf %exp3A_2455 : vector<32x1024xf32> to vector<32x1024xbf16>
    %dot_general3A_2457 = arith.constant dense<0.000000e+00> : vector<32x256xf32>
    %dot_general3A_2458 = tpu.matmul %convert_element_type3A_2456, %reshape3A_2449, %dot_general3A_2457 {dimension_numbers = #tpu.dot_dimension_numbers<[1], [0], [0], [1], [0, 0, 1, 1], [], []>, transpose_lhs_hint = false} : vector<32x1024xbf16>, vector<1024x256xbf16>, vector<32x256xf32> -> vector<32x256xf32>
    %reduce_max3A_2459 = arith.constant dense<0xFF800000> : vector<256xf32>
    %reduce_max3A_2460 = vector.multi_reduction <maximumf>, %dot_general3A_2458, %reduce_max3A_2459 [0] : vector<32x256xf32> to vector<256xf32>
    %broadcast_in_dim3A_2461 = vector.shape_cast %reduce_max3A_2460 : vector<256xf32> to vector<1x256xf32>
    %add3A_2462 = arith.addf %add3A_1776, %add3A_1819 : vector<1x256xf32>
    %log3A_2463 = math.log %broadcast_in_dim3A_2461 : vector<1x256xf32>
    %add3A_2464 = arith.addf %add3A_2462, %log3A_2463 : vector<1x256xf32>
    %div3A_2465 = arith.constant 1.000000e+00 : f32
    %div3A_2466 = vector.broadcast %div3A_2465 : f32 to vector<1x256xf32>
    %div3A_2467 = arith.divf %div3A_2466, %broadcast_in_dim3A_2461 : vector<1x256xf32>
    %mul3A_2468 = vector.broadcast %div3A_2467 : vector<1x256xf32> to vector<32x256xf32>
    %mul3A_2469 = arith.mulf %dot_general3A_2458, %mul3A_2468 : vector<32x256xf32>
    %convert_element_type3A_2470 = arith.truncf %mul3A_2469 : vector<32x256xf32> to vector<32x256xbf16>
    %swap3A_2471 = arith.constant 0 : index
    %swap3A_2472 = arith.constant 0 : index
    %swap3A_2473 = arith.constant 0 : index
    %swap3A_2474 = vector.load %arg11[%swap3A_2471, %swap3A_2472, %swap3A_2473] : memref<8x32x256xbf16, #tpu.memory_space<vmem>>, vector<1x32x256xbf16>
    %swap3A_2475 = vector.shape_cast %swap3A_2474 : vector<1x32x256xbf16> to vector<32x256xbf16>
    %swap3A_2476 = vector.shape_cast %convert_element_type3A_2470 : vector<32x256xbf16> to vector<1x32x256xbf16>
    tpu.vector_store %arg11[%swap3A_2471, %swap3A_2472, %swap3A_2473], %swap3A_2476 {strides = array<i32>} : memref<8x32x256xbf16, #tpu.memory_space<vmem>>, vector<1x32x256xbf16>,
    %get3A_2477 = arith.constant 2 : index
    %get3A_2478 = arith.constant 0 : index
    %get3A_2479 = arith.constant 0 : index
    %get3A_2480 = vector.load %arg10[%get3A_2477, %get3A_2478, %get3A_2479] : memref<16x32x256xbf16, #tpu.memory_space<vmem>>, vector<1x32x256xbf16>
    %get3A_2481 = vector.shape_cast %get3A_2480 : vector<1x32x256xbf16> to vector<32x256xbf16>
    %get3A_2482 = arith.constant 3 : index
    %get3A_2483 = arith.constant 0 : index
    %get3A_2484 = arith.constant 0 : index
    %get3A_2485 = vector.load %arg10[%get3A_2482, %get3A_2483, %get3A_2484] : memref<16x32x256xbf16, #tpu.memory_space<vmem>>, vector<1x32x256xbf16>
    %get3A_2486 = vector.shape_cast %get3A_2485 : vector<1x32x256xbf16> to vector<32x256xbf16>
    %broadcast_in_dim3A_2487 = vector.shape_cast %get3A_2481 : vector<32x256xbf16> to vector<32x1x256xbf16>
    %broadcast_in_dim3A_2488 = vector.shape_cast %get3A_2486 : vector<32x256xbf16> to vector<1x32x256xbf16>
    %mul3A_2489 = vector.broadcast %broadcast_in_dim3A_2487 : vector<32x1x256xbf16> to vector<32x32x256xbf16>
    %mul3A_2490 = vector.broadcast %broadcast_in_dim3A_2488 : vector<1x32x256xbf16> to vector<32x32x256xbf16>
    %mul3A_2491 = arith.mulf %mul3A_2489, %mul3A_2490 : vector<32x32x256xbf16>
    %reshape3A_2492 = vector.shape_cast %mul3A_2491 : vector<32x32x256xbf16> to vector<1024x256xbf16>
    %get3A_2493 = arith.constant 1 : index
    %get3A_2494 = arith.constant 0 : index
    %get3A_2495 = arith.constant 0 : index
    %get3A_2496 = vector.load %arg3[%get3A_2493, %get3A_2494, %get3A_2495] : memref<8x32x1024xf32, #tpu.memory_space<vmem>>, vector<1x32x1024xf32>
    %get3A_2497 = vector.shape_cast %get3A_2496 : vector<1x32x1024xf32> to vector<32x1024xf32>
    %exp3A_2498 = math.exp %get3A_2497 : vector<32x1024xf32>
    %convert_element_type3A_2499 = arith.truncf %exp3A_2498 : vector<32x1024xf32> to vector<32x1024xbf16>
    %dot_general3A_2500 = arith.constant dense<0.000000e+00> : vector<32x256xf32>
    %dot_general3A_2501 = tpu.matmul %convert_element_type3A_2499, %reshape3A_2492, %dot_general3A_2500 {dimension_numbers = #tpu.dot_dimension_numbers<[1], [0], [0], [1], [0, 0, 1, 1], [], []>, transpose_lhs_hint = false} : vector<32x1024xbf16>, vector<1024x256xbf16>, vector<32x256xf32> -> vector<32x256xf32>
    %reduce_max3A_2502 = arith.constant dense<0xFF800000> : vector<256xf32>
    %reduce_max3A_2503 = vector.multi_reduction <maximumf>, %dot_general3A_2501, %reduce_max3A_2502 [0] : vector<32x256xf32> to vector<256xf32>
    %broadcast_in_dim3A_2504 = vector.shape_cast %reduce_max3A_2503 : vector<256xf32> to vector<1x256xf32>
    %add3A_2505 = arith.addf %add3A_1862, %add3A_1905 : vector<1x256xf32>
    %log3A_2506 = math.log %broadcast_in_dim3A_2504 : vector<1x256xf32>
    %add3A_2507 = arith.addf %add3A_2505, %log3A_2506 : vector<1x256xf32>
    %div3A_2508 = arith.constant 1.000000e+00 : f32
    %div3A_2509 = vector.broadcast %div3A_2508 : f32 to vector<1x256xf32>
    %div3A_2510 = arith.divf %div3A_2509, %broadcast_in_dim3A_2504 : vector<1x256xf32>
    %mul3A_2511 = vector.broadcast %div3A_2510 : vector<1x256xf32> to vector<32x256xf32>
    %mul3A_2512 = arith.mulf %dot_general3A_2501, %mul3A_2511 : vector<32x256xf32>
    %convert_element_type3A_2513 = arith.truncf %mul3A_2512 : vector<32x256xf32> to vector<32x256xbf16>
    %swap3A_2514 = arith.constant 1 : index
    %swap3A_2515 = arith.constant 0 : index
    %swap3A_2516 = arith.constant 0 : index
    %swap3A_2517 = vector.load %arg11[%swap3A_2514, %swap3A_2515, %swap3A_2516] : memref<8x32x256xbf16, #tpu.memory_space<vmem>>, vector<1x32x256xbf16>
    %swap3A_2518 = vector.shape_cast %swap3A_2517 : vector<1x32x256xbf16> to vector<32x256xbf16>
    %swap3A_2519 = vector.shape_cast %convert_element_type3A_2513 : vector<32x256xbf16> to vector<1x32x256xbf16>
    tpu.vector_store %arg11[%swap3A_2514, %swap3A_2515, %swap3A_2516], %swap3A_2519 {strides = array<i32>} : memref<8x32x256xbf16, #tpu.memory_space<vmem>>, vector<1x32x256xbf16>,
    %get3A_2520 = arith.constant 4 : index
    %get3A_2521 = arith.constant 0 : index
    %get3A_2522 = arith.constant 0 : index
    %get3A_2523 = vector.load %arg10[%get3A_2520, %get3A_2521, %get3A_2522] : memref<16x32x256xbf16, #tpu.memory_space<vmem>>, vector<1x32x256xbf16>
    %get3A_2524 = vector.shape_cast %get3A_2523 : vector<1x32x256xbf16> to vector<32x256xbf16>
    %get3A_2525 = arith.constant 5 : index
    %get3A_2526 = arith.constant 0 : index
    %get3A_2527 = arith.constant 0 : index
    %get3A_2528 = vector.load %arg10[%get3A_2525, %get3A_2526, %get3A_2527] : memref<16x32x256xbf16, #tpu.memory_space<vmem>>, vector<1x32x256xbf16>
    %get3A_2529 = vector.shape_cast %get3A_2528 : vector<1x32x256xbf16> to vector<32x256xbf16>
    %broadcast_in_dim3A_2530 = vector.shape_cast %get3A_2524 : vector<32x256xbf16> to vector<32x1x256xbf16>
    %broadcast_in_dim3A_2531 = vector.shape_cast %get3A_2529 : vector<32x256xbf16> to vector<1x32x256xbf16>
    %mul3A_2532 = vector.broadcast %broadcast_in_dim3A_2530 : vector<32x1x256xbf16> to vector<32x32x256xbf16>
    %mul3A_2533 = vector.broadcast %broadcast_in_dim3A_2531 : vector<1x32x256xbf16> to vector<32x32x256xbf16>
    %mul3A_2534 = arith.mulf %mul3A_2532, %mul3A_2533 : vector<32x32x256xbf16>
    %reshape3A_2535 = vector.shape_cast %mul3A_2534 : vector<32x32x256xbf16> to vector<1024x256xbf16>
    %get3A_2536 = arith.constant 2 : index
    %get3A_2537 = arith.constant 0 : index
    %get3A_2538 = arith.constant 0 : index
    %get3A_2539 = vector.load %arg3[%get3A_2536, %get3A_2537, %get3A_2538] : memref<8x32x1024xf32, #tpu.memory_space<vmem>>, vector<1x32x1024xf32>
    %get3A_2540 = vector.shape_cast %get3A_2539 : vector<1x32x1024xf32> to vector<32x1024xf32>
    %exp3A_2541 = math.exp %get3A_2540 : vector<32x1024xf32>
    %convert_element_type3A_2542 = arith.truncf %exp3A_2541 : vector<32x1024xf32> to vector<32x1024xbf16>
    %dot_general3A_2543 = arith.constant dense<0.000000e+00> : vector<32x256xf32>
    %dot_general3A_2544 = tpu.matmul %convert_element_type3A_2542, %reshape3A_2535, %dot_general3A_2543 {dimension_numbers = #tpu.dot_dimension_numbers<[1], [0], [0], [1], [0, 0, 1, 1], [], []>, transpose_lhs_hint = false} : vector<32x1024xbf16>, vector<1024x256xbf16>, vector<32x256xf32> -> vector<32x256xf32>
    %reduce_max3A_2545 = arith.constant dense<0xFF800000> : vector<256xf32>
    %reduce_max3A_2546 = vector.multi_reduction <maximumf>, %dot_general3A_2544, %reduce_max3A_2545 [0] : vector<32x256xf32> to vector<256xf32>
    %broadcast_in_dim3A_2547 = vector.shape_cast %reduce_max3A_2546 : vector<256xf32> to vector<1x256xf32>
    %add3A_2548 = arith.addf %add3A_1948, %add3A_1991 : vector<1x256xf32>
    %log3A_2549 = math.log %broadcast_in_dim3A_2547 : vector<1x256xf32>
    %add3A_2550 = arith.addf %add3A_2548, %log3A_2549 : vector<1x256xf32>
    %div3A_2551 = arith.constant 1.000000e+00 : f32
    %div3A_2552 = vector.broadcast %div3A_2551 : f32 to vector<1x256xf32>
    %div3A_2553 = arith.divf %div3A_2552, %broadcast_in_dim3A_2547 : vector<1x256xf32>
    %mul3A_2554 = vector.broadcast %div3A_2553 : vector<1x256xf32> to vector<32x256xf32>
    %mul3A_2555 = arith.mulf %dot_general3A_2544, %mul3A_2554 : vector<32x256xf32>
    %convert_element_type3A_2556 = arith.truncf %mul3A_2555 : vector<32x256xf32> to vector<32x256xbf16>
    %swap3A_2557 = arith.constant 2 : index
    %swap3A_2558 = arith.constant 0 : index
    %swap3A_2559 = arith.constant 0 : index
    %swap3A_2560 = vector.load %arg11[%swap3A_2557, %swap3A_2558, %swap3A_2559] : memref<8x32x256xbf16, #tpu.memory_space<vmem>>, vector<1x32x256xbf16>
    %swap3A_2561 = vector.shape_cast %swap3A_2560 : vector<1x32x256xbf16> to vector<32x256xbf16>
    %swap3A_2562 = vector.shape_cast %convert_element_type3A_2556 : vector<32x256xbf16> to vector<1x32x256xbf16>
    tpu.vector_store %arg11[%swap3A_2557, %swap3A_2558, %swap3A_2559], %swap3A_2562 {strides = array<i32>} : memref<8x32x256xbf16, #tpu.memory_space<vmem>>, vector<1x32x256xbf16>,
    %get3A_2563 = arith.constant 6 : index
    %get3A_2564 = arith.constant 0 : index
    %get3A_2565 = arith.constant 0 : index
    %get3A_2566 = vector.load %arg10[%get3A_2563, %get3A_2564, %get3A_2565] : memref<16x32x256xbf16, #tpu.memory_space<vmem>>, vector<1x32x256xbf16>
    %get3A_2567 = vector.shape_cast %get3A_2566 : vector<1x32x256xbf16> to vector<32x256xbf16>
    %get3A_2568 = arith.constant 7 : index
    %get3A_2569 = arith.constant 0 : index
    %get3A_2570 = arith.constant 0 : index
    %get3A_2571 = vector.load %arg10[%get3A_2568, %get3A_2569, %get3A_2570] : memref<16x32x256xbf16, #tpu.memory_space<vmem>>, vector<1x32x256xbf16>
    %get3A_2572 = vector.shape_cast %get3A_2571 : vector<1x32x256xbf16> to vector<32x256xbf16>
    %broadcast_in_dim3A_2573 = vector.shape_cast %get3A_2567 : vector<32x256xbf16> to vector<32x1x256xbf16>
    %broadcast_in_dim3A_2574 = vector.shape_cast %get3A_2572 : vector<32x256xbf16> to vector<1x32x256xbf16>
    %mul3A_2575 = vector.broadcast %broadcast_in_dim3A_2573 : vector<32x1x256xbf16> to vector<32x32x256xbf16>
    %mul3A_2576 = vector.broadcast %broadcast_in_dim3A_2574 : vector<1x32x256xbf16> to vector<32x32x256xbf16>
    %mul3A_2577 = arith.mulf %mul3A_2575, %mul3A_2576 : vector<32x32x256xbf16>
    %reshape3A_2578 = vector.shape_cast %mul3A_2577 : vector<32x32x256xbf16> to vector<1024x256xbf16>
    %get3A_2579 = arith.constant 3 : index
    %get3A_2580 = arith.constant 0 : index
    %get3A_2581 = arith.constant 0 : index
    %get3A_2582 = vector.load %arg3[%get3A_2579, %get3A_2580, %get3A_2581] : memref<8x32x1024xf32, #tpu.memory_space<vmem>>, vector<1x32x1024xf32>
    %get3A_2583 = vector.shape_cast %get3A_2582 : vector<1x32x1024xf32> to vector<32x1024xf32>
    %exp3A_2584 = math.exp %get3A_2583 : vector<32x1024xf32>
    %convert_element_type3A_2585 = arith.truncf %exp3A_2584 : vector<32x1024xf32> to vector<32x1024xbf16>
    %dot_general3A_2586 = arith.constant dense<0.000000e+00> : vector<32x256xf32>
    %dot_general3A_2587 = tpu.matmul %convert_element_type3A_2585, %reshape3A_2578, %dot_general3A_2586 {dimension_numbers = #tpu.dot_dimension_numbers<[1], [0], [0], [1], [0, 0, 1, 1], [], []>, transpose_lhs_hint = false} : vector<32x1024xbf16>, vector<1024x256xbf16>, vector<32x256xf32> -> vector<32x256xf32>
    %reduce_max3A_2588 = arith.constant dense<0xFF800000> : vector<256xf32>
    %reduce_max3A_2589 = vector.multi_reduction <maximumf>, %dot_general3A_2587, %reduce_max3A_2588 [0] : vector<32x256xf32> to vector<256xf32>
    %broadcast_in_dim3A_2590 = vector.shape_cast %reduce_max3A_2589 : vector<256xf32> to vector<1x256xf32>
    %add3A_2591 = arith.addf %add3A_2034, %add3A_2077 : vector<1x256xf32>
    %log3A_2592 = math.log %broadcast_in_dim3A_2590 : vector<1x256xf32>
    %add3A_2593 = arith.addf %add3A_2591, %log3A_2592 : vector<1x256xf32>
    %div3A_2594 = arith.constant 1.000000e+00 : f32
    %div3A_2595 = vector.broadcast %div3A_2594 : f32 to vector<1x256xf32>
    %div3A_2596 = arith.divf %div3A_2595, %broadcast_in_dim3A_2590 : vector<1x256xf32>
    %mul3A_2597 = vector.broadcast %div3A_2596 : vector<1x256xf32> to vector<32x256xf32>
    %mul3A_2598 = arith.mulf %dot_general3A_2587, %mul3A_2597 : vector<32x256xf32>
    %convert_element_type3A_2599 = arith.truncf %mul3A_2598 : vector<32x256xf32> to vector<32x256xbf16>
    %swap3A_2600 = arith.constant 3 : index
    %swap3A_2601 = arith.constant 0 : index
    %swap3A_2602 = arith.constant 0 : index
    %swap3A_2603 = vector.load %arg11[%swap3A_2600, %swap3A_2601, %swap3A_2602] : memref<8x32x256xbf16, #tpu.memory_space<vmem>>, vector<1x32x256xbf16>
    %swap3A_2604 = vector.shape_cast %swap3A_2603 : vector<1x32x256xbf16> to vector<32x256xbf16>
    %swap3A_2605 = vector.shape_cast %convert_element_type3A_2599 : vector<32x256xbf16> to vector<1x32x256xbf16>
    tpu.vector_store %arg11[%swap3A_2600, %swap3A_2601, %swap3A_2602], %swap3A_2605 {strides = array<i32>} : memref<8x32x256xbf16, #tpu.memory_space<vmem>>, vector<1x32x256xbf16>,
    %get3A_2606 = arith.constant 8 : index
    %get3A_2607 = arith.constant 0 : index
    %get3A_2608 = arith.constant 0 : index
    %get3A_2609 = vector.load %arg10[%get3A_2606, %get3A_2607, %get3A_2608] : memref<16x32x256xbf16, #tpu.memory_space<vmem>>, vector<1x32x256xbf16>
    %get3A_2610 = vector.shape_cast %get3A_2609 : vector<1x32x256xbf16> to vector<32x256xbf16>
    %get3A_2611 = arith.constant 9 : index
    %get3A_2612 = arith.constant 0 : index
    %get3A_2613 = arith.constant 0 : index
    %get3A_2614 = vector.load %arg10[%get3A_2611, %get3A_2612, %get3A_2613] : memref<16x32x256xbf16, #tpu.memory_space<vmem>>, vector<1x32x256xbf16>
    %get3A_2615 = vector.shape_cast %get3A_2614 : vector<1x32x256xbf16> to vector<32x256xbf16>
    %broadcast_in_dim3A_2616 = vector.shape_cast %get3A_2610 : vector<32x256xbf16> to vector<32x1x256xbf16>
    %broadcast_in_dim3A_2617 = vector.shape_cast %get3A_2615 : vector<32x256xbf16> to vector<1x32x256xbf16>
    %mul3A_2618 = vector.broadcast %broadcast_in_dim3A_2616 : vector<32x1x256xbf16> to vector<32x32x256xbf16>
    %mul3A_2619 = vector.broadcast %broadcast_in_dim3A_2617 : vector<1x32x256xbf16> to vector<32x32x256xbf16>
    %mul3A_2620 = arith.mulf %mul3A_2618, %mul3A_2619 : vector<32x32x256xbf16>
    %reshape3A_2621 = vector.shape_cast %mul3A_2620 : vector<32x32x256xbf16> to vector<1024x256xbf16>
    %get3A_2622 = arith.constant 4 : index
    %get3A_2623 = arith.constant 0 : index
    %get3A_2624 = arith.constant 0 : index
    %get3A_2625 = vector.load %arg3[%get3A_2622, %get3A_2623, %get3A_2624] : memref<8x32x1024xf32, #tpu.memory_space<vmem>>, vector<1x32x1024xf32>
    %get3A_2626 = vector.shape_cast %get3A_2625 : vector<1x32x1024xf32> to vector<32x1024xf32>
    %exp3A_2627 = math.exp %get3A_2626 : vector<32x1024xf32>
    %convert_element_type3A_2628 = arith.truncf %exp3A_2627 : vector<32x1024xf32> to vector<32x1024xbf16>
    %dot_general3A_2629 = arith.constant dense<0.000000e+00> : vector<32x256xf32>
    %dot_general3A_2630 = tpu.matmul %convert_element_type3A_2628, %reshape3A_2621, %dot_general3A_2629 {dimension_numbers = #tpu.dot_dimension_numbers<[1], [0], [0], [1], [0, 0, 1, 1], [], []>, transpose_lhs_hint = false} : vector<32x1024xbf16>, vector<1024x256xbf16>, vector<32x256xf32> -> vector<32x256xf32>
    %reduce_max3A_2631 = arith.constant dense<0xFF800000> : vector<256xf32>
    %reduce_max3A_2632 = vector.multi_reduction <maximumf>, %dot_general3A_2630, %reduce_max3A_2631 [0] : vector<32x256xf32> to vector<256xf32>
    %broadcast_in_dim3A_2633 = vector.shape_cast %reduce_max3A_2632 : vector<256xf32> to vector<1x256xf32>
    %add3A_2634 = arith.addf %add3A_2120, %add3A_2163 : vector<1x256xf32>
    %log3A_2635 = math.log %broadcast_in_dim3A_2633 : vector<1x256xf32>
    %add3A_2636 = arith.addf %add3A_2634, %log3A_2635 : vector<1x256xf32>
    %div3A_2637 = arith.constant 1.000000e+00 : f32
    %div3A_2638 = vector.broadcast %div3A_2637 : f32 to vector<1x256xf32>
    %div3A_2639 = arith.divf %div3A_2638, %broadcast_in_dim3A_2633 : vector<1x256xf32>
    %mul3A_2640 = vector.broadcast %div3A_2639 : vector<1x256xf32> to vector<32x256xf32>
    %mul3A_2641 = arith.mulf %dot_general3A_2630, %mul3A_2640 : vector<32x256xf32>
    %convert_element_type3A_2642 = arith.truncf %mul3A_2641 : vector<32x256xf32> to vector<32x256xbf16>
    %swap3A_2643 = arith.constant 4 : index
    %swap3A_2644 = arith.constant 0 : index
    %swap3A_2645 = arith.constant 0 : index
    %swap3A_2646 = vector.load %arg11[%swap3A_2643, %swap3A_2644, %swap3A_2645] : memref<8x32x256xbf16, #tpu.memory_space<vmem>>, vector<1x32x256xbf16>
    %swap3A_2647 = vector.shape_cast %swap3A_2646 : vector<1x32x256xbf16> to vector<32x256xbf16>
    %swap3A_2648 = vector.shape_cast %convert_element_type3A_2642 : vector<32x256xbf16> to vector<1x32x256xbf16>
    tpu.vector_store %arg11[%swap3A_2643, %swap3A_2644, %swap3A_2645], %swap3A_2648 {strides = array<i32>} : memref<8x32x256xbf16, #tpu.memory_space<vmem>>, vector<1x32x256xbf16>,
    %get3A_2649 = arith.constant 10 : index
    %get3A_2650 = arith.constant 0 : index
    %get3A_2651 = arith.constant 0 : index
    %get3A_2652 = vector.load %arg10[%get3A_2649, %get3A_2650, %get3A_2651] : memref<16x32x256xbf16, #tpu.memory_space<vmem>>, vector<1x32x256xbf16>
    %get3A_2653 = vector.shape_cast %get3A_2652 : vector<1x32x256xbf16> to vector<32x256xbf16>
    %get3A_2654 = arith.constant 11 : index
    %get3A_2655 = arith.constant 0 : index
    %get3A_2656 = arith.constant 0 : index
    %get3A_2657 = vector.load %arg10[%get3A_2654, %get3A_2655, %get3A_2656] : memref<16x32x256xbf16, #tpu.memory_space<vmem>>, vector<1x32x256xbf16>
    %get3A_2658 = vector.shape_cast %get3A_2657 : vector<1x32x256xbf16> to vector<32x256xbf16>
    %broadcast_in_dim3A_2659 = vector.shape_cast %get3A_2653 : vector<32x256xbf16> to vector<32x1x256xbf16>
    %broadcast_in_dim3A_2660 = vector.shape_cast %get3A_2658 : vector<32x256xbf16> to vector<1x32x256xbf16>
    %mul3A_2661 = vector.broadcast %broadcast_in_dim3A_2659 : vector<32x1x256xbf16> to vector<32x32x256xbf16>
    %mul3A_2662 = vector.broadcast %broadcast_in_dim3A_2660 : vector<1x32x256xbf16> to vector<32x32x256xbf16>
    %mul3A_2663 = arith.mulf %mul3A_2661, %mul3A_2662 : vector<32x32x256xbf16>
    %reshape3A_2664 = vector.shape_cast %mul3A_2663 : vector<32x32x256xbf16> to vector<1024x256xbf16>
    %get3A_2665 = arith.constant 5 : index
    %get3A_2666 = arith.constant 0 : index
    %get3A_2667 = arith.constant 0 : index
    %get3A_2668 = vector.load %arg3[%get3A_2665, %get3A_2666, %get3A_2667] : memref<8x32x1024xf32, #tpu.memory_space<vmem>>, vector<1x32x1024xf32>
    %get3A_2669 = vector.shape_cast %get3A_2668 : vector<1x32x1024xf32> to vector<32x1024xf32>
    %exp3A_2670 = math.exp %get3A_2669 : vector<32x1024xf32>
    %convert_element_type3A_2671 = arith.truncf %exp3A_2670 : vector<32x1024xf32> to vector<32x1024xbf16>
    %dot_general3A_2672 = arith.constant dense<0.000000e+00> : vector<32x256xf32>
    %dot_general3A_2673 = tpu.matmul %convert_element_type3A_2671, %reshape3A_2664, %dot_general3A_2672 {dimension_numbers = #tpu.dot_dimension_numbers<[1], [0], [0], [1], [0, 0, 1, 1], [], []>, transpose_lhs_hint = false} : vector<32x1024xbf16>, vector<1024x256xbf16>, vector<32x256xf32> -> vector<32x256xf32>
    %reduce_max3A_2674 = arith.constant dense<0xFF800000> : vector<256xf32>
    %reduce_max3A_2675 = vector.multi_reduction <maximumf>, %dot_general3A_2673, %reduce_max3A_2674 [0] : vector<32x256xf32> to vector<256xf32>
    %broadcast_in_dim3A_2676 = vector.shape_cast %reduce_max3A_2675 : vector<256xf32> to vector<1x256xf32>
    %add3A_2677 = arith.addf %add3A_2206, %add3A_2249 : vector<1x256xf32>
    %log3A_2678 = math.log %broadcast_in_dim3A_2676 : vector<1x256xf32>
    %add3A_2679 = arith.addf %add3A_2677, %log3A_2678 : vector<1x256xf32>
    %div3A_2680 = arith.constant 1.000000e+00 : f32
    %div3A_2681 = vector.broadcast %div3A_2680 : f32 to vector<1x256xf32>
    %div3A_2682 = arith.divf %div3A_2681, %broadcast_in_dim3A_2676 : vector<1x256xf32>
    %mul3A_2683 = vector.broadcast %div3A_2682 : vector<1x256xf32> to vector<32x256xf32>
    %mul3A_2684 = arith.mulf %dot_general3A_2673, %mul3A_2683 : vector<32x256xf32>
    %convert_element_type3A_2685 = arith.truncf %mul3A_2684 : vector<32x256xf32> to vector<32x256xbf16>
    %swap3A_2686 = arith.constant 5 : index
    %swap3A_2687 = arith.constant 0 : index
    %swap3A_2688 = arith.constant 0 : index
    %swap3A_2689 = vector.load %arg11[%swap3A_2686, %swap3A_2687, %swap3A_2688] : memref<8x32x256xbf16, #tpu.memory_space<vmem>>, vector<1x32x256xbf16>
    %swap3A_2690 = vector.shape_cast %swap3A_2689 : vector<1x32x256xbf16> to vector<32x256xbf16>
    %swap3A_2691 = vector.shape_cast %convert_element_type3A_2685 : vector<32x256xbf16> to vector<1x32x256xbf16>
    tpu.vector_store %arg11[%swap3A_2686, %swap3A_2687, %swap3A_2688], %swap3A_2691 {strides = array<i32>} : memref<8x32x256xbf16, #tpu.memory_space<vmem>>, vector<1x32x256xbf16>,
    %get3A_2692 = arith.constant 12 : index
    %get3A_2693 = arith.constant 0 : index
    %get3A_2694 = arith.constant 0 : index
    %get3A_2695 = vector.load %arg10[%get3A_2692, %get3A_2693, %get3A_2694] : memref<16x32x256xbf16, #tpu.memory_space<vmem>>, vector<1x32x256xbf16>
    %get3A_2696 = vector.shape_cast %get3A_2695 : vector<1x32x256xbf16> to vector<32x256xbf16>
    %get3A_2697 = arith.constant 13 : index
    %get3A_2698 = arith.constant 0 : index
    %get3A_2699 = arith.constant 0 : index
    %get3A_2700 = vector.load %arg10[%get3A_2697, %get3A_2698, %get3A_2699] : memref<16x32x256xbf16, #tpu.memory_space<vmem>>, vector<1x32x256xbf16>
    %get3A_2701 = vector.shape_cast %get3A_2700 : vector<1x32x256xbf16> to vector<32x256xbf16>
    %broadcast_in_dim3A_2702 = vector.shape_cast %get3A_2696 : vector<32x256xbf16> to vector<32x1x256xbf16>
    %broadcast_in_dim3A_2703 = vector.shape_cast %get3A_2701 : vector<32x256xbf16> to vector<1x32x256xbf16>
    %mul3A_2704 = vector.broadcast %broadcast_in_dim3A_2702 : vector<32x1x256xbf16> to vector<32x32x256xbf16>
    %mul3A_2705 = vector.broadcast %broadcast_in_dim3A_2703 : vector<1x32x256xbf16> to vector<32x32x256xbf16>
    %mul3A_2706 = arith.mulf %mul3A_2704, %mul3A_2705 : vector<32x32x256xbf16>
    %reshape3A_2707 = vector.shape_cast %mul3A_2706 : vector<32x32x256xbf16> to vector<1024x256xbf16>
    %get3A_2708 = arith.constant 6 : index
    %get3A_2709 = arith.constant 0 : index
    %get3A_2710 = arith.constant 0 : index
    %get3A_2711 = vector.load %arg3[%get3A_2708, %get3A_2709, %get3A_2710] : memref<8x32x1024xf32, #tpu.memory_space<vmem>>, vector<1x32x1024xf32>
    %get3A_2712 = vector.shape_cast %get3A_2711 : vector<1x32x1024xf32> to vector<32x1024xf32>
    %exp3A_2713 = math.exp %get3A_2712 : vector<32x1024xf32>
    %convert_element_type3A_2714 = arith.truncf %exp3A_2713 : vector<32x1024xf32> to vector<32x1024xbf16>
    %dot_general3A_2715 = arith.constant dense<0.000000e+00> : vector<32x256xf32>
    %dot_general3A_2716 = tpu.matmul %convert_element_type3A_2714, %reshape3A_2707, %dot_general3A_2715 {dimension_numbers = #tpu.dot_dimension_numbers<[1], [0], [0], [1], [0, 0, 1, 1], [], []>, transpose_lhs_hint = false} : vector<32x1024xbf16>, vector<1024x256xbf16>, vector<32x256xf32> -> vector<32x256xf32>
    %reduce_max3A_2717 = arith.constant dense<0xFF800000> : vector<256xf32>
    %reduce_max3A_2718 = vector.multi_reduction <maximumf>, %dot_general3A_2716, %reduce_max3A_2717 [0] : vector<32x256xf32> to vector<256xf32>
    %broadcast_in_dim3A_2719 = vector.shape_cast %reduce_max3A_2718 : vector<256xf32> to vector<1x256xf32>
    %add3A_2720 = arith.addf %add3A_2292, %add3A_2335 : vector<1x256xf32>
    %log3A_2721 = math.log %broadcast_in_dim3A_2719 : vector<1x256xf32>
    %add3A_2722 = arith.addf %add3A_2720, %log3A_2721 : vector<1x256xf32>
    %div3A_2723 = arith.constant 1.000000e+00 : f32
    %div3A_2724 = vector.broadcast %div3A_2723 : f32 to vector<1x256xf32>
    %div3A_2725 = arith.divf %div3A_2724, %broadcast_in_dim3A_2719 : vector<1x256xf32>
    %mul3A_2726 = vector.broadcast %div3A_2725 : vector<1x256xf32> to vector<32x256xf32>
    %mul3A_2727 = arith.mulf %dot_general3A_2716, %mul3A_2726 : vector<32x256xf32>
    %convert_element_type3A_2728 = arith.truncf %mul3A_2727 : vector<32x256xf32> to vector<32x256xbf16>
    %swap3A_2729 = arith.constant 6 : index
    %swap3A_2730 = arith.constant 0 : index
    %swap3A_2731 = arith.constant 0 : index
    %swap3A_2732 = vector.load %arg11[%swap3A_2729, %swap3A_2730, %swap3A_2731] : memref<8x32x256xbf16, #tpu.memory_space<vmem>>, vector<1x32x256xbf16>
    %swap3A_2733 = vector.shape_cast %swap3A_2732 : vector<1x32x256xbf16> to vector<32x256xbf16>
    %swap3A_2734 = vector.shape_cast %convert_element_type3A_2728 : vector<32x256xbf16> to vector<1x32x256xbf16>
    tpu.vector_store %arg11[%swap3A_2729, %swap3A_2730, %swap3A_2731], %swap3A_2734 {strides = array<i32>} : memref<8x32x256xbf16, #tpu.memory_space<vmem>>, vector<1x32x256xbf16>,
    %get3A_2735 = arith.constant 14 : index
    %get3A_2736 = arith.constant 0 : index
    %get3A_2737 = arith.constant 0 : index
    %get3A_2738 = vector.load %arg10[%get3A_2735, %get3A_2736, %get3A_2737] : memref<16x32x256xbf16, #tpu.memory_space<vmem>>, vector<1x32x256xbf16>
    %get3A_2739 = vector.shape_cast %get3A_2738 : vector<1x32x256xbf16> to vector<32x256xbf16>
    %get3A_2740 = arith.constant 15 : index
    %get3A_2741 = arith.constant 0 : index
    %get3A_2742 = arith.constant 0 : index
    %get3A_2743 = vector.load %arg10[%get3A_2740, %get3A_2741, %get3A_2742] : memref<16x32x256xbf16, #tpu.memory_space<vmem>>, vector<1x32x256xbf16>
    %get3A_2744 = vector.shape_cast %get3A_2743 : vector<1x32x256xbf16> to vector<32x256xbf16>
    %broadcast_in_dim3A_2745 = vector.shape_cast %get3A_2739 : vector<32x256xbf16> to vector<32x1x256xbf16>
    %broadcast_in_dim3A_2746 = vector.shape_cast %get3A_2744 : vector<32x256xbf16> to vector<1x32x256xbf16>
    %mul3A_2747 = vector.broadcast %broadcast_in_dim3A_2745 : vector<32x1x256xbf16> to vector<32x32x256xbf16>
    %mul3A_2748 = vector.broadcast %broadcast_in_dim3A_2746 : vector<1x32x256xbf16> to vector<32x32x256xbf16>
    %mul3A_2749 = arith.mulf %mul3A_2747, %mul3A_2748 : vector<32x32x256xbf16>
    %reshape3A_2750 = vector.shape_cast %mul3A_2749 : vector<32x32x256xbf16> to vector<1024x256xbf16>
    %get3A_2751 = arith.constant 7 : index
    %get3A_2752 = arith.constant 0 : index
    %get3A_2753 = arith.constant 0 : index
    %get3A_2754 = vector.load %arg3[%get3A_2751, %get3A_2752, %get3A_2753] : memref<8x32x1024xf32, #tpu.memory_space<vmem>>, vector<1x32x1024xf32>
    %get3A_2755 = vector.shape_cast %get3A_2754 : vector<1x32x1024xf32> to vector<32x1024xf32>
    %exp3A_2756 = math.exp %get3A_2755 : vector<32x1024xf32>
    %convert_element_type3A_2757 = arith.truncf %exp3A_2756 : vector<32x1024xf32> to vector<32x1024xbf16>
    %dot_general3A_2758 = arith.constant dense<0.000000e+00> : vector<32x256xf32>
    %dot_general3A_2759 = tpu.matmul %convert_element_type3A_2757, %reshape3A_2750, %dot_general3A_2758 {dimension_numbers = #tpu.dot_dimension_numbers<[1], [0], [0], [1], [0, 0, 1, 1], [], []>, transpose_lhs_hint = false} : vector<32x1024xbf16>, vector<1024x256xbf16>, vector<32x256xf32> -> vector<32x256xf32>
    %reduce_max3A_2760 = arith.constant dense<0xFF800000> : vector<256xf32>
    %reduce_max3A_2761 = vector.multi_reduction <maximumf>, %dot_general3A_2759, %reduce_max3A_2760 [0] : vector<32x256xf32> to vector<256xf32>
    %broadcast_in_dim3A_2762 = vector.shape_cast %reduce_max3A_2761 : vector<256xf32> to vector<1x256xf32>
    %add3A_2763 = arith.addf %add3A_2378, %add3A_2421 : vector<1x256xf32>
    %log3A_2764 = math.log %broadcast_in_dim3A_2762 : vector<1x256xf32>
    %add3A_2765 = arith.addf %add3A_2763, %log3A_2764 : vector<1x256xf32>
    %div3A_2766 = arith.constant 1.000000e+00 : f32
    %div3A_2767 = vector.broadcast %div3A_2766 : f32 to vector<1x256xf32>
    %div3A_2768 = arith.divf %div3A_2767, %broadcast_in_dim3A_2762 : vector<1x256xf32>
    %mul3A_2769 = vector.broadcast %div3A_2768 : vector<1x256xf32> to vector<32x256xf32>
    %mul3A_2770 = arith.mulf %dot_general3A_2759, %mul3A_2769 : vector<32x256xf32>
    %convert_element_type3A_2771 = arith.truncf %mul3A_2770 : vector<32x256xf32> to vector<32x256xbf16>
    %swap3A_2772 = arith.constant 7 : index
    %swap3A_2773 = arith.constant 0 : index
    %swap3A_2774 = arith.constant 0 : index
    %swap3A_2775 = vector.load %arg11[%swap3A_2772, %swap3A_2773, %swap3A_2774] : memref<8x32x256xbf16, #tpu.memory_space<vmem>>, vector<1x32x256xbf16>
    %swap3A_2776 = vector.shape_cast %swap3A_2775 : vector<1x32x256xbf16> to vector<32x256xbf16>
    %swap3A_2777 = vector.shape_cast %convert_element_type3A_2771 : vector<32x256xbf16> to vector<1x32x256xbf16>
    tpu.vector_store %arg11[%swap3A_2772, %swap3A_2773, %swap3A_2774], %swap3A_2777 {strides = array<i32>} : memref<8x32x256xbf16, #tpu.memory_space<vmem>>, vector<1x32x256xbf16>,
    %get3A_2778 = arith.constant 0 : index
    %get3A_2779 = arith.constant 0 : index
    %get3A_2780 = arith.constant 0 : index
    %get3A_2781 = vector.load %arg11[%get3A_2778, %get3A_2779, %get3A_2780] : memref<8x32x256xbf16, #tpu.memory_space<vmem>>, vector<1x32x256xbf16>
    %get3A_2782 = vector.shape_cast %get3A_2781 : vector<1x32x256xbf16> to vector<32x256xbf16>
    %get3A_2783 = arith.constant 1 : index
    %get3A_2784 = arith.constant 0 : index
    %get3A_2785 = arith.constant 0 : index
    %get3A_2786 = vector.load %arg11[%get3A_2783, %get3A_2784, %get3A_2785] : memref<8x32x256xbf16, #tpu.memory_space<vmem>>, vector<1x32x256xbf16>
    %get3A_2787 = vector.shape_cast %get3A_2786 : vector<1x32x256xbf16> to vector<32x256xbf16>
    %broadcast_in_dim3A_2788 = vector.shape_cast %get3A_2782 : vector<32x256xbf16> to vector<32x1x256xbf16>
    %broadcast_in_dim3A_2789 = vector.shape_cast %get3A_2787 : vector<32x256xbf16> to vector<1x32x256xbf16>
    %mul3A_2790 = vector.broadcast %broadcast_in_dim3A_2788 : vector<32x1x256xbf16> to vector<32x32x256xbf16>
    %mul3A_2791 = vector.broadcast %broadcast_in_dim3A_2789 : vector<1x32x256xbf16> to vector<32x32x256xbf16>
    %mul3A_2792 = arith.mulf %mul3A_2790, %mul3A_2791 : vector<32x32x256xbf16>
    %reshape3A_2793 = vector.shape_cast %mul3A_2792 : vector<32x32x256xbf16> to vector<1024x256xbf16>
    %get3A_2794 = arith.constant 0 : index
    %get3A_2795 = arith.constant 0 : index
    %get3A_2796 = arith.constant 0 : index
    %get3A_2797 = vector.load %arg4[%get3A_2794, %get3A_2795, %get3A_2796] : memref<4x32x1024xf32, #tpu.memory_space<vmem>>, vector<1x32x1024xf32>
    %get3A_2798 = vector.shape_cast %get3A_2797 : vector<1x32x1024xf32> to vector<32x1024xf32>
    %exp3A_2799 = math.exp %get3A_2798 : vector<32x1024xf32>
    %convert_element_type3A_2800 = arith.truncf %exp3A_2799 : vector<32x1024xf32> to vector<32x1024xbf16>
    %dot_general3A_2801 = arith.constant dense<0.000000e+00> : vector<32x256xf32>
    %dot_general3A_2802 = tpu.matmul %convert_element_type3A_2800, %reshape3A_2793, %dot_general3A_2801 {dimension_numbers = #tpu.dot_dimension_numbers<[1], [0], [0], [1], [0, 0, 1, 1], [], []>, transpose_lhs_hint = false} : vector<32x1024xbf16>, vector<1024x256xbf16>, vector<32x256xf32> -> vector<32x256xf32>
    %reduce_max3A_2803 = arith.constant dense<0xFF800000> : vector<256xf32>
    %reduce_max3A_2804 = vector.multi_reduction <maximumf>, %dot_general3A_2802, %reduce_max3A_2803 [0] : vector<32x256xf32> to vector<256xf32>
    %broadcast_in_dim3A_2805 = vector.shape_cast %reduce_max3A_2804 : vector<256xf32> to vector<1x256xf32>
    %add3A_2806 = arith.addf %add3A_2464, %add3A_2507 : vector<1x256xf32>
    %log3A_2807 = math.log %broadcast_in_dim3A_2805 : vector<1x256xf32>
    %add3A_2808 = arith.addf %add3A_2806, %log3A_2807 : vector<1x256xf32>
    %div3A_2809 = arith.constant 1.000000e+00 : f32
    %div3A_2810 = vector.broadcast %div3A_2809 : f32 to vector<1x256xf32>
    %div3A_2811 = arith.divf %div3A_2810, %broadcast_in_dim3A_2805 : vector<1x256xf32>
    %mul3A_2812 = vector.broadcast %div3A_2811 : vector<1x256xf32> to vector<32x256xf32>
    %mul3A_2813 = arith.mulf %dot_general3A_2802, %mul3A_2812 : vector<32x256xf32>
    %convert_element_type3A_2814 = arith.truncf %mul3A_2813 : vector<32x256xf32> to vector<32x256xbf16>
    %swap3A_2815 = arith.constant 0 : index
    %swap3A_2816 = arith.constant 0 : index
    %swap3A_2817 = arith.constant 0 : index
    %swap3A_2818 = vector.load %arg12[%swap3A_2815, %swap3A_2816, %swap3A_2817] : memref<4x32x256xbf16, #tpu.memory_space<vmem>>, vector<1x32x256xbf16>
    %swap3A_2819 = vector.shape_cast %swap3A_2818 : vector<1x32x256xbf16> to vector<32x256xbf16>
    %swap3A_2820 = vector.shape_cast %convert_element_type3A_2814 : vector<32x256xbf16> to vector<1x32x256xbf16>
    tpu.vector_store %arg12[%swap3A_2815, %swap3A_2816, %swap3A_2817], %swap3A_2820 {strides = array<i32>} : memref<4x32x256xbf16, #tpu.memory_space<vmem>>, vector<1x32x256xbf16>,
    %get3A_2821 = arith.constant 2 : index
    %get3A_2822 = arith.constant 0 : index
    %get3A_2823 = arith.constant 0 : index
    %get3A_2824 = vector.load %arg11[%get3A_2821, %get3A_2822, %get3A_2823] : memref<8x32x256xbf16, #tpu.memory_space<vmem>>, vector<1x32x256xbf16>
    %get3A_2825 = vector.shape_cast %get3A_2824 : vector<1x32x256xbf16> to vector<32x256xbf16>
    %get3A_2826 = arith.constant 3 : index
    %get3A_2827 = arith.constant 0 : index
    %get3A_2828 = arith.constant 0 : index
    %get3A_2829 = vector.load %arg11[%get3A_2826, %get3A_2827, %get3A_2828] : memref<8x32x256xbf16, #tpu.memory_space<vmem>>, vector<1x32x256xbf16>
    %get3A_2830 = vector.shape_cast %get3A_2829 : vector<1x32x256xbf16> to vector<32x256xbf16>
    %broadcast_in_dim3A_2831 = vector.shape_cast %get3A_2825 : vector<32x256xbf16> to vector<32x1x256xbf16>
    %broadcast_in_dim3A_2832 = vector.shape_cast %get3A_2830 : vector<32x256xbf16> to vector<1x32x256xbf16>
    %mul3A_2833 = vector.broadcast %broadcast_in_dim3A_2831 : vector<32x1x256xbf16> to vector<32x32x256xbf16>
    %mul3A_2834 = vector.broadcast %broadcast_in_dim3A_2832 : vector<1x32x256xbf16> to vector<32x32x256xbf16>
    %mul3A_2835 = arith.mulf %mul3A_2833, %mul3A_2834 : vector<32x32x256xbf16>
    %reshape3A_2836 = vector.shape_cast %mul3A_2835 : vector<32x32x256xbf16> to vector<1024x256xbf16>
    %get3A_2837 = arith.constant 1 : index
    %get3A_2838 = arith.constant 0 : index
    %get3A_2839 = arith.constant 0 : index
    %get3A_2840 = vector.load %arg4[%get3A_2837, %get3A_2838, %get3A_2839] : memref<4x32x1024xf32, #tpu.memory_space<vmem>>, vector<1x32x1024xf32>
    %get3A_2841 = vector.shape_cast %get3A_2840 : vector<1x32x1024xf32> to vector<32x1024xf32>
    %exp3A_2842 = math.exp %get3A_2841 : vector<32x1024xf32>
    %convert_element_type3A_2843 = arith.truncf %exp3A_2842 : vector<32x1024xf32> to vector<32x1024xbf16>
    %dot_general3A_2844 = arith.constant dense<0.000000e+00> : vector<32x256xf32>
    %dot_general3A_2845 = tpu.matmul %convert_element_type3A_2843, %reshape3A_2836, %dot_general3A_2844 {dimension_numbers = #tpu.dot_dimension_numbers<[1], [0], [0], [1], [0, 0, 1, 1], [], []>, transpose_lhs_hint = false} : vector<32x1024xbf16>, vector<1024x256xbf16>, vector<32x256xf32> -> vector<32x256xf32>
    %reduce_max3A_2846 = arith.constant dense<0xFF800000> : vector<256xf32>
    %reduce_max3A_2847 = vector.multi_reduction <maximumf>, %dot_general3A_2845, %reduce_max3A_2846 [0] : vector<32x256xf32> to vector<256xf32>
    %broadcast_in_dim3A_2848 = vector.shape_cast %reduce_max3A_2847 : vector<256xf32> to vector<1x256xf32>
    %add3A_2849 = arith.addf %add3A_2550, %add3A_2593 : vector<1x256xf32>
    %log3A_2850 = math.log %broadcast_in_dim3A_2848 : vector<1x256xf32>
    %add3A_2851 = arith.addf %add3A_2849, %log3A_2850 : vector<1x256xf32>
    %div3A_2852 = arith.constant 1.000000e+00 : f32
    %div3A_2853 = vector.broadcast %div3A_2852 : f32 to vector<1x256xf32>
    %div3A_2854 = arith.divf %div3A_2853, %broadcast_in_dim3A_2848 : vector<1x256xf32>
    %mul3A_2855 = vector.broadcast %div3A_2854 : vector<1x256xf32> to vector<32x256xf32>
    %mul3A_2856 = arith.mulf %dot_general3A_2845, %mul3A_2855 : vector<32x256xf32>
    %convert_element_type3A_2857 = arith.truncf %mul3A_2856 : vector<32x256xf32> to vector<32x256xbf16>
    %swap3A_2858 = arith.constant 1 : index
    %swap3A_2859 = arith.constant 0 : index
    %swap3A_2860 = arith.constant 0 : index
    %swap3A_2861 = vector.load %arg12[%swap3A_2858, %swap3A_2859, %swap3A_2860] : memref<4x32x256xbf16, #tpu.memory_space<vmem>>, vector<1x32x256xbf16>
    %swap3A_2862 = vector.shape_cast %swap3A_2861 : vector<1x32x256xbf16> to vector<32x256xbf16>
    %swap3A_2863 = vector.shape_cast %convert_element_type3A_2857 : vector<32x256xbf16> to vector<1x32x256xbf16>
    tpu.vector_store %arg12[%swap3A_2858, %swap3A_2859, %swap3A_2860], %swap3A_2863 {strides = array<i32>} : memref<4x32x256xbf16, #tpu.memory_space<vmem>>, vector<1x32x256xbf16>,
    %get3A_2864 = arith.constant 4 : index
    %get3A_2865 = arith.constant 0 : index
    %get3A_2866 = arith.constant 0 : index
    %get3A_2867 = vector.load %arg11[%get3A_2864, %get3A_2865, %get3A_2866] : memref<8x32x256xbf16, #tpu.memory_space<vmem>>, vector<1x32x256xbf16>
    %get3A_2868 = vector.shape_cast %get3A_2867 : vector<1x32x256xbf16> to vector<32x256xbf16>
    %get3A_2869 = arith.constant 5 : index
    %get3A_2870 = arith.constant 0 : index
    %get3A_2871 = arith.constant 0 : index
    %get3A_2872 = vector.load %arg11[%get3A_2869, %get3A_2870, %get3A_2871] : memref<8x32x256xbf16, #tpu.memory_space<vmem>>, vector<1x32x256xbf16>
    %get3A_2873 = vector.shape_cast %get3A_2872 : vector<1x32x256xbf16> to vector<32x256xbf16>
    %broadcast_in_dim3A_2874 = vector.shape_cast %get3A_2868 : vector<32x256xbf16> to vector<32x1x256xbf16>
    %broadcast_in_dim3A_2875 = vector.shape_cast %get3A_2873 : vector<32x256xbf16> to vector<1x32x256xbf16>
    %mul3A_2876 = vector.broadcast %broadcast_in_dim3A_2874 : vector<32x1x256xbf16> to vector<32x32x256xbf16>
    %mul3A_2877 = vector.broadcast %broadcast_in_dim3A_2875 : vector<1x32x256xbf16> to vector<32x32x256xbf16>
    %mul3A_2878 = arith.mulf %mul3A_2876, %mul3A_2877 : vector<32x32x256xbf16>
    %reshape3A_2879 = vector.shape_cast %mul3A_2878 : vector<32x32x256xbf16> to vector<1024x256xbf16>
    %get3A_2880 = arith.constant 2 : index
    %get3A_2881 = arith.constant 0 : index
    %get3A_2882 = arith.constant 0 : index
    %get3A_2883 = vector.load %arg4[%get3A_2880, %get3A_2881, %get3A_2882] : memref<4x32x1024xf32, #tpu.memory_space<vmem>>, vector<1x32x1024xf32>
    %get3A_2884 = vector.shape_cast %get3A_2883 : vector<1x32x1024xf32> to vector<32x1024xf32>
    %exp3A_2885 = math.exp %get3A_2884 : vector<32x1024xf32>
    %convert_element_type3A_2886 = arith.truncf %exp3A_2885 : vector<32x1024xf32> to vector<32x1024xbf16>
    %dot_general3A_2887 = arith.constant dense<0.000000e+00> : vector<32x256xf32>
    %dot_general3A_2888 = tpu.matmul %convert_element_type3A_2886, %reshape3A_2879, %dot_general3A_2887 {dimension_numbers = #tpu.dot_dimension_numbers<[1], [0], [0], [1], [0, 0, 1, 1], [], []>, transpose_lhs_hint = false} : vector<32x1024xbf16>, vector<1024x256xbf16>, vector<32x256xf32> -> vector<32x256xf32>
    %reduce_max3A_2889 = arith.constant dense<0xFF800000> : vector<256xf32>
    %reduce_max3A_2890 = vector.multi_reduction <maximumf>, %dot_general3A_2888, %reduce_max3A_2889 [0] : vector<32x256xf32> to vector<256xf32>
    %broadcast_in_dim3A_2891 = vector.shape_cast %reduce_max3A_2890 : vector<256xf32> to vector<1x256xf32>
    %add3A_2892 = arith.addf %add3A_2636, %add3A_2679 : vector<1x256xf32>
    %log3A_2893 = math.log %broadcast_in_dim3A_2891 : vector<1x256xf32>
    %add3A_2894 = arith.addf %add3A_2892, %log3A_2893 : vector<1x256xf32>
    %div3A_2895 = arith.constant 1.000000e+00 : f32
    %div3A_2896 = vector.broadcast %div3A_2895 : f32 to vector<1x256xf32>
    %div3A_2897 = arith.divf %div3A_2896, %broadcast_in_dim3A_2891 : vector<1x256xf32>
    %mul3A_2898 = vector.broadcast %div3A_2897 : vector<1x256xf32> to vector<32x256xf32>
    %mul3A_2899 = arith.mulf %dot_general3A_2888, %mul3A_2898 : vector<32x256xf32>
    %convert_element_type3A_2900 = arith.truncf %mul3A_2899 : vector<32x256xf32> to vector<32x256xbf16>
    %swap3A_2901 = arith.constant 2 : index
    %swap3A_2902 = arith.constant 0 : index
    %swap3A_2903 = arith.constant 0 : index
    %swap3A_2904 = vector.load %arg12[%swap3A_2901, %swap3A_2902, %swap3A_2903] : memref<4x32x256xbf16, #tpu.memory_space<vmem>>, vector<1x32x256xbf16>
    %swap3A_2905 = vector.shape_cast %swap3A_2904 : vector<1x32x256xbf16> to vector<32x256xbf16>
    %swap3A_2906 = vector.shape_cast %convert_element_type3A_2900 : vector<32x256xbf16> to vector<1x32x256xbf16>
    tpu.vector_store %arg12[%swap3A_2901, %swap3A_2902, %swap3A_2903], %swap3A_2906 {strides = array<i32>} : memref<4x32x256xbf16, #tpu.memory_space<vmem>>, vector<1x32x256xbf16>,
    %get3A_2907 = arith.constant 6 : index
    %get3A_2908 = arith.constant 0 : index
    %get3A_2909 = arith.constant 0 : index
    %get3A_2910 = vector.load %arg11[%get3A_2907, %get3A_2908, %get3A_2909] : memref<8x32x256xbf16, #tpu.memory_space<vmem>>, vector<1x32x256xbf16>
    %get3A_2911 = vector.shape_cast %get3A_2910 : vector<1x32x256xbf16> to vector<32x256xbf16>
    %get3A_2912 = arith.constant 7 : index
    %get3A_2913 = arith.constant 0 : index
    %get3A_2914 = arith.constant 0 : index
    %get3A_2915 = vector.load %arg11[%get3A_2912, %get3A_2913, %get3A_2914] : memref<8x32x256xbf16, #tpu.memory_space<vmem>>, vector<1x32x256xbf16>
    %get3A_2916 = vector.shape_cast %get3A_2915 : vector<1x32x256xbf16> to vector<32x256xbf16>
    %broadcast_in_dim3A_2917 = vector.shape_cast %get3A_2911 : vector<32x256xbf16> to vector<32x1x256xbf16>
    %broadcast_in_dim3A_2918 = vector.shape_cast %get3A_2916 : vector<32x256xbf16> to vector<1x32x256xbf16>
    %mul3A_2919 = vector.broadcast %broadcast_in_dim3A_2917 : vector<32x1x256xbf16> to vector<32x32x256xbf16>
    %mul3A_2920 = vector.broadcast %broadcast_in_dim3A_2918 : vector<1x32x256xbf16> to vector<32x32x256xbf16>
    %mul3A_2921 = arith.mulf %mul3A_2919, %mul3A_2920 : vector<32x32x256xbf16>
    %reshape3A_2922 = vector.shape_cast %mul3A_2921 : vector<32x32x256xbf16> to vector<1024x256xbf16>
    %get3A_2923 = arith.constant 3 : index
    %get3A_2924 = arith.constant 0 : index
    %get3A_2925 = arith.constant 0 : index
    %get3A_2926 = vector.load %arg4[%get3A_2923, %get3A_2924, %get3A_2925] : memref<4x32x1024xf32, #tpu.memory_space<vmem>>, vector<1x32x1024xf32>
    %get3A_2927 = vector.shape_cast %get3A_2926 : vector<1x32x1024xf32> to vector<32x1024xf32>
    %exp3A_2928 = math.exp %get3A_2927 : vector<32x1024xf32>
    %convert_element_type3A_2929 = arith.truncf %exp3A_2928 : vector<32x1024xf32> to vector<32x1024xbf16>
    %dot_general3A_2930 = arith.constant dense<0.000000e+00> : vector<32x256xf32>
    %dot_general3A_2931 = tpu.matmul %convert_element_type3A_2929, %reshape3A_2922, %dot_general3A_2930 {dimension_numbers = #tpu.dot_dimension_numbers<[1], [0], [0], [1], [0, 0, 1, 1], [], []>, transpose_lhs_hint = false} : vector<32x1024xbf16>, vector<1024x256xbf16>, vector<32x256xf32> -> vector<32x256xf32>
    %reduce_max3A_2932 = arith.constant dense<0xFF800000> : vector<256xf32>
    %reduce_max3A_2933 = vector.multi_reduction <maximumf>, %dot_general3A_2931, %reduce_max3A_2932 [0] : vector<32x256xf32> to vector<256xf32>
    %broadcast_in_dim3A_2934 = vector.shape_cast %reduce_max3A_2933 : vector<256xf32> to vector<1x256xf32>
    %add3A_2935 = arith.addf %add3A_2722, %add3A_2765 : vector<1x256xf32>
    %log3A_2936 = math.log %broadcast_in_dim3A_2934 : vector<1x256xf32>
    %add3A_2937 = arith.addf %add3A_2935, %log3A_2936 : vector<1x256xf32>
    %div3A_2938 = arith.constant 1.000000e+00 : f32
    %div3A_2939 = vector.broadcast %div3A_2938 : f32 to vector<1x256xf32>
    %div3A_2940 = arith.divf %div3A_2939, %broadcast_in_dim3A_2934 : vector<1x256xf32>
    %mul3A_2941 = vector.broadcast %div3A_2940 : vector<1x256xf32> to vector<32x256xf32>
    %mul3A_2942 = arith.mulf %dot_general3A_2931, %mul3A_2941 : vector<32x256xf32>
    %convert_element_type3A_2943 = arith.truncf %mul3A_2942 : vector<32x256xf32> to vector<32x256xbf16>
    %swap3A_2944 = arith.constant 3 : index
    %swap3A_2945 = arith.constant 0 : index
    %swap3A_2946 = arith.constant 0 : index
    %swap3A_2947 = vector.load %arg12[%swap3A_2944, %swap3A_2945, %swap3A_2946] : memref<4x32x256xbf16, #tpu.memory_space<vmem>>, vector<1x32x256xbf16>
    %swap3A_2948 = vector.shape_cast %swap3A_2947 : vector<1x32x256xbf16> to vector<32x256xbf16>
    %swap3A_2949 = vector.shape_cast %convert_element_type3A_2943 : vector<32x256xbf16> to vector<1x32x256xbf16>
    tpu.vector_store %arg12[%swap3A_2944, %swap3A_2945, %swap3A_2946], %swap3A_2949 {strides = array<i32>} : memref<4x32x256xbf16, #tpu.memory_space<vmem>>, vector<1x32x256xbf16>,
    %get3A_2950 = arith.constant 0 : index
    %get3A_2951 = arith.constant 0 : index
    %get3A_2952 = arith.constant 0 : index
    %get3A_2953 = vector.load %arg12[%get3A_2950, %get3A_2951, %get3A_2952] : memref<4x32x256xbf16, #tpu.memory_space<vmem>>, vector<1x32x256xbf16>
    %get3A_2954 = vector.shape_cast %get3A_2953 : vector<1x32x256xbf16> to vector<32x256xbf16>
    %get3A_2955 = arith.constant 1 : index
    %get3A_2956 = arith.constant 0 : index
    %get3A_2957 = arith.constant 0 : index
    %get3A_2958 = vector.load %arg12[%get3A_2955, %get3A_2956, %get3A_2957] : memref<4x32x256xbf16, #tpu.memory_space<vmem>>, vector<1x32x256xbf16>
    %get3A_2959 = vector.shape_cast %get3A_2958 : vector<1x32x256xbf16> to vector<32x256xbf16>
    %broadcast_in_dim3A_2960 = vector.shape_cast %get3A_2954 : vector<32x256xbf16> to vector<32x1x256xbf16>
    %broadcast_in_dim3A_2961 = vector.shape_cast %get3A_2959 : vector<32x256xbf16> to vector<1x32x256xbf16>
    %mul3A_2962 = vector.broadcast %broadcast_in_dim3A_2960 : vector<32x1x256xbf16> to vector<32x32x256xbf16>
    %mul3A_2963 = vector.broadcast %broadcast_in_dim3A_2961 : vector<1x32x256xbf16> to vector<32x32x256xbf16>
    %mul3A_2964 = arith.mulf %mul3A_2962, %mul3A_2963 : vector<32x32x256xbf16>
    %reshape3A_2965 = vector.shape_cast %mul3A_2964 : vector<32x32x256xbf16> to vector<1024x256xbf16>
    %get3A_2966 = arith.constant 0 : index
    %get3A_2967 = arith.constant 0 : index
    %get3A_2968 = arith.constant 0 : index
    %get3A_2969 = vector.load %arg5[%get3A_2966, %get3A_2967, %get3A_2968] : memref<2x32x1024xf32, #tpu.memory_space<vmem>>, vector<1x32x1024xf32>
    %get3A_2970 = vector.shape_cast %get3A_2969 : vector<1x32x1024xf32> to vector<32x1024xf32>
    %exp3A_2971 = math.exp %get3A_2970 : vector<32x1024xf32>
    %convert_element_type3A_2972 = arith.truncf %exp3A_2971 : vector<32x1024xf32> to vector<32x1024xbf16>
    %dot_general3A_2973 = arith.constant dense<0.000000e+00> : vector<32x256xf32>
    %dot_general3A_2974 = tpu.matmul %convert_element_type3A_2972, %reshape3A_2965, %dot_general3A_2973 {dimension_numbers = #tpu.dot_dimension_numbers<[1], [0], [0], [1], [0, 0, 1, 1], [], []>, transpose_lhs_hint = false} : vector<32x1024xbf16>, vector<1024x256xbf16>, vector<32x256xf32> -> vector<32x256xf32>
    %reduce_max3A_2975 = arith.constant dense<0xFF800000> : vector<256xf32>
    %reduce_max3A_2976 = vector.multi_reduction <maximumf>, %dot_general3A_2974, %reduce_max3A_2975 [0] : vector<32x256xf32> to vector<256xf32>
    %broadcast_in_dim3A_2977 = vector.shape_cast %reduce_max3A_2976 : vector<256xf32> to vector<1x256xf32>
    %add3A_2978 = arith.addf %add3A_2808, %add3A_2851 : vector<1x256xf32>
    %log3A_2979 = math.log %broadcast_in_dim3A_2977 : vector<1x256xf32>
    %add3A_2980 = arith.addf %add3A_2978, %log3A_2979 : vector<1x256xf32>
    %div3A_2981 = arith.constant 1.000000e+00 : f32
    %div3A_2982 = vector.broadcast %div3A_2981 : f32 to vector<1x256xf32>
    %div3A_2983 = arith.divf %div3A_2982, %broadcast_in_dim3A_2977 : vector<1x256xf32>
    %mul3A_2984 = vector.broadcast %div3A_2983 : vector<1x256xf32> to vector<32x256xf32>
    %mul3A_2985 = arith.mulf %dot_general3A_2974, %mul3A_2984 : vector<32x256xf32>
    %convert_element_type3A_2986 = arith.truncf %mul3A_2985 : vector<32x256xf32> to vector<32x256xbf16>
    %swap3A_2987 = arith.constant 0 : index
    %swap3A_2988 = arith.constant 0 : index
    %swap3A_2989 = arith.constant 0 : index
    %swap3A_2990 = vector.load %arg13[%swap3A_2987, %swap3A_2988, %swap3A_2989] : memref<2x32x256xbf16, #tpu.memory_space<vmem>>, vector<1x32x256xbf16>
    %swap3A_2991 = vector.shape_cast %swap3A_2990 : vector<1x32x256xbf16> to vector<32x256xbf16>
    %swap3A_2992 = vector.shape_cast %convert_element_type3A_2986 : vector<32x256xbf16> to vector<1x32x256xbf16>
    tpu.vector_store %arg13[%swap3A_2987, %swap3A_2988, %swap3A_2989], %swap3A_2992 {strides = array<i32>} : memref<2x32x256xbf16, #tpu.memory_space<vmem>>, vector<1x32x256xbf16>,
    %get3A_2993 = arith.constant 2 : index
    %get3A_2994 = arith.constant 0 : index
    %get3A_2995 = arith.constant 0 : index
    %get3A_2996 = vector.load %arg12[%get3A_2993, %get3A_2994, %get3A_2995] : memref<4x32x256xbf16, #tpu.memory_space<vmem>>, vector<1x32x256xbf16>
    %get3A_2997 = vector.shape_cast %get3A_2996 : vector<1x32x256xbf16> to vector<32x256xbf16>
    %get3A_2998 = arith.constant 3 : index
    %get3A_2999 = arith.constant 0 : index
    %get3A_3000 = arith.constant 0 : index
    %get3A_3001 = vector.load %arg12[%get3A_2998, %get3A_2999, %get3A_3000] : memref<4x32x256xbf16, #tpu.memory_space<vmem>>, vector<1x32x256xbf16>
    %get3A_3002 = vector.shape_cast %get3A_3001 : vector<1x32x256xbf16> to vector<32x256xbf16>
    %broadcast_in_dim3A_3003 = vector.shape_cast %get3A_2997 : vector<32x256xbf16> to vector<32x1x256xbf16>
    %broadcast_in_dim3A_3004 = vector.shape_cast %get3A_3002 : vector<32x256xbf16> to vector<1x32x256xbf16>
    %mul3A_3005 = vector.broadcast %broadcast_in_dim3A_3003 : vector<32x1x256xbf16> to vector<32x32x256xbf16>
    %mul3A_3006 = vector.broadcast %broadcast_in_dim3A_3004 : vector<1x32x256xbf16> to vector<32x32x256xbf16>
    %mul3A_3007 = arith.mulf %mul3A_3005, %mul3A_3006 : vector<32x32x256xbf16>
    %reshape3A_3008 = vector.shape_cast %mul3A_3007 : vector<32x32x256xbf16> to vector<1024x256xbf16>
    %get3A_3009 = arith.constant 1 : index
    %get3A_3010 = arith.constant 0 : index
    %get3A_3011 = arith.constant 0 : index
    %get3A_3012 = vector.load %arg5[%get3A_3009, %get3A_3010, %get3A_3011] : memref<2x32x1024xf32, #tpu.memory_space<vmem>>, vector<1x32x1024xf32>
    %get3A_3013 = vector.shape_cast %get3A_3012 : vector<1x32x1024xf32> to vector<32x1024xf32>
    %exp3A_3014 = math.exp %get3A_3013 : vector<32x1024xf32>
    %convert_element_type3A_3015 = arith.truncf %exp3A_3014 : vector<32x1024xf32> to vector<32x1024xbf16>
    %dot_general3A_3016 = arith.constant dense<0.000000e+00> : vector<32x256xf32>
    %dot_general3A_3017 = tpu.matmul %convert_element_type3A_3015, %reshape3A_3008, %dot_general3A_3016 {dimension_numbers = #tpu.dot_dimension_numbers<[1], [0], [0], [1], [0, 0, 1, 1], [], []>, transpose_lhs_hint = false} : vector<32x1024xbf16>, vector<1024x256xbf16>, vector<32x256xf32> -> vector<32x256xf32>
    %reduce_max3A_3018 = arith.constant dense<0xFF800000> : vector<256xf32>
    %reduce_max3A_3019 = vector.multi_reduction <maximumf>, %dot_general3A_3017, %reduce_max3A_3018 [0] : vector<32x256xf32> to vector<256xf32>
    %broadcast_in_dim3A_3020 = vector.shape_cast %reduce_max3A_3019 : vector<256xf32> to vector<1x256xf32>
    %add3A_3021 = arith.addf %add3A_2894, %add3A_2937 : vector<1x256xf32>
    %log3A_3022 = math.log %broadcast_in_dim3A_3020 : vector<1x256xf32>
    %add3A_3023 = arith.addf %add3A_3021, %log3A_3022 : vector<1x256xf32>
    %div3A_3024 = arith.constant 1.000000e+00 : f32
    %div3A_3025 = vector.broadcast %div3A_3024 : f32 to vector<1x256xf32>
    %div3A_3026 = arith.divf %div3A_3025, %broadcast_in_dim3A_3020 : vector<1x256xf32>
    %mul3A_3027 = vector.broadcast %div3A_3026 : vector<1x256xf32> to vector<32x256xf32>
    %mul3A_3028 = arith.mulf %dot_general3A_3017, %mul3A_3027 : vector<32x256xf32>
    %convert_element_type3A_3029 = arith.truncf %mul3A_3028 : vector<32x256xf32> to vector<32x256xbf16>
    %swap3A_3030 = arith.constant 1 : index
    %swap3A_3031 = arith.constant 0 : index
    %swap3A_3032 = arith.constant 0 : index
    %swap3A_3033 = vector.load %arg13[%swap3A_3030, %swap3A_3031, %swap3A_3032] : memref<2x32x256xbf16, #tpu.memory_space<vmem>>, vector<1x32x256xbf16>
    %swap3A_3034 = vector.shape_cast %swap3A_3033 : vector<1x32x256xbf16> to vector<32x256xbf16>
    %swap3A_3035 = vector.shape_cast %convert_element_type3A_3029 : vector<32x256xbf16> to vector<1x32x256xbf16>
    tpu.vector_store %arg13[%swap3A_3030, %swap3A_3031, %swap3A_3032], %swap3A_3035 {strides = array<i32>} : memref<2x32x256xbf16, #tpu.memory_space<vmem>>, vector<1x32x256xbf16>,
    %get3A_3036 = arith.constant 0 : index
    %get3A_3037 = arith.constant 0 : index
    %get3A_3038 = arith.constant 0 : index
    %get3A_3039 = vector.load %arg13[%get3A_3036, %get3A_3037, %get3A_3038] : memref<2x32x256xbf16, #tpu.memory_space<vmem>>, vector<1x32x256xbf16>
    %get3A_3040 = vector.shape_cast %get3A_3039 : vector<1x32x256xbf16> to vector<32x256xbf16>
    %get3A_3041 = arith.constant 1 : index
    %get3A_3042 = arith.constant 0 : index
    %get3A_3043 = arith.constant 0 : index
    %get3A_3044 = vector.load %arg13[%get3A_3041, %get3A_3042, %get3A_3043] : memref<2x32x256xbf16, #tpu.memory_space<vmem>>, vector<1x32x256xbf16>
    %get3A_3045 = vector.shape_cast %get3A_3044 : vector<1x32x256xbf16> to vector<32x256xbf16>
    %broadcast_in_dim3A_3046 = vector.shape_cast %get3A_3040 : vector<32x256xbf16> to vector<32x1x256xbf16>
    %broadcast_in_dim3A_3047 = vector.shape_cast %get3A_3045 : vector<32x256xbf16> to vector<1x32x256xbf16>
    %mul3A_3048 = vector.broadcast %broadcast_in_dim3A_3046 : vector<32x1x256xbf16> to vector<32x32x256xbf16>
    %mul3A_3049 = vector.broadcast %broadcast_in_dim3A_3047 : vector<1x32x256xbf16> to vector<32x32x256xbf16>
    %mul3A_3050 = arith.mulf %mul3A_3048, %mul3A_3049 : vector<32x32x256xbf16>
    %reshape3A_3051 = vector.shape_cast %mul3A_3050 : vector<32x32x256xbf16> to vector<1024x256xbf16>
    %get3A_3052 = arith.constant 0 : index
    %get3A_3053 = arith.constant 0 : index
    %get3A_3054 = arith.constant 0 : index
    %get3A_3055 = vector.load %arg6[%get3A_3052, %get3A_3053, %get3A_3054] : memref<1x32x1024xf32, #tpu.memory_space<vmem>>, vector<1x32x1024xf32>
    %get3A_3056 = vector.shape_cast %get3A_3055 : vector<1x32x1024xf32> to vector<32x1024xf32>
    %exp3A_3057 = math.exp %get3A_3056 : vector<32x1024xf32>
    %convert_element_type3A_3058 = arith.truncf %exp3A_3057 : vector<32x1024xf32> to vector<32x1024xbf16>
    %dot_general3A_3059 = arith.constant dense<0.000000e+00> : vector<32x256xf32>
    %dot_general3A_3060 = tpu.matmul %convert_element_type3A_3058, %reshape3A_3051, %dot_general3A_3059 {dimension_numbers = #tpu.dot_dimension_numbers<[1], [0], [0], [1], [0, 0, 1, 1], [], []>, transpose_lhs_hint = false} : vector<32x1024xbf16>, vector<1024x256xbf16>, vector<32x256xf32> -> vector<32x256xf32>
    %reduce_max3A_3061 = arith.constant dense<0xFF800000> : vector<256xf32>
    %reduce_max3A_3062 = vector.multi_reduction <maximumf>, %dot_general3A_3060, %reduce_max3A_3061 [0] : vector<32x256xf32> to vector<256xf32>
    %broadcast_in_dim3A_3063 = vector.shape_cast %reduce_max3A_3062 : vector<256xf32> to vector<1x256xf32>
    %add3A_3064 = arith.addf %add3A_2980, %add3A_3023 : vector<1x256xf32>
    %log3A_3065 = math.log %broadcast_in_dim3A_3063 : vector<1x256xf32>
    %add3A_3066 = arith.addf %add3A_3064, %log3A_3065 : vector<1x256xf32>
    %div3A_3067 = arith.constant 1.000000e+00 : f32
    %div3A_3068 = vector.broadcast %div3A_3067 : f32 to vector<1x256xf32>
    %div3A_3069 = arith.divf %div3A_3068, %broadcast_in_dim3A_3063 : vector<1x256xf32>
    %mul3A_3070 = vector.broadcast %div3A_3069 : vector<1x256xf32> to vector<32x256xf32>
    %mul3A_3071 = arith.mulf %dot_general3A_3060, %mul3A_3070 : vector<32x256xf32>
    %convert_element_type3A_3072 = arith.truncf %mul3A_3071 : vector<32x256xf32> to vector<32x256xbf16>
    %get3A_3073 = arith.constant 0 : index
    %get3A_3074 = arith.constant 0 : index
    %get3A_3075 = vector.load %arg7[%get3A_3073, %get3A_3074] : memref<32x1xf32, #tpu.memory_space<vmem>>, vector<32x1xf32>
    %exp3A_3076 = math.exp %get3A_3075 : vector<32x1xf32>
    %convert_element_type3A_3077 = arith.extf %convert_element_type3A_3072 : vector<32x256xbf16> to vector<32x256xf32>
    %mul3A_3078 = vector.broadcast %exp3A_3076 : vector<32x1xf32> to vector<32x256xf32>
    %mul3A_3079 = arith.mulf %convert_element_type3A_3077, %mul3A_3078 : vector<32x256xf32>
    %reduce_sum3A = arith.constant dense<0.000000e+00> : vector<256xf32>
    %reduce_sum3A_3080 = vector.multi_reduction <add>, %mul3A_3079, %reduce_sum3A [0] : vector<32x256xf32> to vector<256xf32>
    %broadcast_in_dim3A_3081 = vector.shape_cast %reduce_sum3A_3080 : vector<256xf32> to vector<1x256xf32>
    %add3A_3082 = arith.constant 1.000000e-30 : f32
    %add3A_3083 = vector.broadcast %add3A_3082 : f32 to vector<1x256xf32>
    %add3A_3084 = arith.addf %broadcast_in_dim3A_3081, %add3A_3083 : vector<1x256xf32>
    %log3A_3085 = math.log %add3A_3084 : vector<1x256xf32>
    %add3A_3086 = arith.addf %log3A_3085, %add3A_3066 : vector<1x256xf32>
    %swap3A_3087 = arith.constant 0 : index
    %swap3A_3088 = arith.constant 0 : index
    %swap3A_3089 = vector.load %arg8[%swap3A_3087, %swap3A_3088] : memref<1x256xf32, #tpu.memory_space<vmem>>, vector<1x256xf32>
    tpu.vector_store %arg8[%swap3A_3087, %swap3A_3088], %add3A_3086 {strides = array<i32>} : memref<1x256xf32, #tpu.memory_space<vmem>>, vector<1x256xf32>,
    return
  }
}

</mosaic_0001>

<sc_bundles>
// kernel: kernel.5.cloned.1.call-start
scs
__scs_entry_jumppad:
0x0: {  	(pc) =	sbr.rel $0x88, $3  }
0x1: {  	(tag) =	ssettag $0x0;
	lr =	simm.s32 $0x1  }
0x2: {  	[smem:$0x3F98] =	sst lr;
	_ =	strace $0xD0000000  }
0x3: {  	_ = 	snop  }
0x4: {  	_ = 	snop  }
0x5: {  	_ = 	snop  }
0x6: {  	_ = 	snop  }
0x7: {  	_ = 	snop  }
__scs_overlays_trampoline_lowered:
0x8: {  	[smem:$0x3FA7] =	sst s0  }
0x9: {  	[smem:$0x3FA8] =	sst s1  }
0xa: {  	[smem:$0x3FA9] =	sst s2  }
0xb: {  	[smem:$0x3FAA] =	sst s3  }
0xc: {  	[smem:$0x3FAB] =	sst s4  }
0xd: {  	[smem:$0x3FAC] =	sst s5  }
0xe: {  	[smem:$0x3FAD] =	sst s6  }
0xf: {  	[smem:$0x3FAE] =	sst s7  }
0x10: {  	[smem:$0x3FAF] =	sst s8  }
0x11: {  	[smem:$0x3FB0] =	sst s9;
	s0 =	simm.s32 @!p0 $0x0  }
0x12: {  	s1 =	sld [smem:$0x3F96];
	s0 =	simm.s32 @p0 $0x1  }
0x13: {  	[smem:$0x3FB1] =	sst s0;
	s0 =	simm.s32 @!p1 $0x0  }
0x14: {  	s2 =	sld [smem:$0x3F95];
	s0 =	simm.s32 @p1 $0x1  }
0x15: {  	[smem:$0x3FB2] =	sst s0;
	s0 =	simm.s32 @!p2 $0x0  }
0x16: {  	s3 =	sld [smem:$0x3FDB];
	s0 =	simm.s32 @p2 $0x1  }
0x17: {  	s4 =	simm.s32 $0x1BF5;
	[smem:$0x3FB4] =	sst s0  }
0x18: {  	s0 =	sld [smem:$0x3F97];
	_ =	swait.ge [sflag:s4], $0x0  }
0x19: {  	s7 =	sld [smem:$0x3F98]  }
0x1a: {  	s8 =	sadd.s32 $0xFFFFE003, lr  }
0x1b: {  	s9 =	sadd.s32 $0xFFFFFEF7, lr;
	s5 =	simm.s32 $0xFFFFFFFF;
	p2 =	slt.u32 s8, $0xFFFFF086  }
0x1c: {  	p1 =	slt.u32 s9, $0xF7A;
	s5 =	simm.s32 @!p2 $0x0  }
0x1d: {  	s5 =	simm.s32 @p1 $0x1;
	p0 =	seq.s32 s7, s2  }
0x1e: {  	s7 =	smul.u32 @!p0 $0xF7A, s2;
	p2 =	seq.s32 @!p0 s5, $0x0  }
0x1f: {  	s9 =	smul.u32 $0xF7A, s1;
	s8 =	simm.s32 @!p0 $0x1BF5;
	p2 =	por !p2, p0  }
0x20: {  	[sflag:s8] =	ssyncset.s32 @!p0 $0xFFFFF086;
	s6 =	sadd.s32 @!p0 s3, s7;
	s7 =	simm.s32 @!p0 $0x108  }
0x21: {  	s3 =	sadd.s32 s3, s9;
	s6 =	sadd.s32 @!p0 $0x88, s6;
	s7 =	simm.s32 @p2 $0x1082  }
0x22: {  	[simem:s7], [sflag:s8] =	dma.local @!p0 [hbm:s6], $0xF7A  }
0x23: {  	s9 =	sor.u32 $0xD0000000, s2;
	s6 =	simm.s32 $0x108;
	_ =	swait.ge @!p0 [sflag:s8], $0x0  }
0x24: {  	s3 =	sadd.s32 $0x88, s3;
	s6 =	simm.s32 @!p1 $0x1082;
	[sflag:s4] =	ssyncset.s32 $0xFFFFF086  }
0x25: {  	[simem:s6], [sflag:s4] =	dma.local [hbm:s3], $0xF7A  }
0x26: {  	[smem:$0x3F98] =	sst s1;
	(tag) =	ssettag s2;
	_ =	strace s9  }
0x27: {  	s1 =	sld [smem:$0x3FA8]  }
0x28: {  	s2 =	sld [smem:$0x3FA9]  }
0x29: {  	s4 =	sld [smem:$0x3FAB]  }
0x2a: {  	p0 =	seq.s32 s5, $0x0;
	s5 =	sld [smem:$0x3FAC]  }
0x2b: {  	s6 =	sld [smem:$0x3FAD]  }
0x2c: {  	s7 =	sld [smem:$0x3FAE]  }
0x2d: {  	s3 =	simm.s32 $0x108;
	s8 =	sld [smem:$0x3FAF]  }
0x2e: {  	s3 =	simm.s32 @!p0 $0x1082;
	s9 =	sld [smem:$0x3FB0]  }
0x2f: {  	lr =	sadd.s32 s0, s3;
	s0 =	sld [smem:$0x3FA7]  }
0x30: {  	s3 =	sld [smem:$0x3FAA]  }
0x31: {  	[smem:$0x3FB3] =	sst s10  }
0x32: {  	s10 =	sld [smem:$0x3FB1];
	_ =	sdelay $0x3  }
0x33: {  	p0 =	seq.s32 s10, $0x1;
	s10 =	sld [smem:$0x3FB3];
	_ =	sdelay $0x3  }
0x34: {  	[smem:$0x3FB3] =	sst s10  }
0x35: {  	s10 =	sld [smem:$0x3FB2];
	_ =	sdelay $0x3  }
0x36: {  	p1 =	seq.s32 s10, $0x1;
	s10 =	sld [smem:$0x3FB3];
	_ =	sdelay $0x3  }
0x37: {  	[smem:$0x3FB3] =	sst s10  }
0x38: {  	s10 =	sld [smem:$0x3FB4]  }
0x39: {  	_ = 	snop;
	(pc) =	sbr.ind lr, $3  }
0x3a: {  	_ = 	snop  }
0x3b: {  	_ = 	snop  }
0x3c: {  	p2 =	seq.s32 s10, $0x1;
	s10 =	sld [smem:$0x3FB3]  }
0x3d: {  	_ =	shalt  }
0x3e: {  	_ =	shalt  }
0x3f: {  	_ =	shalt  }
0x40: {  	_ =	shalt  }
0x41: {  	_ =	shalt  }
0x42: {  	_ =	shalt  }
0x43: {  	_ =	shalt  }
0x44: {  	_ =	shalt  }
0x45: {  	_ =	shalt  }
0x46: {  	_ =	shalt  }
0x47: {  	_ =	shalt  }
0x48: {  	_ =	shalt  }
0x49: {  	_ =	shalt  }
0x4a: {  	_ =	shalt  }
0x4b: {  	_ =	shalt  }
0x4c: {  	_ =	shalt  }
0x4d: {  	_ =	shalt  }
0x4e: {  	_ =	shalt  }
0x4f: {  	_ =	shalt  }
0x50: {  	_ =	shalt  }
0x51: {  	_ =	shalt  }
0x52: {  	_ =	shalt  }
0x53: {  	_ =	shalt  }
0x54: {  	_ =	shalt  }
0x55: {  	_ =	shalt  }
0x56: {  	_ =	shalt  }
0x57: {  	_ =	shalt  }
0x58: {  	_ =	shalt  }
0x59: {  	_ =	shalt  }
0x5a: {  	_ =	shalt  }
0x5b: {  	_ =	shalt  }
0x5c: {  	_ =	shalt  }
0x5d: {  	_ =	shalt  }
0x5e: {  	_ =	shalt  }
0x5f: {  	_ =	shalt  }
0x60: {  	_ =	shalt  }
0x61: {  	_ =	shalt  }
0x62: {  	_ =	shalt  }
0x63: {  	_ =	shalt  }
0x64: {  	_ =	shalt  }
0x65: {  	_ =	shalt  }
0x66: {  	_ =	shalt  }
0x67: {  	_ =	shalt  }
0x68: {  	_ =	shalt  }
0x69: {  	_ =	shalt  }
0x6a: {  	_ =	shalt  }
0x6b: {  	_ =	shalt  }
0x6c: {  	_ =	shalt  }
0x6d: {  	_ =	shalt  }
0x6e: {  	_ =	shalt  }
0x6f: {  	_ =	shalt  }
0x70: {  	_ =	shalt  }
0x71: {  	_ =	shalt  }
0x72: {  	_ =	shalt  }
0x73: {  	_ =	shalt  }
0x74: {  	_ =	shalt  }
0x75: {  	_ =	shalt  }
0x76: {  	_ =	shalt  }
0x77: {  	_ =	shalt  }
0x78: {  	_ =	shalt  }
0x79: {  	_ =	shalt  }
0x7a: {  	_ =	shalt  }
0x7b: {  	_ =	shalt  }
0x7c: {  	_ =	shalt  }
0x7d: {  	_ =	shalt  }
0x7e: {  	_ =	shalt  }
0x7f: {  	_ =	shalt  }
0x80: {  	_ =	shalt  }
0x81: {  	_ =	shalt  }
0x82: {  	_ =	shalt  }
0x83: {  	_ =	shalt  }
0x84: {  	_ =	shalt  }
0x85: {  	_ =	shalt  }
0x86: {  	_ =	shalt  }
0x87: {  	_ =	shalt  }
.Lfunc_end0:
.L_simem_size_0:
called_computation_lowered:
.L_overlay_start_0:
0x88: {  	s2 =	sld [smem:$0x3FD9]  }
0x89: {  	s3 =	sld [smem:$0x3FFE];
	_ =	sdelay $0x1  }
0x8a: {  	s1 =	srdreg.scid  }
0x8b: {  	s0 =	sand.u32 $0x1, s1  }
0x8c: {  	s16 =	sshll.u32 s0, $0xA;
	s2 =	sadd.s32 s3, s2  }
0x8d: {  	s2 =	sadd.s32 s2, s16  }
0x8e: {  	[smem:$0x3FBF] =	sst s2  }
0x8f: {  	_ = 	snop  }
0x90: {  	(tm) =	ssettm $0x1  }
0x91: {  	s17 =	sld [smem:$0x3FFB];
	_ =	sdelay $0x3  }
0x92: {  	_ =	strace s17  }
0x93: {  	s2 =	sld [smem:$0x3FFC];
	_ =	sdelay $0x3  }
0x94: {  	_ =	strace s2  }
0x95: {  	s2 =	sld [smem:$0x3FFD];
	_ =	sdelay $0x3  }
0x96: {  	_ =	strace s2  }
0x97: {  	_ =	strace $0x8FFFFFFF  }
0x98: {  	s18 =	sld [smem:$0x3FDB];
	_ =	sdelay $0x1  }
0x99: {  	s19 =	simm.s32 $_scs_section_size  }
0x9a: {  	s4 =	simm.s32 $_size__tile_overlayer_lowered;
	s5 =	simm.s32 $_tile_overlayer_lowered  }
0x9b: {  	s22 =	simm.s32 $0x1BFF;
	s21 =	sshll.u32 s5, $0x1;
	s2 =	sadd.s32 s19, s18  }
0x9c: {  	s6 =	simm.s32 $0x0;
	s20 =	sshll.u32 s4, $0x1;
	s4 =	sadd.s32 s21, s2  }
0x9d: {  	[timem:s6], [sflag:s22] =	dma.local [hbm:s4], s20  }
0x9e: {  	_ =	swait.ge [sflag:s22], s20  }
0x9f: {  	s3 =	ssub.s32 $0x0, s20;
	[sflag:s22] =	ssyncset.done $0x0  }
0xa0: {  	[sflag:s22] =	ssyncadd.s32 s3;
	_ =	sdelay $0x1  }
0xa1: {  	s23 =	simm.s32 $0x1B8B  }
0xa2: {  	_ =	swait.ge [sflag:s23], $0x1  }
0xa3: {  	[sflag:s23] =	ssyncset.done $0x0  }
0xa4: {  	s25 =	simm.s32 $0x1B8E;
	s24 =	sld [smem:$0x3FFE];
	[sflag:s23] =	ssyncadd.s32 $0xFFFFFFFF  }
0xa5: {  	s26 =	simm.s32 $execute0_lowered;
	[smem:$0x3FD2] =	sst s25  }
0xa6: {  	s4 =	sshll.u32 s26, $0x1;
	_ =	strace $0x80000046;
	[dreg:$0x1] =	wrdreg $0xFFFFFFFF  }
0xa7: {  	s28 =	simm.s32 $_size_execute0_lowered;
	s2 =	sadd.s32 s2, s4;
	[dreg:$0x0] =	wrdreg $0x0  }
0xa8: {  	s4 =	sshll.u32 s28, $0x1;
	[dreg:$0x2] =	wrdreg s2  }
0xa9: {  	[dreg:$0x3] =	wrdreg s4  }
0xaa: {  	[dreg:$0x4] =	wrdreg $0xC0  }
0xab: {  	_ =	task [dreg:s6], $0x5FFFF  }
0xac: {  	[dreg:$0x1] =	wrdreg $0xFFFFFFFF  }
0xad: {  	[dreg:$0x0] =	wrdreg $0x60  }
0xae: {  	[dreg:$0x2] =	wrdreg s24  }
0xaf: {  	[dreg:$0x3] =	wrdreg $0x9  }
0xb0: {  	_ =	task.clear_ibuf [dreg:s6], $0x4FFFF;
	_ =	strace $0x90000046  }
0xb1: {  	s29 =	simm.s32 $0x9;
	_ =	strace $0x80000048  }
0xb2: {  	_ =	swait.ge [sflag:s29], $0x1  }
0xb3: {  	[sflag:s29] =	ssyncadd.s32 $0xFFFFFFFF  }
0xb4: {  	_ =	strace $0x90000048  }
0xb5: {  	_ =	sfence  }
0xb6: {  	s30 =	sld [smem:$0x0];
	_ =	sdelay $0x2  }
0xb7: {  	s31 =	sshll.u32 s1, $0xD;
	s1 =	sshrl.u32 s1, $0x2  }
0xb8: {  	s3 =	sand.u32 $0x4000, s31;
	s1 =	sadd.s32 s1, s30  }
0xb9: {  	s0 =	sor.u32 s3, s0;
	s1 =	sshll.u32 s1, $0x11  }
0xba: {  	s0 =	sor.u32 s1, s0  }
0xbb: {  	s0 =	sadd.s32 $0x8F2B, s0  }
0xbc: {  	[sflag:s0] =	ssyncadd.remote.s32 $0x1  }
0xbd: {  	_ =	sfence.sel $0xFFFF  }
0xbe: {  	[dreg:$0x0] =	wrdreg $0xFFFFFFFF;
	(pc) =	sbr.abs _section_cstart, $3  }
0xbf: {  	[dreg:$0x1] =	wrdreg $0xFFFFFFFF  }
0xc0: {  	_ =	task.clear_ibuf [dreg:s6], $0x2FFFF;
	_ =	strace $0x9FFFFFFF  }
0xc1: {  	(tm) =	ssettm $0x7FFFFFFF  }
tec
execute0_lowered:
.L_overlay_start_1:
0x0: {  	(tag) =	ssettag $0x1  }
0x1: {  	s1 =	srdreg.scid  }
0x2: {  	s0 =	stileid.u32;
	s6 =	sand.u32 $0x1, s1  }
0x3: {  	s8 =	rddreg [dreg:$0x0];
	s31 =	sshll.u32 s0, $0xA;
	s2 =	sshll.u32 s6, $0x9  }
0x4: {  	s1 =	rddreg [dreg:$0x1];
	s7 =	sor.u32 s2, s31  }
0x5: {  	s5 =	sadd.s32 $0x1C00, s8;
	s2 =	simm.s32 $0x0;
	s3 =	sshrl.u32 s7, $0x3  }
0x6: {  	s9 =	ssub.s32 $0x2, s6;
	[smem:$0x7FF] =	sst s2;
	s3 =	sadd.s32 s3, s8  }
0x7: {  	_ =	strace $0x80000047;
	s4 =	sadd.s32 $0x21C00, s3;
	s3 =	simm.s32 $0x2  }
0x8: {  	[tilespmem:s2], [sflag:$0x2] =	stream.linear.gather [hbm4b:s4+s2], $0x200, $0x38;
	[tilespmem:$0x4200] =	vst v63  }
0x9: {  	s6 =	simm.s32 $0x200;
	s11 =	sshrl.u32 s9, $0x1;
	_ =	swait.ge [sflag:s3], $0x200  }
0xa: {  	s10 =	sshll.u32 s7, $0x4;
	s9 =	ssub.s32 s9, s11;
	[sflag:s3] =	ssyncset.done $0x0  }
0xb: {  	s7 =	simm.s32 $0x1;
	s11 =	smax.u32 s9, $0x1;
	[sflag:s3] =	ssyncadd.s32 $0xFFFFFE00  }
0xc: {  	[tilespmem:s6], [sflag:$0x1] =	stream.indirect.gather [hbm4b:s5+s6], $0x20, s2, s6, $0xb8;
	[tilespmem:$0x4200] =	vst v63  }
0xd: {  	s8 =	sadd.s32 s10, s8;
	p0 =	sne.s32 s11, $0x1;
	_ =	swait.ge [sflag:s7], $0x4000  }
.Ltmp0:
0xe: {  	s9 =	simm.s32 $0x20;
	[sflag:s7] =	ssyncset.done $0x0;
	(pc) =	sbr.rel @!p0 .LBB2_2-.Ltmp0, $4  }
0xf: {  	s10 =	simm.s32 $0x80;
	s8 =	sadd.s32 $0x22400, s8;
	[sflag:s7] =	ssyncadd.s32 $0xFFFFC000  }
0x10: {  	[hbm4b:s8+s9] =	stream.strided.scatter [tilespmem:s6], [sflag:$0x2], $0x4000, s10, s9, $0x38;
	[tilespmem:$0x4200] =	vst v63  }
0x11: {  	_ =	swait.ge [sflag:s3], $0x4000  }
0x12: {  	s11 =	sadd.s32 $0xFFFFFFFF, s11;
	[sflag:s3] =	ssyncset.done $0x0  }
.LBB2_1:
0x13: {  	p0 =	sne.s32 s11, $0x1;
	s11 =	sadd.s32 $0xFFFFFFFF, s11;
	[sflag:s3] =	ssyncadd.s32 $0xFFFFC000  }
0x14: {  	[tilespmem:s2], [sflag:$0x2] =	stream.linear.gather [hbm4b:s4+s2], $0x200, $0x38;
	[tilespmem:$0x4200] =	vst v63  }
0x15: {  	_ =	swait.ge [sflag:s3], $0x200  }
0x16: {  	[sflag:s3] =	ssyncset.done $0x0  }
0x17: {  	[sflag:s3] =	ssyncadd.s32 $0xFFFFFE00  }
0x18: {  	[tilespmem:s6], [sflag:$0x1] =	stream.indirect.gather [hbm4b:s5+s6], $0x20, s2, s6, $0xb8;
	[tilespmem:$0x4200] =	vst v63  }
0x19: {  	_ =	swait.ge [sflag:s7], $0x4000  }
.Ltmp1:
0x1a: {  	[sflag:s7] =	ssyncset.done $0x0;
	(pc) =	sbr.rel @p0 .LBB2_1-.Ltmp1, $4  }
0x1b: {  	[sflag:s7] =	ssyncadd.s32 $0xFFFFC000  }
0x1c: {  	[hbm4b:s8+s9] =	stream.strided.scatter [tilespmem:s6], [sflag:$0x2], $0x4000, s10, s9, $0x38;
	[tilespmem:$0x4200] =	vst v63  }
0x1d: {  	_ =	swait.ge [sflag:s3], $0x4000  }
0x1e: {  	[sflag:s3] =	ssyncset.done $0x0  }
.LBB2_2:
0x1f: {  	[sflag:s3] =	ssyncadd.s32 $0xFFFFC000  }
0x20: {  	_ =	sfence.sel $0x180000  }
0x21: {  	[bflag:$0x0] =	sbarrier.arrive $0xFFFF  }
0x22: {  	p0 =	sne.s32 s0, $0x0;
	_ =	strace $0x90000047  }
0x23: {  	s0 =	sadd.s32 @!p0 $0x100000, s1;
	[bflag:$0x2] =	sbarrier.arrive $0xFFFF  }
0x24: {  	[sflag:s0] =	ssyncadd.tile.s32 @!p0 $0x1;
	_ =	shalt  }
.Lfunc_end2:
_tile_overlayer_lowered:
.L_overlay_start_2:
0x25: {  	(tag) =	ssettag $0x2  }
0x26: {  	s0 =	rddreg [dreg:$0x0];
	s2 =	stileid.u32  }
0x27: {  	s1 =	rddreg [dreg:$0x1];
	p0 =	sne.s32 s2, $0x0  }
0x28: {  	s3 =	rddreg [dreg:$0x2];
	[bflag:$0x3] =	sbarrier.arrive $0xFFFF;
	s2 =	simm.s32 @!p0 $0x1C02  }
0x29: {  	[timem:s3], [sflag:s2] =	dma.local @!p0 [hbm:s0], s1  }
0x2a: {  	s0 =	simm.s32 @!p0 $0x2  }
0x2b: {  	_ =	swait.ge @!p0 [sflag:s0], s1  }
0x2c: {  	s1 =	ssub.s32 @!p0 $0x0, s1;
	[sflag:s0] =	ssyncset.done @!p0 $0x0  }
0x2d: {  	[sflag:s0] =	ssyncadd.s32 @!p0 s1  }
0x2e: {  	[bflag:$0x3] =	sbarrier.arrive $0xFFFF  }
0x2f: {  	_ =	shalt  }

</sc_bundles>
